<compile_context>
chip_gen: v7x
topology: tpu7x:2x2x1
jax: 0.10.2.dev20260603
libtpu: 0.0.44.dev20260713+nightly
codegen_flags: <defaults>
</compile_context>

<pallas_src>
import functools

import jax
import jax.numpy as jnp
from jax import lax
from jax.experimental import pallas as pl
from jax.experimental.pallas import tpu as pltpu
from jax.experimental.pallas import tpu_sc as plsc

_N = 10000
_E = 320000
_DIN = 128
_DH = 16
_DOUT = 2
_NC = 2
_NS = 16
_NW = _NC * _NS
_EW = _E // _NW
_CHUNK = 200
_NCH = _EW // _CHUNK
_NPAD = 10240
_RPT = _NPAD // _NS
_PK = _NPAD * _DH // 128

_mesh = plsc.VectorSubcoreMesh(
    core_axis_name="c", subcore_axis_name="s", num_cores=_NC, num_subcores=_NS
)

_NBUF = 10
_NGRP = _NCH // _NBUF


def _seg_body(feat, edges, agg_out, agg_sh, sidx, didx, rows, zrow, *sems):
    gsem = sems[0:_NBUF]
    ssem = sems[_NBUF:2 * _NBUF]
    cid = lax.axis_index("c")
    tid = lax.axis_index("s")
    wid = tid * _NC + cid

    z16 = jnp.zeros((16,), jnp.float32)

    def _zb(i, carry):
        zrow[i, :] = z16
        return carry

    lax.fori_loop(0, 128, _zb, 0)
    for j in range(_RPT // 128):
        pltpu.sync_copy(zrow, agg_sh.at[pl.ds(tid * _RPT + j * 128, 128)])

    pltpu.sync_copy(edges.at[0, wid], sidx)
    pltpu.sync_copy(edges.at[1, wid], didx)

    plsc.subcore_barrier()

    def _drain_b(b):
        pltpu.make_async_copy(rows.at[b], agg_sh.at[didx.at[0]],
                              ssem[b]).wait()

    def _group(gi, carry):
        base = gi * _NBUF
        for b in range(_NBUF):
            @pl.when(gi > 0)
            def _():
                _drain_b(b)

            pltpu.async_copy(feat.at[sidx.at[base + b]], rows.at[b], gsem[b])
        for b in range(_NBUF):
            pltpu.make_async_copy(feat.at[sidx.at[0]], rows.at[b],
                                  gsem[b]).wait()
            pltpu.async_copy(rows.at[b], agg_sh.at[didx.at[base + b]],
                             ssem[b], add=True)
        return carry

    lax.fori_loop(0, _NGRP, _group, 0)
    for b in range(_NBUF):
        _drain_b(b)

    plsc.subcore_barrier()

    pltpu.sync_copy(agg_sh.at[pl.ds(tid * _RPT, _RPT)],
                    agg_out.at[cid, pl.ds(tid * _RPT, _RPT)])


def _cnt_body(edges, cnt_out, cnt_sh, didx, ones, zrow16, *csem):
    cid = lax.axis_index("c")
    tid = lax.axis_index("s")
    wid = tid * _NC + cid

    o2 = jnp.ones((2, 16), jnp.int16)
    zs2 = jnp.zeros((2, 16), jnp.int16)

    def _ob(i, carry):
        ones[pl.ds(i * 2, 2), :] = o2
        return carry

    lax.fori_loop(0, _CHUNK // 2, _ob, 0)

    def _zsb(i, carry):
        zrow16[pl.ds(i * 2, 2), :] = zs2
        return carry

    lax.fori_loop(0, 64, _zsb, 0)
    for j in range(_RPT // 128):
        pltpu.sync_copy(zrow16, cnt_sh.at[pl.ds(tid * _RPT + j * 128, 128)])

    pltpu.sync_copy(edges.at[1, wid], didx)

    plsc.subcore_barrier()

    def _cgroup(gi, carry):
        base = gi * _NBUF
        for b in range(_NBUF):
            pltpu.async_copy(ones, cnt_sh.at[didx.at[base + b]],
                             csem[b], add=True)
        return carry

    lax.fori_loop(0, _NGRP, _cgroup, 0)
    for _ in range(_NGRP):
        for b in range(_NBUF):
            pltpu.make_async_copy(ones, cnt_sh.at[didx.at[0]],
                                  csem[b]).wait()

    plsc.subcore_barrier()

    pltpu.sync_copy(cnt_sh.at[pl.ds(tid * _RPT, _RPT)],
                    cnt_out.at[cid, pl.ds(tid * _RPT, _RPT)])


_sc_params = pltpu.CompilerParams(use_tc_tiling_on_sc=False)

_cnt = pl.kernel(
    _cnt_body,
    compiler_params=_sc_params,
    out_type=jax.ShapeDtypeStruct((_NC, _NPAD, _DH), jnp.int16),
    mesh=_mesh,
    scratch_types=[
        pltpu.VMEM_SHARED((_NPAD, _DH), jnp.int16),
        pltpu.VMEM((_NCH, _CHUNK), jnp.int32),
        pltpu.VMEM((_CHUNK, _DH), jnp.int16),
        pltpu.VMEM((128, _DH), jnp.int16),
    ] + [pltpu.SemaphoreType.DMA] * _NBUF,
)

_seg = pl.kernel(
    _seg_body,
    compiler_params=_sc_params,
    out_type=jax.ShapeDtypeStruct((_NC, _NPAD, _DH), jnp.float32),
    mesh=_mesh,
    scratch_types=[
        pltpu.VMEM_SHARED((_NPAD, _DH), jnp.float32),
        pltpu.VMEM((_NCH, _CHUNK), jnp.int32),
        pltpu.VMEM((_NCH, _CHUNK), jnp.int32),
        pltpu.VMEM((_NBUF, _CHUNK, _DH), jnp.float32),
        pltpu.VMEM((128, _DH), jnp.float32),
    ] + [pltpu.SemaphoreType.DMA] * (2 * _NBUF),
)

_BLKN = 10240
_BLKP = _BLKN * _DH // 128
_GRID = _NPAD // _BLKN


def _mm1_body(x_ref, w_ref, y_ref, z_ref, ty_ref, tz_ref):
    t = lax.dot_general(
        x_ref[...], w_ref[...], (((1,), (1,)), ((), ())),
        preferred_element_type=jnp.float32)
    ty_ref[...] = t[:, 0:_DH]
    tz_ref[...] = t[:, _DH:2 * _DH]
    for n8 in range(8):
        y_ref[:, n8 * _DH:(n8 + 1) * _DH] = ty_ref[n8::8, :]
        z_ref[:, n8 * _DH:(n8 + 1) * _DH] = tz_ref[n8::8, :]


_mm1 = pl.pallas_call(
    _mm1_body,
    grid=(_GRID,),
    in_specs=[
        pl.BlockSpec((_BLKN, _DIN), lambda i: (i, 0)),
        pl.BlockSpec((2 * _DH, _DIN), lambda i: (0, 0)),
    ],
    out_specs=[
        pl.BlockSpec((_BLKP, 128), lambda i: (i, 0)),
        pl.BlockSpec((_BLKP, 128), lambda i: (i, 0)),
    ],
    out_shape=[
        jax.ShapeDtypeStruct((_PK, 128), jnp.float32),
        jax.ShapeDtypeStruct((_PK, 128), jnp.float32),
    ],
    scratch_shapes=[pltpu.VMEM((_BLKN, _DH), jnp.float32),
                    pltpu.VMEM((_BLKN, _DH), jnp.float32)],
)


def _tc2_body(ap, cp, zp, b1p, h_ref, inv_ref):
    a = ap[0] + ap[1]
    c = cp[0].astype(jnp.float32) + cp[1].astype(jnp.float32)
    inv = 1.0 / jnp.maximum(c, 1.0)
    inv_ref[...] = inv
    h_ref[...] = jnp.maximum(a * inv + zp[...] + b1p[...], 0.0)


_tc2 = pl.pallas_call(
    _tc2_body,
    grid=(_GRID,),
    in_specs=[
        pl.BlockSpec((_NC, _BLKP, 128), lambda i: (0, i, 0)),
        pl.BlockSpec((_NC, _BLKP, 128), lambda i: (0, i, 0)),
        pl.BlockSpec((_BLKP, 128), lambda i: (i, 0)),
        pl.BlockSpec((1, 128), lambda i: (0, 0)),
    ],
    out_specs=[
        pl.BlockSpec((_BLKP, 128), lambda i: (i, 0)),
        pl.BlockSpec((_BLKP, 128), lambda i: (i, 0)),
    ],
    out_shape=[
        jax.ShapeDtypeStruct((_PK, 128), jnp.float32),
        jax.ShapeDtypeStruct((_PK, 128), jnp.float32),
    ],
)


def _tc3_body(gp, invp, hp, bm, bh, b2t, o_ref):
    m = (gp[0] + gp[1]) * invp[...]
    op = (
        lax.dot_general(m, bm[...], (((1,), (0,)), ((), ())),
                        preferred_element_type=jnp.float32)
        + lax.dot_general(hp[...], bh[...], (((1,), (0,)), ((), ())),
                          preferred_element_type=jnp.float32)
        + b2t[...])
    for n8 in range(8):
        o_ref[n8::8, :] = op[:, n8 * _DOUT:(n8 + 1) * _DOUT]


_tc3 = pl.pallas_call(
    _tc3_body,
    grid=(_GRID,),
    in_specs=[
        pl.BlockSpec((_NC, _BLKP, 128), lambda i: (0, i, 0)),
        pl.BlockSpec((_BLKP, 128), lambda i: (i, 0)),
        pl.BlockSpec((_BLKP, 128), lambda i: (i, 0)),
        pl.BlockSpec((8 * _DH, 8 * _DOUT), lambda i: (0, 0)),
        pl.BlockSpec((8 * _DH, 8 * _DOUT), lambda i: (0, 0)),
        pl.BlockSpec((1, 8 * _DOUT), lambda i: (0, 0)),
    ],
    out_specs=pl.BlockSpec((_BLKN, _DOUT), lambda i: (i, 0)),
    out_shape=jax.ShapeDtypeStruct((_N, _DOUT), jnp.float32),
)


def _expand_w2(w):
    eye8 = jnp.eye(8, dtype=w.dtype)
    return jnp.einsum("ab,fo->afbo", eye8, w.T).reshape(8 * _DH, 8 * _DOUT)


def kernel(x, edge_index, W1_l, b1, W1_r, W2_l, b2, W2_r):
    edges = edge_index.astype(jnp.int32).reshape(2, _NW, _NCH, _CHUNK)
    W1cat = jnp.concatenate([W1_l, W1_r], axis=0)
    cntp = _cnt(edges)
    y1p, z1p = _mm1(x, W1cat)
    aggp = _seg(y1p.reshape(_NPAD, _DH), edges)
    hp, invp = _tc2(aggp.reshape(_NC, _PK, 128),
                    cntp.reshape(_NC, _PK, 128),
                    z1p, jnp.tile(b1, 8).reshape(1, 128))
    gp = _seg(hp.reshape(_NPAD, _DH), edges)
    return _tc3(gp.reshape(_NC, _PK, 128), invp, hp,
                _expand_w2(W2_l), _expand_w2(W2_r),
                jnp.tile(b2, 8).reshape(1, 8 * _DOUT))

# --- scband reference (transcript-rebuilt; emitter-appended) ---
"""Pipeline reference for scband-gnn-21105469292715 (READ-ONLY COPY).

The authoritative reference and input builder live on the scoring server;
editing this copy changes nothing except your own understanding.
"""

import jax, jax.numpy as jnp
import numpy as np

N_NODES = 10000
N_EDGES = 320000
D_IN = 128
D_HID = 16
D_OUT = 2

def sage_layer(x, src, dst, W_l, b_l, W_r, num_nodes):
    # PyG SAGEConv (aggr='mean', root_weight=True):
    #   out = lin_l(mean_{j in N(i)} x_j) + lin_r(x_i)
    msg = x[src]
    summed = jax.ops.segment_sum(msg, dst, num_segments=num_nodes)
    cnt = jax.ops.segment_sum(jnp.ones((src.shape[0], 1), dtype=x.dtype), dst, num_segments=num_nodes)
    mean = summed / jnp.clip(cnt, 1.0, None)
    return mean @ W_l.T + b_l + x @ W_r.T

def setup_inputs(seed: int = 0) -> dict:
    key = jax.random.key(seed)
    ks = jax.random.split(key, 8)
    x = jax.random.normal(ks[0], (N_NODES, D_IN), dtype=jnp.float32)
    edge_index = jax.random.randint(ks[1], (2, N_EDGES), 0, N_NODES, dtype=jnp.int64)
    s1 = 1.0 / np.sqrt(D_IN)
    s2 = 1.0 / np.sqrt(D_HID)
    W1_l = jax.random.uniform(ks[2], (D_HID, D_IN), jnp.float32, -s1, s1)
    b1 = jax.random.uniform(ks[3], (D_HID,), jnp.float32, -s1, s1)
    W1_r = jax.random.uniform(ks[4], (D_HID, D_IN), jnp.float32, -s1, s1)
    W2_l = jax.random.uniform(ks[5], (D_OUT, D_HID), jnp.float32, -s2, s2)
    b2 = jax.random.uniform(ks[6], (D_OUT,), jnp.float32, -s2, s2)
    W2_r = jax.random.uniform(ks[7], (D_OUT, D_HID), jnp.float32, -s2, s2)
    return {"x": x, "edge_index": edge_index, "W1_l": W1_l, "b1": b1, "W1_r": W1_r, "W2_l": W2_l, "b2": b2, "W2_r": W2_r}

def reference(x, edge_index, W1_l, b1, W1_r, W2_l, b2, W2_r):
    src = edge_index[0]
    dst = edge_index[1]
    h = sage_layer(x, src, dst, W1_l, b1, W1_r, N_NODES)
    h = jax.nn.relu(h)
    out = sage_layer(h, src, dst, W2_l, b2, W2_r, N_NODES)
    return out

if __name__ == "__main__":
    import jax
    _d = setup_inputs()
    print(jax.jit(kernel)(*tuple(_d.values())))

</pallas_src>

<mosaic_0001>
#map = affine_map<(d0, d1) -> (0, 0)>
#map1 = affine_map<(d0, d1) -> (0, 0, 0, 0)>
#map2 = affine_map<(d0, d1) -> (0, 0, 0)>
module attributes {stable_mosaic.version = 14 : i64} {
  func.func @_seg_body(%arg0: i32, %arg1: i32, %arg2: memref<10240x16xf32, #tpu.memory_space<hbm>>, %arg3: memref<2x32x50x200xi32, #tpu.memory_space<hbm>>, %arg4: memref<2x10240x16xf32, #tpu.memory_space<hbm>>, %arg5: memref<10240x16xf32, #tpu.memory_space<vmem_shared>>, %arg6: memref<50x200xi32, #tpu.memory_space<vmem>>, %arg7: memref<50x200xi32, #tpu.memory_space<vmem>>, %arg8: memref<10x200x16xf32, #tpu.memory_space<vmem>>, %arg9: memref<128x16xf32, #tpu.memory_space<vmem>>, %arg10: memref<!tpu.dma_semaphore, #tpu.memory_space<semaphore_mem>>, %arg11: memref<!tpu.dma_semaphore, #tpu.memory_space<semaphore_mem>>, %arg12: memref<!tpu.dma_semaphore, #tpu.memory_space<semaphore_mem>>, %arg13: memref<!tpu.dma_semaphore, #tpu.memory_space<semaphore_mem>>, %arg14: memref<!tpu.dma_semaphore, #tpu.memory_space<semaphore_mem>>, %arg15: memref<!tpu.dma_semaphore, #tpu.memory_space<semaphore_mem>>, %arg16: memref<!tpu.dma_semaphore, #tpu.memory_space<semaphore_mem>>, %arg17: memref<!tpu.dma_semaphore, #tpu.memory_space<semaphore_mem>>, %arg18: memref<!tpu.dma_semaphore, #tpu.memory_space<semaphore_mem>>, %arg19: memref<!tpu.dma_semaphore, #tpu.memory_space<semaphore_mem>>, %arg20: memref<!tpu.dma_semaphore, #tpu.memory_space<semaphore_mem>>, %arg21: memref<!tpu.dma_semaphore, #tpu.memory_space<semaphore_mem>>, %arg22: memref<!tpu.dma_semaphore, #tpu.memory_space<semaphore_mem>>, %arg23: memref<!tpu.dma_semaphore, #tpu.memory_space<semaphore_mem>>, %arg24: memref<!tpu.dma_semaphore, #tpu.memory_space<semaphore_mem>>, %arg25: memref<!tpu.dma_semaphore, #tpu.memory_space<semaphore_mem>>, %arg26: memref<!tpu.dma_semaphore, #tpu.memory_space<semaphore_mem>>, %arg27: memref<!tpu.dma_semaphore, #tpu.memory_space<semaphore_mem>>, %arg28: memref<!tpu.dma_semaphore, #tpu.memory_space<semaphore_mem>>, %arg29: memref<!tpu.dma_semaphore, #tpu.memory_space<semaphore_mem>>) attributes {dimension_semantics = [#tpu.dimension_semantics<core_parallel>, #tpu.dimension_semantics<subcore_parallel>], iteration_bounds = array<i64: 2, 16>, scalar_prefetch = 0 : i64, scratch_operands = 25 : i64, tpu.core_type = #tpu.core_type<sc_vector_subcore>, window_params = [{transform_indices = #map}, {transform_indices = #map1}, {transform_indices = #map2}]} {
    %mul3A = arith.constant 2 : i32
    %mul3A_0 = arith.muli %arg1, %mul3A : i32
    %add3A = arith.addi %mul3A_0, %arg0 : i32
    %broadcast_in_dim3A = arith.constant 0.000000e+00 : f32
    %broadcast_in_dim3A_1 = vector.broadcast %broadcast_in_dim3A : f32 to vector<16xf32>
    %scan3A = arith.constant 0 : i32
    %scan3A_2 = arith.constant 0 : i32
    %scan3A_3 = arith.constant 128 : i32
    %scan3A_4 = arith.addi %scan3A_2, %scan3A_3 : i32
    %scan3A_5 = arith.constant 1 : i32
    scf.for %scan3A_158 = %scan3A_2 to %scan3A_4 step %scan3A_5  : i32 {
      %swap3A = arith.index_cast %scan3A_158 : i32 to index
      %swap3A_159 = arith.constant 0 : index
      %swap3A_160 = tpu.vector_load %arg9[%swap3A, %swap3A_159] {strides = array<i32>} : memref<128x16xf32, #tpu.memory_space<vmem>>, vector<1x16xf32>,
      %swap3A_161 = vector.shape_cast %swap3A_160 : vector<1x16xf32> to vector<16xf32>
      %swap3A_162 = vector.shape_cast %broadcast_in_dim3A_1 : vector<16xf32> to vector<1x16xf32>
      tpu.vector_store %arg9[%swap3A, %swap3A_159], %swap3A_162 {strides = array<i32>} : memref<128x16xf32, #tpu.memory_space<vmem>>, vector<1x16xf32>,
    }
    %scan3A_6 = arith.constant 128 : i32
    %mul3A_7 = arith.constant 640 : i32
    %mul3A_8 = arith.muli %arg1, %mul3A_7 : i32
    %add3A_9 = arith.constant 0 : i32
    %add3A_10 = arith.addi %mul3A_8, %add3A_9 : i32
    "tpu.region"() ({
      %run_scoped3A_158 = tpu.sem_alloc : memref<!tpu.dma_semaphore, #tpu.memory_space<semaphore_mem>>
      %dma_start3A = arith.constant 0 : i32
      %dma_start3A_159 = tpu.memref_slice %arg5[%add3A_10, %dma_start3A] : memref<10240x16xf32, #tpu.memory_space<vmem_shared>> -> memref<128x16xf32, #tpu.memory_space<vmem_shared>>
      %dma_start3A_160 = arith.constant 0 : i32
      %dma_start3A_161 = tpu.memref_slice %arg5[%add3A_10, %dma_start3A_160] : memref<10240x16xf32, #tpu.memory_space<vmem_shared>> -> memref<128x16xf32, #tpu.memory_space<vmem_shared>>
      tpu.enqueue_dma source(%arg9 : memref<128x16xf32, #tpu.memory_space<vmem>>) target(%dma_start3A_161 : memref<128x16xf32, #tpu.memory_space<vmem_shared>>) target_semaphore(%run_scoped3A_158 : memref<!tpu.dma_semaphore, #tpu.memory_space<semaphore_mem>>)
      %dma_wait3A_162 = arith.constant 0 : i32
      %dma_wait3A_163 = tpu.memref_slice %arg5[%add3A_10, %dma_wait3A_162] : memref<10240x16xf32, #tpu.memory_space<vmem_shared>> -> memref<128x16xf32, #tpu.memory_space<vmem_shared>>
      %dma_wait3A_164 = arith.constant 0 : i32
      %dma_wait3A_165 = tpu.memref_slice %arg5[%add3A_10, %dma_wait3A_164] : memref<10240x16xf32, #tpu.memory_space<vmem_shared>> -> memref<128x16xf32, #tpu.memory_space<vmem_shared>>
      tpu.wait_dma2 semaphore(%run_scoped3A_158 : memref<!tpu.dma_semaphore, #tpu.memory_space<semaphore_mem>>) src(%arg9 : memref<128x16xf32, #tpu.memory_space<vmem>>) dst(%dma_wait3A_165 : memref<128x16xf32, #tpu.memory_space<vmem_shared>>)
      tpu.yield
    }) : () -> ()
    %mul3A_11 = arith.constant 640 : i32
    %mul3A_12 = arith.muli %arg1, %mul3A_11 : i32
    %add3A_13 = arith.constant 128 : i32
    %add3A_14 = arith.addi %mul3A_12, %add3A_13 : i32
    "tpu.region"() ({
      %run_scoped3A_158 = tpu.sem_alloc : memref<!tpu.dma_semaphore, #tpu.memory_space<semaphore_mem>>
      %dma_start3A = arith.constant 0 : i32
      %dma_start3A_159 = tpu.memref_slice %arg5[%add3A_14, %dma_start3A] : memref<10240x16xf32, #tpu.memory_space<vmem_shared>> -> memref<128x16xf32, #tpu.memory_space<vmem_shared>>
      %dma_start3A_160 = arith.constant 0 : i32
      %dma_start3A_161 = tpu.memref_slice %arg5[%add3A_14, %dma_start3A_160] : memref<10240x16xf32, #tpu.memory_space<vmem_shared>> -> memref<128x16xf32, #tpu.memory_space<vmem_shared>>
      tpu.enqueue_dma source(%arg9 : memref<128x16xf32, #tpu.memory_space<vmem>>) target(%dma_start3A_161 : memref<128x16xf32, #tpu.memory_space<vmem_shared>>) target_semaphore(%run_scoped3A_158 : memref<!tpu.dma_semaphore, #tpu.memory_space<semaphore_mem>>)
      %dma_wait3A_162 = arith.constant 0 : i32
      %dma_wait3A_163 = tpu.memref_slice %arg5[%add3A_14, %dma_wait3A_162] : memref<10240x16xf32, #tpu.memory_space<vmem_shared>> -> memref<128x16xf32, #tpu.memory_space<vmem_shared>>
      %dma_wait3A_164 = arith.constant 0 : i32
      %dma_wait3A_165 = tpu.memref_slice %arg5[%add3A_14, %dma_wait3A_164] : memref<10240x16xf32, #tpu.memory_space<vmem_shared>> -> memref<128x16xf32, #tpu.memory_space<vmem_shared>>
      tpu.wait_dma2 semaphore(%run_scoped3A_158 : memref<!tpu.dma_semaphore, #tpu.memory_space<semaphore_mem>>) src(%arg9 : memref<128x16xf32, #tpu.memory_space<vmem>>) dst(%dma_wait3A_165 : memref<128x16xf32, #tpu.memory_space<vmem_shared>>)
      tpu.yield
    }) : () -> ()
    %mul3A_15 = arith.constant 640 : i32
    %mul3A_16 = arith.muli %arg1, %mul3A_15 : i32
    %add3A_17 = arith.constant 256 : i32
    %add3A_18 = arith.addi %mul3A_16, %add3A_17 : i32
    "tpu.region"() ({
      %run_scoped3A_158 = tpu.sem_alloc : memref<!tpu.dma_semaphore, #tpu.memory_space<semaphore_mem>>
      %dma_start3A = arith.constant 0 : i32
      %dma_start3A_159 = tpu.memref_slice %arg5[%add3A_18, %dma_start3A] : memref<10240x16xf32, #tpu.memory_space<vmem_shared>> -> memref<128x16xf32, #tpu.memory_space<vmem_shared>>
      %dma_start3A_160 = arith.constant 0 : i32
      %dma_start3A_161 = tpu.memref_slice %arg5[%add3A_18, %dma_start3A_160] : memref<10240x16xf32, #tpu.memory_space<vmem_shared>> -> memref<128x16xf32, #tpu.memory_space<vmem_shared>>
      tpu.enqueue_dma source(%arg9 : memref<128x16xf32, #tpu.memory_space<vmem>>) target(%dma_start3A_161 : memref<128x16xf32, #tpu.memory_space<vmem_shared>>) target_semaphore(%run_scoped3A_158 : memref<!tpu.dma_semaphore, #tpu.memory_space<semaphore_mem>>)
      %dma_wait3A_162 = arith.constant 0 : i32
      %dma_wait3A_163 = tpu.memref_slice %arg5[%add3A_18, %dma_wait3A_162] : memref<10240x16xf32, #tpu.memory_space<vmem_shared>> -> memref<128x16xf32, #tpu.memory_space<vmem_shared>>
      %dma_wait3A_164 = arith.constant 0 : i32
      %dma_wait3A_165 = tpu.memref_slice %arg5[%add3A_18, %dma_wait3A_164] : memref<10240x16xf32, #tpu.memory_space<vmem_shared>> -> memref<128x16xf32, #tpu.memory_space<vmem_shared>>
      tpu.wait_dma2 semaphore(%run_scoped3A_158 : memref<!tpu.dma_semaphore, #tpu.memory_space<semaphore_mem>>) src(%arg9 : memref<128x16xf32, #tpu.memory_space<vmem>>) dst(%dma_wait3A_165 : memref<128x16xf32, #tpu.memory_space<vmem_shared>>)
      tpu.yield
    }) : () -> ()
    %mul3A_19 = arith.constant 640 : i32
    %mul3A_20 = arith.muli %arg1, %mul3A_19 : i32
    %add3A_21 = arith.constant 384 : i32
    %add3A_22 = arith.addi %mul3A_20, %add3A_21 : i32
    "tpu.region"() ({
      %run_scoped3A_158 = tpu.sem_alloc : memref<!tpu.dma_semaphore, #tpu.memory_space<semaphore_mem>>
      %dma_start3A = arith.constant 0 : i32
      %dma_start3A_159 = tpu.memref_slice %arg5[%add3A_22, %dma_start3A] : memref<10240x16xf32, #tpu.memory_space<vmem_shared>> -> memref<128x16xf32, #tpu.memory_space<vmem_shared>>
      %dma_start3A_160 = arith.constant 0 : i32
      %dma_start3A_161 = tpu.memref_slice %arg5[%add3A_22, %dma_start3A_160] : memref<10240x16xf32, #tpu.memory_space<vmem_shared>> -> memref<128x16xf32, #tpu.memory_space<vmem_shared>>
      tpu.enqueue_dma source(%arg9 : memref<128x16xf32, #tpu.memory_space<vmem>>) target(%dma_start3A_161 : memref<128x16xf32, #tpu.memory_space<vmem_shared>>) target_semaphore(%run_scoped3A_158 : memref<!tpu.dma_semaphore, #tpu.memory_space<semaphore_mem>>)
      %dma_wait3A_162 = arith.constant 0 : i32
      %dma_wait3A_163 = tpu.memref_slice %arg5[%add3A_22, %dma_wait3A_162] : memref<10240x16xf32, #tpu.memory_space<vmem_shared>> -> memref<128x16xf32, #tpu.memory_space<vmem_shared>>
      %dma_wait3A_164 = arith.constant 0 : i32
      %dma_wait3A_165 = tpu.memref_slice %arg5[%add3A_22, %dma_wait3A_164] : memref<10240x16xf32, #tpu.memory_space<vmem_shared>> -> memref<128x16xf32, #tpu.memory_space<vmem_shared>>
      tpu.wait_dma2 semaphore(%run_scoped3A_158 : memref<!tpu.dma_semaphore, #tpu.memory_space<semaphore_mem>>) src(%arg9 : memref<128x16xf32, #tpu.memory_space<vmem>>) dst(%dma_wait3A_165 : memref<128x16xf32, #tpu.memory_space<vmem_shared>>)
      tpu.yield
    }) : () -> ()
    %mul3A_23 = arith.constant 640 : i32
    %mul3A_24 = arith.muli %arg1, %mul3A_23 : i32
    %add3A_25 = arith.constant 512 : i32
    %add3A_26 = arith.addi %mul3A_24, %add3A_25 : i32
    "tpu.region"() ({
      %run_scoped3A_158 = tpu.sem_alloc : memref<!tpu.dma_semaphore, #tpu.memory_space<semaphore_mem>>
      %dma_start3A = arith.constant 0 : i32
      %dma_start3A_159 = tpu.memref_slice %arg5[%add3A_26, %dma_start3A] : memref<10240x16xf32, #tpu.memory_space<vmem_shared>> -> memref<128x16xf32, #tpu.memory_space<vmem_shared>>
      %dma_start3A_160 = arith.constant 0 : i32
      %dma_start3A_161 = tpu.memref_slice %arg5[%add3A_26, %dma_start3A_160] : memref<10240x16xf32, #tpu.memory_space<vmem_shared>> -> memref<128x16xf32, #tpu.memory_space<vmem_shared>>
      tpu.enqueue_dma source(%arg9 : memref<128x16xf32, #tpu.memory_space<vmem>>) target(%dma_start3A_161 : memref<128x16xf32, #tpu.memory_space<vmem_shared>>) target_semaphore(%run_scoped3A_158 : memref<!tpu.dma_semaphore, #tpu.memory_space<semaphore_mem>>)
      %dma_wait3A_162 = arith.constant 0 : i32
      %dma_wait3A_163 = tpu.memref_slice %arg5[%add3A_26, %dma_wait3A_162] : memref<10240x16xf32, #tpu.memory_space<vmem_shared>> -> memref<128x16xf32, #tpu.memory_space<vmem_shared>>
      %dma_wait3A_164 = arith.constant 0 : i32
      %dma_wait3A_165 = tpu.memref_slice %arg5[%add3A_26, %dma_wait3A_164] : memref<10240x16xf32, #tpu.memory_space<vmem_shared>> -> memref<128x16xf32, #tpu.memory_space<vmem_shared>>
      tpu.wait_dma2 semaphore(%run_scoped3A_158 : memref<!tpu.dma_semaphore, #tpu.memory_space<semaphore_mem>>) src(%arg9 : memref<128x16xf32, #tpu.memory_space<vmem>>) dst(%dma_wait3A_165 : memref<128x16xf32, #tpu.memory_space<vmem_shared>>)
      tpu.yield
    }) : () -> ()
    %run_scoped3A = arith.constant 0 : i32
    "tpu.region"() ({
      %run_scoped3A_158 = tpu.sem_alloc : memref<!tpu.dma_semaphore, #tpu.memory_space<semaphore_mem>>
      %dma_start3A = arith.constant 0 : i32
      %dma_start3A_159 = arith.constant 0 : i32
      %dma_start3A_160 = tpu.memref_slice %arg3[%run_scoped3A, %add3A, %dma_start3A, %dma_start3A_159] : memref<2x32x50x200xi32, #tpu.memory_space<hbm>> -> memref<1x1x50x200xi32, #tpu.memory_space<hbm>>
      %dma_start3A_161 = tpu.memref_squeeze %dma_start3A_160 : memref<1x1x50x200xi32, #tpu.memory_space<hbm>> -> memref<50x200xi32, #tpu.memory_space<hbm>>
      %dma_start3A_162 = arith.constant 0 : i32
      %dma_start3A_163 = arith.constant 0 : i32
      %dma_start3A_164 = tpu.memref_slice %arg3[%run_scoped3A, %add3A, %dma_start3A_162, %dma_start3A_163] : memref<2x32x50x200xi32, #tpu.memory_space<hbm>> -> memref<1x1x50x200xi32, #tpu.memory_space<hbm>>
      %dma_start3A_165 = tpu.memref_squeeze %dma_start3A_164 : memref<1x1x50x200xi32, #tpu.memory_space<hbm>> -> memref<50x200xi32, #tpu.memory_space<hbm>>
      tpu.enqueue_dma source(%dma_start3A_165 : memref<50x200xi32, #tpu.memory_space<hbm>>) target(%arg6 : memref<50x200xi32, #tpu.memory_space<vmem>>) target_semaphore(%run_scoped3A_158 : memref<!tpu.dma_semaphore, #tpu.memory_space<semaphore_mem>>)
      %dma_wait3A_166 = arith.constant 0 : i32
      %dma_wait3A_167 = arith.constant 0 : i32
      %dma_wait3A_168 = tpu.memref_slice %arg3[%run_scoped3A, %add3A, %dma_wait3A_166, %dma_wait3A_167] : memref<2x32x50x200xi32, #tpu.memory_space<hbm>> -> memref<1x1x50x200xi32, #tpu.memory_space<hbm>>
      %dma_wait3A_169 = tpu.memref_squeeze %dma_wait3A_168 : memref<1x1x50x200xi32, #tpu.memory_space<hbm>> -> memref<50x200xi32, #tpu.memory_space<hbm>>
      %dma_wait3A_170 = arith.constant 0 : i32
      %dma_wait3A_171 = arith.constant 0 : i32
      %dma_wait3A_172 = tpu.memref_slice %arg3[%run_scoped3A, %add3A, %dma_wait3A_170, %dma_wait3A_171] : memref<2x32x50x200xi32, #tpu.memory_space<hbm>> -> memref<1x1x50x200xi32, #tpu.memory_space<hbm>>
      %dma_wait3A_173 = tpu.memref_squeeze %dma_wait3A_172 : memref<1x1x50x200xi32, #tpu.memory_space<hbm>> -> memref<50x200xi32, #tpu.memory_space<hbm>>
      tpu.wait_dma2 semaphore(%run_scoped3A_158 : memref<!tpu.dma_semaphore, #tpu.memory_space<semaphore_mem>>) src(%dma_wait3A_173 : memref<50x200xi32, #tpu.memory_space<hbm>>) dst(%arg6 : memref<50x200xi32, #tpu.memory_space<vmem>>)
      tpu.yield
    }) : () -> ()
    %run_scoped3A_27 = arith.constant 1 : i32
    "tpu.region"() ({
      %run_scoped3A_158 = tpu.sem_alloc : memref<!tpu.dma_semaphore, #tpu.memory_space<semaphore_mem>>
      %dma_start3A = arith.constant 0 : i32
      %dma_start3A_159 = arith.constant 0 : i32
      %dma_start3A_160 = tpu.memref_slice %arg3[%run_scoped3A_27, %add3A, %dma_start3A, %dma_start3A_159] : memref<2x32x50x200xi32, #tpu.memory_space<hbm>> -> memref<1x1x50x200xi32, #tpu.memory_space<hbm>>
      %dma_start3A_161 = tpu.memref_squeeze %dma_start3A_160 : memref<1x1x50x200xi32, #tpu.memory_space<hbm>> -> memref<50x200xi32, #tpu.memory_space<hbm>>
      %dma_start3A_162 = arith.constant 0 : i32
      %dma_start3A_163 = arith.constant 0 : i32
      %dma_start3A_164 = tpu.memref_slice %arg3[%run_scoped3A_27, %add3A, %dma_start3A_162, %dma_start3A_163] : memref<2x32x50x200xi32, #tpu.memory_space<hbm>> -> memref<1x1x50x200xi32, #tpu.memory_space<hbm>>
      %dma_start3A_165 = tpu.memref_squeeze %dma_start3A_164 : memref<1x1x50x200xi32, #tpu.memory_space<hbm>> -> memref<50x200xi32, #tpu.memory_space<hbm>>
      tpu.enqueue_dma source(%dma_start3A_165 : memref<50x200xi32, #tpu.memory_space<hbm>>) target(%arg7 : memref<50x200xi32, #tpu.memory_space<vmem>>) target_semaphore(%run_scoped3A_158 : memref<!tpu.dma_semaphore, #tpu.memory_space<semaphore_mem>>)
      %dma_wait3A_166 = arith.constant 0 : i32
      %dma_wait3A_167 = arith.constant 0 : i32
      %dma_wait3A_168 = tpu.memref_slice %arg3[%run_scoped3A_27, %add3A, %dma_wait3A_166, %dma_wait3A_167] : memref<2x32x50x200xi32, #tpu.memory_space<hbm>> -> memref<1x1x50x200xi32, #tpu.memory_space<hbm>>
      %dma_wait3A_169 = tpu.memref_squeeze %dma_wait3A_168 : memref<1x1x50x200xi32, #tpu.memory_space<hbm>> -> memref<50x200xi32, #tpu.memory_space<hbm>>
      %dma_wait3A_170 = arith.constant 0 : i32
      %dma_wait3A_171 = arith.constant 0 : i32
      %dma_wait3A_172 = tpu.memref_slice %arg3[%run_scoped3A_27, %add3A, %dma_wait3A_170, %dma_wait3A_171] : memref<2x32x50x200xi32, #tpu.memory_space<hbm>> -> memref<1x1x50x200xi32, #tpu.memory_space<hbm>>
      %dma_wait3A_173 = tpu.memref_squeeze %dma_wait3A_172 : memref<1x1x50x200xi32, #tpu.memory_space<hbm>> -> memref<50x200xi32, #tpu.memory_space<hbm>>
      tpu.wait_dma2 semaphore(%run_scoped3A_158 : memref<!tpu.dma_semaphore, #tpu.memory_space<semaphore_mem>>) src(%dma_wait3A_173 : memref<50x200xi32, #tpu.memory_space<hbm>>) dst(%arg7 : memref<50x200xi32, #tpu.memory_space<vmem>>)
      tpu.yield
    }) : () -> ()
    %barrier3A = arith.constant 0 : index
    tpu.barrier barrier_id(%barrier3A)
    %scan3A_28 = arith.constant 0 : i32
    %scan3A_29 = arith.constant 0 : i32
    %scan3A_30 = arith.constant 5 : i32
    %scan3A_31 = arith.addi %scan3A_29, %scan3A_30 : i32
    %scan3A_32 = arith.constant 1 : i32
    scf.for %scan3A_158 = %scan3A_29 to %scan3A_31 step %scan3A_32  : i32 {
      %mul3A_159 = arith.constant 10 : i32
      %mul3A_160 = arith.muli %scan3A_158, %mul3A_159 : i32
      %gt3A = arith.constant 0 : i32
      %gt3A_161 = arith.cmpi sgt, %scan3A_158, %gt3A : i32
      %convert_element_type3A = arith.extui %gt3A_161 : i1 to i32
      %cond3A = arith.constant 0 : i32
      %cond3A_162 = arith.cmpi ne, %convert_element_type3A, %cond3A : i32
      scf.if %cond3A_162 {
        %dma_wait3A_587 = arith.constant 0 : i32
        %dma_wait3A_588 = arith.constant 0 : i32
        %dma_wait3A_589 = arith.constant 0 : i32
        %dma_wait3A_590 = arith.constant 0 : i32
        %dma_wait3A_591 = tpu.memref_slice %arg8[%dma_wait3A_587, %dma_wait3A_589, %dma_wait3A_590] : memref<10x200x16xf32, #tpu.memory_space<vmem>> -> memref<1x200x16xf32, #tpu.memory_space<vmem>>
        %dma_wait3A_592 = tpu.memref_squeeze %dma_wait3A_591 : memref<1x200x16xf32, #tpu.memory_space<vmem>> -> memref<200x16xf32, #tpu.memory_space<vmem>>
        %dma_wait3A_593 = arith.constant 0 : i32
        %dma_wait3A_594 = tpu.memref_slice %arg7[%dma_wait3A_588, %dma_wait3A_593] : memref<50x200xi32, #tpu.memory_space<vmem>> -> memref<1x200xi32, #tpu.memory_space<vmem>>
        %dma_wait3A_595 = tpu.memref_squeeze %dma_wait3A_594 : memref<1x200xi32, #tpu.memory_space<vmem>> -> memref<200xi32, #tpu.memory_space<vmem>>
        %dma_wait3A_596 = arith.constant 0 : i32
        %dma_wait3A_597 = arith.constant 0 : i32
        %dma_wait3A_598 = tpu.memref_slice %arg5[%dma_wait3A_596, %dma_wait3A_597] : memref<10240x16xf32, #tpu.memory_space<vmem_shared>> -> memref<10240x16xf32, #tpu.memory_space<vmem_shared>>
        tpu.wait_indirect_dma semaphore(%arg20 : memref<!tpu.dma_semaphore, #tpu.memory_space<semaphore_mem>>) src(%dma_wait3A_592 : memref<200x16xf32, #tpu.memory_space<vmem>>) dst(%dma_wait3A_598 : memref<10240x16xf32, #tpu.memory_space<vmem_shared>>)
      } else {
      }
      %add3A_163 = arith.constant 0 : i32
      %add3A_164 = arith.addi %mul3A_160, %add3A_163 : i32
      %dma_start3A = arith.constant 0 : i32
      %dma_start3A_165 = arith.constant 0 : i32
      %dma_start3A_166 = arith.constant 0 : i32
      %dma_start3A_167 = tpu.memref_slice %arg8[%dma_start3A, %dma_start3A_165, %dma_start3A_166] : memref<10x200x16xf32, #tpu.memory_space<vmem>> -> memref<1x200x16xf32, #tpu.memory_space<vmem>>
      %dma_start3A_168 = tpu.memref_squeeze %dma_start3A_167 : memref<1x200x16xf32, #tpu.memory_space<vmem>> -> memref<200x16xf32, #tpu.memory_space<vmem>>
      %dma_start3A_169 = arith.constant 0 : i32
      %dma_start3A_170 = tpu.memref_slice %arg6[%add3A_164, %dma_start3A_169] : memref<50x200xi32, #tpu.memory_space<vmem>> -> memref<1x200xi32, #tpu.memory_space<vmem>>
      %dma_start3A_171 = tpu.memref_squeeze %dma_start3A_170 : memref<1x200xi32, #tpu.memory_space<vmem>> -> memref<200xi32, #tpu.memory_space<vmem>>
      %dma_start3A_172 = arith.constant 0 : i32
      %dma_start3A_173 = arith.constant 0 : i32
      %dma_start3A_174 = tpu.memref_slice %arg2[%dma_start3A_172, %dma_start3A_173] : memref<10240x16xf32, #tpu.memory_space<hbm>> -> memref<10240x16xf32, #tpu.memory_space<hbm>>
      tpu.enqueue_indirect_dma source(%dma_start3A_174 : memref<10240x16xf32, #tpu.memory_space<hbm>>) target(%dma_start3A_168 : memref<200x16xf32, #tpu.memory_space<vmem>>) offsets(%dma_start3A_171 : memref<200xi32, #tpu.memory_space<vmem>>) semaphore(%arg10 : memref<!tpu.dma_semaphore, #tpu.memory_space<semaphore_mem>>)
      %gt3A_175 = arith.constant 0 : i32
      %gt3A_176 = arith.cmpi sgt, %scan3A_158, %gt3A_175 : i32
      %convert_element_type3A_177 = arith.extui %gt3A_176 : i1 to i32
      %cond3A_178 = arith.constant 0 : i32
      %cond3A_179 = arith.cmpi ne, %convert_element_type3A_177, %cond3A_178 : i32
      scf.if %cond3A_179 {
        %dma_wait3A_587 = arith.constant 1 : i32
        %dma_wait3A_588 = arith.constant 0 : i32
        %dma_wait3A_589 = arith.constant 0 : i32
        %dma_wait3A_590 = arith.constant 0 : i32
        %dma_wait3A_591 = tpu.memref_slice %arg8[%dma_wait3A_587, %dma_wait3A_589, %dma_wait3A_590] : memref<10x200x16xf32, #tpu.memory_space<vmem>> -> memref<1x200x16xf32, #tpu.memory_space<vmem>>
        %dma_wait3A_592 = tpu.memref_squeeze %dma_wait3A_591 : memref<1x200x16xf32, #tpu.memory_space<vmem>> -> memref<200x16xf32, #tpu.memory_space<vmem>>
        %dma_wait3A_593 = arith.constant 0 : i32
        %dma_wait3A_594 = tpu.memref_slice %arg7[%dma_wait3A_588, %dma_wait3A_593] : memref<50x200xi32, #tpu.memory_space<vmem>> -> memref<1x200xi32, #tpu.memory_space<vmem>>
        %dma_wait3A_595 = tpu.memref_squeeze %dma_wait3A_594 : memref<1x200xi32, #tpu.memory_space<vmem>> -> memref<200xi32, #tpu.memory_space<vmem>>
        %dma_wait3A_596 = arith.constant 0 : i32
        %dma_wait3A_597 = arith.constant 0 : i32
        %dma_wait3A_598 = tpu.memref_slice %arg5[%dma_wait3A_596, %dma_wait3A_597] : memref<10240x16xf32, #tpu.memory_space<vmem_shared>> -> memref<10240x16xf32, #tpu.memory_space<vmem_shared>>
        tpu.wait_indirect_dma semaphore(%arg21 : memref<!tpu.dma_semaphore, #tpu.memory_space<semaphore_mem>>) src(%dma_wait3A_592 : memref<200x16xf32, #tpu.memory_space<vmem>>) dst(%dma_wait3A_598 : memref<10240x16xf32, #tpu.memory_space<vmem_shared>>)
      } else {
      }
      %add3A_180 = arith.constant 1 : i32
      %add3A_181 = arith.addi %mul3A_160, %add3A_180 : i32
      %dma_start3A_182 = arith.constant 1 : i32
      %dma_start3A_183 = arith.constant 0 : i32
      %dma_start3A_184 = arith.constant 0 : i32
      %dma_start3A_185 = tpu.memref_slice %arg8[%dma_start3A_182, %dma_start3A_183, %dma_start3A_184] : memref<10x200x16xf32, #tpu.memory_space<vmem>> -> memref<1x200x16xf32, #tpu.memory_space<vmem>>
      %dma_start3A_186 = tpu.memref_squeeze %dma_start3A_185 : memref<1x200x16xf32, #tpu.memory_space<vmem>> -> memref<200x16xf32, #tpu.memory_space<vmem>>
      %dma_start3A_187 = arith.constant 0 : i32
      %dma_start3A_188 = tpu.memref_slice %arg6[%add3A_181, %dma_start3A_187] : memref<50x200xi32, #tpu.memory_space<vmem>> -> memref<1x200xi32, #tpu.memory_space<vmem>>
      %dma_start3A_189 = tpu.memref_squeeze %dma_start3A_188 : memref<1x200xi32, #tpu.memory_space<vmem>> -> memref<200xi32, #tpu.memory_space<vmem>>
      %dma_start3A_190 = arith.constant 0 : i32
      %dma_start3A_191 = arith.constant 0 : i32
      %dma_start3A_192 = tpu.memref_slice %arg2[%dma_start3A_190, %dma_start3A_191] : memref<10240x16xf32, #tpu.memory_space<hbm>> -> memref<10240x16xf32, #tpu.memory_space<hbm>>
      tpu.enqueue_indirect_dma source(%dma_start3A_192 : memref<10240x16xf32, #tpu.memory_space<hbm>>) target(%dma_start3A_186 : memref<200x16xf32, #tpu.memory_space<vmem>>) offsets(%dma_start3A_189 : memref<200xi32, #tpu.memory_space<vmem>>) semaphore(%arg11 : memref<!tpu.dma_semaphore, #tpu.memory_space<semaphore_mem>>)
      %gt3A_193 = arith.constant 0 : i32
      %gt3A_194 = arith.cmpi sgt, %scan3A_158, %gt3A_193 : i32
      %convert_element_type3A_195 = arith.extui %gt3A_194 : i1 to i32
      %cond3A_196 = arith.constant 0 : i32
      %cond3A_197 = arith.cmpi ne, %convert_element_type3A_195, %cond3A_196 : i32
      scf.if %cond3A_197 {
        %dma_wait3A_587 = arith.constant 2 : i32
        %dma_wait3A_588 = arith.constant 0 : i32
        %dma_wait3A_589 = arith.constant 0 : i32
        %dma_wait3A_590 = arith.constant 0 : i32
        %dma_wait3A_591 = tpu.memref_slice %arg8[%dma_wait3A_587, %dma_wait3A_589, %dma_wait3A_590] : memref<10x200x16xf32, #tpu.memory_space<vmem>> -> memref<1x200x16xf32, #tpu.memory_space<vmem>>
        %dma_wait3A_592 = tpu.memref_squeeze %dma_wait3A_591 : memref<1x200x16xf32, #tpu.memory_space<vmem>> -> memref<200x16xf32, #tpu.memory_space<vmem>>
        %dma_wait3A_593 = arith.constant 0 : i32
        %dma_wait3A_594 = tpu.memref_slice %arg7[%dma_wait3A_588, %dma_wait3A_593] : memref<50x200xi32, #tpu.memory_space<vmem>> -> memref<1x200xi32, #tpu.memory_space<vmem>>
        %dma_wait3A_595 = tpu.memref_squeeze %dma_wait3A_594 : memref<1x200xi32, #tpu.memory_space<vmem>> -> memref<200xi32, #tpu.memory_space<vmem>>
        %dma_wait3A_596 = arith.constant 0 : i32
        %dma_wait3A_597 = arith.constant 0 : i32
        %dma_wait3A_598 = tpu.memref_slice %arg5[%dma_wait3A_596, %dma_wait3A_597] : memref<10240x16xf32, #tpu.memory_space<vmem_shared>> -> memref<10240x16xf32, #tpu.memory_space<vmem_shared>>
        tpu.wait_indirect_dma semaphore(%arg22 : memref<!tpu.dma_semaphore, #tpu.memory_space<semaphore_mem>>) src(%dma_wait3A_592 : memref<200x16xf32, #tpu.memory_space<vmem>>) dst(%dma_wait3A_598 : memref<10240x16xf32, #tpu.memory_space<vmem_shared>>)
      } else {
      }
      %add3A_198 = arith.constant 2 : i32
      %add3A_199 = arith.addi %mul3A_160, %add3A_198 : i32
      %dma_start3A_200 = arith.constant 2 : i32
      %dma_start3A_201 = arith.constant 0 : i32
      %dma_start3A_202 = arith.constant 0 : i32
      %dma_start3A_203 = tpu.memref_slice %arg8[%dma_start3A_200, %dma_start3A_201, %dma_start3A_202] : memref<10x200x16xf32, #tpu.memory_space<vmem>> -> memref<1x200x16xf32, #tpu.memory_space<vmem>>
      %dma_start3A_204 = tpu.memref_squeeze %dma_start3A_203 : memref<1x200x16xf32, #tpu.memory_space<vmem>> -> memref<200x16xf32, #tpu.memory_space<vmem>>
      %dma_start3A_205 = arith.constant 0 : i32
      %dma_start3A_206 = tpu.memref_slice %arg6[%add3A_199, %dma_start3A_205] : memref<50x200xi32, #tpu.memory_space<vmem>> -> memref<1x200xi32, #tpu.memory_space<vmem>>
      %dma_start3A_207 = tpu.memref_squeeze %dma_start3A_206 : memref<1x200xi32, #tpu.memory_space<vmem>> -> memref<200xi32, #tpu.memory_space<vmem>>
      %dma_start3A_208 = arith.constant 0 : i32
      %dma_start3A_209 = arith.constant 0 : i32
      %dma_start3A_210 = tpu.memref_slice %arg2[%dma_start3A_208, %dma_start3A_209] : memref<10240x16xf32, #tpu.memory_space<hbm>> -> memref<10240x16xf32, #tpu.memory_space<hbm>>
      tpu.enqueue_indirect_dma source(%dma_start3A_210 : memref<10240x16xf32, #tpu.memory_space<hbm>>) target(%dma_start3A_204 : memref<200x16xf32, #tpu.memory_space<vmem>>) offsets(%dma_start3A_207 : memref<200xi32, #tpu.memory_space<vmem>>) semaphore(%arg12 : memref<!tpu.dma_semaphore, #tpu.memory_space<semaphore_mem>>)
      %gt3A_211 = arith.constant 0 : i32
      %gt3A_212 = arith.cmpi sgt, %scan3A_158, %gt3A_211 : i32
      %convert_element_type3A_213 = arith.extui %gt3A_212 : i1 to i32
      %cond3A_214 = arith.constant 0 : i32
      %cond3A_215 = arith.cmpi ne, %convert_element_type3A_213, %cond3A_214 : i32
      scf.if %cond3A_215 {
        %dma_wait3A_587 = arith.constant 3 : i32
        %dma_wait3A_588 = arith.constant 0 : i32
        %dma_wait3A_589 = arith.constant 0 : i32
        %dma_wait3A_590 = arith.constant 0 : i32
        %dma_wait3A_591 = tpu.memref_slice %arg8[%dma_wait3A_587, %dma_wait3A_589, %dma_wait3A_590] : memref<10x200x16xf32, #tpu.memory_space<vmem>> -> memref<1x200x16xf32, #tpu.memory_space<vmem>>
        %dma_wait3A_592 = tpu.memref_squeeze %dma_wait3A_591 : memref<1x200x16xf32, #tpu.memory_space<vmem>> -> memref<200x16xf32, #tpu.memory_space<vmem>>
        %dma_wait3A_593 = arith.constant 0 : i32
        %dma_wait3A_594 = tpu.memref_slice %arg7[%dma_wait3A_588, %dma_wait3A_593] : memref<50x200xi32, #tpu.memory_space<vmem>> -> memref<1x200xi32, #tpu.memory_space<vmem>>
        %dma_wait3A_595 = tpu.memref_squeeze %dma_wait3A_594 : memref<1x200xi32, #tpu.memory_space<vmem>> -> memref<200xi32, #tpu.memory_space<vmem>>
        %dma_wait3A_596 = arith.constant 0 : i32
        %dma_wait3A_597 = arith.constant 0 : i32
        %dma_wait3A_598 = tpu.memref_slice %arg5[%dma_wait3A_596, %dma_wait3A_597] : memref<10240x16xf32, #tpu.memory_space<vmem_shared>> -> memref<10240x16xf32, #tpu.memory_space<vmem_shared>>
        tpu.wait_indirect_dma semaphore(%arg23 : memref<!tpu.dma_semaphore, #tpu.memory_space<semaphore_mem>>) src(%dma_wait3A_592 : memref<200x16xf32, #tpu.memory_space<vmem>>) dst(%dma_wait3A_598 : memref<10240x16xf32, #tpu.memory_space<vmem_shared>>)
      } else {
      }
      %add3A_216 = arith.constant 3 : i32
      %add3A_217 = arith.addi %mul3A_160, %add3A_216 : i32
      %dma_start3A_218 = arith.constant 3 : i32
      %dma_start3A_219 = arith.constant 0 : i32
      %dma_start3A_220 = arith.constant 0 : i32
      %dma_start3A_221 = tpu.memref_slice %arg8[%dma_start3A_218, %dma_start3A_219, %dma_start3A_220] : memref<10x200x16xf32, #tpu.memory_space<vmem>> -> memref<1x200x16xf32, #tpu.memory_space<vmem>>
      %dma_start3A_222 = tpu.memref_squeeze %dma_start3A_221 : memref<1x200x16xf32, #tpu.memory_space<vmem>> -> memref<200x16xf32, #tpu.memory_space<vmem>>
      %dma_start3A_223 = arith.constant 0 : i32
      %dma_start3A_224 = tpu.memref_slice %arg6[%add3A_217, %dma_start3A_223] : memref<50x200xi32, #tpu.memory_space<vmem>> -> memref<1x200xi32, #tpu.memory_space<vmem>>
      %dma_start3A_225 = tpu.memref_squeeze %dma_start3A_224 : memref<1x200xi32, #tpu.memory_space<vmem>> -> memref<200xi32, #tpu.memory_space<vmem>>
      %dma_start3A_226 = arith.constant 0 : i32
      %dma_start3A_227 = arith.constant 0 : i32
      %dma_start3A_228 = tpu.memref_slice %arg2[%dma_start3A_226, %dma_start3A_227] : memref<10240x16xf32, #tpu.memory_space<hbm>> -> memref<10240x16xf32, #tpu.memory_space<hbm>>
      tpu.enqueue_indirect_dma source(%dma_start3A_228 : memref<10240x16xf32, #tpu.memory_space<hbm>>) target(%dma_start3A_222 : memref<200x16xf32, #tpu.memory_space<vmem>>) offsets(%dma_start3A_225 : memref<200xi32, #tpu.memory_space<vmem>>) semaphore(%arg13 : memref<!tpu.dma_semaphore, #tpu.memory_space<semaphore_mem>>)
      %gt3A_229 = arith.constant 0 : i32
      %gt3A_230 = arith.cmpi sgt, %scan3A_158, %gt3A_229 : i32
      %convert_element_type3A_231 = arith.extui %gt3A_230 : i1 to i32
      %cond3A_232 = arith.constant 0 : i32
      %cond3A_233 = arith.cmpi ne, %convert_element_type3A_231, %cond3A_232 : i32
      scf.if %cond3A_233 {
        %dma_wait3A_587 = arith.constant 4 : i32
        %dma_wait3A_588 = arith.constant 0 : i32
        %dma_wait3A_589 = arith.constant 0 : i32
        %dma_wait3A_590 = arith.constant 0 : i32
        %dma_wait3A_591 = tpu.memref_slice %arg8[%dma_wait3A_587, %dma_wait3A_589, %dma_wait3A_590] : memref<10x200x16xf32, #tpu.memory_space<vmem>> -> memref<1x200x16xf32, #tpu.memory_space<vmem>>
        %dma_wait3A_592 = tpu.memref_squeeze %dma_wait3A_591 : memref<1x200x16xf32, #tpu.memory_space<vmem>> -> memref<200x16xf32, #tpu.memory_space<vmem>>
        %dma_wait3A_593 = arith.constant 0 : i32
        %dma_wait3A_594 = tpu.memref_slice %arg7[%dma_wait3A_588, %dma_wait3A_593] : memref<50x200xi32, #tpu.memory_space<vmem>> -> memref<1x200xi32, #tpu.memory_space<vmem>>
        %dma_wait3A_595 = tpu.memref_squeeze %dma_wait3A_594 : memref<1x200xi32, #tpu.memory_space<vmem>> -> memref<200xi32, #tpu.memory_space<vmem>>
        %dma_wait3A_596 = arith.constant 0 : i32
        %dma_wait3A_597 = arith.constant 0 : i32
        %dma_wait3A_598 = tpu.memref_slice %arg5[%dma_wait3A_596, %dma_wait3A_597] : memref<10240x16xf32, #tpu.memory_space<vmem_shared>> -> memref<10240x16xf32, #tpu.memory_space<vmem_shared>>
        tpu.wait_indirect_dma semaphore(%arg24 : memref<!tpu.dma_semaphore, #tpu.memory_space<semaphore_mem>>) src(%dma_wait3A_592 : memref<200x16xf32, #tpu.memory_space<vmem>>) dst(%dma_wait3A_598 : memref<10240x16xf32, #tpu.memory_space<vmem_shared>>)
      } else {
      }
      %add3A_234 = arith.constant 4 : i32
      %add3A_235 = arith.addi %mul3A_160, %add3A_234 : i32
      %dma_start3A_236 = arith.constant 4 : i32
      %dma_start3A_237 = arith.constant 0 : i32
      %dma_start3A_238 = arith.constant 0 : i32
      %dma_start3A_239 = tpu.memref_slice %arg8[%dma_start3A_236, %dma_start3A_237, %dma_start3A_238] : memref<10x200x16xf32, #tpu.memory_space<vmem>> -> memref<1x200x16xf32, #tpu.memory_space<vmem>>
      %dma_start3A_240 = tpu.memref_squeeze %dma_start3A_239 : memref<1x200x16xf32, #tpu.memory_space<vmem>> -> memref<200x16xf32, #tpu.memory_space<vmem>>
      %dma_start3A_241 = arith.constant 0 : i32
      %dma_start3A_242 = tpu.memref_slice %arg6[%add3A_235, %dma_start3A_241] : memref<50x200xi32, #tpu.memory_space<vmem>> -> memref<1x200xi32, #tpu.memory_space<vmem>>
      %dma_start3A_243 = tpu.memref_squeeze %dma_start3A_242 : memref<1x200xi32, #tpu.memory_space<vmem>> -> memref<200xi32, #tpu.memory_space<vmem>>
      %dma_start3A_244 = arith.constant 0 : i32
      %dma_start3A_245 = arith.constant 0 : i32
      %dma_start3A_246 = tpu.memref_slice %arg2[%dma_start3A_244, %dma_start3A_245] : memref<10240x16xf32, #tpu.memory_space<hbm>> -> memref<10240x16xf32, #tpu.memory_space<hbm>>
      tpu.enqueue_indirect_dma source(%dma_start3A_246 : memref<10240x16xf32, #tpu.memory_space<hbm>>) target(%dma_start3A_240 : memref<200x16xf32, #tpu.memory_space<vmem>>) offsets(%dma_start3A_243 : memref<200xi32, #tpu.memory_space<vmem>>) semaphore(%arg14 : memref<!tpu.dma_semaphore, #tpu.memory_space<semaphore_mem>>)
      %gt3A_247 = arith.constant 0 : i32
      %gt3A_248 = arith.cmpi sgt, %scan3A_158, %gt3A_247 : i32
      %convert_element_type3A_249 = arith.extui %gt3A_248 : i1 to i32
      %cond3A_250 = arith.constant 0 : i32
      %cond3A_251 = arith.cmpi ne, %convert_element_type3A_249, %cond3A_250 : i32
      scf.if %cond3A_251 {
        %dma_wait3A_587 = arith.constant 5 : i32
        %dma_wait3A_588 = arith.constant 0 : i32
        %dma_wait3A_589 = arith.constant 0 : i32
        %dma_wait3A_590 = arith.constant 0 : i32
        %dma_wait3A_591 = tpu.memref_slice %arg8[%dma_wait3A_587, %dma_wait3A_589, %dma_wait3A_590] : memref<10x200x16xf32, #tpu.memory_space<vmem>> -> memref<1x200x16xf32, #tpu.memory_space<vmem>>
        %dma_wait3A_592 = tpu.memref_squeeze %dma_wait3A_591 : memref<1x200x16xf32, #tpu.memory_space<vmem>> -> memref<200x16xf32, #tpu.memory_space<vmem>>
        %dma_wait3A_593 = arith.constant 0 : i32
        %dma_wait3A_594 = tpu.memref_slice %arg7[%dma_wait3A_588, %dma_wait3A_593] : memref<50x200xi32, #tpu.memory_space<vmem>> -> memref<1x200xi32, #tpu.memory_space<vmem>>
        %dma_wait3A_595 = tpu.memref_squeeze %dma_wait3A_594 : memref<1x200xi32, #tpu.memory_space<vmem>> -> memref<200xi32, #tpu.memory_space<vmem>>
        %dma_wait3A_596 = arith.constant 0 : i32
        %dma_wait3A_597 = arith.constant 0 : i32
        %dma_wait3A_598 = tpu.memref_slice %arg5[%dma_wait3A_596, %dma_wait3A_597] : memref<10240x16xf32, #tpu.memory_space<vmem_shared>> -> memref<10240x16xf32, #tpu.memory_space<vmem_shared>>
        tpu.wait_indirect_dma semaphore(%arg25 : memref<!tpu.dma_semaphore, #tpu.memory_space<semaphore_mem>>) src(%dma_wait3A_592 : memref<200x16xf32, #tpu.memory_space<vmem>>) dst(%dma_wait3A_598 : memref<10240x16xf32, #tpu.memory_space<vmem_shared>>)
      } else {
      }
      %add3A_252 = arith.constant 5 : i32
      %add3A_253 = arith.addi %mul3A_160, %add3A_252 : i32
      %dma_start3A_254 = arith.constant 5 : i32
      %dma_start3A_255 = arith.constant 0 : i32
      %dma_start3A_256 = arith.constant 0 : i32
      %dma_start3A_257 = tpu.memref_slice %arg8[%dma_start3A_254, %dma_start3A_255, %dma_start3A_256] : memref<10x200x16xf32, #tpu.memory_space<vmem>> -> memref<1x200x16xf32, #tpu.memory_space<vmem>>
      %dma_start3A_258 = tpu.memref_squeeze %dma_start3A_257 : memref<1x200x16xf32, #tpu.memory_space<vmem>> -> memref<200x16xf32, #tpu.memory_space<vmem>>
      %dma_start3A_259 = arith.constant 0 : i32
      %dma_start3A_260 = tpu.memref_slice %arg6[%add3A_253, %dma_start3A_259] : memref<50x200xi32, #tpu.memory_space<vmem>> -> memref<1x200xi32, #tpu.memory_space<vmem>>
      %dma_start3A_261 = tpu.memref_squeeze %dma_start3A_260 : memref<1x200xi32, #tpu.memory_space<vmem>> -> memref<200xi32, #tpu.memory_space<vmem>>
      %dma_start3A_262 = arith.constant 0 : i32
      %dma_start3A_263 = arith.constant 0 : i32
      %dma_start3A_264 = tpu.memref_slice %arg2[%dma_start3A_262, %dma_start3A_263] : memref<10240x16xf32, #tpu.memory_space<hbm>> -> memref<10240x16xf32, #tpu.memory_space<hbm>>
      tpu.enqueue_indirect_dma source(%dma_start3A_264 : memref<10240x16xf32, #tpu.memory_space<hbm>>) target(%dma_start3A_258 : memref<200x16xf32, #tpu.memory_space<vmem>>) offsets(%dma_start3A_261 : memref<200xi32, #tpu.memory_space<vmem>>) semaphore(%arg15 : memref<!tpu.dma_semaphore, #tpu.memory_space<semaphore_mem>>)
      %gt3A_265 = arith.constant 0 : i32
      %gt3A_266 = arith.cmpi sgt, %scan3A_158, %gt3A_265 : i32
      %convert_element_type3A_267 = arith.extui %gt3A_266 : i1 to i32
      %cond3A_268 = arith.constant 0 : i32
      %cond3A_269 = arith.cmpi ne, %convert_element_type3A_267, %cond3A_268 : i32
      scf.if %cond3A_269 {
        %dma_wait3A_587 = arith.constant 6 : i32
        %dma_wait3A_588 = arith.constant 0 : i32
        %dma_wait3A_589 = arith.constant 0 : i32
        %dma_wait3A_590 = arith.constant 0 : i32
        %dma_wait3A_591 = tpu.memref_slice %arg8[%dma_wait3A_587, %dma_wait3A_589, %dma_wait3A_590] : memref<10x200x16xf32, #tpu.memory_space<vmem>> -> memref<1x200x16xf32, #tpu.memory_space<vmem>>
        %dma_wait3A_592 = tpu.memref_squeeze %dma_wait3A_591 : memref<1x200x16xf32, #tpu.memory_space<vmem>> -> memref<200x16xf32, #tpu.memory_space<vmem>>
        %dma_wait3A_593 = arith.constant 0 : i32
        %dma_wait3A_594 = tpu.memref_slice %arg7[%dma_wait3A_588, %dma_wait3A_593] : memref<50x200xi32, #tpu.memory_space<vmem>> -> memref<1x200xi32, #tpu.memory_space<vmem>>
        %dma_wait3A_595 = tpu.memref_squeeze %dma_wait3A_594 : memref<1x200xi32, #tpu.memory_space<vmem>> -> memref<200xi32, #tpu.memory_space<vmem>>
        %dma_wait3A_596 = arith.constant 0 : i32
        %dma_wait3A_597 = arith.constant 0 : i32
        %dma_wait3A_598 = tpu.memref_slice %arg5[%dma_wait3A_596, %dma_wait3A_597] : memref<10240x16xf32, #tpu.memory_space<vmem_shared>> -> memref<10240x16xf32, #tpu.memory_space<vmem_shared>>
        tpu.wait_indirect_dma semaphore(%arg26 : memref<!tpu.dma_semaphore, #tpu.memory_space<semaphore_mem>>) src(%dma_wait3A_592 : memref<200x16xf32, #tpu.memory_space<vmem>>) dst(%dma_wait3A_598 : memref<10240x16xf32, #tpu.memory_space<vmem_shared>>)
      } else {
      }
      %add3A_270 = arith.constant 6 : i32
      %add3A_271 = arith.addi %mul3A_160, %add3A_270 : i32
      %dma_start3A_272 = arith.constant 6 : i32
      %dma_start3A_273 = arith.constant 0 : i32
      %dma_start3A_274 = arith.constant 0 : i32
      %dma_start3A_275 = tpu.memref_slice %arg8[%dma_start3A_272, %dma_start3A_273, %dma_start3A_274] : memref<10x200x16xf32, #tpu.memory_space<vmem>> -> memref<1x200x16xf32, #tpu.memory_space<vmem>>
      %dma_start3A_276 = tpu.memref_squeeze %dma_start3A_275 : memref<1x200x16xf32, #tpu.memory_space<vmem>> -> memref<200x16xf32, #tpu.memory_space<vmem>>
      %dma_start3A_277 = arith.constant 0 : i32
      %dma_start3A_278 = tpu.memref_slice %arg6[%add3A_271, %dma_start3A_277] : memref<50x200xi32, #tpu.memory_space<vmem>> -> memref<1x200xi32, #tpu.memory_space<vmem>>
      %dma_start3A_279 = tpu.memref_squeeze %dma_start3A_278 : memref<1x200xi32, #tpu.memory_space<vmem>> -> memref<200xi32, #tpu.memory_space<vmem>>
      %dma_start3A_280 = arith.constant 0 : i32
      %dma_start3A_281 = arith.constant 0 : i32
      %dma_start3A_282 = tpu.memref_slice %arg2[%dma_start3A_280, %dma_start3A_281] : memref<10240x16xf32, #tpu.memory_space<hbm>> -> memref<10240x16xf32, #tpu.memory_space<hbm>>
      tpu.enqueue_indirect_dma source(%dma_start3A_282 : memref<10240x16xf32, #tpu.memory_space<hbm>>) target(%dma_start3A_276 : memref<200x16xf32, #tpu.memory_space<vmem>>) offsets(%dma_start3A_279 : memref<200xi32, #tpu.memory_space<vmem>>) semaphore(%arg16 : memref<!tpu.dma_semaphore, #tpu.memory_space<semaphore_mem>>)
      %gt3A_283 = arith.constant 0 : i32
      %gt3A_284 = arith.cmpi sgt, %scan3A_158, %gt3A_283 : i32
      %convert_element_type3A_285 = arith.extui %gt3A_284 : i1 to i32
      %cond3A_286 = arith.constant 0 : i32
      %cond3A_287 = arith.cmpi ne, %convert_element_type3A_285, %cond3A_286 : i32
      scf.if %cond3A_287 {
        %dma_wait3A_587 = arith.constant 7 : i32
        %dma_wait3A_588 = arith.constant 0 : i32
        %dma_wait3A_589 = arith.constant 0 : i32
        %dma_wait3A_590 = arith.constant 0 : i32
        %dma_wait3A_591 = tpu.memref_slice %arg8[%dma_wait3A_587, %dma_wait3A_589, %dma_wait3A_590] : memref<10x200x16xf32, #tpu.memory_space<vmem>> -> memref<1x200x16xf32, #tpu.memory_space<vmem>>
        %dma_wait3A_592 = tpu.memref_squeeze %dma_wait3A_591 : memref<1x200x16xf32, #tpu.memory_space<vmem>> -> memref<200x16xf32, #tpu.memory_space<vmem>>
        %dma_wait3A_593 = arith.constant 0 : i32
        %dma_wait3A_594 = tpu.memref_slice %arg7[%dma_wait3A_588, %dma_wait3A_593] : memref<50x200xi32, #tpu.memory_space<vmem>> -> memref<1x200xi32, #tpu.memory_space<vmem>>
        %dma_wait3A_595 = tpu.memref_squeeze %dma_wait3A_594 : memref<1x200xi32, #tpu.memory_space<vmem>> -> memref<200xi32, #tpu.memory_space<vmem>>
        %dma_wait3A_596 = arith.constant 0 : i32
        %dma_wait3A_597 = arith.constant 0 : i32
        %dma_wait3A_598 = tpu.memref_slice %arg5[%dma_wait3A_596, %dma_wait3A_597] : memref<10240x16xf32, #tpu.memory_space<vmem_shared>> -> memref<10240x16xf32, #tpu.memory_space<vmem_shared>>
        tpu.wait_indirect_dma semaphore(%arg27 : memref<!tpu.dma_semaphore, #tpu.memory_space<semaphore_mem>>) src(%dma_wait3A_592 : memref<200x16xf32, #tpu.memory_space<vmem>>) dst(%dma_wait3A_598 : memref<10240x16xf32, #tpu.memory_space<vmem_shared>>)
      } else {
      }
      %add3A_288 = arith.constant 7 : i32
      %add3A_289 = arith.addi %mul3A_160, %add3A_288 : i32
      %dma_start3A_290 = arith.constant 7 : i32
      %dma_start3A_291 = arith.constant 0 : i32
      %dma_start3A_292 = arith.constant 0 : i32
      %dma_start3A_293 = tpu.memref_slice %arg8[%dma_start3A_290, %dma_start3A_291, %dma_start3A_292] : memref<10x200x16xf32, #tpu.memory_space<vmem>> -> memref<1x200x16xf32, #tpu.memory_space<vmem>>
      %dma_start3A_294 = tpu.memref_squeeze %dma_start3A_293 : memref<1x200x16xf32, #tpu.memory_space<vmem>> -> memref<200x16xf32, #tpu.memory_space<vmem>>
      %dma_start3A_295 = arith.constant 0 : i32
      %dma_start3A_296 = tpu.memref_slice %arg6[%add3A_289, %dma_start3A_295] : memref<50x200xi32, #tpu.memory_space<vmem>> -> memref<1x200xi32, #tpu.memory_space<vmem>>
      %dma_start3A_297 = tpu.memref_squeeze %dma_start3A_296 : memref<1x200xi32, #tpu.memory_space<vmem>> -> memref<200xi32, #tpu.memory_space<vmem>>
      %dma_start3A_298 = arith.constant 0 : i32
      %dma_start3A_299 = arith.constant 0 : i32
      %dma_start3A_300 = tpu.memref_slice %arg2[%dma_start3A_298, %dma_start3A_299] : memref<10240x16xf32, #tpu.memory_space<hbm>> -> memref<10240x16xf32, #tpu.memory_space<hbm>>
      tpu.enqueue_indirect_dma source(%dma_start3A_300 : memref<10240x16xf32, #tpu.memory_space<hbm>>) target(%dma_start3A_294 : memref<200x16xf32, #tpu.memory_space<vmem>>) offsets(%dma_start3A_297 : memref<200xi32, #tpu.memory_space<vmem>>) semaphore(%arg17 : memref<!tpu.dma_semaphore, #tpu.memory_space<semaphore_mem>>)
      %gt3A_301 = arith.constant 0 : i32
      %gt3A_302 = arith.cmpi sgt, %scan3A_158, %gt3A_301 : i32
      %convert_element_type3A_303 = arith.extui %gt3A_302 : i1 to i32
      %cond3A_304 = arith.constant 0 : i32
      %cond3A_305 = arith.cmpi ne, %convert_element_type3A_303, %cond3A_304 : i32
      scf.if %cond3A_305 {
        %dma_wait3A_587 = arith.constant 8 : i32
        %dma_wait3A_588 = arith.constant 0 : i32
        %dma_wait3A_589 = arith.constant 0 : i32
        %dma_wait3A_590 = arith.constant 0 : i32
        %dma_wait3A_591 = tpu.memref_slice %arg8[%dma_wait3A_587, %dma_wait3A_589, %dma_wait3A_590] : memref<10x200x16xf32, #tpu.memory_space<vmem>> -> memref<1x200x16xf32, #tpu.memory_space<vmem>>
        %dma_wait3A_592 = tpu.memref_squeeze %dma_wait3A_591 : memref<1x200x16xf32, #tpu.memory_space<vmem>> -> memref<200x16xf32, #tpu.memory_space<vmem>>
        %dma_wait3A_593 = arith.constant 0 : i32
        %dma_wait3A_594 = tpu.memref_slice %arg7[%dma_wait3A_588, %dma_wait3A_593] : memref<50x200xi32, #tpu.memory_space<vmem>> -> memref<1x200xi32, #tpu.memory_space<vmem>>
        %dma_wait3A_595 = tpu.memref_squeeze %dma_wait3A_594 : memref<1x200xi32, #tpu.memory_space<vmem>> -> memref<200xi32, #tpu.memory_space<vmem>>
        %dma_wait3A_596 = arith.constant 0 : i32
        %dma_wait3A_597 = arith.constant 0 : i32
        %dma_wait3A_598 = tpu.memref_slice %arg5[%dma_wait3A_596, %dma_wait3A_597] : memref<10240x16xf32, #tpu.memory_space<vmem_shared>> -> memref<10240x16xf32, #tpu.memory_space<vmem_shared>>
        tpu.wait_indirect_dma semaphore(%arg28 : memref<!tpu.dma_semaphore, #tpu.memory_space<semaphore_mem>>) src(%dma_wait3A_592 : memref<200x16xf32, #tpu.memory_space<vmem>>) dst(%dma_wait3A_598 : memref<10240x16xf32, #tpu.memory_space<vmem_shared>>)
      } else {
      }
      %add3A_306 = arith.constant 8 : i32
      %add3A_307 = arith.addi %mul3A_160, %add3A_306 : i32
      %dma_start3A_308 = arith.constant 8 : i32
      %dma_start3A_309 = arith.constant 0 : i32
      %dma_start3A_310 = arith.constant 0 : i32
      %dma_start3A_311 = tpu.memref_slice %arg8[%dma_start3A_308, %dma_start3A_309, %dma_start3A_310] : memref<10x200x16xf32, #tpu.memory_space<vmem>> -> memref<1x200x16xf32, #tpu.memory_space<vmem>>
      %dma_start3A_312 = tpu.memref_squeeze %dma_start3A_311 : memref<1x200x16xf32, #tpu.memory_space<vmem>> -> memref<200x16xf32, #tpu.memory_space<vmem>>
      %dma_start3A_313 = arith.constant 0 : i32
      %dma_start3A_314 = tpu.memref_slice %arg6[%add3A_307, %dma_start3A_313] : memref<50x200xi32, #tpu.memory_space<vmem>> -> memref<1x200xi32, #tpu.memory_space<vmem>>
      %dma_start3A_315 = tpu.memref_squeeze %dma_start3A_314 : memref<1x200xi32, #tpu.memory_space<vmem>> -> memref<200xi32, #tpu.memory_space<vmem>>
      %dma_start3A_316 = arith.constant 0 : i32
      %dma_start3A_317 = arith.constant 0 : i32
      %dma_start3A_318 = tpu.memref_slice %arg2[%dma_start3A_316, %dma_start3A_317] : memref<10240x16xf32, #tpu.memory_space<hbm>> -> memref<10240x16xf32, #tpu.memory_space<hbm>>
      tpu.enqueue_indirect_dma source(%dma_start3A_318 : memref<10240x16xf32, #tpu.memory_space<hbm>>) target(%dma_start3A_312 : memref<200x16xf32, #tpu.memory_space<vmem>>) offsets(%dma_start3A_315 : memref<200xi32, #tpu.memory_space<vmem>>) semaphore(%arg18 : memref<!tpu.dma_semaphore, #tpu.memory_space<semaphore_mem>>)
      %gt3A_319 = arith.constant 0 : i32
      %gt3A_320 = arith.cmpi sgt, %scan3A_158, %gt3A_319 : i32
      %convert_element_type3A_321 = arith.extui %gt3A_320 : i1 to i32
      %cond3A_322 = arith.constant 0 : i32
      %cond3A_323 = arith.cmpi ne, %convert_element_type3A_321, %cond3A_322 : i32
      scf.if %cond3A_323 {
        %dma_wait3A_587 = arith.constant 9 : i32
        %dma_wait3A_588 = arith.constant 0 : i32
        %dma_wait3A_589 = arith.constant 0 : i32
        %dma_wait3A_590 = arith.constant 0 : i32
        %dma_wait3A_591 = tpu.memref_slice %arg8[%dma_wait3A_587, %dma_wait3A_589, %dma_wait3A_590] : memref<10x200x16xf32, #tpu.memory_space<vmem>> -> memref<1x200x16xf32, #tpu.memory_space<vmem>>
        %dma_wait3A_592 = tpu.memref_squeeze %dma_wait3A_591 : memref<1x200x16xf32, #tpu.memory_space<vmem>> -> memref<200x16xf32, #tpu.memory_space<vmem>>
        %dma_wait3A_593 = arith.constant 0 : i32
        %dma_wait3A_594 = tpu.memref_slice %arg7[%dma_wait3A_588, %dma_wait3A_593] : memref<50x200xi32, #tpu.memory_space<vmem>> -> memref<1x200xi32, #tpu.memory_space<vmem>>
        %dma_wait3A_595 = tpu.memref_squeeze %dma_wait3A_594 : memref<1x200xi32, #tpu.memory_space<vmem>> -> memref<200xi32, #tpu.memory_space<vmem>>
        %dma_wait3A_596 = arith.constant 0 : i32
        %dma_wait3A_597 = arith.constant 0 : i32
        %dma_wait3A_598 = tpu.memref_slice %arg5[%dma_wait3A_596, %dma_wait3A_597] : memref<10240x16xf32, #tpu.memory_space<vmem_shared>> -> memref<10240x16xf32, #tpu.memory_space<vmem_shared>>
        tpu.wait_indirect_dma semaphore(%arg29 : memref<!tpu.dma_semaphore, #tpu.memory_space<semaphore_mem>>) src(%dma_wait3A_592 : memref<200x16xf32, #tpu.memory_space<vmem>>) dst(%dma_wait3A_598 : memref<10240x16xf32, #tpu.memory_space<vmem_shared>>)
      } else {
      }
      %add3A_324 = arith.constant 9 : i32
      %add3A_325 = arith.addi %mul3A_160, %add3A_324 : i32
      %dma_start3A_326 = arith.constant 9 : i32
      %dma_start3A_327 = arith.constant 0 : i32
      %dma_start3A_328 = arith.constant 0 : i32
      %dma_start3A_329 = tpu.memref_slice %arg8[%dma_start3A_326, %dma_start3A_327, %dma_start3A_328] : memref<10x200x16xf32, #tpu.memory_space<vmem>> -> memref<1x200x16xf32, #tpu.memory_space<vmem>>
      %dma_start3A_330 = tpu.memref_squeeze %dma_start3A_329 : memref<1x200x16xf32, #tpu.memory_space<vmem>> -> memref<200x16xf32, #tpu.memory_space<vmem>>
      %dma_start3A_331 = arith.constant 0 : i32
      %dma_start3A_332 = tpu.memref_slice %arg6[%add3A_325, %dma_start3A_331] : memref<50x200xi32, #tpu.memory_space<vmem>> -> memref<1x200xi32, #tpu.memory_space<vmem>>
      %dma_start3A_333 = tpu.memref_squeeze %dma_start3A_332 : memref<1x200xi32, #tpu.memory_space<vmem>> -> memref<200xi32, #tpu.memory_space<vmem>>
      %dma_start3A_334 = arith.constant 0 : i32
      %dma_start3A_335 = arith.constant 0 : i32
      %dma_start3A_336 = tpu.memref_slice %arg2[%dma_start3A_334, %dma_start3A_335] : memref<10240x16xf32, #tpu.memory_space<hbm>> -> memref<10240x16xf32, #tpu.memory_space<hbm>>
      tpu.enqueue_indirect_dma source(%dma_start3A_336 : memref<10240x16xf32, #tpu.memory_space<hbm>>) target(%dma_start3A_330 : memref<200x16xf32, #tpu.memory_space<vmem>>) offsets(%dma_start3A_333 : memref<200xi32, #tpu.memory_space<vmem>>) semaphore(%arg19 : memref<!tpu.dma_semaphore, #tpu.memory_space<semaphore_mem>>)
      %dma_wait3A_337 = arith.constant 0 : i32
      %dma_wait3A_338 = arith.constant 0 : i32
      %dma_wait3A_339 = arith.constant 0 : i32
      %dma_wait3A_340 = arith.constant 0 : i32
      %dma_wait3A_341 = tpu.memref_slice %arg8[%dma_wait3A_338, %dma_wait3A_339, %dma_wait3A_340] : memref<10x200x16xf32, #tpu.memory_space<vmem>> -> memref<1x200x16xf32, #tpu.memory_space<vmem>>
      %dma_wait3A_342 = tpu.memref_squeeze %dma_wait3A_341 : memref<1x200x16xf32, #tpu.memory_space<vmem>> -> memref<200x16xf32, #tpu.memory_space<vmem>>
      %dma_wait3A_343 = arith.constant 0 : i32
      %dma_wait3A_344 = tpu.memref_slice %arg6[%dma_wait3A_337, %dma_wait3A_343] : memref<50x200xi32, #tpu.memory_space<vmem>> -> memref<1x200xi32, #tpu.memory_space<vmem>>
      %dma_wait3A_345 = tpu.memref_squeeze %dma_wait3A_344 : memref<1x200xi32, #tpu.memory_space<vmem>> -> memref<200xi32, #tpu.memory_space<vmem>>
      %dma_wait3A_346 = arith.constant 0 : i32
      %dma_wait3A_347 = arith.constant 0 : i32
      %dma_wait3A_348 = tpu.memref_slice %arg2[%dma_wait3A_346, %dma_wait3A_347] : memref<10240x16xf32, #tpu.memory_space<hbm>> -> memref<10240x16xf32, #tpu.memory_space<hbm>>
      tpu.wait_indirect_dma semaphore(%arg10 : memref<!tpu.dma_semaphore, #tpu.memory_space<semaphore_mem>>) src(%dma_wait3A_348 : memref<10240x16xf32, #tpu.memory_space<hbm>>) dst(%dma_wait3A_342 : memref<200x16xf32, #tpu.memory_space<vmem>>)
      %add3A_349 = arith.constant 0 : i32
      %add3A_350 = arith.addi %mul3A_160, %add3A_349 : i32
      %dma_start3A_351 = arith.constant 0 : i32
      %dma_start3A_352 = arith.constant 0 : i32
      %dma_start3A_353 = arith.constant 0 : i32
      %dma_start3A_354 = tpu.memref_slice %arg8[%dma_start3A_351, %dma_start3A_352, %dma_start3A_353] : memref<10x200x16xf32, #tpu.memory_space<vmem>> -> memref<1x200x16xf32, #tpu.memory_space<vmem>>
      %dma_start3A_355 = tpu.memref_squeeze %dma_start3A_354 : memref<1x200x16xf32, #tpu.memory_space<vmem>> -> memref<200x16xf32, #tpu.memory_space<vmem>>
      %dma_start3A_356 = arith.constant 0 : i32
      %dma_start3A_357 = tpu.memref_slice %arg7[%add3A_350, %dma_start3A_356] : memref<50x200xi32, #tpu.memory_space<vmem>> -> memref<1x200xi32, #tpu.memory_space<vmem>>
      %dma_start3A_358 = tpu.memref_squeeze %dma_start3A_357 : memref<1x200xi32, #tpu.memory_space<vmem>> -> memref<200xi32, #tpu.memory_space<vmem>>
      %dma_start3A_359 = arith.constant 0 : i32
      %dma_start3A_360 = arith.constant 0 : i32
      %dma_start3A_361 = tpu.memref_slice %arg5[%dma_start3A_359, %dma_start3A_360] : memref<10240x16xf32, #tpu.memory_space<vmem_shared>> -> memref<10240x16xf32, #tpu.memory_space<vmem_shared>>
      tpu.enqueue_indirect_dma source(%dma_start3A_355 : memref<200x16xf32, #tpu.memory_space<vmem>>) target(%dma_start3A_361 : memref<10240x16xf32, #tpu.memory_space<vmem_shared>>) offsets(%dma_start3A_358 : memref<200xi32, #tpu.memory_space<vmem>>) semaphore(%arg20 : memref<!tpu.dma_semaphore, #tpu.memory_space<semaphore_mem>>) {add = true}
      %dma_wait3A_362 = arith.constant 0 : i32
      %dma_wait3A_363 = arith.constant 1 : i32
      %dma_wait3A_364 = arith.constant 0 : i32
      %dma_wait3A_365 = arith.constant 0 : i32
      %dma_wait3A_366 = tpu.memref_slice %arg8[%dma_wait3A_363, %dma_wait3A_364, %dma_wait3A_365] : memref<10x200x16xf32, #tpu.memory_space<vmem>> -> memref<1x200x16xf32, #tpu.memory_space<vmem>>
      %dma_wait3A_367 = tpu.memref_squeeze %dma_wait3A_366 : memref<1x200x16xf32, #tpu.memory_space<vmem>> -> memref<200x16xf32, #tpu.memory_space<vmem>>
      %dma_wait3A_368 = arith.constant 0 : i32
      %dma_wait3A_369 = tpu.memref_slice %arg6[%dma_wait3A_362, %dma_wait3A_368] : memref<50x200xi32, #tpu.memory_space<vmem>> -> memref<1x200xi32, #tpu.memory_space<vmem>>
      %dma_wait3A_370 = tpu.memref_squeeze %dma_wait3A_369 : memref<1x200xi32, #tpu.memory_space<vmem>> -> memref<200xi32, #tpu.memory_space<vmem>>
      %dma_wait3A_371 = arith.constant 0 : i32
      %dma_wait3A_372 = arith.constant 0 : i32
      %dma_wait3A_373 = tpu.memref_slice %arg2[%dma_wait3A_371, %dma_wait3A_372] : memref<10240x16xf32, #tpu.memory_space<hbm>> -> memref<10240x16xf32, #tpu.memory_space<hbm>>
      tpu.wait_indirect_dma semaphore(%arg11 : memref<!tpu.dma_semaphore, #tpu.memory_space<semaphore_mem>>) src(%dma_wait3A_373 : memref<10240x16xf32, #tpu.memory_space<hbm>>) dst(%dma_wait3A_367 : memref<200x16xf32, #tpu.memory_space<vmem>>)
      %add3A_374 = arith.constant 1 : i32
      %add3A_375 = arith.addi %mul3A_160, %add3A_374 : i32
      %dma_start3A_376 = arith.constant 1 : i32
      %dma_start3A_377 = arith.constant 0 : i32
      %dma_start3A_378 = arith.constant 0 : i32
      %dma_start3A_379 = tpu.memref_slice %arg8[%dma_start3A_376, %dma_start3A_377, %dma_start3A_378] : memref<10x200x16xf32, #tpu.memory_space<vmem>> -> memref<1x200x16xf32, #tpu.memory_space<vmem>>
      %dma_start3A_380 = tpu.memref_squeeze %dma_start3A_379 : memref<1x200x16xf32, #tpu.memory_space<vmem>> -> memref<200x16xf32, #tpu.memory_space<vmem>>
      %dma_start3A_381 = arith.constant 0 : i32
      %dma_start3A_382 = tpu.memref_slice %arg7[%add3A_375, %dma_start3A_381] : memref<50x200xi32, #tpu.memory_space<vmem>> -> memref<1x200xi32, #tpu.memory_space<vmem>>
      %dma_start3A_383 = tpu.memref_squeeze %dma_start3A_382 : memref<1x200xi32, #tpu.memory_space<vmem>> -> memref<200xi32, #tpu.memory_space<vmem>>
      %dma_start3A_384 = arith.constant 0 : i32
      %dma_start3A_385 = arith.constant 0 : i32
      %dma_start3A_386 = tpu.memref_slice %arg5[%dma_start3A_384, %dma_start3A_385] : memref<10240x16xf32, #tpu.memory_space<vmem_shared>> -> memref<10240x16xf32, #tpu.memory_space<vmem_shared>>
      tpu.enqueue_indirect_dma source(%dma_start3A_380 : memref<200x16xf32, #tpu.memory_space<vmem>>) target(%dma_start3A_386 : memref<10240x16xf32, #tpu.memory_space<vmem_shared>>) offsets(%dma_start3A_383 : memref<200xi32, #tpu.memory_space<vmem>>) semaphore(%arg21 : memref<!tpu.dma_semaphore, #tpu.memory_space<semaphore_mem>>) {add = true}
      %dma_wait3A_387 = arith.constant 0 : i32
      %dma_wait3A_388 = arith.constant 2 : i32
      %dma_wait3A_389 = arith.constant 0 : i32
      %dma_wait3A_390 = arith.constant 0 : i32
      %dma_wait3A_391 = tpu.memref_slice %arg8[%dma_wait3A_388, %dma_wait3A_389, %dma_wait3A_390] : memref<10x200x16xf32, #tpu.memory_space<vmem>> -> memref<1x200x16xf32, #tpu.memory_space<vmem>>
      %dma_wait3A_392 = tpu.memref_squeeze %dma_wait3A_391 : memref<1x200x16xf32, #tpu.memory_space<vmem>> -> memref<200x16xf32, #tpu.memory_space<vmem>>
      %dma_wait3A_393 = arith.constant 0 : i32
      %dma_wait3A_394 = tpu.memref_slice %arg6[%dma_wait3A_387, %dma_wait3A_393] : memref<50x200xi32, #tpu.memory_space<vmem>> -> memref<1x200xi32, #tpu.memory_space<vmem>>
      %dma_wait3A_395 = tpu.memref_squeeze %dma_wait3A_394 : memref<1x200xi32, #tpu.memory_space<vmem>> -> memref<200xi32, #tpu.memory_space<vmem>>
      %dma_wait3A_396 = arith.constant 0 : i32
      %dma_wait3A_397 = arith.constant 0 : i32
      %dma_wait3A_398 = tpu.memref_slice %arg2[%dma_wait3A_396, %dma_wait3A_397] : memref<10240x16xf32, #tpu.memory_space<hbm>> -> memref<10240x16xf32, #tpu.memory_space<hbm>>
      tpu.wait_indirect_dma semaphore(%arg12 : memref<!tpu.dma_semaphore, #tpu.memory_space<semaphore_mem>>) src(%dma_wait3A_398 : memref<10240x16xf32, #tpu.memory_space<hbm>>) dst(%dma_wait3A_392 : memref<200x16xf32, #tpu.memory_space<vmem>>)
      %add3A_399 = arith.constant 2 : i32
      %add3A_400 = arith.addi %mul3A_160, %add3A_399 : i32
      %dma_start3A_401 = arith.constant 2 : i32
      %dma_start3A_402 = arith.constant 0 : i32
      %dma_start3A_403 = arith.constant 0 : i32
      %dma_start3A_404 = tpu.memref_slice %arg8[%dma_start3A_401, %dma_start3A_402, %dma_start3A_403] : memref<10x200x16xf32, #tpu.memory_space<vmem>> -> memref<1x200x16xf32, #tpu.memory_space<vmem>>
      %dma_start3A_405 = tpu.memref_squeeze %dma_start3A_404 : memref<1x200x16xf32, #tpu.memory_space<vmem>> -> memref<200x16xf32, #tpu.memory_space<vmem>>
      %dma_start3A_406 = arith.constant 0 : i32
      %dma_start3A_407 = tpu.memref_slice %arg7[%add3A_400, %dma_start3A_406] : memref<50x200xi32, #tpu.memory_space<vmem>> -> memref<1x200xi32, #tpu.memory_space<vmem>>
      %dma_start3A_408 = tpu.memref_squeeze %dma_start3A_407 : memref<1x200xi32, #tpu.memory_space<vmem>> -> memref<200xi32, #tpu.memory_space<vmem>>
      %dma_start3A_409 = arith.constant 0 : i32
      %dma_start3A_410 = arith.constant 0 : i32
      %dma_start3A_411 = tpu.memref_slice %arg5[%dma_start3A_409, %dma_start3A_410] : memref<10240x16xf32, #tpu.memory_space<vmem_shared>> -> memref<10240x16xf32, #tpu.memory_space<vmem_shared>>
      tpu.enqueue_indirect_dma source(%dma_start3A_405 : memref<200x16xf32, #tpu.memory_space<vmem>>) target(%dma_start3A_411 : memref<10240x16xf32, #tpu.memory_space<vmem_shared>>) offsets(%dma_start3A_408 : memref<200xi32, #tpu.memory_space<vmem>>) semaphore(%arg22 : memref<!tpu.dma_semaphore, #tpu.memory_space<semaphore_mem>>) {add = true}
      %dma_wait3A_412 = arith.constant 0 : i32
      %dma_wait3A_413 = arith.constant 3 : i32
      %dma_wait3A_414 = arith.constant 0 : i32
      %dma_wait3A_415 = arith.constant 0 : i32
      %dma_wait3A_416 = tpu.memref_slice %arg8[%dma_wait3A_413, %dma_wait3A_414, %dma_wait3A_415] : memref<10x200x16xf32, #tpu.memory_space<vmem>> -> memref<1x200x16xf32, #tpu.memory_space<vmem>>
      %dma_wait3A_417 = tpu.memref_squeeze %dma_wait3A_416 : memref<1x200x16xf32, #tpu.memory_space<vmem>> -> memref<200x16xf32, #tpu.memory_space<vmem>>
      %dma_wait3A_418 = arith.constant 0 : i32
      %dma_wait3A_419 = tpu.memref_slice %arg6[%dma_wait3A_412, %dma_wait3A_418] : memref<50x200xi32, #tpu.memory_space<vmem>> -> memref<1x200xi32, #tpu.memory_space<vmem>>
      %dma_wait3A_420 = tpu.memref_squeeze %dma_wait3A_419 : memref<1x200xi32, #tpu.memory_space<vmem>> -> memref<200xi32, #tpu.memory_space<vmem>>
      %dma_wait3A_421 = arith.constant 0 : i32
      %dma_wait3A_422 = arith.constant 0 : i32
      %dma_wait3A_423 = tpu.memref_slice %arg2[%dma_wait3A_421, %dma_wait3A_422] : memref<10240x16xf32, #tpu.memory_space<hbm>> -> memref<10240x16xf32, #tpu.memory_space<hbm>>
      tpu.wait_indirect_dma semaphore(%arg13 : memref<!tpu.dma_semaphore, #tpu.memory_space<semaphore_mem>>) src(%dma_wait3A_423 : memref<10240x16xf32, #tpu.memory_space<hbm>>) dst(%dma_wait3A_417 : memref<200x16xf32, #tpu.memory_space<vmem>>)
      %add3A_424 = arith.constant 3 : i32
      %add3A_425 = arith.addi %mul3A_160, %add3A_424 : i32
      %dma_start3A_426 = arith.constant 3 : i32
      %dma_start3A_427 = arith.constant 0 : i32
      %dma_start3A_428 = arith.constant 0 : i32
      %dma_start3A_429 = tpu.memref_slice %arg8[%dma_start3A_426, %dma_start3A_427, %dma_start3A_428] : memref<10x200x16xf32, #tpu.memory_space<vmem>> -> memref<1x200x16xf32, #tpu.memory_space<vmem>>
      %dma_start3A_430 = tpu.memref_squeeze %dma_start3A_429 : memref<1x200x16xf32, #tpu.memory_space<vmem>> -> memref<200x16xf32, #tpu.memory_space<vmem>>
      %dma_start3A_431 = arith.constant 0 : i32
      %dma_start3A_432 = tpu.memref_slice %arg7[%add3A_425, %dma_start3A_431] : memref<50x200xi32, #tpu.memory_space<vmem>> -> memref<1x200xi32, #tpu.memory_space<vmem>>
      %dma_start3A_433 = tpu.memref_squeeze %dma_start3A_432 : memref<1x200xi32, #tpu.memory_space<vmem>> -> memref<200xi32, #tpu.memory_space<vmem>>
      %dma_start3A_434 = arith.constant 0 : i32
      %dma_start3A_435 = arith.constant 0 : i32
      %dma_start3A_436 = tpu.memref_slice %arg5[%dma_start3A_434, %dma_start3A_435] : memref<10240x16xf32, #tpu.memory_space<vmem_shared>> -> memref<10240x16xf32, #tpu.memory_space<vmem_shared>>
      tpu.enqueue_indirect_dma source(%dma_start3A_430 : memref<200x16xf32, #tpu.memory_space<vmem>>) target(%dma_start3A_436 : memref<10240x16xf32, #tpu.memory_space<vmem_shared>>) offsets(%dma_start3A_433 : memref<200xi32, #tpu.memory_space<vmem>>) semaphore(%arg23 : memref<!tpu.dma_semaphore, #tpu.memory_space<semaphore_mem>>) {add = true}
      %dma_wait3A_437 = arith.constant 0 : i32
      %dma_wait3A_438 = arith.constant 4 : i32
      %dma_wait3A_439 = arith.constant 0 : i32
      %dma_wait3A_440 = arith.constant 0 : i32
      %dma_wait3A_441 = tpu.memref_slice %arg8[%dma_wait3A_438, %dma_wait3A_439, %dma_wait3A_440] : memref<10x200x16xf32, #tpu.memory_space<vmem>> -> memref<1x200x16xf32, #tpu.memory_space<vmem>>
      %dma_wait3A_442 = tpu.memref_squeeze %dma_wait3A_441 : memref<1x200x16xf32, #tpu.memory_space<vmem>> -> memref<200x16xf32, #tpu.memory_space<vmem>>
      %dma_wait3A_443 = arith.constant 0 : i32
      %dma_wait3A_444 = tpu.memref_slice %arg6[%dma_wait3A_437, %dma_wait3A_443] : memref<50x200xi32, #tpu.memory_space<vmem>> -> memref<1x200xi32, #tpu.memory_space<vmem>>
      %dma_wait3A_445 = tpu.memref_squeeze %dma_wait3A_444 : memref<1x200xi32, #tpu.memory_space<vmem>> -> memref<200xi32, #tpu.memory_space<vmem>>
      %dma_wait3A_446 = arith.constant 0 : i32
      %dma_wait3A_447 = arith.constant 0 : i32
      %dma_wait3A_448 = tpu.memref_slice %arg2[%dma_wait3A_446, %dma_wait3A_447] : memref<10240x16xf32, #tpu.memory_space<hbm>> -> memref<10240x16xf32, #tpu.memory_space<hbm>>
      tpu.wait_indirect_dma semaphore(%arg14 : memref<!tpu.dma_semaphore, #tpu.memory_space<semaphore_mem>>) src(%dma_wait3A_448 : memref<10240x16xf32, #tpu.memory_space<hbm>>) dst(%dma_wait3A_442 : memref<200x16xf32, #tpu.memory_space<vmem>>)
      %add3A_449 = arith.constant 4 : i32
      %add3A_450 = arith.addi %mul3A_160, %add3A_449 : i32
      %dma_start3A_451 = arith.constant 4 : i32
      %dma_start3A_452 = arith.constant 0 : i32
      %dma_start3A_453 = arith.constant 0 : i32
      %dma_start3A_454 = tpu.memref_slice %arg8[%dma_start3A_451, %dma_start3A_452, %dma_start3A_453] : memref<10x200x16xf32, #tpu.memory_space<vmem>> -> memref<1x200x16xf32, #tpu.memory_space<vmem>>
      %dma_start3A_455 = tpu.memref_squeeze %dma_start3A_454 : memref<1x200x16xf32, #tpu.memory_space<vmem>> -> memref<200x16xf32, #tpu.memory_space<vmem>>
      %dma_start3A_456 = arith.constant 0 : i32
      %dma_start3A_457 = tpu.memref_slice %arg7[%add3A_450, %dma_start3A_456] : memref<50x200xi32, #tpu.memory_space<vmem>> -> memref<1x200xi32, #tpu.memory_space<vmem>>
      %dma_start3A_458 = tpu.memref_squeeze %dma_start3A_457 : memref<1x200xi32, #tpu.memory_space<vmem>> -> memref<200xi32, #tpu.memory_space<vmem>>
      %dma_start3A_459 = arith.constant 0 : i32
      %dma_start3A_460 = arith.constant 0 : i32
      %dma_start3A_461 = tpu.memref_slice %arg5[%dma_start3A_459, %dma_start3A_460] : memref<10240x16xf32, #tpu.memory_space<vmem_shared>> -> memref<10240x16xf32, #tpu.memory_space<vmem_shared>>
      tpu.enqueue_indirect_dma source(%dma_start3A_455 : memref<200x16xf32, #tpu.memory_space<vmem>>) target(%dma_start3A_461 : memref<10240x16xf32, #tpu.memory_space<vmem_shared>>) offsets(%dma_start3A_458 : memref<200xi32, #tpu.memory_space<vmem>>) semaphore(%arg24 : memref<!tpu.dma_semaphore, #tpu.memory_space<semaphore_mem>>) {add = true}
      %dma_wait3A_462 = arith.constant 0 : i32
      %dma_wait3A_463 = arith.constant 5 : i32
      %dma_wait3A_464 = arith.constant 0 : i32
      %dma_wait3A_465 = arith.constant 0 : i32
      %dma_wait3A_466 = tpu.memref_slice %arg8[%dma_wait3A_463, %dma_wait3A_464, %dma_wait3A_465] : memref<10x200x16xf32, #tpu.memory_space<vmem>> -> memref<1x200x16xf32, #tpu.memory_space<vmem>>
      %dma_wait3A_467 = tpu.memref_squeeze %dma_wait3A_466 : memref<1x200x16xf32, #tpu.memory_space<vmem>> -> memref<200x16xf32, #tpu.memory_space<vmem>>
      %dma_wait3A_468 = arith.constant 0 : i32
      %dma_wait3A_469 = tpu.memref_slice %arg6[%dma_wait3A_462, %dma_wait3A_468] : memref<50x200xi32, #tpu.memory_space<vmem>> -> memref<1x200xi32, #tpu.memory_space<vmem>>
      %dma_wait3A_470 = tpu.memref_squeeze %dma_wait3A_469 : memref<1x200xi32, #tpu.memory_space<vmem>> -> memref<200xi32, #tpu.memory_space<vmem>>
      %dma_wait3A_471 = arith.constant 0 : i32
      %dma_wait3A_472 = arith.constant 0 : i32
      %dma_wait3A_473 = tpu.memref_slice %arg2[%dma_wait3A_471, %dma_wait3A_472] : memref<10240x16xf32, #tpu.memory_space<hbm>> -> memref<10240x16xf32, #tpu.memory_space<hbm>>
      tpu.wait_indirect_dma semaphore(%arg15 : memref<!tpu.dma_semaphore, #tpu.memory_space<semaphore_mem>>) src(%dma_wait3A_473 : memref<10240x16xf32, #tpu.memory_space<hbm>>) dst(%dma_wait3A_467 : memref<200x16xf32, #tpu.memory_space<vmem>>)
      %add3A_474 = arith.constant 5 : i32
      %add3A_475 = arith.addi %mul3A_160, %add3A_474 : i32
      %dma_start3A_476 = arith.constant 5 : i32
      %dma_start3A_477 = arith.constant 0 : i32
      %dma_start3A_478 = arith.constant 0 : i32
      %dma_start3A_479 = tpu.memref_slice %arg8[%dma_start3A_476, %dma_start3A_477, %dma_start3A_478] : memref<10x200x16xf32, #tpu.memory_space<vmem>> -> memref<1x200x16xf32, #tpu.memory_space<vmem>>
      %dma_start3A_480 = tpu.memref_squeeze %dma_start3A_479 : memref<1x200x16xf32, #tpu.memory_space<vmem>> -> memref<200x16xf32, #tpu.memory_space<vmem>>
      %dma_start3A_481 = arith.constant 0 : i32
      %dma_start3A_482 = tpu.memref_slice %arg7[%add3A_475, %dma_start3A_481] : memref<50x200xi32, #tpu.memory_space<vmem>> -> memref<1x200xi32, #tpu.memory_space<vmem>>
      %dma_start3A_483 = tpu.memref_squeeze %dma_start3A_482 : memref<1x200xi32, #tpu.memory_space<vmem>> -> memref<200xi32, #tpu.memory_space<vmem>>
      %dma_start3A_484 = arith.constant 0 : i32
      %dma_start3A_485 = arith.constant 0 : i32
      %dma_start3A_486 = tpu.memref_slice %arg5[%dma_start3A_484, %dma_start3A_485] : memref<10240x16xf32, #tpu.memory_space<vmem_shared>> -> memref<10240x16xf32, #tpu.memory_space<vmem_shared>>
      tpu.enqueue_indirect_dma source(%dma_start3A_480 : memref<200x16xf32, #tpu.memory_space<vmem>>) target(%dma_start3A_486 : memref<10240x16xf32, #tpu.memory_space<vmem_shared>>) offsets(%dma_start3A_483 : memref<200xi32, #tpu.memory_space<vmem>>) semaphore(%arg25 : memref<!tpu.dma_semaphore, #tpu.memory_space<semaphore_mem>>) {add = true}
      %dma_wait3A_487 = arith.constant 0 : i32
      %dma_wait3A_488 = arith.constant 6 : i32
      %dma_wait3A_489 = arith.constant 0 : i32
      %dma_wait3A_490 = arith.constant 0 : i32
      %dma_wait3A_491 = tpu.memref_slice %arg8[%dma_wait3A_488, %dma_wait3A_489, %dma_wait3A_490] : memref<10x200x16xf32, #tpu.memory_space<vmem>> -> memref<1x200x16xf32, #tpu.memory_space<vmem>>
      %dma_wait3A_492 = tpu.memref_squeeze %dma_wait3A_491 : memref<1x200x16xf32, #tpu.memory_space<vmem>> -> memref<200x16xf32, #tpu.memory_space<vmem>>
      %dma_wait3A_493 = arith.constant 0 : i32
      %dma_wait3A_494 = tpu.memref_slice %arg6[%dma_wait3A_487, %dma_wait3A_493] : memref<50x200xi32, #tpu.memory_space<vmem>> -> memref<1x200xi32, #tpu.memory_space<vmem>>
      %dma_wait3A_495 = tpu.memref_squeeze %dma_wait3A_494 : memref<1x200xi32, #tpu.memory_space<vmem>> -> memref<200xi32, #tpu.memory_space<vmem>>
      %dma_wait3A_496 = arith.constant 0 : i32
      %dma_wait3A_497 = arith.constant 0 : i32
      %dma_wait3A_498 = tpu.memref_slice %arg2[%dma_wait3A_496, %dma_wait3A_497] : memref<10240x16xf32, #tpu.memory_space<hbm>> -> memref<10240x16xf32, #tpu.memory_space<hbm>>
      tpu.wait_indirect_dma semaphore(%arg16 : memref<!tpu.dma_semaphore, #tpu.memory_space<semaphore_mem>>) src(%dma_wait3A_498 : memref<10240x16xf32, #tpu.memory_space<hbm>>) dst(%dma_wait3A_492 : memref<200x16xf32, #tpu.memory_space<vmem>>)
      %add3A_499 = arith.constant 6 : i32
      %add3A_500 = arith.addi %mul3A_160, %add3A_499 : i32
      %dma_start3A_501 = arith.constant 6 : i32
      %dma_start3A_502 = arith.constant 0 : i32
      %dma_start3A_503 = arith.constant 0 : i32
      %dma_start3A_504 = tpu.memref_slice %arg8[%dma_start3A_501, %dma_start3A_502, %dma_start3A_503] : memref<10x200x16xf32, #tpu.memory_space<vmem>> -> memref<1x200x16xf32, #tpu.memory_space<vmem>>
      %dma_start3A_505 = tpu.memref_squeeze %dma_start3A_504 : memref<1x200x16xf32, #tpu.memory_space<vmem>> -> memref<200x16xf32, #tpu.memory_space<vmem>>
      %dma_start3A_506 = arith.constant 0 : i32
      %dma_start3A_507 = tpu.memref_slice %arg7[%add3A_500, %dma_start3A_506] : memref<50x200xi32, #tpu.memory_space<vmem>> -> memref<1x200xi32, #tpu.memory_space<vmem>>
      %dma_start3A_508 = tpu.memref_squeeze %dma_start3A_507 : memref<1x200xi32, #tpu.memory_space<vmem>> -> memref<200xi32, #tpu.memory_space<vmem>>
      %dma_start3A_509 = arith.constant 0 : i32
      %dma_start3A_510 = arith.constant 0 : i32
      %dma_start3A_511 = tpu.memref_slice %arg5[%dma_start3A_509, %dma_start3A_510] : memref<10240x16xf32, #tpu.memory_space<vmem_shared>> -> memref<10240x16xf32, #tpu.memory_space<vmem_shared>>
      tpu.enqueue_indirect_dma source(%dma_start3A_505 : memref<200x16xf32, #tpu.memory_space<vmem>>) target(%dma_start3A_511 : memref<10240x16xf32, #tpu.memory_space<vmem_shared>>) offsets(%dma_start3A_508 : memref<200xi32, #tpu.memory_space<vmem>>) semaphore(%arg26 : memref<!tpu.dma_semaphore, #tpu.memory_space<semaphore_mem>>) {add = true}
      %dma_wait3A_512 = arith.constant 0 : i32
      %dma_wait3A_513 = arith.constant 7 : i32
      %dma_wait3A_514 = arith.constant 0 : i32
      %dma_wait3A_515 = arith.constant 0 : i32
      %dma_wait3A_516 = tpu.memref_slice %arg8[%dma_wait3A_513, %dma_wait3A_514, %dma_wait3A_515] : memref<10x200x16xf32, #tpu.memory_space<vmem>> -> memref<1x200x16xf32, #tpu.memory_space<vmem>>
      %dma_wait3A_517 = tpu.memref_squeeze %dma_wait3A_516 : memref<1x200x16xf32, #tpu.memory_space<vmem>> -> memref<200x16xf32, #tpu.memory_space<vmem>>
      %dma_wait3A_518 = arith.constant 0 : i32
      %dma_wait3A_519 = tpu.memref_slice %arg6[%dma_wait3A_512, %dma_wait3A_518] : memref<50x200xi32, #tpu.memory_space<vmem>> -> memref<1x200xi32, #tpu.memory_space<vmem>>
      %dma_wait3A_520 = tpu.memref_squeeze %dma_wait3A_519 : memref<1x200xi32, #tpu.memory_space<vmem>> -> memref<200xi32, #tpu.memory_space<vmem>>
      %dma_wait3A_521 = arith.constant 0 : i32
      %dma_wait3A_522 = arith.constant 0 : i32
      %dma_wait3A_523 = tpu.memref_slice %arg2[%dma_wait3A_521, %dma_wait3A_522] : memref<10240x16xf32, #tpu.memory_space<hbm>> -> memref<10240x16xf32, #tpu.memory_space<hbm>>
      tpu.wait_indirect_dma semaphore(%arg17 : memref<!tpu.dma_semaphore, #tpu.memory_space<semaphore_mem>>) src(%dma_wait3A_523 : memref<10240x16xf32, #tpu.memory_space<hbm>>) dst(%dma_wait3A_517 : memref<200x16xf32, #tpu.memory_space<vmem>>)
      %add3A_524 = arith.constant 7 : i32
      %add3A_525 = arith.addi %mul3A_160, %add3A_524 : i32
      %dma_start3A_526 = arith.constant 7 : i32
      %dma_start3A_527 = arith.constant 0 : i32
      %dma_start3A_528 = arith.constant 0 : i32
      %dma_start3A_529 = tpu.memref_slice %arg8[%dma_start3A_526, %dma_start3A_527, %dma_start3A_528] : memref<10x200x16xf32, #tpu.memory_space<vmem>> -> memref<1x200x16xf32, #tpu.memory_space<vmem>>
      %dma_start3A_530 = tpu.memref_squeeze %dma_start3A_529 : memref<1x200x16xf32, #tpu.memory_space<vmem>> -> memref<200x16xf32, #tpu.memory_space<vmem>>
      %dma_start3A_531 = arith.constant 0 : i32
      %dma_start3A_532 = tpu.memref_slice %arg7[%add3A_525, %dma_start3A_531] : memref<50x200xi32, #tpu.memory_space<vmem>> -> memref<1x200xi32, #tpu.memory_space<vmem>>
      %dma_start3A_533 = tpu.memref_squeeze %dma_start3A_532 : memref<1x200xi32, #tpu.memory_space<vmem>> -> memref<200xi32, #tpu.memory_space<vmem>>
      %dma_start3A_534 = arith.constant 0 : i32
      %dma_start3A_535 = arith.constant 0 : i32
      %dma_start3A_536 = tpu.memref_slice %arg5[%dma_start3A_534, %dma_start3A_535] : memref<10240x16xf32, #tpu.memory_space<vmem_shared>> -> memref<10240x16xf32, #tpu.memory_space<vmem_shared>>
      tpu.enqueue_indirect_dma source(%dma_start3A_530 : memref<200x16xf32, #tpu.memory_space<vmem>>) target(%dma_start3A_536 : memref<10240x16xf32, #tpu.memory_space<vmem_shared>>) offsets(%dma_start3A_533 : memref<200xi32, #tpu.memory_space<vmem>>) semaphore(%arg27 : memref<!tpu.dma_semaphore, #tpu.memory_space<semaphore_mem>>) {add = true}
      %dma_wait3A_537 = arith.constant 0 : i32
      %dma_wait3A_538 = arith.constant 8 : i32
      %dma_wait3A_539 = arith.constant 0 : i32
      %dma_wait3A_540 = arith.constant 0 : i32
      %dma_wait3A_541 = tpu.memref_slice %arg8[%dma_wait3A_538, %dma_wait3A_539, %dma_wait3A_540] : memref<10x200x16xf32, #tpu.memory_space<vmem>> -> memref<1x200x16xf32, #tpu.memory_space<vmem>>
      %dma_wait3A_542 = tpu.memref_squeeze %dma_wait3A_541 : memref<1x200x16xf32, #tpu.memory_space<vmem>> -> memref<200x16xf32, #tpu.memory_space<vmem>>
      %dma_wait3A_543 = arith.constant 0 : i32
      %dma_wait3A_544 = tpu.memref_slice %arg6[%dma_wait3A_537, %dma_wait3A_543] : memref<50x200xi32, #tpu.memory_space<vmem>> -> memref<1x200xi32, #tpu.memory_space<vmem>>
      %dma_wait3A_545 = tpu.memref_squeeze %dma_wait3A_544 : memref<1x200xi32, #tpu.memory_space<vmem>> -> memref<200xi32, #tpu.memory_space<vmem>>
      %dma_wait3A_546 = arith.constant 0 : i32
      %dma_wait3A_547 = arith.constant 0 : i32
      %dma_wait3A_548 = tpu.memref_slice %arg2[%dma_wait3A_546, %dma_wait3A_547] : memref<10240x16xf32, #tpu.memory_space<hbm>> -> memref<10240x16xf32, #tpu.memory_space<hbm>>
      tpu.wait_indirect_dma semaphore(%arg18 : memref<!tpu.dma_semaphore, #tpu.memory_space<semaphore_mem>>) src(%dma_wait3A_548 : memref<10240x16xf32, #tpu.memory_space<hbm>>) dst(%dma_wait3A_542 : memref<200x16xf32, #tpu.memory_space<vmem>>)
      %add3A_549 = arith.constant 8 : i32
      %add3A_550 = arith.addi %mul3A_160, %add3A_549 : i32
      %dma_start3A_551 = arith.constant 8 : i32
      %dma_start3A_552 = arith.constant 0 : i32
      %dma_start3A_553 = arith.constant 0 : i32
      %dma_start3A_554 = tpu.memref_slice %arg8[%dma_start3A_551, %dma_start3A_552, %dma_start3A_553] : memref<10x200x16xf32, #tpu.memory_space<vmem>> -> memref<1x200x16xf32, #tpu.memory_space<vmem>>
      %dma_start3A_555 = tpu.memref_squeeze %dma_start3A_554 : memref<1x200x16xf32, #tpu.memory_space<vmem>> -> memref<200x16xf32, #tpu.memory_space<vmem>>
      %dma_start3A_556 = arith.constant 0 : i32
      %dma_start3A_557 = tpu.memref_slice %arg7[%add3A_550, %dma_start3A_556] : memref<50x200xi32, #tpu.memory_space<vmem>> -> memref<1x200xi32, #tpu.memory_space<vmem>>
      %dma_start3A_558 = tpu.memref_squeeze %dma_start3A_557 : memref<1x200xi32, #tpu.memory_space<vmem>> -> memref<200xi32, #tpu.memory_space<vmem>>
      %dma_start3A_559 = arith.constant 0 : i32
      %dma_start3A_560 = arith.constant 0 : i32
      %dma_start3A_561 = tpu.memref_slice %arg5[%dma_start3A_559, %dma_start3A_560] : memref<10240x16xf32, #tpu.memory_space<vmem_shared>> -> memref<10240x16xf32, #tpu.memory_space<vmem_shared>>
      tpu.enqueue_indirect_dma source(%dma_start3A_555 : memref<200x16xf32, #tpu.memory_space<vmem>>) target(%dma_start3A_561 : memref<10240x16xf32, #tpu.memory_space<vmem_shared>>) offsets(%dma_start3A_558 : memref<200xi32, #tpu.memory_space<vmem>>) semaphore(%arg28 : memref<!tpu.dma_semaphore, #tpu.memory_space<semaphore_mem>>) {add = true}
      %dma_wait3A_562 = arith.constant 0 : i32
      %dma_wait3A_563 = arith.constant 9 : i32
      %dma_wait3A_564 = arith.constant 0 : i32
      %dma_wait3A_565 = arith.constant 0 : i32
      %dma_wait3A_566 = tpu.memref_slice %arg8[%dma_wait3A_563, %dma_wait3A_564, %dma_wait3A_565] : memref<10x200x16xf32, #tpu.memory_space<vmem>> -> memref<1x200x16xf32, #tpu.memory_space<vmem>>
      %dma_wait3A_567 = tpu.memref_squeeze %dma_wait3A_566 : memref<1x200x16xf32, #tpu.memory_space<vmem>> -> memref<200x16xf32, #tpu.memory_space<vmem>>
      %dma_wait3A_568 = arith.constant 0 : i32
      %dma_wait3A_569 = tpu.memref_slice %arg6[%dma_wait3A_562, %dma_wait3A_568] : memref<50x200xi32, #tpu.memory_space<vmem>> -> memref<1x200xi32, #tpu.memory_space<vmem>>
      %dma_wait3A_570 = tpu.memref_squeeze %dma_wait3A_569 : memref<1x200xi32, #tpu.memory_space<vmem>> -> memref<200xi32, #tpu.memory_space<vmem>>
      %dma_wait3A_571 = arith.constant 0 : i32
      %dma_wait3A_572 = arith.constant 0 : i32
      %dma_wait3A_573 = tpu.memref_slice %arg2[%dma_wait3A_571, %dma_wait3A_572] : memref<10240x16xf32, #tpu.memory_space<hbm>> -> memref<10240x16xf32, #tpu.memory_space<hbm>>
      tpu.wait_indirect_dma semaphore(%arg19 : memref<!tpu.dma_semaphore, #tpu.memory_space<semaphore_mem>>) src(%dma_wait3A_573 : memref<10240x16xf32, #tpu.memory_space<hbm>>) dst(%dma_wait3A_567 : memref<200x16xf32, #tpu.memory_space<vmem>>)
      %add3A_574 = arith.constant 9 : i32
      %add3A_575 = arith.addi %mul3A_160, %add3A_574 : i32
      %dma_start3A_576 = arith.constant 9 : i32
      %dma_start3A_577 = arith.constant 0 : i32
      %dma_start3A_578 = arith.constant 0 : i32
      %dma_start3A_579 = tpu.memref_slice %arg8[%dma_start3A_576, %dma_start3A_577, %dma_start3A_578] : memref<10x200x16xf32, #tpu.memory_space<vmem>> -> memref<1x200x16xf32, #tpu.memory_space<vmem>>
      %dma_start3A_580 = tpu.memref_squeeze %dma_start3A_579 : memref<1x200x16xf32, #tpu.memory_space<vmem>> -> memref<200x16xf32, #tpu.memory_space<vmem>>
      %dma_start3A_581 = arith.constant 0 : i32
      %dma_start3A_582 = tpu.memref_slice %arg7[%add3A_575, %dma_start3A_581] : memref<50x200xi32, #tpu.memory_space<vmem>> -> memref<1x200xi32, #tpu.memory_space<vmem>>
      %dma_start3A_583 = tpu.memref_squeeze %dma_start3A_582 : memref<1x200xi32, #tpu.memory_space<vmem>> -> memref<200xi32, #tpu.memory_space<vmem>>
      %dma_start3A_584 = arith.constant 0 : i32
      %dma_start3A_585 = arith.constant 0 : i32
      %dma_start3A_586 = tpu.memref_slice %arg5[%dma_start3A_584, %dma_start3A_585] : memref<10240x16xf32, #tpu.memory_space<vmem_shared>> -> memref<10240x16xf32, #tpu.memory_space<vmem_shared>>
      tpu.enqueue_indirect_dma source(%dma_start3A_580 : memref<200x16xf32, #tpu.memory_space<vmem>>) target(%dma_start3A_586 : memref<10240x16xf32, #tpu.memory_space<vmem_shared>>) offsets(%dma_start3A_583 : memref<200xi32, #tpu.memory_space<vmem>>) semaphore(%arg29 : memref<!tpu.dma_semaphore, #tpu.memory_space<semaphore_mem>>) {add = true}
    }
    %scan3A_33 = arith.constant 5 : i32
    %dma_wait3A = arith.constant 0 : i32
    %dma_wait3A_34 = arith.constant 0 : i32
    %dma_wait3A_35 = arith.constant 0 : i32
    %dma_wait3A_36 = arith.constant 0 : i32
    %dma_wait3A_37 = tpu.memref_slice %arg8[%dma_wait3A, %dma_wait3A_35, %dma_wait3A_36] : memref<10x200x16xf32, #tpu.memory_space<vmem>> -> memref<1x200x16xf32, #tpu.memory_space<vmem>>
    %dma_wait3A_38 = tpu.memref_squeeze %dma_wait3A_37 : memref<1x200x16xf32, #tpu.memory_space<vmem>> -> memref<200x16xf32, #tpu.memory_space<vmem>>
    %dma_wait3A_39 = arith.constant 0 : i32
    %dma_wait3A_40 = tpu.memref_slice %arg7[%dma_wait3A_34, %dma_wait3A_39] : memref<50x200xi32, #tpu.memory_space<vmem>> -> memref<1x200xi32, #tpu.memory_space<vmem>>
    %dma_wait3A_41 = tpu.memref_squeeze %dma_wait3A_40 : memref<1x200xi32, #tpu.memory_space<vmem>> -> memref<200xi32, #tpu.memory_space<vmem>>
    %dma_wait3A_42 = arith.constant 0 : i32
    %dma_wait3A_43 = arith.constant 0 : i32
    %dma_wait3A_44 = tpu.memref_slice %arg5[%dma_wait3A_42, %dma_wait3A_43] : memref<10240x16xf32, #tpu.memory_space<vmem_shared>> -> memref<10240x16xf32, #tpu.memory_space<vmem_shared>>
    tpu.wait_indirect_dma semaphore(%arg20 : memref<!tpu.dma_semaphore, #tpu.memory_space<semaphore_mem>>) src(%dma_wait3A_38 : memref<200x16xf32, #tpu.memory_space<vmem>>) dst(%dma_wait3A_44 : memref<10240x16xf32, #tpu.memory_space<vmem_shared>>)
    %dma_wait3A_45 = arith.constant 1 : i32
    %dma_wait3A_46 = arith.constant 0 : i32
    %dma_wait3A_47 = arith.constant 0 : i32
    %dma_wait3A_48 = arith.constant 0 : i32
    %dma_wait3A_49 = tpu.memref_slice %arg8[%dma_wait3A_45, %dma_wait3A_47, %dma_wait3A_48] : memref<10x200x16xf32, #tpu.memory_space<vmem>> -> memref<1x200x16xf32, #tpu.memory_space<vmem>>
    %dma_wait3A_50 = tpu.memref_squeeze %dma_wait3A_49 : memref<1x200x16xf32, #tpu.memory_space<vmem>> -> memref<200x16xf32, #tpu.memory_space<vmem>>
    %dma_wait3A_51 = arith.constant 0 : i32
    %dma_wait3A_52 = tpu.memref_slice %arg7[%dma_wait3A_46, %dma_wait3A_51] : memref<50x200xi32, #tpu.memory_space<vmem>> -> memref<1x200xi32, #tpu.memory_space<vmem>>
    %dma_wait3A_53 = tpu.memref_squeeze %dma_wait3A_52 : memref<1x200xi32, #tpu.memory_space<vmem>> -> memref<200xi32, #tpu.memory_space<vmem>>
    %dma_wait3A_54 = arith.constant 0 : i32
    %dma_wait3A_55 = arith.constant 0 : i32
    %dma_wait3A_56 = tpu.memref_slice %arg5[%dma_wait3A_54, %dma_wait3A_55] : memref<10240x16xf32, #tpu.memory_space<vmem_shared>> -> memref<10240x16xf32, #tpu.memory_space<vmem_shared>>
    tpu.wait_indirect_dma semaphore(%arg21 : memref<!tpu.dma_semaphore, #tpu.memory_space<semaphore_mem>>) src(%dma_wait3A_50 : memref<200x16xf32, #tpu.memory_space<vmem>>) dst(%dma_wait3A_56 : memref<10240x16xf32, #tpu.memory_space<vmem_shared>>)
    %dma_wait3A_57 = arith.constant 2 : i32
    %dma_wait3A_58 = arith.constant 0 : i32
    %dma_wait3A_59 = arith.constant 0 : i32
    %dma_wait3A_60 = arith.constant 0 : i32
    %dma_wait3A_61 = tpu.memref_slice %arg8[%dma_wait3A_57, %dma_wait3A_59, %dma_wait3A_60] : memref<10x200x16xf32, #tpu.memory_space<vmem>> -> memref<1x200x16xf32, #tpu.memory_space<vmem>>
    %dma_wait3A_62 = tpu.memref_squeeze %dma_wait3A_61 : memref<1x200x16xf32, #tpu.memory_space<vmem>> -> memref<200x16xf32, #tpu.memory_space<vmem>>
    %dma_wait3A_63 = arith.constant 0 : i32
    %dma_wait3A_64 = tpu.memref_slice %arg7[%dma_wait3A_58, %dma_wait3A_63] : memref<50x200xi32, #tpu.memory_space<vmem>> -> memref<1x200xi32, #tpu.memory_space<vmem>>
    %dma_wait3A_65 = tpu.memref_squeeze %dma_wait3A_64 : memref<1x200xi32, #tpu.memory_space<vmem>> -> memref<200xi32, #tpu.memory_space<vmem>>
    %dma_wait3A_66 = arith.constant 0 : i32
    %dma_wait3A_67 = arith.constant 0 : i32
    %dma_wait3A_68 = tpu.memref_slice %arg5[%dma_wait3A_66, %dma_wait3A_67] : memref<10240x16xf32, #tpu.memory_space<vmem_shared>> -> memref<10240x16xf32, #tpu.memory_space<vmem_shared>>
    tpu.wait_indirect_dma semaphore(%arg22 : memref<!tpu.dma_semaphore, #tpu.memory_space<semaphore_mem>>) src(%dma_wait3A_62 : memref<200x16xf32, #tpu.memory_space<vmem>>) dst(%dma_wait3A_68 : memref<10240x16xf32, #tpu.memory_space<vmem_shared>>)
    %dma_wait3A_69 = arith.constant 3 : i32
    %dma_wait3A_70 = arith.constant 0 : i32
    %dma_wait3A_71 = arith.constant 0 : i32
    %dma_wait3A_72 = arith.constant 0 : i32
    %dma_wait3A_73 = tpu.memref_slice %arg8[%dma_wait3A_69, %dma_wait3A_71, %dma_wait3A_72] : memref<10x200x16xf32, #tpu.memory_space<vmem>> -> memref<1x200x16xf32, #tpu.memory_space<vmem>>
    %dma_wait3A_74 = tpu.memref_squeeze %dma_wait3A_73 : memref<1x200x16xf32, #tpu.memory_space<vmem>> -> memref<200x16xf32, #tpu.memory_space<vmem>>
    %dma_wait3A_75 = arith.constant 0 : i32
    %dma_wait3A_76 = tpu.memref_slice %arg7[%dma_wait3A_70, %dma_wait3A_75] : memref<50x200xi32, #tpu.memory_space<vmem>> -> memref<1x200xi32, #tpu.memory_space<vmem>>
    %dma_wait3A_77 = tpu.memref_squeeze %dma_wait3A_76 : memref<1x200xi32, #tpu.memory_space<vmem>> -> memref<200xi32, #tpu.memory_space<vmem>>
    %dma_wait3A_78 = arith.constant 0 : i32
    %dma_wait3A_79 = arith.constant 0 : i32
    %dma_wait3A_80 = tpu.memref_slice %arg5[%dma_wait3A_78, %dma_wait3A_79] : memref<10240x16xf32, #tpu.memory_space<vmem_shared>> -> memref<10240x16xf32, #tpu.memory_space<vmem_shared>>
    tpu.wait_indirect_dma semaphore(%arg23 : memref<!tpu.dma_semaphore, #tpu.memory_space<semaphore_mem>>) src(%dma_wait3A_74 : memref<200x16xf32, #tpu.memory_space<vmem>>) dst(%dma_wait3A_80 : memref<10240x16xf32, #tpu.memory_space<vmem_shared>>)
    %dma_wait3A_81 = arith.constant 4 : i32
    %dma_wait3A_82 = arith.constant 0 : i32
    %dma_wait3A_83 = arith.constant 0 : i32
    %dma_wait3A_84 = arith.constant 0 : i32
    %dma_wait3A_85 = tpu.memref_slice %arg8[%dma_wait3A_81, %dma_wait3A_83, %dma_wait3A_84] : memref<10x200x16xf32, #tpu.memory_space<vmem>> -> memref<1x200x16xf32, #tpu.memory_space<vmem>>
    %dma_wait3A_86 = tpu.memref_squeeze %dma_wait3A_85 : memref<1x200x16xf32, #tpu.memory_space<vmem>> -> memref<200x16xf32, #tpu.memory_space<vmem>>
    %dma_wait3A_87 = arith.constant 0 : i32
    %dma_wait3A_88 = tpu.memref_slice %arg7[%dma_wait3A_82, %dma_wait3A_87] : memref<50x200xi32, #tpu.memory_space<vmem>> -> memref<1x200xi32, #tpu.memory_space<vmem>>
    %dma_wait3A_89 = tpu.memref_squeeze %dma_wait3A_88 : memref<1x200xi32, #tpu.memory_space<vmem>> -> memref<200xi32, #tpu.memory_space<vmem>>
    %dma_wait3A_90 = arith.constant 0 : i32
    %dma_wait3A_91 = arith.constant 0 : i32
    %dma_wait3A_92 = tpu.memref_slice %arg5[%dma_wait3A_90, %dma_wait3A_91] : memref<10240x16xf32, #tpu.memory_space<vmem_shared>> -> memref<10240x16xf32, #tpu.memory_space<vmem_shared>>
    tpu.wait_indirect_dma semaphore(%arg24 : memref<!tpu.dma_semaphore, #tpu.memory_space<semaphore_mem>>) src(%dma_wait3A_86 : memref<200x16xf32, #tpu.memory_space<vmem>>) dst(%dma_wait3A_92 : memref<10240x16xf32, #tpu.memory_space<vmem_shared>>)
    %dma_wait3A_93 = arith.constant 5 : i32
    %dma_wait3A_94 = arith.constant 0 : i32
    %dma_wait3A_95 = arith.constant 0 : i32
    %dma_wait3A_96 = arith.constant 0 : i32
    %dma_wait3A_97 = tpu.memref_slice %arg8[%dma_wait3A_93, %dma_wait3A_95, %dma_wait3A_96] : memref<10x200x16xf32, #tpu.memory_space<vmem>> -> memref<1x200x16xf32, #tpu.memory_space<vmem>>
    %dma_wait3A_98 = tpu.memref_squeeze %dma_wait3A_97 : memref<1x200x16xf32, #tpu.memory_space<vmem>> -> memref<200x16xf32, #tpu.memory_space<vmem>>
    %dma_wait3A_99 = arith.constant 0 : i32
    %dma_wait3A_100 = tpu.memref_slice %arg7[%dma_wait3A_94, %dma_wait3A_99] : memref<50x200xi32, #tpu.memory_space<vmem>> -> memref<1x200xi32, #tpu.memory_space<vmem>>
    %dma_wait3A_101 = tpu.memref_squeeze %dma_wait3A_100 : memref<1x200xi32, #tpu.memory_space<vmem>> -> memref<200xi32, #tpu.memory_space<vmem>>
    %dma_wait3A_102 = arith.constant 0 : i32
    %dma_wait3A_103 = arith.constant 0 : i32
    %dma_wait3A_104 = tpu.memref_slice %arg5[%dma_wait3A_102, %dma_wait3A_103] : memref<10240x16xf32, #tpu.memory_space<vmem_shared>> -> memref<10240x16xf32, #tpu.memory_space<vmem_shared>>
    tpu.wait_indirect_dma semaphore(%arg25 : memref<!tpu.dma_semaphore, #tpu.memory_space<semaphore_mem>>) src(%dma_wait3A_98 : memref<200x16xf32, #tpu.memory_space<vmem>>) dst(%dma_wait3A_104 : memref<10240x16xf32, #tpu.memory_space<vmem_shared>>)
    %dma_wait3A_105 = arith.constant 6 : i32
    %dma_wait3A_106 = arith.constant 0 : i32
    %dma_wait3A_107 = arith.constant 0 : i32
    %dma_wait3A_108 = arith.constant 0 : i32
    %dma_wait3A_109 = tpu.memref_slice %arg8[%dma_wait3A_105, %dma_wait3A_107, %dma_wait3A_108] : memref<10x200x16xf32, #tpu.memory_space<vmem>> -> memref<1x200x16xf32, #tpu.memory_space<vmem>>
    %dma_wait3A_110 = tpu.memref_squeeze %dma_wait3A_109 : memref<1x200x16xf32, #tpu.memory_space<vmem>> -> memref<200x16xf32, #tpu.memory_space<vmem>>
    %dma_wait3A_111 = arith.constant 0 : i32
    %dma_wait3A_112 = tpu.memref_slice %arg7[%dma_wait3A_106, %dma_wait3A_111] : memref<50x200xi32, #tpu.memory_space<vmem>> -> memref<1x200xi32, #tpu.memory_space<vmem>>
    %dma_wait3A_113 = tpu.memref_squeeze %dma_wait3A_112 : memref<1x200xi32, #tpu.memory_space<vmem>> -> memref<200xi32, #tpu.memory_space<vmem>>
    %dma_wait3A_114 = arith.constant 0 : i32
    %dma_wait3A_115 = arith.constant 0 : i32
    %dma_wait3A_116 = tpu.memref_slice %arg5[%dma_wait3A_114, %dma_wait3A_115] : memref<10240x16xf32, #tpu.memory_space<vmem_shared>> -> memref<10240x16xf32, #tpu.memory_space<vmem_shared>>
    tpu.wait_indirect_dma semaphore(%arg26 : memref<!tpu.dma_semaphore, #tpu.memory_space<semaphore_mem>>) src(%dma_wait3A_110 : memref<200x16xf32, #tpu.memory_space<vmem>>) dst(%dma_wait3A_116 : memref<10240x16xf32, #tpu.memory_space<vmem_shared>>)
    %dma_wait3A_117 = arith.constant 7 : i32
    %dma_wait3A_118 = arith.constant 0 : i32
    %dma_wait3A_119 = arith.constant 0 : i32
    %dma_wait3A_120 = arith.constant 0 : i32
    %dma_wait3A_121 = tpu.memref_slice %arg8[%dma_wait3A_117, %dma_wait3A_119, %dma_wait3A_120] : memref<10x200x16xf32, #tpu.memory_space<vmem>> -> memref<1x200x16xf32, #tpu.memory_space<vmem>>
    %dma_wait3A_122 = tpu.memref_squeeze %dma_wait3A_121 : memref<1x200x16xf32, #tpu.memory_space<vmem>> -> memref<200x16xf32, #tpu.memory_space<vmem>>
    %dma_wait3A_123 = arith.constant 0 : i32
    %dma_wait3A_124 = tpu.memref_slice %arg7[%dma_wait3A_118, %dma_wait3A_123] : memref<50x200xi32, #tpu.memory_space<vmem>> -> memref<1x200xi32, #tpu.memory_space<vmem>>
    %dma_wait3A_125 = tpu.memref_squeeze %dma_wait3A_124 : memref<1x200xi32, #tpu.memory_space<vmem>> -> memref<200xi32, #tpu.memory_space<vmem>>
    %dma_wait3A_126 = arith.constant 0 : i32
    %dma_wait3A_127 = arith.constant 0 : i32
    %dma_wait3A_128 = tpu.memref_slice %arg5[%dma_wait3A_126, %dma_wait3A_127] : memref<10240x16xf32, #tpu.memory_space<vmem_shared>> -> memref<10240x16xf32, #tpu.memory_space<vmem_shared>>
    tpu.wait_indirect_dma semaphore(%arg27 : memref<!tpu.dma_semaphore, #tpu.memory_space<semaphore_mem>>) src(%dma_wait3A_122 : memref<200x16xf32, #tpu.memory_space<vmem>>) dst(%dma_wait3A_128 : memref<10240x16xf32, #tpu.memory_space<vmem_shared>>)
    %dma_wait3A_129 = arith.constant 8 : i32
    %dma_wait3A_130 = arith.constant 0 : i32
    %dma_wait3A_131 = arith.constant 0 : i32
    %dma_wait3A_132 = arith.constant 0 : i32
    %dma_wait3A_133 = tpu.memref_slice %arg8[%dma_wait3A_129, %dma_wait3A_131, %dma_wait3A_132] : memref<10x200x16xf32, #tpu.memory_space<vmem>> -> memref<1x200x16xf32, #tpu.memory_space<vmem>>
    %dma_wait3A_134 = tpu.memref_squeeze %dma_wait3A_133 : memref<1x200x16xf32, #tpu.memory_space<vmem>> -> memref<200x16xf32, #tpu.memory_space<vmem>>
    %dma_wait3A_135 = arith.constant 0 : i32
    %dma_wait3A_136 = tpu.memref_slice %arg7[%dma_wait3A_130, %dma_wait3A_135] : memref<50x200xi32, #tpu.memory_space<vmem>> -> memref<1x200xi32, #tpu.memory_space<vmem>>
    %dma_wait3A_137 = tpu.memref_squeeze %dma_wait3A_136 : memref<1x200xi32, #tpu.memory_space<vmem>> -> memref<200xi32, #tpu.memory_space<vmem>>
    %dma_wait3A_138 = arith.constant 0 : i32
    %dma_wait3A_139 = arith.constant 0 : i32
    %dma_wait3A_140 = tpu.memref_slice %arg5[%dma_wait3A_138, %dma_wait3A_139] : memref<10240x16xf32, #tpu.memory_space<vmem_shared>> -> memref<10240x16xf32, #tpu.memory_space<vmem_shared>>
    tpu.wait_indirect_dma semaphore(%arg28 : memref<!tpu.dma_semaphore, #tpu.memory_space<semaphore_mem>>) src(%dma_wait3A_134 : memref<200x16xf32, #tpu.memory_space<vmem>>) dst(%dma_wait3A_140 : memref<10240x16xf32, #tpu.memory_space<vmem_shared>>)
    %dma_wait3A_141 = arith.constant 9 : i32
    %dma_wait3A_142 = arith.constant 0 : i32
    %dma_wait3A_143 = arith.constant 0 : i32
    %dma_wait3A_144 = arith.constant 0 : i32
    %dma_wait3A_145 = tpu.memref_slice %arg8[%dma_wait3A_141, %dma_wait3A_143, %dma_wait3A_144] : memref<10x200x16xf32, #tpu.memory_space<vmem>> -> memref<1x200x16xf32, #tpu.memory_space<vmem>>
    %dma_wait3A_146 = tpu.memref_squeeze %dma_wait3A_145 : memref<1x200x16xf32, #tpu.memory_space<vmem>> -> memref<200x16xf32, #tpu.memory_space<vmem>>
    %dma_wait3A_147 = arith.constant 0 : i32
    %dma_wait3A_148 = tpu.memref_slice %arg7[%dma_wait3A_142, %dma_wait3A_147] : memref<50x200xi32, #tpu.memory_space<vmem>> -> memref<1x200xi32, #tpu.memory_space<vmem>>
    %dma_wait3A_149 = tpu.memref_squeeze %dma_wait3A_148 : memref<1x200xi32, #tpu.memory_space<vmem>> -> memref<200xi32, #tpu.memory_space<vmem>>
    %dma_wait3A_150 = arith.constant 0 : i32
    %dma_wait3A_151 = arith.constant 0 : i32
    %dma_wait3A_152 = tpu.memref_slice %arg5[%dma_wait3A_150, %dma_wait3A_151] : memref<10240x16xf32, #tpu.memory_space<vmem_shared>> -> memref<10240x16xf32, #tpu.memory_space<vmem_shared>>
    tpu.wait_indirect_dma semaphore(%arg29 : memref<!tpu.dma_semaphore, #tpu.memory_space<semaphore_mem>>) src(%dma_wait3A_146 : memref<200x16xf32, #tpu.memory_space<vmem>>) dst(%dma_wait3A_152 : memref<10240x16xf32, #tpu.memory_space<vmem_shared>>)
    %barrier3A_153 = arith.constant 0 : index
    tpu.barrier barrier_id(%barrier3A_153)
    %mul3A_154 = arith.constant 640 : i32
    %mul3A_155 = arith.muli %arg1, %mul3A_154 : i32
    %mul3A_156 = arith.constant 640 : i32
    %mul3A_157 = arith.muli %arg1, %mul3A_156 : i32
    "tpu.region"() ({
      %run_scoped3A_158 = tpu.sem_alloc : memref<!tpu.dma_semaphore, #tpu.memory_space<semaphore_mem>>
      %dma_start3A = arith.constant 0 : i32
      %dma_start3A_159 = tpu.memref_slice %arg4[%arg0, %mul3A_157, %dma_start3A] : memref<2x10240x16xf32, #tpu.memory_space<hbm>> -> memref<1x640x16xf32, #tpu.memory_space<hbm>>
      %dma_start3A_160 = tpu.memref_squeeze %dma_start3A_159 : memref<1x640x16xf32, #tpu.memory_space<hbm>> -> memref<640x16xf32, #tpu.memory_space<hbm>>
      %dma_start3A_161 = arith.constant 0 : i32
      %dma_start3A_162 = tpu.memref_slice %arg5[%mul3A_155, %dma_start3A_161] : memref<10240x16xf32, #tpu.memory_space<vmem_shared>> -> memref<640x16xf32, #tpu.memory_space<vmem_shared>>
      tpu.enqueue_dma source(%dma_start3A_162 : memref<640x16xf32, #tpu.memory_space<vmem_shared>>) target(%dma_start3A_160 : memref<640x16xf32, #tpu.memory_space<hbm>>) target_semaphore(%run_scoped3A_158 : memref<!tpu.dma_semaphore, #tpu.memory_space<semaphore_mem>>)
      %dma_wait3A_163 = arith.constant 0 : i32
      %dma_wait3A_164 = tpu.memref_slice %arg4[%arg0, %mul3A_157, %dma_wait3A_163] : memref<2x10240x16xf32, #tpu.memory_space<hbm>> -> memref<1x640x16xf32, #tpu.memory_space<hbm>>
      %dma_wait3A_165 = tpu.memref_squeeze %dma_wait3A_164 : memref<1x640x16xf32, #tpu.memory_space<hbm>> -> memref<640x16xf32, #tpu.memory_space<hbm>>
      %dma_wait3A_166 = arith.constant 0 : i32
      %dma_wait3A_167 = tpu.memref_slice %arg5[%mul3A_155, %dma_wait3A_166] : memref<10240x16xf32, #tpu.memory_space<vmem_shared>> -> memref<640x16xf32, #tpu.memory_space<vmem_shared>>
      tpu.wait_dma2 semaphore(%run_scoped3A_158 : memref<!tpu.dma_semaphore, #tpu.memory_space<semaphore_mem>>) src(%dma_wait3A_167 : memref<640x16xf32, #tpu.memory_space<vmem_shared>>) dst(%dma_wait3A_165 : memref<640x16xf32, #tpu.memory_space<hbm>>)
      tpu.yield
    }) : () -> ()
    return
  }
}

#map = affine_map<(d0, d1) -> (0, 0, 0, 0)>
#map1 = affine_map<(d0, d1) -> (0, 0, 0)>
module attributes {stable_mosaic.version = 14 : i64} {
  func.func @_cnt_body(%arg0: i32, %arg1: i32, %arg2: memref<2x32x50x200xi32, #tpu.memory_space<hbm>>, %arg3: memref<2x10240x16xi16, #tpu.memory_space<hbm>>, %arg4: memref<10240x16xi16, #tpu.memory_space<vmem_shared>>, %arg5: memref<50x200xi32, #tpu.memory_space<vmem>>, %arg6: memref<200x16xi16, #tpu.memory_space<vmem>>, %arg7: memref<128x16xi16, #tpu.memory_space<vmem>>, %arg8: memref<!tpu.dma_semaphore, #tpu.memory_space<semaphore_mem>>, %arg9: memref<!tpu.dma_semaphore, #tpu.memory_space<semaphore_mem>>, %arg10: memref<!tpu.dma_semaphore, #tpu.memory_space<semaphore_mem>>, %arg11: memref<!tpu.dma_semaphore, #tpu.memory_space<semaphore_mem>>, %arg12: memref<!tpu.dma_semaphore, #tpu.memory_space<semaphore_mem>>, %arg13: memref<!tpu.dma_semaphore, #tpu.memory_space<semaphore_mem>>, %arg14: memref<!tpu.dma_semaphore, #tpu.memory_space<semaphore_mem>>, %arg15: memref<!tpu.dma_semaphore, #tpu.memory_space<semaphore_mem>>, %arg16: memref<!tpu.dma_semaphore, #tpu.memory_space<semaphore_mem>>, %arg17: memref<!tpu.dma_semaphore, #tpu.memory_space<semaphore_mem>>) attributes {dimension_semantics = [#tpu.dimension_semantics<core_parallel>, #tpu.dimension_semantics<subcore_parallel>], iteration_bounds = array<i64: 2, 16>, scalar_prefetch = 0 : i64, scratch_operands = 14 : i64, tpu.core_type = #tpu.core_type<sc_vector_subcore>, window_params = [{transform_indices = #map}, {transform_indices = #map1}]} {
    %mul3A = arith.constant 2 : i32
    %mul3A_0 = arith.muli %arg1, %mul3A : i32
    %add3A = arith.addi %mul3A_0, %arg0 : i32
    %broadcast_in_dim3A = arith.constant 1 : i16
    %broadcast_in_dim3A_1 = vector.broadcast %broadcast_in_dim3A : i16 to vector<2x16xi16>
    %broadcast_in_dim3A_2 = arith.constant 0 : i16
    %broadcast_in_dim3A_3 = vector.broadcast %broadcast_in_dim3A_2 : i16 to vector<2x16xi16>
    %scan3A = arith.constant 0 : i32
    %scan3A_4 = arith.constant 0 : i32
    %scan3A_5 = arith.constant 100 : i32
    %scan3A_6 = arith.addi %scan3A_4, %scan3A_5 : i32
    %scan3A_7 = arith.constant 1 : i32
    scf.for %scan3A_395 = %scan3A_4 to %scan3A_6 step %scan3A_7  : i32 {
      %mul3A_396 = arith.constant 2 : i32
      %mul3A_397 = arith.muli %scan3A_395, %mul3A_396 : i32
      %swap3A = arith.index_cast %mul3A_397 : i32 to index
      %swap3A_398 = arith.constant 0 : index
      %swap3A_399 = tpu.vector_load %arg6[%swap3A, %swap3A_398] {strides = array<i32>} : memref<200x16xi16, #tpu.memory_space<vmem>>, vector<2x16xi16>,
      %swap3A_400 = vector.shape_cast %swap3A_399 : vector<2x16xi16> to vector<2x16xi16>
      %swap3A_401 = vector.shape_cast %broadcast_in_dim3A_1 : vector<2x16xi16> to vector<2x16xi16>
      tpu.vector_store %arg6[%swap3A, %swap3A_398], %swap3A_401 {strides = array<i32>} : memref<200x16xi16, #tpu.memory_space<vmem>>, vector<2x16xi16>,
    }
    %scan3A_8 = arith.constant 100 : i32
    %scan3A_9 = arith.constant 0 : i32
    %scan3A_10 = arith.constant 0 : i32
    %scan3A_11 = arith.constant 64 : i32
    %scan3A_12 = arith.addi %scan3A_10, %scan3A_11 : i32
    %scan3A_13 = arith.constant 1 : i32
    scf.for %scan3A_395 = %scan3A_10 to %scan3A_12 step %scan3A_13  : i32 {
      %mul3A_396 = arith.constant 2 : i32
      %mul3A_397 = arith.muli %scan3A_395, %mul3A_396 : i32
      %swap3A = arith.index_cast %mul3A_397 : i32 to index
      %swap3A_398 = arith.constant 0 : index
      %swap3A_399 = tpu.vector_load %arg7[%swap3A, %swap3A_398] {strides = array<i32>} : memref<128x16xi16, #tpu.memory_space<vmem>>, vector<2x16xi16>,
      %swap3A_400 = vector.shape_cast %swap3A_399 : vector<2x16xi16> to vector<2x16xi16>
      %swap3A_401 = vector.shape_cast %broadcast_in_dim3A_3 : vector<2x16xi16> to vector<2x16xi16>
      tpu.vector_store %arg7[%swap3A, %swap3A_398], %swap3A_401 {strides = array<i32>} : memref<128x16xi16, #tpu.memory_space<vmem>>, vector<2x16xi16>,
    }
    %scan3A_14 = arith.constant 64 : i32
    %mul3A_15 = arith.constant 640 : i32
    %mul3A_16 = arith.muli %arg1, %mul3A_15 : i32
    %add3A_17 = arith.constant 0 : i32
    %add3A_18 = arith.addi %mul3A_16, %add3A_17 : i32
    "tpu.region"() ({
      %run_scoped3A_395 = tpu.sem_alloc : memref<!tpu.dma_semaphore, #tpu.memory_space<semaphore_mem>>
      %dma_start3A = arith.constant 0 : i32
      %dma_start3A_396 = tpu.memref_slice %arg4[%add3A_18, %dma_start3A] : memref<10240x16xi16, #tpu.memory_space<vmem_shared>> -> memref<128x16xi16, #tpu.memory_space<vmem_shared>>
      %dma_start3A_397 = arith.constant 0 : i32
      %dma_start3A_398 = tpu.memref_slice %arg4[%add3A_18, %dma_start3A_397] : memref<10240x16xi16, #tpu.memory_space<vmem_shared>> -> memref<128x16xi16, #tpu.memory_space<vmem_shared>>
      tpu.enqueue_dma source(%arg7 : memref<128x16xi16, #tpu.memory_space<vmem>>) target(%dma_start3A_398 : memref<128x16xi16, #tpu.memory_space<vmem_shared>>) target_semaphore(%run_scoped3A_395 : memref<!tpu.dma_semaphore, #tpu.memory_space<semaphore_mem>>)
      %dma_wait3A_399 = arith.constant 0 : i32
      %dma_wait3A_400 = tpu.memref_slice %arg4[%add3A_18, %dma_wait3A_399] : memref<10240x16xi16, #tpu.memory_space<vmem_shared>> -> memref<128x16xi16, #tpu.memory_space<vmem_shared>>
      %dma_wait3A_401 = arith.constant 0 : i32
      %dma_wait3A_402 = tpu.memref_slice %arg4[%add3A_18, %dma_wait3A_401] : memref<10240x16xi16, #tpu.memory_space<vmem_shared>> -> memref<128x16xi16, #tpu.memory_space<vmem_shared>>
      tpu.wait_dma2 semaphore(%run_scoped3A_395 : memref<!tpu.dma_semaphore, #tpu.memory_space<semaphore_mem>>) src(%arg7 : memref<128x16xi16, #tpu.memory_space<vmem>>) dst(%dma_wait3A_402 : memref<128x16xi16, #tpu.memory_space<vmem_shared>>)
      tpu.yield
    }) : () -> ()
    %mul3A_19 = arith.constant 640 : i32
    %mul3A_20 = arith.muli %arg1, %mul3A_19 : i32
    %add3A_21 = arith.constant 128 : i32
    %add3A_22 = arith.addi %mul3A_20, %add3A_21 : i32
    "tpu.region"() ({
      %run_scoped3A_395 = tpu.sem_alloc : memref<!tpu.dma_semaphore, #tpu.memory_space<semaphore_mem>>
      %dma_start3A = arith.constant 0 : i32
      %dma_start3A_396 = tpu.memref_slice %arg4[%add3A_22, %dma_start3A] : memref<10240x16xi16, #tpu.memory_space<vmem_shared>> -> memref<128x16xi16, #tpu.memory_space<vmem_shared>>
      %dma_start3A_397 = arith.constant 0 : i32
      %dma_start3A_398 = tpu.memref_slice %arg4[%add3A_22, %dma_start3A_397] : memref<10240x16xi16, #tpu.memory_space<vmem_shared>> -> memref<128x16xi16, #tpu.memory_space<vmem_shared>>
      tpu.enqueue_dma source(%arg7 : memref<128x16xi16, #tpu.memory_space<vmem>>) target(%dma_start3A_398 : memref<128x16xi16, #tpu.memory_space<vmem_shared>>) target_semaphore(%run_scoped3A_395 : memref<!tpu.dma_semaphore, #tpu.memory_space<semaphore_mem>>)
      %dma_wait3A_399 = arith.constant 0 : i32
      %dma_wait3A_400 = tpu.memref_slice %arg4[%add3A_22, %dma_wait3A_399] : memref<10240x16xi16, #tpu.memory_space<vmem_shared>> -> memref<128x16xi16, #tpu.memory_space<vmem_shared>>
      %dma_wait3A_401 = arith.constant 0 : i32
      %dma_wait3A_402 = tpu.memref_slice %arg4[%add3A_22, %dma_wait3A_401] : memref<10240x16xi16, #tpu.memory_space<vmem_shared>> -> memref<128x16xi16, #tpu.memory_space<vmem_shared>>
      tpu.wait_dma2 semaphore(%run_scoped3A_395 : memref<!tpu.dma_semaphore, #tpu.memory_space<semaphore_mem>>) src(%arg7 : memref<128x16xi16, #tpu.memory_space<vmem>>) dst(%dma_wait3A_402 : memref<128x16xi16, #tpu.memory_space<vmem_shared>>)
      tpu.yield
    }) : () -> ()
    %mul3A_23 = arith.constant 640 : i32
    %mul3A_24 = arith.muli %arg1, %mul3A_23 : i32
    %add3A_25 = arith.constant 256 : i32
    %add3A_26 = arith.addi %mul3A_24, %add3A_25 : i32
    "tpu.region"() ({
      %run_scoped3A_395 = tpu.sem_alloc : memref<!tpu.dma_semaphore, #tpu.memory_space<semaphore_mem>>
      %dma_start3A = arith.constant 0 : i32
      %dma_start3A_396 = tpu.memref_slice %arg4[%add3A_26, %dma_start3A] : memref<10240x16xi16, #tpu.memory_space<vmem_shared>> -> memref<128x16xi16, #tpu.memory_space<vmem_shared>>
      %dma_start3A_397 = arith.constant 0 : i32
      %dma_start3A_398 = tpu.memref_slice %arg4[%add3A_26, %dma_start3A_397] : memref<10240x16xi16, #tpu.memory_space<vmem_shared>> -> memref<128x16xi16, #tpu.memory_space<vmem_shared>>
      tpu.enqueue_dma source(%arg7 : memref<128x16xi16, #tpu.memory_space<vmem>>) target(%dma_start3A_398 : memref<128x16xi16, #tpu.memory_space<vmem_shared>>) target_semaphore(%run_scoped3A_395 : memref<!tpu.dma_semaphore, #tpu.memory_space<semaphore_mem>>)
      %dma_wait3A_399 = arith.constant 0 : i32
      %dma_wait3A_400 = tpu.memref_slice %arg4[%add3A_26, %dma_wait3A_399] : memref<10240x16xi16, #tpu.memory_space<vmem_shared>> -> memref<128x16xi16, #tpu.memory_space<vmem_shared>>
      %dma_wait3A_401 = arith.constant 0 : i32
      %dma_wait3A_402 = tpu.memref_slice %arg4[%add3A_26, %dma_wait3A_401] : memref<10240x16xi16, #tpu.memory_space<vmem_shared>> -> memref<128x16xi16, #tpu.memory_space<vmem_shared>>
      tpu.wait_dma2 semaphore(%run_scoped3A_395 : memref<!tpu.dma_semaphore, #tpu.memory_space<semaphore_mem>>) src(%arg7 : memref<128x16xi16, #tpu.memory_space<vmem>>) dst(%dma_wait3A_402 : memref<128x16xi16, #tpu.memory_space<vmem_shared>>)
      tpu.yield
    }) : () -> ()
    %mul3A_27 = arith.constant 640 : i32
    %mul3A_28 = arith.muli %arg1, %mul3A_27 : i32
    %add3A_29 = arith.constant 384 : i32
    %add3A_30 = arith.addi %mul3A_28, %add3A_29 : i32
    "tpu.region"() ({
      %run_scoped3A_395 = tpu.sem_alloc : memref<!tpu.dma_semaphore, #tpu.memory_space<semaphore_mem>>
      %dma_start3A = arith.constant 0 : i32
      %dma_start3A_396 = tpu.memref_slice %arg4[%add3A_30, %dma_start3A] : memref<10240x16xi16, #tpu.memory_space<vmem_shared>> -> memref<128x16xi16, #tpu.memory_space<vmem_shared>>
      %dma_start3A_397 = arith.constant 0 : i32
      %dma_start3A_398 = tpu.memref_slice %arg4[%add3A_30, %dma_start3A_397] : memref<10240x16xi16, #tpu.memory_space<vmem_shared>> -> memref<128x16xi16, #tpu.memory_space<vmem_shared>>
      tpu.enqueue_dma source(%arg7 : memref<128x16xi16, #tpu.memory_space<vmem>>) target(%dma_start3A_398 : memref<128x16xi16, #tpu.memory_space<vmem_shared>>) target_semaphore(%run_scoped3A_395 : memref<!tpu.dma_semaphore, #tpu.memory_space<semaphore_mem>>)
      %dma_wait3A_399 = arith.constant 0 : i32
      %dma_wait3A_400 = tpu.memref_slice %arg4[%add3A_30, %dma_wait3A_399] : memref<10240x16xi16, #tpu.memory_space<vmem_shared>> -> memref<128x16xi16, #tpu.memory_space<vmem_shared>>
      %dma_wait3A_401 = arith.constant 0 : i32
      %dma_wait3A_402 = tpu.memref_slice %arg4[%add3A_30, %dma_wait3A_401] : memref<10240x16xi16, #tpu.memory_space<vmem_shared>> -> memref<128x16xi16, #tpu.memory_space<vmem_shared>>
      tpu.wait_dma2 semaphore(%run_scoped3A_395 : memref<!tpu.dma_semaphore, #tpu.memory_space<semaphore_mem>>) src(%arg7 : memref<128x16xi16, #tpu.memory_space<vmem>>) dst(%dma_wait3A_402 : memref<128x16xi16, #tpu.memory_space<vmem_shared>>)
      tpu.yield
    }) : () -> ()
    %mul3A_31 = arith.constant 640 : i32
    %mul3A_32 = arith.muli %arg1, %mul3A_31 : i32
    %add3A_33 = arith.constant 512 : i32
    %add3A_34 = arith.addi %mul3A_32, %add3A_33 : i32
    "tpu.region"() ({
      %run_scoped3A_395 = tpu.sem_alloc : memref<!tpu.dma_semaphore, #tpu.memory_space<semaphore_mem>>
      %dma_start3A = arith.constant 0 : i32
      %dma_start3A_396 = tpu.memref_slice %arg4[%add3A_34, %dma_start3A] : memref<10240x16xi16, #tpu.memory_space<vmem_shared>> -> memref<128x16xi16, #tpu.memory_space<vmem_shared>>
      %dma_start3A_397 = arith.constant 0 : i32
      %dma_start3A_398 = tpu.memref_slice %arg4[%add3A_34, %dma_start3A_397] : memref<10240x16xi16, #tpu.memory_space<vmem_shared>> -> memref<128x16xi16, #tpu.memory_space<vmem_shared>>
      tpu.enqueue_dma source(%arg7 : memref<128x16xi16, #tpu.memory_space<vmem>>) target(%dma_start3A_398 : memref<128x16xi16, #tpu.memory_space<vmem_shared>>) target_semaphore(%run_scoped3A_395 : memref<!tpu.dma_semaphore, #tpu.memory_space<semaphore_mem>>)
      %dma_wait3A_399 = arith.constant 0 : i32
      %dma_wait3A_400 = tpu.memref_slice %arg4[%add3A_34, %dma_wait3A_399] : memref<10240x16xi16, #tpu.memory_space<vmem_shared>> -> memref<128x16xi16, #tpu.memory_space<vmem_shared>>
      %dma_wait3A_401 = arith.constant 0 : i32
      %dma_wait3A_402 = tpu.memref_slice %arg4[%add3A_34, %dma_wait3A_401] : memref<10240x16xi16, #tpu.memory_space<vmem_shared>> -> memref<128x16xi16, #tpu.memory_space<vmem_shared>>
      tpu.wait_dma2 semaphore(%run_scoped3A_395 : memref<!tpu.dma_semaphore, #tpu.memory_space<semaphore_mem>>) src(%arg7 : memref<128x16xi16, #tpu.memory_space<vmem>>) dst(%dma_wait3A_402 : memref<128x16xi16, #tpu.memory_space<vmem_shared>>)
      tpu.yield
    }) : () -> ()
    %run_scoped3A = arith.constant 1 : i32
    "tpu.region"() ({
      %run_scoped3A_395 = tpu.sem_alloc : memref<!tpu.dma_semaphore, #tpu.memory_space<semaphore_mem>>
      %dma_start3A = arith.constant 0 : i32
      %dma_start3A_396 = arith.constant 0 : i32
      %dma_start3A_397 = tpu.memref_slice %arg2[%run_scoped3A, %add3A, %dma_start3A, %dma_start3A_396] : memref<2x32x50x200xi32, #tpu.memory_space<hbm>> -> memref<1x1x50x200xi32, #tpu.memory_space<hbm>>
      %dma_start3A_398 = tpu.memref_squeeze %dma_start3A_397 : memref<1x1x50x200xi32, #tpu.memory_space<hbm>> -> memref<50x200xi32, #tpu.memory_space<hbm>>
      %dma_start3A_399 = arith.constant 0 : i32
      %dma_start3A_400 = arith.constant 0 : i32
      %dma_start3A_401 = tpu.memref_slice %arg2[%run_scoped3A, %add3A, %dma_start3A_399, %dma_start3A_400] : memref<2x32x50x200xi32, #tpu.memory_space<hbm>> -> memref<1x1x50x200xi32, #tpu.memory_space<hbm>>
      %dma_start3A_402 = tpu.memref_squeeze %dma_start3A_401 : memref<1x1x50x200xi32, #tpu.memory_space<hbm>> -> memref<50x200xi32, #tpu.memory_space<hbm>>
      tpu.enqueue_dma source(%dma_start3A_402 : memref<50x200xi32, #tpu.memory_space<hbm>>) target(%arg5 : memref<50x200xi32, #tpu.memory_space<vmem>>) target_semaphore(%run_scoped3A_395 : memref<!tpu.dma_semaphore, #tpu.memory_space<semaphore_mem>>)
      %dma_wait3A_403 = arith.constant 0 : i32
      %dma_wait3A_404 = arith.constant 0 : i32
      %dma_wait3A_405 = tpu.memref_slice %arg2[%run_scoped3A, %add3A, %dma_wait3A_403, %dma_wait3A_404] : memref<2x32x50x200xi32, #tpu.memory_space<hbm>> -> memref<1x1x50x200xi32, #tpu.memory_space<hbm>>
      %dma_wait3A_406 = tpu.memref_squeeze %dma_wait3A_405 : memref<1x1x50x200xi32, #tpu.memory_space<hbm>> -> memref<50x200xi32, #tpu.memory_space<hbm>>
      %dma_wait3A_407 = arith.constant 0 : i32
      %dma_wait3A_408 = arith.constant 0 : i32
      %dma_wait3A_409 = tpu.memref_slice %arg2[%run_scoped3A, %add3A, %dma_wait3A_407, %dma_wait3A_408] : memref<2x32x50x200xi32, #tpu.memory_space<hbm>> -> memref<1x1x50x200xi32, #tpu.memory_space<hbm>>
      %dma_wait3A_410 = tpu.memref_squeeze %dma_wait3A_409 : memref<1x1x50x200xi32, #tpu.memory_space<hbm>> -> memref<50x200xi32, #tpu.memory_space<hbm>>
      tpu.wait_dma2 semaphore(%run_scoped3A_395 : memref<!tpu.dma_semaphore, #tpu.memory_space<semaphore_mem>>) src(%dma_wait3A_410 : memref<50x200xi32, #tpu.memory_space<hbm>>) dst(%arg5 : memref<50x200xi32, #tpu.memory_space<vmem>>)
      tpu.yield
    }) : () -> ()
    %barrier3A = arith.constant 0 : index
    tpu.barrier barrier_id(%barrier3A)
    %scan3A_35 = arith.constant 0 : i32
    %scan3A_36 = arith.constant 0 : i32
    %scan3A_37 = arith.constant 5 : i32
    %scan3A_38 = arith.addi %scan3A_36, %scan3A_37 : i32
    %scan3A_39 = arith.constant 1 : i32
    scf.for %scan3A_395 = %scan3A_36 to %scan3A_38 step %scan3A_39  : i32 {
      %mul3A_396 = arith.constant 10 : i32
      %mul3A_397 = arith.muli %scan3A_395, %mul3A_396 : i32
      %add3A_398 = arith.constant 0 : i32
      %add3A_399 = arith.addi %mul3A_397, %add3A_398 : i32
      %dma_start3A = arith.constant 0 : i32
      %dma_start3A_400 = tpu.memref_slice %arg5[%add3A_399, %dma_start3A] : memref<50x200xi32, #tpu.memory_space<vmem>> -> memref<1x200xi32, #tpu.memory_space<vmem>>
      %dma_start3A_401 = tpu.memref_squeeze %dma_start3A_400 : memref<1x200xi32, #tpu.memory_space<vmem>> -> memref<200xi32, #tpu.memory_space<vmem>>
      %dma_start3A_402 = arith.constant 0 : i32
      %dma_start3A_403 = arith.constant 0 : i32
      %dma_start3A_404 = tpu.memref_slice %arg4[%dma_start3A_402, %dma_start3A_403] : memref<10240x16xi16, #tpu.memory_space<vmem_shared>> -> memref<10240x16xi16, #tpu.memory_space<vmem_shared>>
      tpu.enqueue_indirect_dma source(%arg6 : memref<200x16xi16, #tpu.memory_space<vmem>>) target(%dma_start3A_404 : memref<10240x16xi16, #tpu.memory_space<vmem_shared>>) offsets(%dma_start3A_401 : memref<200xi32, #tpu.memory_space<vmem>>) semaphore(%arg8 : memref<!tpu.dma_semaphore, #tpu.memory_space<semaphore_mem>>) {add = true}
      %add3A_405 = arith.constant 1 : i32
      %add3A_406 = arith.addi %mul3A_397, %add3A_405 : i32
      %dma_start3A_407 = arith.constant 0 : i32
      %dma_start3A_408 = tpu.memref_slice %arg5[%add3A_406, %dma_start3A_407] : memref<50x200xi32, #tpu.memory_space<vmem>> -> memref<1x200xi32, #tpu.memory_space<vmem>>
      %dma_start3A_409 = tpu.memref_squeeze %dma_start3A_408 : memref<1x200xi32, #tpu.memory_space<vmem>> -> memref<200xi32, #tpu.memory_space<vmem>>
      %dma_start3A_410 = arith.constant 0 : i32
      %dma_start3A_411 = arith.constant 0 : i32
      %dma_start3A_412 = tpu.memref_slice %arg4[%dma_start3A_410, %dma_start3A_411] : memref<10240x16xi16, #tpu.memory_space<vmem_shared>> -> memref<10240x16xi16, #tpu.memory_space<vmem_shared>>
      tpu.enqueue_indirect_dma source(%arg6 : memref<200x16xi16, #tpu.memory_space<vmem>>) target(%dma_start3A_412 : memref<10240x16xi16, #tpu.memory_space<vmem_shared>>) offsets(%dma_start3A_409 : memref<200xi32, #tpu.memory_space<vmem>>) semaphore(%arg9 : memref<!tpu.dma_semaphore, #tpu.memory_space<semaphore_mem>>) {add = true}
      %add3A_413 = arith.constant 2 : i32
      %add3A_414 = arith.addi %mul3A_397, %add3A_413 : i32
      %dma_start3A_415 = arith.constant 0 : i32
      %dma_start3A_416 = tpu.memref_slice %arg5[%add3A_414, %dma_start3A_415] : memref<50x200xi32, #tpu.memory_space<vmem>> -> memref<1x200xi32, #tpu.memory_space<vmem>>
      %dma_start3A_417 = tpu.memref_squeeze %dma_start3A_416 : memref<1x200xi32, #tpu.memory_space<vmem>> -> memref<200xi32, #tpu.memory_space<vmem>>
      %dma_start3A_418 = arith.constant 0 : i32
      %dma_start3A_419 = arith.constant 0 : i32
      %dma_start3A_420 = tpu.memref_slice %arg4[%dma_start3A_418, %dma_start3A_419] : memref<10240x16xi16, #tpu.memory_space<vmem_shared>> -> memref<10240x16xi16, #tpu.memory_space<vmem_shared>>
      tpu.enqueue_indirect_dma source(%arg6 : memref<200x16xi16, #tpu.memory_space<vmem>>) target(%dma_start3A_420 : memref<10240x16xi16, #tpu.memory_space<vmem_shared>>) offsets(%dma_start3A_417 : memref<200xi32, #tpu.memory_space<vmem>>) semaphore(%arg10 : memref<!tpu.dma_semaphore, #tpu.memory_space<semaphore_mem>>) {add = true}
      %add3A_421 = arith.constant 3 : i32
      %add3A_422 = arith.addi %mul3A_397, %add3A_421 : i32
      %dma_start3A_423 = arith.constant 0 : i32
      %dma_start3A_424 = tpu.memref_slice %arg5[%add3A_422, %dma_start3A_423] : memref<50x200xi32, #tpu.memory_space<vmem>> -> memref<1x200xi32, #tpu.memory_space<vmem>>
      %dma_start3A_425 = tpu.memref_squeeze %dma_start3A_424 : memref<1x200xi32, #tpu.memory_space<vmem>> -> memref<200xi32, #tpu.memory_space<vmem>>
      %dma_start3A_426 = arith.constant 0 : i32
      %dma_start3A_427 = arith.constant 0 : i32
      %dma_start3A_428 = tpu.memref_slice %arg4[%dma_start3A_426, %dma_start3A_427] : memref<10240x16xi16, #tpu.memory_space<vmem_shared>> -> memref<10240x16xi16, #tpu.memory_space<vmem_shared>>
      tpu.enqueue_indirect_dma source(%arg6 : memref<200x16xi16, #tpu.memory_space<vmem>>) target(%dma_start3A_428 : memref<10240x16xi16, #tpu.memory_space<vmem_shared>>) offsets(%dma_start3A_425 : memref<200xi32, #tpu.memory_space<vmem>>) semaphore(%arg11 : memref<!tpu.dma_semaphore, #tpu.memory_space<semaphore_mem>>) {add = true}
      %add3A_429 = arith.constant 4 : i32
      %add3A_430 = arith.addi %mul3A_397, %add3A_429 : i32
      %dma_start3A_431 = arith.constant 0 : i32
      %dma_start3A_432 = tpu.memref_slice %arg5[%add3A_430, %dma_start3A_431] : memref<50x200xi32, #tpu.memory_space<vmem>> -> memref<1x200xi32, #tpu.memory_space<vmem>>
      %dma_start3A_433 = tpu.memref_squeeze %dma_start3A_432 : memref<1x200xi32, #tpu.memory_space<vmem>> -> memref<200xi32, #tpu.memory_space<vmem>>
      %dma_start3A_434 = arith.constant 0 : i32
      %dma_start3A_435 = arith.constant 0 : i32
      %dma_start3A_436 = tpu.memref_slice %arg4[%dma_start3A_434, %dma_start3A_435] : memref<10240x16xi16, #tpu.memory_space<vmem_shared>> -> memref<10240x16xi16, #tpu.memory_space<vmem_shared>>
      tpu.enqueue_indirect_dma source(%arg6 : memref<200x16xi16, #tpu.memory_space<vmem>>) target(%dma_start3A_436 : memref<10240x16xi16, #tpu.memory_space<vmem_shared>>) offsets(%dma_start3A_433 : memref<200xi32, #tpu.memory_space<vmem>>) semaphore(%arg12 : memref<!tpu.dma_semaphore, #tpu.memory_space<semaphore_mem>>) {add = true}
      %add3A_437 = arith.constant 5 : i32
      %add3A_438 = arith.addi %mul3A_397, %add3A_437 : i32
      %dma_start3A_439 = arith.constant 0 : i32
      %dma_start3A_440 = tpu.memref_slice %arg5[%add3A_438, %dma_start3A_439] : memref<50x200xi32, #tpu.memory_space<vmem>> -> memref<1x200xi32, #tpu.memory_space<vmem>>
      %dma_start3A_441 = tpu.memref_squeeze %dma_start3A_440 : memref<1x200xi32, #tpu.memory_space<vmem>> -> memref<200xi32, #tpu.memory_space<vmem>>
      %dma_start3A_442 = arith.constant 0 : i32
      %dma_start3A_443 = arith.constant 0 : i32
      %dma_start3A_444 = tpu.memref_slice %arg4[%dma_start3A_442, %dma_start3A_443] : memref<10240x16xi16, #tpu.memory_space<vmem_shared>> -> memref<10240x16xi16, #tpu.memory_space<vmem_shared>>
      tpu.enqueue_indirect_dma source(%arg6 : memref<200x16xi16, #tpu.memory_space<vmem>>) target(%dma_start3A_444 : memref<10240x16xi16, #tpu.memory_space<vmem_shared>>) offsets(%dma_start3A_441 : memref<200xi32, #tpu.memory_space<vmem>>) semaphore(%arg13 : memref<!tpu.dma_semaphore, #tpu.memory_space<semaphore_mem>>) {add = true}
      %add3A_445 = arith.constant 6 : i32
      %add3A_446 = arith.addi %mul3A_397, %add3A_445 : i32
      %dma_start3A_447 = arith.constant 0 : i32
      %dma_start3A_448 = tpu.memref_slice %arg5[%add3A_446, %dma_start3A_447] : memref<50x200xi32, #tpu.memory_space<vmem>> -> memref<1x200xi32, #tpu.memory_space<vmem>>
      %dma_start3A_449 = tpu.memref_squeeze %dma_start3A_448 : memref<1x200xi32, #tpu.memory_space<vmem>> -> memref<200xi32, #tpu.memory_space<vmem>>
      %dma_start3A_450 = arith.constant 0 : i32
      %dma_start3A_451 = arith.constant 0 : i32
      %dma_start3A_452 = tpu.memref_slice %arg4[%dma_start3A_450, %dma_start3A_451] : memref<10240x16xi16, #tpu.memory_space<vmem_shared>> -> memref<10240x16xi16, #tpu.memory_space<vmem_shared>>
      tpu.enqueue_indirect_dma source(%arg6 : memref<200x16xi16, #tpu.memory_space<vmem>>) target(%dma_start3A_452 : memref<10240x16xi16, #tpu.memory_space<vmem_shared>>) offsets(%dma_start3A_449 : memref<200xi32, #tpu.memory_space<vmem>>) semaphore(%arg14 : memref<!tpu.dma_semaphore, #tpu.memory_space<semaphore_mem>>) {add = true}
      %add3A_453 = arith.constant 7 : i32
      %add3A_454 = arith.addi %mul3A_397, %add3A_453 : i32
      %dma_start3A_455 = arith.constant 0 : i32
      %dma_start3A_456 = tpu.memref_slice %arg5[%add3A_454, %dma_start3A_455] : memref<50x200xi32, #tpu.memory_space<vmem>> -> memref<1x200xi32, #tpu.memory_space<vmem>>
      %dma_start3A_457 = tpu.memref_squeeze %dma_start3A_456 : memref<1x200xi32, #tpu.memory_space<vmem>> -> memref<200xi32, #tpu.memory_space<vmem>>
      %dma_start3A_458 = arith.constant 0 : i32
      %dma_start3A_459 = arith.constant 0 : i32
      %dma_start3A_460 = tpu.memref_slice %arg4[%dma_start3A_458, %dma_start3A_459] : memref<10240x16xi16, #tpu.memory_space<vmem_shared>> -> memref<10240x16xi16, #tpu.memory_space<vmem_shared>>
      tpu.enqueue_indirect_dma source(%arg6 : memref<200x16xi16, #tpu.memory_space<vmem>>) target(%dma_start3A_460 : memref<10240x16xi16, #tpu.memory_space<vmem_shared>>) offsets(%dma_start3A_457 : memref<200xi32, #tpu.memory_space<vmem>>) semaphore(%arg15 : memref<!tpu.dma_semaphore, #tpu.memory_space<semaphore_mem>>) {add = true}
      %add3A_461 = arith.constant 8 : i32
      %add3A_462 = arith.addi %mul3A_397, %add3A_461 : i32
      %dma_start3A_463 = arith.constant 0 : i32
      %dma_start3A_464 = tpu.memref_slice %arg5[%add3A_462, %dma_start3A_463] : memref<50x200xi32, #tpu.memory_space<vmem>> -> memref<1x200xi32, #tpu.memory_space<vmem>>
      %dma_start3A_465 = tpu.memref_squeeze %dma_start3A_464 : memref<1x200xi32, #tpu.memory_space<vmem>> -> memref<200xi32, #tpu.memory_space<vmem>>
      %dma_start3A_466 = arith.constant 0 : i32
      %dma_start3A_467 = arith.constant 0 : i32
      %dma_start3A_468 = tpu.memref_slice %arg4[%dma_start3A_466, %dma_start3A_467] : memref<10240x16xi16, #tpu.memory_space<vmem_shared>> -> memref<10240x16xi16, #tpu.memory_space<vmem_shared>>
      tpu.enqueue_indirect_dma source(%arg6 : memref<200x16xi16, #tpu.memory_space<vmem>>) target(%dma_start3A_468 : memref<10240x16xi16, #tpu.memory_space<vmem_shared>>) offsets(%dma_start3A_465 : memref<200xi32, #tpu.memory_space<vmem>>) semaphore(%arg16 : memref<!tpu.dma_semaphore, #tpu.memory_space<semaphore_mem>>) {add = true}
      %add3A_469 = arith.constant 9 : i32
      %add3A_470 = arith.addi %mul3A_397, %add3A_469 : i32
      %dma_start3A_471 = arith.constant 0 : i32
      %dma_start3A_472 = tpu.memref_slice %arg5[%add3A_470, %dma_start3A_471] : memref<50x200xi32, #tpu.memory_space<vmem>> -> memref<1x200xi32, #tpu.memory_space<vmem>>
      %dma_start3A_473 = tpu.memref_squeeze %dma_start3A_472 : memref<1x200xi32, #tpu.memory_space<vmem>> -> memref<200xi32, #tpu.memory_space<vmem>>
      %dma_start3A_474 = arith.constant 0 : i32
      %dma_start3A_475 = arith.constant 0 : i32
      %dma_start3A_476 = tpu.memref_slice %arg4[%dma_start3A_474, %dma_start3A_475] : memref<10240x16xi16, #tpu.memory_space<vmem_shared>> -> memref<10240x16xi16, #tpu.memory_space<vmem_shared>>
      tpu.enqueue_indirect_dma source(%arg6 : memref<200x16xi16, #tpu.memory_space<vmem>>) target(%dma_start3A_476 : memref<10240x16xi16, #tpu.memory_space<vmem_shared>>) offsets(%dma_start3A_473 : memref<200xi32, #tpu.memory_space<vmem>>) semaphore(%arg17 : memref<!tpu.dma_semaphore, #tpu.memory_space<semaphore_mem>>) {add = true}
    }
    %scan3A_40 = arith.constant 5 : i32
    %dma_wait3A = arith.constant 0 : i32
    %dma_wait3A_41 = arith.constant 0 : i32
    %dma_wait3A_42 = tpu.memref_slice %arg5[%dma_wait3A, %dma_wait3A_41] : memref<50x200xi32, #tpu.memory_space<vmem>> -> memref<1x200xi32, #tpu.memory_space<vmem>>
    %dma_wait3A_43 = tpu.memref_squeeze %dma_wait3A_42 : memref<1x200xi32, #tpu.memory_space<vmem>> -> memref<200xi32, #tpu.memory_space<vmem>>
    %dma_wait3A_44 = arith.constant 0 : i32
    %dma_wait3A_45 = arith.constant 0 : i32
    %dma_wait3A_46 = tpu.memref_slice %arg4[%dma_wait3A_44, %dma_wait3A_45] : memref<10240x16xi16, #tpu.memory_space<vmem_shared>> -> memref<10240x16xi16, #tpu.memory_space<vmem_shared>>
    tpu.wait_indirect_dma semaphore(%arg8 : memref<!tpu.dma_semaphore, #tpu.memory_space<semaphore_mem>>) src(%arg6 : memref<200x16xi16, #tpu.memory_space<vmem>>) dst(%dma_wait3A_46 : memref<10240x16xi16, #tpu.memory_space<vmem_shared>>)
    %dma_wait3A_47 = arith.constant 0 : i32
    %dma_wait3A_48 = arith.constant 0 : i32
    %dma_wait3A_49 = tpu.memref_slice %arg5[%dma_wait3A_47, %dma_wait3A_48] : memref<50x200xi32, #tpu.memory_space<vmem>> -> memref<1x200xi32, #tpu.memory_space<vmem>>
    %dma_wait3A_50 = tpu.memref_squeeze %dma_wait3A_49 : memref<1x200xi32, #tpu.memory_space<vmem>> -> memref<200xi32, #tpu.memory_space<vmem>>
    %dma_wait3A_51 = arith.constant 0 : i32
    %dma_wait3A_52 = arith.constant 0 : i32
    %dma_wait3A_53 = tpu.memref_slice %arg4[%dma_wait3A_51, %dma_wait3A_52] : memref<10240x16xi16, #tpu.memory_space<vmem_shared>> -> memref<10240x16xi16, #tpu.memory_space<vmem_shared>>
    tpu.wait_indirect_dma semaphore(%arg9 : memref<!tpu.dma_semaphore, #tpu.memory_space<semaphore_mem>>) src(%arg6 : memref<200x16xi16, #tpu.memory_space<vmem>>) dst(%dma_wait3A_53 : memref<10240x16xi16, #tpu.memory_space<vmem_shared>>)
    %dma_wait3A_54 = arith.constant 0 : i32
    %dma_wait3A_55 = arith.constant 0 : i32
    %dma_wait3A_56 = tpu.memref_slice %arg5[%dma_wait3A_54, %dma_wait3A_55] : memref<50x200xi32, #tpu.memory_space<vmem>> -> memref<1x200xi32, #tpu.memory_space<vmem>>
    %dma_wait3A_57 = tpu.memref_squeeze %dma_wait3A_56 : memref<1x200xi32, #tpu.memory_space<vmem>> -> memref<200xi32, #tpu.memory_space<vmem>>
    %dma_wait3A_58 = arith.constant 0 : i32
    %dma_wait3A_59 = arith.constant 0 : i32
    %dma_wait3A_60 = tpu.memref_slice %arg4[%dma_wait3A_58, %dma_wait3A_59] : memref<10240x16xi16, #tpu.memory_space<vmem_shared>> -> memref<10240x16xi16, #tpu.memory_space<vmem_shared>>
    tpu.wait_indirect_dma semaphore(%arg10 : memref<!tpu.dma_semaphore, #tpu.memory_space<semaphore_mem>>) src(%arg6 : memref<200x16xi16, #tpu.memory_space<vmem>>) dst(%dma_wait3A_60 : memref<10240x16xi16, #tpu.memory_space<vmem_shared>>)
    %dma_wait3A_61 = arith.constant 0 : i32
    %dma_wait3A_62 = arith.constant 0 : i32
    %dma_wait3A_63 = tpu.memref_slice %arg5[%dma_wait3A_61, %dma_wait3A_62] : memref<50x200xi32, #tpu.memory_space<vmem>> -> memref<1x200xi32, #tpu.memory_space<vmem>>
    %dma_wait3A_64 = tpu.memref_squeeze %dma_wait3A_63 : memref<1x200xi32, #tpu.memory_space<vmem>> -> memref<200xi32, #tpu.memory_space<vmem>>
    %dma_wait3A_65 = arith.constant 0 : i32
    %dma_wait3A_66 = arith.constant 0 : i32
    %dma_wait3A_67 = tpu.memref_slice %arg4[%dma_wait3A_65, %dma_wait3A_66] : memref<10240x16xi16, #tpu.memory_space<vmem_shared>> -> memref<10240x16xi16, #tpu.memory_space<vmem_shared>>
    tpu.wait_indirect_dma semaphore(%arg11 : memref<!tpu.dma_semaphore, #tpu.memory_space<semaphore_mem>>) src(%arg6 : memref<200x16xi16, #tpu.memory_space<vmem>>) dst(%dma_wait3A_67 : memref<10240x16xi16, #tpu.memory_space<vmem_shared>>)
    %dma_wait3A_68 = arith.constant 0 : i32
    %dma_wait3A_69 = arith.constant 0 : i32
    %dma_wait3A_70 = tpu.memref_slice %arg5[%dma_wait3A_68, %dma_wait3A_69] : memref<50x200xi32, #tpu.memory_space<vmem>> -> memref<1x200xi32, #tpu.memory_space<vmem>>
    %dma_wait3A_71 = tpu.memref_squeeze %dma_wait3A_70 : memref<1x200xi32, #tpu.memory_space<vmem>> -> memref<200xi32, #tpu.memory_space<vmem>>
    %dma_wait3A_72 = arith.constant 0 : i32
    %dma_wait3A_73 = arith.constant 0 : i32
    %dma_wait3A_74 = tpu.memref_slice %arg4[%dma_wait3A_72, %dma_wait3A_73] : memref<10240x16xi16, #tpu.memory_space<vmem_shared>> -> memref<10240x16xi16, #tpu.memory_space<vmem_shared>>
    tpu.wait_indirect_dma semaphore(%arg12 : memref<!tpu.dma_semaphore, #tpu.memory_space<semaphore_mem>>) src(%arg6 : memref<200x16xi16, #tpu.memory_space<vmem>>) dst(%dma_wait3A_74 : memref<10240x16xi16, #tpu.memory_space<vmem_shared>>)
    %dma_wait3A_75 = arith.constant 0 : i32
    %dma_wait3A_76 = arith.constant 0 : i32
    %dma_wait3A_77 = tpu.memref_slice %arg5[%dma_wait3A_75, %dma_wait3A_76] : memref<50x200xi32, #tpu.memory_space<vmem>> -> memref<1x200xi32, #tpu.memory_space<vmem>>
    %dma_wait3A_78 = tpu.memref_squeeze %dma_wait3A_77 : memref<1x200xi32, #tpu.memory_space<vmem>> -> memref<200xi32, #tpu.memory_space<vmem>>
    %dma_wait3A_79 = arith.constant 0 : i32
    %dma_wait3A_80 = arith.constant 0 : i32
    %dma_wait3A_81 = tpu.memref_slice %arg4[%dma_wait3A_79, %dma_wait3A_80] : memref<10240x16xi16, #tpu.memory_space<vmem_shared>> -> memref<10240x16xi16, #tpu.memory_space<vmem_shared>>
    tpu.wait_indirect_dma semaphore(%arg13 : memref<!tpu.dma_semaphore, #tpu.memory_space<semaphore_mem>>) src(%arg6 : memref<200x16xi16, #tpu.memory_space<vmem>>) dst(%dma_wait3A_81 : memref<10240x16xi16, #tpu.memory_space<vmem_shared>>)
    %dma_wait3A_82 = arith.constant 0 : i32
    %dma_wait3A_83 = arith.constant 0 : i32
    %dma_wait3A_84 = tpu.memref_slice %arg5[%dma_wait3A_82, %dma_wait3A_83] : memref<50x200xi32, #tpu.memory_space<vmem>> -> memref<1x200xi32, #tpu.memory_space<vmem>>
    %dma_wait3A_85 = tpu.memref_squeeze %dma_wait3A_84 : memref<1x200xi32, #tpu.memory_space<vmem>> -> memref<200xi32, #tpu.memory_space<vmem>>
    %dma_wait3A_86 = arith.constant 0 : i32
    %dma_wait3A_87 = arith.constant 0 : i32
    %dma_wait3A_88 = tpu.memref_slice %arg4[%dma_wait3A_86, %dma_wait3A_87] : memref<10240x16xi16, #tpu.memory_space<vmem_shared>> -> memref<10240x16xi16, #tpu.memory_space<vmem_shared>>
    tpu.wait_indirect_dma semaphore(%arg14 : memref<!tpu.dma_semaphore, #tpu.memory_space<semaphore_mem>>) src(%arg6 : memref<200x16xi16, #tpu.memory_space<vmem>>) dst(%dma_wait3A_88 : memref<10240x16xi16, #tpu.memory_space<vmem_shared>>)
    %dma_wait3A_89 = arith.constant 0 : i32
    %dma_wait3A_90 = arith.constant 0 : i32
    %dma_wait3A_91 = tpu.memref_slice %arg5[%dma_wait3A_89, %dma_wait3A_90] : memref<50x200xi32, #tpu.memory_space<vmem>> -> memref<1x200xi32, #tpu.memory_space<vmem>>
    %dma_wait3A_92 = tpu.memref_squeeze %dma_wait3A_91 : memref<1x200xi32, #tpu.memory_space<vmem>> -> memref<200xi32, #tpu.memory_space<vmem>>
    %dma_wait3A_93 = arith.constant 0 : i32
    %dma_wait3A_94 = arith.constant 0 : i32
    %dma_wait3A_95 = tpu.memref_slice %arg4[%dma_wait3A_93, %dma_wait3A_94] : memref<10240x16xi16, #tpu.memory_space<vmem_shared>> -> memref<10240x16xi16, #tpu.memory_space<vmem_shared>>
    tpu.wait_indirect_dma semaphore(%arg15 : memref<!tpu.dma_semaphore, #tpu.memory_space<semaphore_mem>>) src(%arg6 : memref<200x16xi16, #tpu.memory_space<vmem>>) dst(%dma_wait3A_95 : memref<10240x16xi16, #tpu.memory_space<vmem_shared>>)
    %dma_wait3A_96 = arith.constant 0 : i32
    %dma_wait3A_97 = arith.constant 0 : i32
    %dma_wait3A_98 = tpu.memref_slice %arg5[%dma_wait3A_96, %dma_wait3A_97] : memref<50x200xi32, #tpu.memory_space<vmem>> -> memref<1x200xi32, #tpu.memory_space<vmem>>
    %dma_wait3A_99 = tpu.memref_squeeze %dma_wait3A_98 : memref<1x200xi32, #tpu.memory_space<vmem>> -> memref<200xi32, #tpu.memory_space<vmem>>
    %dma_wait3A_100 = arith.constant 0 : i32
    %dma_wait3A_101 = arith.constant 0 : i32
    %dma_wait3A_102 = tpu.memref_slice %arg4[%dma_wait3A_100, %dma_wait3A_101] : memref<10240x16xi16, #tpu.memory_space<vmem_shared>> -> memref<10240x16xi16, #tpu.memory_space<vmem_shared>>
    tpu.wait_indirect_dma semaphore(%arg16 : memref<!tpu.dma_semaphore, #tpu.memory_space<semaphore_mem>>) src(%arg6 : memref<200x16xi16, #tpu.memory_space<vmem>>) dst(%dma_wait3A_102 : memref<10240x16xi16, #tpu.memory_space<vmem_shared>>)
    %dma_wait3A_103 = arith.constant 0 : i32
    %dma_wait3A_104 = arith.constant 0 : i32
    %dma_wait3A_105 = tpu.memref_slice %arg5[%dma_wait3A_103, %dma_wait3A_104] : memref<50x200xi32, #tpu.memory_space<vmem>> -> memref<1x200xi32, #tpu.memory_space<vmem>>
    %dma_wait3A_106 = tpu.memref_squeeze %dma_wait3A_105 : memref<1x200xi32, #tpu.memory_space<vmem>> -> memref<200xi32, #tpu.memory_space<vmem>>
    %dma_wait3A_107 = arith.constant 0 : i32
    %dma_wait3A_108 = arith.constant 0 : i32
    %dma_wait3A_109 = tpu.memref_slice %arg4[%dma_wait3A_107, %dma_wait3A_108] : memref<10240x16xi16, #tpu.memory_space<vmem_shared>> -> memref<10240x16xi16, #tpu.memory_space<vmem_shared>>
    tpu.wait_indirect_dma semaphore(%arg17 : memref<!tpu.dma_semaphore, #tpu.memory_space<semaphore_mem>>) src(%arg6 : memref<200x16xi16, #tpu.memory_space<vmem>>) dst(%dma_wait3A_109 : memref<10240x16xi16, #tpu.memory_space<vmem_shared>>)
    %dma_wait3A_110 = arith.constant 0 : i32
    %dma_wait3A_111 = arith.constant 0 : i32
    %dma_wait3A_112 = tpu.memref_slice %arg5[%dma_wait3A_110, %dma_wait3A_111] : memref<50x200xi32, #tpu.memory_space<vmem>> -> memref<1x200xi32, #tpu.memory_space<vmem>>
    %dma_wait3A_113 = tpu.memref_squeeze %dma_wait3A_112 : memref<1x200xi32, #tpu.memory_space<vmem>> -> memref<200xi32, #tpu.memory_space<vmem>>
    %dma_wait3A_114 = arith.constant 0 : i32
    %dma_wait3A_115 = arith.constant 0 : i32
    %dma_wait3A_116 = tpu.memref_slice %arg4[%dma_wait3A_114, %dma_wait3A_115] : memref<10240x16xi16, #tpu.memory_space<vmem_shared>> -> memref<10240x16xi16, #tpu.memory_space<vmem_shared>>
    tpu.wait_indirect_dma semaphore(%arg8 : memref<!tpu.dma_semaphore, #tpu.memory_space<semaphore_mem>>) src(%arg6 : memref<200x16xi16, #tpu.memory_space<vmem>>) dst(%dma_wait3A_116 : memref<10240x16xi16, #tpu.memory_space<vmem_shared>>)
    %dma_wait3A_117 = arith.constant 0 : i32
    %dma_wait3A_118 = arith.constant 0 : i32
    %dma_wait3A_119 = tpu.memref_slice %arg5[%dma_wait3A_117, %dma_wait3A_118] : memref<50x200xi32, #tpu.memory_space<vmem>> -> memref<1x200xi32, #tpu.memory_space<vmem>>
    %dma_wait3A_120 = tpu.memref_squeeze %dma_wait3A_119 : memref<1x200xi32, #tpu.memory_space<vmem>> -> memref<200xi32, #tpu.memory_space<vmem>>
    %dma_wait3A_121 = arith.constant 0 : i32
    %dma_wait3A_122 = arith.constant 0 : i32
    %dma_wait3A_123 = tpu.memref_slice %arg4[%dma_wait3A_121, %dma_wait3A_122] : memref<10240x16xi16, #tpu.memory_space<vmem_shared>> -> memref<10240x16xi16, #tpu.memory_space<vmem_shared>>
    tpu.wait_indirect_dma semaphore(%arg9 : memref<!tpu.dma_semaphore, #tpu.memory_space<semaphore_mem>>) src(%arg6 : memref<200x16xi16, #tpu.memory_space<vmem>>) dst(%dma_wait3A_123 : memref<10240x16xi16, #tpu.memory_space<vmem_shared>>)
    %dma_wait3A_124 = arith.constant 0 : i32
    %dma_wait3A_125 = arith.constant 0 : i32
    %dma_wait3A_126 = tpu.memref_slice %arg5[%dma_wait3A_124, %dma_wait3A_125] : memref<50x200xi32, #tpu.memory_space<vmem>> -> memref<1x200xi32, #tpu.memory_space<vmem>>
    %dma_wait3A_127 = tpu.memref_squeeze %dma_wait3A_126 : memref<1x200xi32, #tpu.memory_space<vmem>> -> memref<200xi32, #tpu.memory_space<vmem>>
    %dma_wait3A_128 = arith.constant 0 : i32
    %dma_wait3A_129 = arith.constant 0 : i32
    %dma_wait3A_130 = tpu.memref_slice %arg4[%dma_wait3A_128, %dma_wait3A_129] : memref<10240x16xi16, #tpu.memory_space<vmem_shared>> -> memref<10240x16xi16, #tpu.memory_space<vmem_shared>>
    tpu.wait_indirect_dma semaphore(%arg10 : memref<!tpu.dma_semaphore, #tpu.memory_space<semaphore_mem>>) src(%arg6 : memref<200x16xi16, #tpu.memory_space<vmem>>) dst(%dma_wait3A_130 : memref<10240x16xi16, #tpu.memory_space<vmem_shared>>)
    %dma_wait3A_131 = arith.constant 0 : i32
    %dma_wait3A_132 = arith.constant 0 : i32
    %dma_wait3A_133 = tpu.memref_slice %arg5[%dma_wait3A_131, %dma_wait3A_132] : memref<50x200xi32, #tpu.memory_space<vmem>> -> memref<1x200xi32, #tpu.memory_space<vmem>>
    %dma_wait3A_134 = tpu.memref_squeeze %dma_wait3A_133 : memref<1x200xi32, #tpu.memory_space<vmem>> -> memref<200xi32, #tpu.memory_space<vmem>>
    %dma_wait3A_135 = arith.constant 0 : i32
    %dma_wait3A_136 = arith.constant 0 : i32
    %dma_wait3A_137 = tpu.memref_slice %arg4[%dma_wait3A_135, %dma_wait3A_136] : memref<10240x16xi16, #tpu.memory_space<vmem_shared>> -> memref<10240x16xi16, #tpu.memory_space<vmem_shared>>
    tpu.wait_indirect_dma semaphore(%arg11 : memref<!tpu.dma_semaphore, #tpu.memory_space<semaphore_mem>>) src(%arg6 : memref<200x16xi16, #tpu.memory_space<vmem>>) dst(%dma_wait3A_137 : memref<10240x16xi16, #tpu.memory_space<vmem_shared>>)
    %dma_wait3A_138 = arith.constant 0 : i32
    %dma_wait3A_139 = arith.constant 0 : i32
    %dma_wait3A_140 = tpu.memref_slice %arg5[%dma_wait3A_138, %dma_wait3A_139] : memref<50x200xi32, #tpu.memory_space<vmem>> -> memref<1x200xi32, #tpu.memory_space<vmem>>
    %dma_wait3A_141 = tpu.memref_squeeze %dma_wait3A_140 : memref<1x200xi32, #tpu.memory_space<vmem>> -> memref<200xi32, #tpu.memory_space<vmem>>
    %dma_wait3A_142 = arith.constant 0 : i32
    %dma_wait3A_143 = arith.constant 0 : i32
    %dma_wait3A_144 = tpu.memref_slice %arg4[%dma_wait3A_142, %dma_wait3A_143] : memref<10240x16xi16, #tpu.memory_space<vmem_shared>> -> memref<10240x16xi16, #tpu.memory_space<vmem_shared>>
    tpu.wait_indirect_dma semaphore(%arg12 : memref<!tpu.dma_semaphore, #tpu.memory_space<semaphore_mem>>) src(%arg6 : memref<200x16xi16, #tpu.memory_space<vmem>>) dst(%dma_wait3A_144 : memref<10240x16xi16, #tpu.memory_space<vmem_shared>>)
    %dma_wait3A_145 = arith.constant 0 : i32
    %dma_wait3A_146 = arith.constant 0 : i32
    %dma_wait3A_147 = tpu.memref_slice %arg5[%dma_wait3A_145, %dma_wait3A_146] : memref<50x200xi32, #tpu.memory_space<vmem>> -> memref<1x200xi32, #tpu.memory_space<vmem>>
    %dma_wait3A_148 = tpu.memref_squeeze %dma_wait3A_147 : memref<1x200xi32, #tpu.memory_space<vmem>> -> memref<200xi32, #tpu.memory_space<vmem>>
    %dma_wait3A_149 = arith.constant 0 : i32
    %dma_wait3A_150 = arith.constant 0 : i32
    %dma_wait3A_151 = tpu.memref_slice %arg4[%dma_wait3A_149, %dma_wait3A_150] : memref<10240x16xi16, #tpu.memory_space<vmem_shared>> -> memref<10240x16xi16, #tpu.memory_space<vmem_shared>>
    tpu.wait_indirect_dma semaphore(%arg13 : memref<!tpu.dma_semaphore, #tpu.memory_space<semaphore_mem>>) src(%arg6 : memref<200x16xi16, #tpu.memory_space<vmem>>) dst(%dma_wait3A_151 : memref<10240x16xi16, #tpu.memory_space<vmem_shared>>)
    %dma_wait3A_152 = arith.constant 0 : i32
    %dma_wait3A_153 = arith.constant 0 : i32
    %dma_wait3A_154 = tpu.memref_slice %arg5[%dma_wait3A_152, %dma_wait3A_153] : memref<50x200xi32, #tpu.memory_space<vmem>> -> memref<1x200xi32, #tpu.memory_space<vmem>>
    %dma_wait3A_155 = tpu.memref_squeeze %dma_wait3A_154 : memref<1x200xi32, #tpu.memory_space<vmem>> -> memref<200xi32, #tpu.memory_space<vmem>>
    %dma_wait3A_156 = arith.constant 0 : i32
    %dma_wait3A_157 = arith.constant 0 : i32
    %dma_wait3A_158 = tpu.memref_slice %arg4[%dma_wait3A_156, %dma_wait3A_157] : memref<10240x16xi16, #tpu.memory_space<vmem_shared>> -> memref<10240x16xi16, #tpu.memory_space<vmem_shared>>
    tpu.wait_indirect_dma semaphore(%arg14 : memref<!tpu.dma_semaphore, #tpu.memory_space<semaphore_mem>>) src(%arg6 : memref<200x16xi16, #tpu.memory_space<vmem>>) dst(%dma_wait3A_158 : memref<10240x16xi16, #tpu.memory_space<vmem_shared>>)
    %dma_wait3A_159 = arith.constant 0 : i32
    %dma_wait3A_160 = arith.constant 0 : i32
    %dma_wait3A_161 = tpu.memref_slice %arg5[%dma_wait3A_159, %dma_wait3A_160] : memref<50x200xi32, #tpu.memory_space<vmem>> -> memref<1x200xi32, #tpu.memory_space<vmem>>
    %dma_wait3A_162 = tpu.memref_squeeze %dma_wait3A_161 : memref<1x200xi32, #tpu.memory_space<vmem>> -> memref<200xi32, #tpu.memory_space<vmem>>
    %dma_wait3A_163 = arith.constant 0 : i32
    %dma_wait3A_164 = arith.constant 0 : i32
    %dma_wait3A_165 = tpu.memref_slice %arg4[%dma_wait3A_163, %dma_wait3A_164] : memref<10240x16xi16, #tpu.memory_space<vmem_shared>> -> memref<10240x16xi16, #tpu.memory_space<vmem_shared>>
    tpu.wait_indirect_dma semaphore(%arg15 : memref<!tpu.dma_semaphore, #tpu.memory_space<semaphore_mem>>) src(%arg6 : memref<200x16xi16, #tpu.memory_space<vmem>>) dst(%dma_wait3A_165 : memref<10240x16xi16, #tpu.memory_space<vmem_shared>>)
    %dma_wait3A_166 = arith.constant 0 : i32
    %dma_wait3A_167 = arith.constant 0 : i32
    %dma_wait3A_168 = tpu.memref_slice %arg5[%dma_wait3A_166, %dma_wait3A_167] : memref<50x200xi32, #tpu.memory_space<vmem>> -> memref<1x200xi32, #tpu.memory_space<vmem>>
    %dma_wait3A_169 = tpu.memref_squeeze %dma_wait3A_168 : memref<1x200xi32, #tpu.memory_space<vmem>> -> memref<200xi32, #tpu.memory_space<vmem>>
    %dma_wait3A_170 = arith.constant 0 : i32
    %dma_wait3A_171 = arith.constant 0 : i32
    %dma_wait3A_172 = tpu.memref_slice %arg4[%dma_wait3A_170, %dma_wait3A_171] : memref<10240x16xi16, #tpu.memory_space<vmem_shared>> -> memref<10240x16xi16, #tpu.memory_space<vmem_shared>>
    tpu.wait_indirect_dma semaphore(%arg16 : memref<!tpu.dma_semaphore, #tpu.memory_space<semaphore_mem>>) src(%arg6 : memref<200x16xi16, #tpu.memory_space<vmem>>) dst(%dma_wait3A_172 : memref<10240x16xi16, #tpu.memory_space<vmem_shared>>)
    %dma_wait3A_173 = arith.constant 0 : i32
    %dma_wait3A_174 = arith.constant 0 : i32
    %dma_wait3A_175 = tpu.memref_slice %arg5[%dma_wait3A_173, %dma_wait3A_174] : memref<50x200xi32, #tpu.memory_space<vmem>> -> memref<1x200xi32, #tpu.memory_space<vmem>>
    %dma_wait3A_176 = tpu.memref_squeeze %dma_wait3A_175 : memref<1x200xi32, #tpu.memory_space<vmem>> -> memref<200xi32, #tpu.memory_space<vmem>>
    %dma_wait3A_177 = arith.constant 0 : i32
    %dma_wait3A_178 = arith.constant 0 : i32
    %dma_wait3A_179 = tpu.memref_slice %arg4[%dma_wait3A_177, %dma_wait3A_178] : memref<10240x16xi16, #tpu.memory_space<vmem_shared>> -> memref<10240x16xi16, #tpu.memory_space<vmem_shared>>
    tpu.wait_indirect_dma semaphore(%arg17 : memref<!tpu.dma_semaphore, #tpu.memory_space<semaphore_mem>>) src(%arg6 : memref<200x16xi16, #tpu.memory_space<vmem>>) dst(%dma_wait3A_179 : memref<10240x16xi16, #tpu.memory_space<vmem_shared>>)
    %dma_wait3A_180 = arith.constant 0 : i32
    %dma_wait3A_181 = arith.constant 0 : i32
    %dma_wait3A_182 = tpu.memref_slice %arg5[%dma_wait3A_180, %dma_wait3A_181] : memref<50x200xi32, #tpu.memory_space<vmem>> -> memref<1x200xi32, #tpu.memory_space<vmem>>
    %dma_wait3A_183 = tpu.memref_squeeze %dma_wait3A_182 : memref<1x200xi32, #tpu.memory_space<vmem>> -> memref<200xi32, #tpu.memory_space<vmem>>
    %dma_wait3A_184 = arith.constant 0 : i32
    %dma_wait3A_185 = arith.constant 0 : i32
    %dma_wait3A_186 = tpu.memref_slice %arg4[%dma_wait3A_184, %dma_wait3A_185] : memref<10240x16xi16, #tpu.memory_space<vmem_shared>> -> memref<10240x16xi16, #tpu.memory_space<vmem_shared>>
    tpu.wait_indirect_dma semaphore(%arg8 : memref<!tpu.dma_semaphore, #tpu.memory_space<semaphore_mem>>) src(%arg6 : memref<200x16xi16, #tpu.memory_space<vmem>>) dst(%dma_wait3A_186 : memref<10240x16xi16, #tpu.memory_space<vmem_shared>>)
    %dma_wait3A_187 = arith.constant 0 : i32
    %dma_wait3A_188 = arith.constant 0 : i32
    %dma_wait3A_189 = tpu.memref_slice %arg5[%dma_wait3A_187, %dma_wait3A_188] : memref<50x200xi32, #tpu.memory_space<vmem>> -> memref<1x200xi32, #tpu.memory_space<vmem>>
    %dma_wait3A_190 = tpu.memref_squeeze %dma_wait3A_189 : memref<1x200xi32, #tpu.memory_space<vmem>> -> memref<200xi32, #tpu.memory_space<vmem>>
    %dma_wait3A_191 = arith.constant 0 : i32
    %dma_wait3A_192 = arith.constant 0 : i32
    %dma_wait3A_193 = tpu.memref_slice %arg4[%dma_wait3A_191, %dma_wait3A_192] : memref<10240x16xi16, #tpu.memory_space<vmem_shared>> -> memref<10240x16xi16, #tpu.memory_space<vmem_shared>>
    tpu.wait_indirect_dma semaphore(%arg9 : memref<!tpu.dma_semaphore, #tpu.memory_space<semaphore_mem>>) src(%arg6 : memref<200x16xi16, #tpu.memory_space<vmem>>) dst(%dma_wait3A_193 : memref<10240x16xi16, #tpu.memory_space<vmem_shared>>)
    %dma_wait3A_194 = arith.constant 0 : i32
    %dma_wait3A_195 = arith.constant 0 : i32
    %dma_wait3A_196 = tpu.memref_slice %arg5[%dma_wait3A_194, %dma_wait3A_195] : memref<50x200xi32, #tpu.memory_space<vmem>> -> memref<1x200xi32, #tpu.memory_space<vmem>>
    %dma_wait3A_197 = tpu.memref_squeeze %dma_wait3A_196 : memref<1x200xi32, #tpu.memory_space<vmem>> -> memref<200xi32, #tpu.memory_space<vmem>>
    %dma_wait3A_198 = arith.constant 0 : i32
    %dma_wait3A_199 = arith.constant 0 : i32
    %dma_wait3A_200 = tpu.memref_slice %arg4[%dma_wait3A_198, %dma_wait3A_199] : memref<10240x16xi16, #tpu.memory_space<vmem_shared>> -> memref<10240x16xi16, #tpu.memory_space<vmem_shared>>
    tpu.wait_indirect_dma semaphore(%arg10 : memref<!tpu.dma_semaphore, #tpu.memory_space<semaphore_mem>>) src(%arg6 : memref<200x16xi16, #tpu.memory_space<vmem>>) dst(%dma_wait3A_200 : memref<10240x16xi16, #tpu.memory_space<vmem_shared>>)
    %dma_wait3A_201 = arith.constant 0 : i32
    %dma_wait3A_202 = arith.constant 0 : i32
    %dma_wait3A_203 = tpu.memref_slice %arg5[%dma_wait3A_201, %dma_wait3A_202] : memref<50x200xi32, #tpu.memory_space<vmem>> -> memref<1x200xi32, #tpu.memory_space<vmem>>
    %dma_wait3A_204 = tpu.memref_squeeze %dma_wait3A_203 : memref<1x200xi32, #tpu.memory_space<vmem>> -> memref<200xi32, #tpu.memory_space<vmem>>
    %dma_wait3A_205 = arith.constant 0 : i32
    %dma_wait3A_206 = arith.constant 0 : i32
    %dma_wait3A_207 = tpu.memref_slice %arg4[%dma_wait3A_205, %dma_wait3A_206] : memref<10240x16xi16, #tpu.memory_space<vmem_shared>> -> memref<10240x16xi16, #tpu.memory_space<vmem_shared>>
    tpu.wait_indirect_dma semaphore(%arg11 : memref<!tpu.dma_semaphore, #tpu.memory_space<semaphore_mem>>) src(%arg6 : memref<200x16xi16, #tpu.memory_space<vmem>>) dst(%dma_wait3A_207 : memref<10240x16xi16, #tpu.memory_space<vmem_shared>>)
    %dma_wait3A_208 = arith.constant 0 : i32
    %dma_wait3A_209 = arith.constant 0 : i32
    %dma_wait3A_210 = tpu.memref_slice %arg5[%dma_wait3A_208, %dma_wait3A_209] : memref<50x200xi32, #tpu.memory_space<vmem>> -> memref<1x200xi32, #tpu.memory_space<vmem>>
    %dma_wait3A_211 = tpu.memref_squeeze %dma_wait3A_210 : memref<1x200xi32, #tpu.memory_space<vmem>> -> memref<200xi32, #tpu.memory_space<vmem>>
    %dma_wait3A_212 = arith.constant 0 : i32
    %dma_wait3A_213 = arith.constant 0 : i32
    %dma_wait3A_214 = tpu.memref_slice %arg4[%dma_wait3A_212, %dma_wait3A_213] : memref<10240x16xi16, #tpu.memory_space<vmem_shared>> -> memref<10240x16xi16, #tpu.memory_space<vmem_shared>>
    tpu.wait_indirect_dma semaphore(%arg12 : memref<!tpu.dma_semaphore, #tpu.memory_space<semaphore_mem>>) src(%arg6 : memref<200x16xi16, #tpu.memory_space<vmem>>) dst(%dma_wait3A_214 : memref<10240x16xi16, #tpu.memory_space<vmem_shared>>)
    %dma_wait3A_215 = arith.constant 0 : i32
    %dma_wait3A_216 = arith.constant 0 : i32
    %dma_wait3A_217 = tpu.memref_slice %arg5[%dma_wait3A_215, %dma_wait3A_216] : memref<50x200xi32, #tpu.memory_space<vmem>> -> memref<1x200xi32, #tpu.memory_space<vmem>>
    %dma_wait3A_218 = tpu.memref_squeeze %dma_wait3A_217 : memref<1x200xi32, #tpu.memory_space<vmem>> -> memref<200xi32, #tpu.memory_space<vmem>>
    %dma_wait3A_219 = arith.constant 0 : i32
    %dma_wait3A_220 = arith.constant 0 : i32
    %dma_wait3A_221 = tpu.memref_slice %arg4[%dma_wait3A_219, %dma_wait3A_220] : memref<10240x16xi16, #tpu.memory_space<vmem_shared>> -> memref<10240x16xi16, #tpu.memory_space<vmem_shared>>
    tpu.wait_indirect_dma semaphore(%arg13 : memref<!tpu.dma_semaphore, #tpu.memory_space<semaphore_mem>>) src(%arg6 : memref<200x16xi16, #tpu.memory_space<vmem>>) dst(%dma_wait3A_221 : memref<10240x16xi16, #tpu.memory_space<vmem_shared>>)
    %dma_wait3A_222 = arith.constant 0 : i32
    %dma_wait3A_223 = arith.constant 0 : i32
    %dma_wait3A_224 = tpu.memref_slice %arg5[%dma_wait3A_222, %dma_wait3A_223] : memref<50x200xi32, #tpu.memory_space<vmem>> -> memref<1x200xi32, #tpu.memory_space<vmem>>
    %dma_wait3A_225 = tpu.memref_squeeze %dma_wait3A_224 : memref<1x200xi32, #tpu.memory_space<vmem>> -> memref<200xi32, #tpu.memory_space<vmem>>
    %dma_wait3A_226 = arith.constant 0 : i32
    %dma_wait3A_227 = arith.constant 0 : i32
    %dma_wait3A_228 = tpu.memref_slice %arg4[%dma_wait3A_226, %dma_wait3A_227] : memref<10240x16xi16, #tpu.memory_space<vmem_shared>> -> memref<10240x16xi16, #tpu.memory_space<vmem_shared>>
    tpu.wait_indirect_dma semaphore(%arg14 : memref<!tpu.dma_semaphore, #tpu.memory_space<semaphore_mem>>) src(%arg6 : memref<200x16xi16, #tpu.memory_space<vmem>>) dst(%dma_wait3A_228 : memref<10240x16xi16, #tpu.memory_space<vmem_shared>>)
    %dma_wait3A_229 = arith.constant 0 : i32
    %dma_wait3A_230 = arith.constant 0 : i32
    %dma_wait3A_231 = tpu.memref_slice %arg5[%dma_wait3A_229, %dma_wait3A_230] : memref<50x200xi32, #tpu.memory_space<vmem>> -> memref<1x200xi32, #tpu.memory_space<vmem>>
    %dma_wait3A_232 = tpu.memref_squeeze %dma_wait3A_231 : memref<1x200xi32, #tpu.memory_space<vmem>> -> memref<200xi32, #tpu.memory_space<vmem>>
    %dma_wait3A_233 = arith.constant 0 : i32
    %dma_wait3A_234 = arith.constant 0 : i32
    %dma_wait3A_235 = tpu.memref_slice %arg4[%dma_wait3A_233, %dma_wait3A_234] : memref<10240x16xi16, #tpu.memory_space<vmem_shared>> -> memref<10240x16xi16, #tpu.memory_space<vmem_shared>>
    tpu.wait_indirect_dma semaphore(%arg15 : memref<!tpu.dma_semaphore, #tpu.memory_space<semaphore_mem>>) src(%arg6 : memref<200x16xi16, #tpu.memory_space<vmem>>) dst(%dma_wait3A_235 : memref<10240x16xi16, #tpu.memory_space<vmem_shared>>)
    %dma_wait3A_236 = arith.constant 0 : i32
    %dma_wait3A_237 = arith.constant 0 : i32
    %dma_wait3A_238 = tpu.memref_slice %arg5[%dma_wait3A_236, %dma_wait3A_237] : memref<50x200xi32, #tpu.memory_space<vmem>> -> memref<1x200xi32, #tpu.memory_space<vmem>>
    %dma_wait3A_239 = tpu.memref_squeeze %dma_wait3A_238 : memref<1x200xi32, #tpu.memory_space<vmem>> -> memref<200xi32, #tpu.memory_space<vmem>>
    %dma_wait3A_240 = arith.constant 0 : i32
    %dma_wait3A_241 = arith.constant 0 : i32
    %dma_wait3A_242 = tpu.memref_slice %arg4[%dma_wait3A_240, %dma_wait3A_241] : memref<10240x16xi16, #tpu.memory_space<vmem_shared>> -> memref<10240x16xi16, #tpu.memory_space<vmem_shared>>
    tpu.wait_indirect_dma semaphore(%arg16 : memref<!tpu.dma_semaphore, #tpu.memory_space<semaphore_mem>>) src(%arg6 : memref<200x16xi16, #tpu.memory_space<vmem>>) dst(%dma_wait3A_242 : memref<10240x16xi16, #tpu.memory_space<vmem_shared>>)
    %dma_wait3A_243 = arith.constant 0 : i32
    %dma_wait3A_244 = arith.constant 0 : i32
    %dma_wait3A_245 = tpu.memref_slice %arg5[%dma_wait3A_243, %dma_wait3A_244] : memref<50x200xi32, #tpu.memory_space<vmem>> -> memref<1x200xi32, #tpu.memory_space<vmem>>
    %dma_wait3A_246 = tpu.memref_squeeze %dma_wait3A_245 : memref<1x200xi32, #tpu.memory_space<vmem>> -> memref<200xi32, #tpu.memory_space<vmem>>
    %dma_wait3A_247 = arith.constant 0 : i32
    %dma_wait3A_248 = arith.constant 0 : i32
    %dma_wait3A_249 = tpu.memref_slice %arg4[%dma_wait3A_247, %dma_wait3A_248] : memref<10240x16xi16, #tpu.memory_space<vmem_shared>> -> memref<10240x16xi16, #tpu.memory_space<vmem_shared>>
    tpu.wait_indirect_dma semaphore(%arg17 : memref<!tpu.dma_semaphore, #tpu.memory_space<semaphore_mem>>) src(%arg6 : memref<200x16xi16, #tpu.memory_space<vmem>>) dst(%dma_wait3A_249 : memref<10240x16xi16, #tpu.memory_space<vmem_shared>>)
    %dma_wait3A_250 = arith.constant 0 : i32
    %dma_wait3A_251 = arith.constant 0 : i32
    %dma_wait3A_252 = tpu.memref_slice %arg5[%dma_wait3A_250, %dma_wait3A_251] : memref<50x200xi32, #tpu.memory_space<vmem>> -> memref<1x200xi32, #tpu.memory_space<vmem>>
    %dma_wait3A_253 = tpu.memref_squeeze %dma_wait3A_252 : memref<1x200xi32, #tpu.memory_space<vmem>> -> memref<200xi32, #tpu.memory_space<vmem>>
    %dma_wait3A_254 = arith.constant 0 : i32
    %dma_wait3A_255 = arith.constant 0 : i32
    %dma_wait3A_256 = tpu.memref_slice %arg4[%dma_wait3A_254, %dma_wait3A_255] : memref<10240x16xi16, #tpu.memory_space<vmem_shared>> -> memref<10240x16xi16, #tpu.memory_space<vmem_shared>>
    tpu.wait_indirect_dma semaphore(%arg8 : memref<!tpu.dma_semaphore, #tpu.memory_space<semaphore_mem>>) src(%arg6 : memref<200x16xi16, #tpu.memory_space<vmem>>) dst(%dma_wait3A_256 : memref<10240x16xi16, #tpu.memory_space<vmem_shared>>)
    %dma_wait3A_257 = arith.constant 0 : i32
    %dma_wait3A_258 = arith.constant 0 : i32
    %dma_wait3A_259 = tpu.memref_slice %arg5[%dma_wait3A_257, %dma_wait3A_258] : memref<50x200xi32, #tpu.memory_space<vmem>> -> memref<1x200xi32, #tpu.memory_space<vmem>>
    %dma_wait3A_260 = tpu.memref_squeeze %dma_wait3A_259 : memref<1x200xi32, #tpu.memory_space<vmem>> -> memref<200xi32, #tpu.memory_space<vmem>>
    %dma_wait3A_261 = arith.constant 0 : i32
    %dma_wait3A_262 = arith.constant 0 : i32
    %dma_wait3A_263 = tpu.memref_slice %arg4[%dma_wait3A_261, %dma_wait3A_262] : memref<10240x16xi16, #tpu.memory_space<vmem_shared>> -> memref<10240x16xi16, #tpu.memory_space<vmem_shared>>
    tpu.wait_indirect_dma semaphore(%arg9 : memref<!tpu.dma_semaphore, #tpu.memory_space<semaphore_mem>>) src(%arg6 : memref<200x16xi16, #tpu.memory_space<vmem>>) dst(%dma_wait3A_263 : memref<10240x16xi16, #tpu.memory_space<vmem_shared>>)
    %dma_wait3A_264 = arith.constant 0 : i32
    %dma_wait3A_265 = arith.constant 0 : i32
    %dma_wait3A_266 = tpu.memref_slice %arg5[%dma_wait3A_264, %dma_wait3A_265] : memref<50x200xi32, #tpu.memory_space<vmem>> -> memref<1x200xi32, #tpu.memory_space<vmem>>
    %dma_wait3A_267 = tpu.memref_squeeze %dma_wait3A_266 : memref<1x200xi32, #tpu.memory_space<vmem>> -> memref<200xi32, #tpu.memory_space<vmem>>
    %dma_wait3A_268 = arith.constant 0 : i32
    %dma_wait3A_269 = arith.constant 0 : i32
    %dma_wait3A_270 = tpu.memref_slice %arg4[%dma_wait3A_268, %dma_wait3A_269] : memref<10240x16xi16, #tpu.memory_space<vmem_shared>> -> memref<10240x16xi16, #tpu.memory_space<vmem_shared>>
    tpu.wait_indirect_dma semaphore(%arg10 : memref<!tpu.dma_semaphore, #tpu.memory_space<semaphore_mem>>) src(%arg6 : memref<200x16xi16, #tpu.memory_space<vmem>>) dst(%dma_wait3A_270 : memref<10240x16xi16, #tpu.memory_space<vmem_shared>>)
    %dma_wait3A_271 = arith.constant 0 : i32
    %dma_wait3A_272 = arith.constant 0 : i32
    %dma_wait3A_273 = tpu.memref_slice %arg5[%dma_wait3A_271, %dma_wait3A_272] : memref<50x200xi32, #tpu.memory_space<vmem>> -> memref<1x200xi32, #tpu.memory_space<vmem>>
    %dma_wait3A_274 = tpu.memref_squeeze %dma_wait3A_273 : memref<1x200xi32, #tpu.memory_space<vmem>> -> memref<200xi32, #tpu.memory_space<vmem>>
    %dma_wait3A_275 = arith.constant 0 : i32
    %dma_wait3A_276 = arith.constant 0 : i32
    %dma_wait3A_277 = tpu.memref_slice %arg4[%dma_wait3A_275, %dma_wait3A_276] : memref<10240x16xi16, #tpu.memory_space<vmem_shared>> -> memref<10240x16xi16, #tpu.memory_space<vmem_shared>>
    tpu.wait_indirect_dma semaphore(%arg11 : memref<!tpu.dma_semaphore, #tpu.memory_space<semaphore_mem>>) src(%arg6 : memref<200x16xi16, #tpu.memory_space<vmem>>) dst(%dma_wait3A_277 : memref<10240x16xi16, #tpu.memory_space<vmem_shared>>)
    %dma_wait3A_278 = arith.constant 0 : i32
    %dma_wait3A_279 = arith.constant 0 : i32
    %dma_wait3A_280 = tpu.memref_slice %arg5[%dma_wait3A_278, %dma_wait3A_279] : memref<50x200xi32, #tpu.memory_space<vmem>> -> memref<1x200xi32, #tpu.memory_space<vmem>>
    %dma_wait3A_281 = tpu.memref_squeeze %dma_wait3A_280 : memref<1x200xi32, #tpu.memory_space<vmem>> -> memref<200xi32, #tpu.memory_space<vmem>>
    %dma_wait3A_282 = arith.constant 0 : i32
    %dma_wait3A_283 = arith.constant 0 : i32
    %dma_wait3A_284 = tpu.memref_slice %arg4[%dma_wait3A_282, %dma_wait3A_283] : memref<10240x16xi16, #tpu.memory_space<vmem_shared>> -> memref<10240x16xi16, #tpu.memory_space<vmem_shared>>
    tpu.wait_indirect_dma semaphore(%arg12 : memref<!tpu.dma_semaphore, #tpu.memory_space<semaphore_mem>>) src(%arg6 : memref<200x16xi16, #tpu.memory_space<vmem>>) dst(%dma_wait3A_284 : memref<10240x16xi16, #tpu.memory_space<vmem_shared>>)
    %dma_wait3A_285 = arith.constant 0 : i32
    %dma_wait3A_286 = arith.constant 0 : i32
    %dma_wait3A_287 = tpu.memref_slice %arg5[%dma_wait3A_285, %dma_wait3A_286] : memref<50x200xi32, #tpu.memory_space<vmem>> -> memref<1x200xi32, #tpu.memory_space<vmem>>
    %dma_wait3A_288 = tpu.memref_squeeze %dma_wait3A_287 : memref<1x200xi32, #tpu.memory_space<vmem>> -> memref<200xi32, #tpu.memory_space<vmem>>
    %dma_wait3A_289 = arith.constant 0 : i32
    %dma_wait3A_290 = arith.constant 0 : i32
    %dma_wait3A_291 = tpu.memref_slice %arg4[%dma_wait3A_289, %dma_wait3A_290] : memref<10240x16xi16, #tpu.memory_space<vmem_shared>> -> memref<10240x16xi16, #tpu.memory_space<vmem_shared>>
    tpu.wait_indirect_dma semaphore(%arg13 : memref<!tpu.dma_semaphore, #tpu.memory_space<semaphore_mem>>) src(%arg6 : memref<200x16xi16, #tpu.memory_space<vmem>>) dst(%dma_wait3A_291 : memref<10240x16xi16, #tpu.memory_space<vmem_shared>>)
    %dma_wait3A_292 = arith.constant 0 : i32
    %dma_wait3A_293 = arith.constant 0 : i32
    %dma_wait3A_294 = tpu.memref_slice %arg5[%dma_wait3A_292, %dma_wait3A_293] : memref<50x200xi32, #tpu.memory_space<vmem>> -> memref<1x200xi32, #tpu.memory_space<vmem>>
    %dma_wait3A_295 = tpu.memref_squeeze %dma_wait3A_294 : memref<1x200xi32, #tpu.memory_space<vmem>> -> memref<200xi32, #tpu.memory_space<vmem>>
    %dma_wait3A_296 = arith.constant 0 : i32
    %dma_wait3A_297 = arith.constant 0 : i32
    %dma_wait3A_298 = tpu.memref_slice %arg4[%dma_wait3A_296, %dma_wait3A_297] : memref<10240x16xi16, #tpu.memory_space<vmem_shared>> -> memref<10240x16xi16, #tpu.memory_space<vmem_shared>>
    tpu.wait_indirect_dma semaphore(%arg14 : memref<!tpu.dma_semaphore, #tpu.memory_space<semaphore_mem>>) src(%arg6 : memref<200x16xi16, #tpu.memory_space<vmem>>) dst(%dma_wait3A_298 : memref<10240x16xi16, #tpu.memory_space<vmem_shared>>)
    %dma_wait3A_299 = arith.constant 0 : i32
    %dma_wait3A_300 = arith.constant 0 : i32
    %dma_wait3A_301 = tpu.memref_slice %arg5[%dma_wait3A_299, %dma_wait3A_300] : memref<50x200xi32, #tpu.memory_space<vmem>> -> memref<1x200xi32, #tpu.memory_space<vmem>>
    %dma_wait3A_302 = tpu.memref_squeeze %dma_wait3A_301 : memref<1x200xi32, #tpu.memory_space<vmem>> -> memref<200xi32, #tpu.memory_space<vmem>>
    %dma_wait3A_303 = arith.constant 0 : i32
    %dma_wait3A_304 = arith.constant 0 : i32
    %dma_wait3A_305 = tpu.memref_slice %arg4[%dma_wait3A_303, %dma_wait3A_304] : memref<10240x16xi16, #tpu.memory_space<vmem_shared>> -> memref<10240x16xi16, #tpu.memory_space<vmem_shared>>
    tpu.wait_indirect_dma semaphore(%arg15 : memref<!tpu.dma_semaphore, #tpu.memory_space<semaphore_mem>>) src(%arg6 : memref<200x16xi16, #tpu.memory_space<vmem>>) dst(%dma_wait3A_305 : memref<10240x16xi16, #tpu.memory_space<vmem_shared>>)
    %dma_wait3A_306 = arith.constant 0 : i32
    %dma_wait3A_307 = arith.constant 0 : i32
    %dma_wait3A_308 = tpu.memref_slice %arg5[%dma_wait3A_306, %dma_wait3A_307] : memref<50x200xi32, #tpu.memory_space<vmem>> -> memref<1x200xi32, #tpu.memory_space<vmem>>
    %dma_wait3A_309 = tpu.memref_squeeze %dma_wait3A_308 : memref<1x200xi32, #tpu.memory_space<vmem>> -> memref<200xi32, #tpu.memory_space<vmem>>
    %dma_wait3A_310 = arith.constant 0 : i32
    %dma_wait3A_311 = arith.constant 0 : i32
    %dma_wait3A_312 = tpu.memref_slice %arg4[%dma_wait3A_310, %dma_wait3A_311] : memref<10240x16xi16, #tpu.memory_space<vmem_shared>> -> memref<10240x16xi16, #tpu.memory_space<vmem_shared>>
    tpu.wait_indirect_dma semaphore(%arg16 : memref<!tpu.dma_semaphore, #tpu.memory_space<semaphore_mem>>) src(%arg6 : memref<200x16xi16, #tpu.memory_space<vmem>>) dst(%dma_wait3A_312 : memref<10240x16xi16, #tpu.memory_space<vmem_shared>>)
    %dma_wait3A_313 = arith.constant 0 : i32
    %dma_wait3A_314 = arith.constant 0 : i32
    %dma_wait3A_315 = tpu.memref_slice %arg5[%dma_wait3A_313, %dma_wait3A_314] : memref<50x200xi32, #tpu.memory_space<vmem>> -> memref<1x200xi32, #tpu.memory_space<vmem>>
    %dma_wait3A_316 = tpu.memref_squeeze %dma_wait3A_315 : memref<1x200xi32, #tpu.memory_space<vmem>> -> memref<200xi32, #tpu.memory_space<vmem>>
    %dma_wait3A_317 = arith.constant 0 : i32
    %dma_wait3A_318 = arith.constant 0 : i32
    %dma_wait3A_319 = tpu.memref_slice %arg4[%dma_wait3A_317, %dma_wait3A_318] : memref<10240x16xi16, #tpu.memory_space<vmem_shared>> -> memref<10240x16xi16, #tpu.memory_space<vmem_shared>>
    tpu.wait_indirect_dma semaphore(%arg17 : memref<!tpu.dma_semaphore, #tpu.memory_space<semaphore_mem>>) src(%arg6 : memref<200x16xi16, #tpu.memory_space<vmem>>) dst(%dma_wait3A_319 : memref<10240x16xi16, #tpu.memory_space<vmem_shared>>)
    %dma_wait3A_320 = arith.constant 0 : i32
    %dma_wait3A_321 = arith.constant 0 : i32
    %dma_wait3A_322 = tpu.memref_slice %arg5[%dma_wait3A_320, %dma_wait3A_321] : memref<50x200xi32, #tpu.memory_space<vmem>> -> memref<1x200xi32, #tpu.memory_space<vmem>>
    %dma_wait3A_323 = tpu.memref_squeeze %dma_wait3A_322 : memref<1x200xi32, #tpu.memory_space<vmem>> -> memref<200xi32, #tpu.memory_space<vmem>>
    %dma_wait3A_324 = arith.constant 0 : i32
    %dma_wait3A_325 = arith.constant 0 : i32
    %dma_wait3A_326 = tpu.memref_slice %arg4[%dma_wait3A_324, %dma_wait3A_325] : memref<10240x16xi16, #tpu.memory_space<vmem_shared>> -> memref<10240x16xi16, #tpu.memory_space<vmem_shared>>
    tpu.wait_indirect_dma semaphore(%arg8 : memref<!tpu.dma_semaphore, #tpu.memory_space<semaphore_mem>>) src(%arg6 : memref<200x16xi16, #tpu.memory_space<vmem>>) dst(%dma_wait3A_326 : memref<10240x16xi16, #tpu.memory_space<vmem_shared>>)
    %dma_wait3A_327 = arith.constant 0 : i32
    %dma_wait3A_328 = arith.constant 0 : i32
    %dma_wait3A_329 = tpu.memref_slice %arg5[%dma_wait3A_327, %dma_wait3A_328] : memref<50x200xi32, #tpu.memory_space<vmem>> -> memref<1x200xi32, #tpu.memory_space<vmem>>
    %dma_wait3A_330 = tpu.memref_squeeze %dma_wait3A_329 : memref<1x200xi32, #tpu.memory_space<vmem>> -> memref<200xi32, #tpu.memory_space<vmem>>
    %dma_wait3A_331 = arith.constant 0 : i32
    %dma_wait3A_332 = arith.constant 0 : i32
    %dma_wait3A_333 = tpu.memref_slice %arg4[%dma_wait3A_331, %dma_wait3A_332] : memref<10240x16xi16, #tpu.memory_space<vmem_shared>> -> memref<10240x16xi16, #tpu.memory_space<vmem_shared>>
    tpu.wait_indirect_dma semaphore(%arg9 : memref<!tpu.dma_semaphore, #tpu.memory_space<semaphore_mem>>) src(%arg6 : memref<200x16xi16, #tpu.memory_space<vmem>>) dst(%dma_wait3A_333 : memref<10240x16xi16, #tpu.memory_space<vmem_shared>>)
    %dma_wait3A_334 = arith.constant 0 : i32
    %dma_wait3A_335 = arith.constant 0 : i32
    %dma_wait3A_336 = tpu.memref_slice %arg5[%dma_wait3A_334, %dma_wait3A_335] : memref<50x200xi32, #tpu.memory_space<vmem>> -> memref<1x200xi32, #tpu.memory_space<vmem>>
    %dma_wait3A_337 = tpu.memref_squeeze %dma_wait3A_336 : memref<1x200xi32, #tpu.memory_space<vmem>> -> memref<200xi32, #tpu.memory_space<vmem>>
    %dma_wait3A_338 = arith.constant 0 : i32
    %dma_wait3A_339 = arith.constant 0 : i32
    %dma_wait3A_340 = tpu.memref_slice %arg4[%dma_wait3A_338, %dma_wait3A_339] : memref<10240x16xi16, #tpu.memory_space<vmem_shared>> -> memref<10240x16xi16, #tpu.memory_space<vmem_shared>>
    tpu.wait_indirect_dma semaphore(%arg10 : memref<!tpu.dma_semaphore, #tpu.memory_space<semaphore_mem>>) src(%arg6 : memref<200x16xi16, #tpu.memory_space<vmem>>) dst(%dma_wait3A_340 : memref<10240x16xi16, #tpu.memory_space<vmem_shared>>)
    %dma_wait3A_341 = arith.constant 0 : i32
    %dma_wait3A_342 = arith.constant 0 : i32
    %dma_wait3A_343 = tpu.memref_slice %arg5[%dma_wait3A_341, %dma_wait3A_342] : memref<50x200xi32, #tpu.memory_space<vmem>> -> memref<1x200xi32, #tpu.memory_space<vmem>>
    %dma_wait3A_344 = tpu.memref_squeeze %dma_wait3A_343 : memref<1x200xi32, #tpu.memory_space<vmem>> -> memref<200xi32, #tpu.memory_space<vmem>>
    %dma_wait3A_345 = arith.constant 0 : i32
    %dma_wait3A_346 = arith.constant 0 : i32
    %dma_wait3A_347 = tpu.memref_slice %arg4[%dma_wait3A_345, %dma_wait3A_346] : memref<10240x16xi16, #tpu.memory_space<vmem_shared>> -> memref<10240x16xi16, #tpu.memory_space<vmem_shared>>
    tpu.wait_indirect_dma semaphore(%arg11 : memref<!tpu.dma_semaphore, #tpu.memory_space<semaphore_mem>>) src(%arg6 : memref<200x16xi16, #tpu.memory_space<vmem>>) dst(%dma_wait3A_347 : memref<10240x16xi16, #tpu.memory_space<vmem_shared>>)
    %dma_wait3A_348 = arith.constant 0 : i32
    %dma_wait3A_349 = arith.constant 0 : i32
    %dma_wait3A_350 = tpu.memref_slice %arg5[%dma_wait3A_348, %dma_wait3A_349] : memref<50x200xi32, #tpu.memory_space<vmem>> -> memref<1x200xi32, #tpu.memory_space<vmem>>
    %dma_wait3A_351 = tpu.memref_squeeze %dma_wait3A_350 : memref<1x200xi32, #tpu.memory_space<vmem>> -> memref<200xi32, #tpu.memory_space<vmem>>
    %dma_wait3A_352 = arith.constant 0 : i32
    %dma_wait3A_353 = arith.constant 0 : i32
    %dma_wait3A_354 = tpu.memref_slice %arg4[%dma_wait3A_352, %dma_wait3A_353] : memref<10240x16xi16, #tpu.memory_space<vmem_shared>> -> memref<10240x16xi16, #tpu.memory_space<vmem_shared>>
    tpu.wait_indirect_dma semaphore(%arg12 : memref<!tpu.dma_semaphore, #tpu.memory_space<semaphore_mem>>) src(%arg6 : memref<200x16xi16, #tpu.memory_space<vmem>>) dst(%dma_wait3A_354 : memref<10240x16xi16, #tpu.memory_space<vmem_shared>>)
    %dma_wait3A_355 = arith.constant 0 : i32
    %dma_wait3A_356 = arith.constant 0 : i32
    %dma_wait3A_357 = tpu.memref_slice %arg5[%dma_wait3A_355, %dma_wait3A_356] : memref<50x200xi32, #tpu.memory_space<vmem>> -> memref<1x200xi32, #tpu.memory_space<vmem>>
    %dma_wait3A_358 = tpu.memref_squeeze %dma_wait3A_357 : memref<1x200xi32, #tpu.memory_space<vmem>> -> memref<200xi32, #tpu.memory_space<vmem>>
    %dma_wait3A_359 = arith.constant 0 : i32
    %dma_wait3A_360 = arith.constant 0 : i32
    %dma_wait3A_361 = tpu.memref_slice %arg4[%dma_wait3A_359, %dma_wait3A_360] : memref<10240x16xi16, #tpu.memory_space<vmem_shared>> -> memref<10240x16xi16, #tpu.memory_space<vmem_shared>>
    tpu.wait_indirect_dma semaphore(%arg13 : memref<!tpu.dma_semaphore, #tpu.memory_space<semaphore_mem>>) src(%arg6 : memref<200x16xi16, #tpu.memory_space<vmem>>) dst(%dma_wait3A_361 : memref<10240x16xi16, #tpu.memory_space<vmem_shared>>)
    %dma_wait3A_362 = arith.constant 0 : i32
    %dma_wait3A_363 = arith.constant 0 : i32
    %dma_wait3A_364 = tpu.memref_slice %arg5[%dma_wait3A_362, %dma_wait3A_363] : memref<50x200xi32, #tpu.memory_space<vmem>> -> memref<1x200xi32, #tpu.memory_space<vmem>>
    %dma_wait3A_365 = tpu.memref_squeeze %dma_wait3A_364 : memref<1x200xi32, #tpu.memory_space<vmem>> -> memref<200xi32, #tpu.memory_space<vmem>>
    %dma_wait3A_366 = arith.constant 0 : i32
    %dma_wait3A_367 = arith.constant 0 : i32
    %dma_wait3A_368 = tpu.memref_slice %arg4[%dma_wait3A_366, %dma_wait3A_367] : memref<10240x16xi16, #tpu.memory_space<vmem_shared>> -> memref<10240x16xi16, #tpu.memory_space<vmem_shared>>
    tpu.wait_indirect_dma semaphore(%arg14 : memref<!tpu.dma_semaphore, #tpu.memory_space<semaphore_mem>>) src(%arg6 : memref<200x16xi16, #tpu.memory_space<vmem>>) dst(%dma_wait3A_368 : memref<10240x16xi16, #tpu.memory_space<vmem_shared>>)
    %dma_wait3A_369 = arith.constant 0 : i32
    %dma_wait3A_370 = arith.constant 0 : i32
    %dma_wait3A_371 = tpu.memref_slice %arg5[%dma_wait3A_369, %dma_wait3A_370] : memref<50x200xi32, #tpu.memory_space<vmem>> -> memref<1x200xi32, #tpu.memory_space<vmem>>
    %dma_wait3A_372 = tpu.memref_squeeze %dma_wait3A_371 : memref<1x200xi32, #tpu.memory_space<vmem>> -> memref<200xi32, #tpu.memory_space<vmem>>
    %dma_wait3A_373 = arith.constant 0 : i32
    %dma_wait3A_374 = arith.constant 0 : i32
    %dma_wait3A_375 = tpu.memref_slice %arg4[%dma_wait3A_373, %dma_wait3A_374] : memref<10240x16xi16, #tpu.memory_space<vmem_shared>> -> memref<10240x16xi16, #tpu.memory_space<vmem_shared>>
    tpu.wait_indirect_dma semaphore(%arg15 : memref<!tpu.dma_semaphore, #tpu.memory_space<semaphore_mem>>) src(%arg6 : memref<200x16xi16, #tpu.memory_space<vmem>>) dst(%dma_wait3A_375 : memref<10240x16xi16, #tpu.memory_space<vmem_shared>>)
    %dma_wait3A_376 = arith.constant 0 : i32
    %dma_wait3A_377 = arith.constant 0 : i32
    %dma_wait3A_378 = tpu.memref_slice %arg5[%dma_wait3A_376, %dma_wait3A_377] : memref<50x200xi32, #tpu.memory_space<vmem>> -> memref<1x200xi32, #tpu.memory_space<vmem>>
    %dma_wait3A_379 = tpu.memref_squeeze %dma_wait3A_378 : memref<1x200xi32, #tpu.memory_space<vmem>> -> memref<200xi32, #tpu.memory_space<vmem>>
    %dma_wait3A_380 = arith.constant 0 : i32
    %dma_wait3A_381 = arith.constant 0 : i32
    %dma_wait3A_382 = tpu.memref_slice %arg4[%dma_wait3A_380, %dma_wait3A_381] : memref<10240x16xi16, #tpu.memory_space<vmem_shared>> -> memref<10240x16xi16, #tpu.memory_space<vmem_shared>>
    tpu.wait_indirect_dma semaphore(%arg16 : memref<!tpu.dma_semaphore, #tpu.memory_space<semaphore_mem>>) src(%arg6 : memref<200x16xi16, #tpu.memory_space<vmem>>) dst(%dma_wait3A_382 : memref<10240x16xi16, #tpu.memory_space<vmem_shared>>)
    %dma_wait3A_383 = arith.constant 0 : i32
    %dma_wait3A_384 = arith.constant 0 : i32
    %dma_wait3A_385 = tpu.memref_slice %arg5[%dma_wait3A_383, %dma_wait3A_384] : memref<50x200xi32, #tpu.memory_space<vmem>> -> memref<1x200xi32, #tpu.memory_space<vmem>>
    %dma_wait3A_386 = tpu.memref_squeeze %dma_wait3A_385 : memref<1x200xi32, #tpu.memory_space<vmem>> -> memref<200xi32, #tpu.memory_space<vmem>>
    %dma_wait3A_387 = arith.constant 0 : i32
    %dma_wait3A_388 = arith.constant 0 : i32
    %dma_wait3A_389 = tpu.memref_slice %arg4[%dma_wait3A_387, %dma_wait3A_388] : memref<10240x16xi16, #tpu.memory_space<vmem_shared>> -> memref<10240x16xi16, #tpu.memory_space<vmem_shared>>
    tpu.wait_indirect_dma semaphore(%arg17 : memref<!tpu.dma_semaphore, #tpu.memory_space<semaphore_mem>>) src(%arg6 : memref<200x16xi16, #tpu.memory_space<vmem>>) dst(%dma_wait3A_389 : memref<10240x16xi16, #tpu.memory_space<vmem_shared>>)
    %barrier3A_390 = arith.constant 0 : index
    tpu.barrier barrier_id(%barrier3A_390)
    %mul3A_391 = arith.constant 640 : i32
    %mul3A_392 = arith.muli %arg1, %mul3A_391 : i32
    %mul3A_393 = arith.constant 640 : i32
    %mul3A_394 = arith.muli %arg1, %mul3A_393 : i32
    "tpu.region"() ({
      %run_scoped3A_395 = tpu.sem_alloc : memref<!tpu.dma_semaphore, #tpu.memory_space<semaphore_mem>>
      %dma_start3A = arith.constant 0 : i32
      %dma_start3A_396 = tpu.memref_slice %arg3[%arg0, %mul3A_394, %dma_start3A] : memref<2x10240x16xi16, #tpu.memory_space<hbm>> -> memref<1x640x16xi16, #tpu.memory_space<hbm>>
      %dma_start3A_397 = tpu.memref_squeeze %dma_start3A_396 : memref<1x640x16xi16, #tpu.memory_space<hbm>> -> memref<640x16xi16, #tpu.memory_space<hbm>>
      %dma_start3A_398 = arith.constant 0 : i32
      %dma_start3A_399 = tpu.memref_slice %arg4[%mul3A_392, %dma_start3A_398] : memref<10240x16xi16, #tpu.memory_space<vmem_shared>> -> memref<640x16xi16, #tpu.memory_space<vmem_shared>>
      tpu.enqueue_dma source(%dma_start3A_399 : memref<640x16xi16, #tpu.memory_space<vmem_shared>>) target(%dma_start3A_397 : memref<640x16xi16, #tpu.memory_space<hbm>>) target_semaphore(%run_scoped3A_395 : memref<!tpu.dma_semaphore, #tpu.memory_space<semaphore_mem>>)
      %dma_wait3A_400 = arith.constant 0 : i32
      %dma_wait3A_401 = tpu.memref_slice %arg3[%arg0, %mul3A_394, %dma_wait3A_400] : memref<2x10240x16xi16, #tpu.memory_space<hbm>> -> memref<1x640x16xi16, #tpu.memory_space<hbm>>
      %dma_wait3A_402 = tpu.memref_squeeze %dma_wait3A_401 : memref<1x640x16xi16, #tpu.memory_space<hbm>> -> memref<640x16xi16, #tpu.memory_space<hbm>>
      %dma_wait3A_403 = arith.constant 0 : i32
      %dma_wait3A_404 = tpu.memref_slice %arg4[%mul3A_392, %dma_wait3A_403] : memref<10240x16xi16, #tpu.memory_space<vmem_shared>> -> memref<640x16xi16, #tpu.memory_space<vmem_shared>>
      tpu.wait_dma2 semaphore(%run_scoped3A_395 : memref<!tpu.dma_semaphore, #tpu.memory_space<semaphore_mem>>) src(%dma_wait3A_404 : memref<640x16xi16, #tpu.memory_space<vmem_shared>>) dst(%dma_wait3A_402 : memref<640x16xi16, #tpu.memory_space<hbm>>)
      tpu.yield
    }) : () -> ()
    return
  }
}

#map = affine_map<(d0, d1) -> (0, 0)>
#map1 = affine_map<(d0, d1) -> (0, 0, 0, 0)>
#map2 = affine_map<(d0, d1) -> (0, 0, 0)>
module attributes {stable_mosaic.version = 14 : i64} {
  func.func @_seg_body(%arg0: i32, %arg1: i32, %arg2: memref<10240x16xf32, #tpu.memory_space<hbm>>, %arg3: memref<2x32x50x200xi32, #tpu.memory_space<hbm>>, %arg4: memref<2x10240x16xf32, #tpu.memory_space<hbm>>, %arg5: memref<10240x16xf32, #tpu.memory_space<vmem_shared>>, %arg6: memref<50x200xi32, #tpu.memory_space<vmem>>, %arg7: memref<50x200xi32, #tpu.memory_space<vmem>>, %arg8: memref<10x200x16xf32, #tpu.memory_space<vmem>>, %arg9: memref<128x16xf32, #tpu.memory_space<vmem>>, %arg10: memref<!tpu.dma_semaphore, #tpu.memory_space<semaphore_mem>>, %arg11: memref<!tpu.dma_semaphore, #tpu.memory_space<semaphore_mem>>, %arg12: memref<!tpu.dma_semaphore, #tpu.memory_space<semaphore_mem>>, %arg13: memref<!tpu.dma_semaphore, #tpu.memory_space<semaphore_mem>>, %arg14: memref<!tpu.dma_semaphore, #tpu.memory_space<semaphore_mem>>, %arg15: memref<!tpu.dma_semaphore, #tpu.memory_space<semaphore_mem>>, %arg16: memref<!tpu.dma_semaphore, #tpu.memory_space<semaphore_mem>>, %arg17: memref<!tpu.dma_semaphore, #tpu.memory_space<semaphore_mem>>, %arg18: memref<!tpu.dma_semaphore, #tpu.memory_space<semaphore_mem>>, %arg19: memref<!tpu.dma_semaphore, #tpu.memory_space<semaphore_mem>>, %arg20: memref<!tpu.dma_semaphore, #tpu.memory_space<semaphore_mem>>, %arg21: memref<!tpu.dma_semaphore, #tpu.memory_space<semaphore_mem>>, %arg22: memref<!tpu.dma_semaphore, #tpu.memory_space<semaphore_mem>>, %arg23: memref<!tpu.dma_semaphore, #tpu.memory_space<semaphore_mem>>, %arg24: memref<!tpu.dma_semaphore, #tpu.memory_space<semaphore_mem>>, %arg25: memref<!tpu.dma_semaphore, #tpu.memory_space<semaphore_mem>>, %arg26: memref<!tpu.dma_semaphore, #tpu.memory_space<semaphore_mem>>, %arg27: memref<!tpu.dma_semaphore, #tpu.memory_space<semaphore_mem>>, %arg28: memref<!tpu.dma_semaphore, #tpu.memory_space<semaphore_mem>>, %arg29: memref<!tpu.dma_semaphore, #tpu.memory_space<semaphore_mem>>) attributes {dimension_semantics = [#tpu.dimension_semantics<core_parallel>, #tpu.dimension_semantics<subcore_parallel>], iteration_bounds = array<i64: 2, 16>, scalar_prefetch = 0 : i64, scratch_operands = 25 : i64, tpu.core_type = #tpu.core_type<sc_vector_subcore>, window_params = [{transform_indices = #map}, {transform_indices = #map1}, {transform_indices = #map2}]} {
    %mul3A = arith.constant 2 : i32
    %mul3A_0 = arith.muli %arg1, %mul3A : i32
    %add3A = arith.addi %mul3A_0, %arg0 : i32
    %broadcast_in_dim3A = arith.constant 0.000000e+00 : f32
    %broadcast_in_dim3A_1 = vector.broadcast %broadcast_in_dim3A : f32 to vector<16xf32>
    %scan3A = arith.constant 0 : i32
    %scan3A_2 = arith.constant 0 : i32
    %scan3A_3 = arith.constant 128 : i32
    %scan3A_4 = arith.addi %scan3A_2, %scan3A_3 : i32
    %scan3A_5 = arith.constant 1 : i32
    scf.for %scan3A_158 = %scan3A_2 to %scan3A_4 step %scan3A_5  : i32 {
      %swap3A = arith.index_cast %scan3A_158 : i32 to index
      %swap3A_159 = arith.constant 0 : index
      %swap3A_160 = tpu.vector_load %arg9[%swap3A, %swap3A_159] {strides = array<i32>} : memref<128x16xf32, #tpu.memory_space<vmem>>, vector<1x16xf32>,
      %swap3A_161 = vector.shape_cast %swap3A_160 : vector<1x16xf32> to vector<16xf32>
      %swap3A_162 = vector.shape_cast %broadcast_in_dim3A_1 : vector<16xf32> to vector<1x16xf32>
      tpu.vector_store %arg9[%swap3A, %swap3A_159], %swap3A_162 {strides = array<i32>} : memref<128x16xf32, #tpu.memory_space<vmem>>, vector<1x16xf32>,
    }
    %scan3A_6 = arith.constant 128 : i32
    %mul3A_7 = arith.constant 640 : i32
    %mul3A_8 = arith.muli %arg1, %mul3A_7 : i32
    %add3A_9 = arith.constant 0 : i32
    %add3A_10 = arith.addi %mul3A_8, %add3A_9 : i32
    "tpu.region"() ({
      %run_scoped3A_158 = tpu.sem_alloc : memref<!tpu.dma_semaphore, #tpu.memory_space<semaphore_mem>>
      %dma_start3A = arith.constant 0 : i32
      %dma_start3A_159 = tpu.memref_slice %arg5[%add3A_10, %dma_start3A] : memref<10240x16xf32, #tpu.memory_space<vmem_shared>> -> memref<128x16xf32, #tpu.memory_space<vmem_shared>>
      %dma_start3A_160 = arith.constant 0 : i32
      %dma_start3A_161 = tpu.memref_slice %arg5[%add3A_10, %dma_start3A_160] : memref<10240x16xf32, #tpu.memory_space<vmem_shared>> -> memref<128x16xf32, #tpu.memory_space<vmem_shared>>
      tpu.enqueue_dma source(%arg9 : memref<128x16xf32, #tpu.memory_space<vmem>>) target(%dma_start3A_161 : memref<128x16xf32, #tpu.memory_space<vmem_shared>>) target_semaphore(%run_scoped3A_158 : memref<!tpu.dma_semaphore, #tpu.memory_space<semaphore_mem>>)
      %dma_wait3A_162 = arith.constant 0 : i32
      %dma_wait3A_163 = tpu.memref_slice %arg5[%add3A_10, %dma_wait3A_162] : memref<10240x16xf32, #tpu.memory_space<vmem_shared>> -> memref<128x16xf32, #tpu.memory_space<vmem_shared>>
      %dma_wait3A_164 = arith.constant 0 : i32
      %dma_wait3A_165 = tpu.memref_slice %arg5[%add3A_10, %dma_wait3A_164] : memref<10240x16xf32, #tpu.memory_space<vmem_shared>> -> memref<128x16xf32, #tpu.memory_space<vmem_shared>>
      tpu.wait_dma2 semaphore(%run_scoped3A_158 : memref<!tpu.dma_semaphore, #tpu.memory_space<semaphore_mem>>) src(%arg9 : memref<128x16xf32, #tpu.memory_space<vmem>>) dst(%dma_wait3A_165 : memref<128x16xf32, #tpu.memory_space<vmem_shared>>)
      tpu.yield
    }) : () -> ()
    %mul3A_11 = arith.constant 640 : i32
    %mul3A_12 = arith.muli %arg1, %mul3A_11 : i32
    %add3A_13 = arith.constant 128 : i32
    %add3A_14 = arith.addi %mul3A_12, %add3A_13 : i32
    "tpu.region"() ({
      %run_scoped3A_158 = tpu.sem_alloc : memref<!tpu.dma_semaphore, #tpu.memory_space<semaphore_mem>>
      %dma_start3A = arith.constant 0 : i32
      %dma_start3A_159 = tpu.memref_slice %arg5[%add3A_14, %dma_start3A] : memref<10240x16xf32, #tpu.memory_space<vmem_shared>> -> memref<128x16xf32, #tpu.memory_space<vmem_shared>>
      %dma_start3A_160 = arith.constant 0 : i32
      %dma_start3A_161 = tpu.memref_slice %arg5[%add3A_14, %dma_start3A_160] : memref<10240x16xf32, #tpu.memory_space<vmem_shared>> -> memref<128x16xf32, #tpu.memory_space<vmem_shared>>
      tpu.enqueue_dma source(%arg9 : memref<128x16xf32, #tpu.memory_space<vmem>>) target(%dma_start3A_161 : memref<128x16xf32, #tpu.memory_space<vmem_shared>>) target_semaphore(%run_scoped3A_158 : memref<!tpu.dma_semaphore, #tpu.memory_space<semaphore_mem>>)
      %dma_wait3A_162 = arith.constant 0 : i32
      %dma_wait3A_163 = tpu.memref_slice %arg5[%add3A_14, %dma_wait3A_162] : memref<10240x16xf32, #tpu.memory_space<vmem_shared>> -> memref<128x16xf32, #tpu.memory_space<vmem_shared>>
      %dma_wait3A_164 = arith.constant 0 : i32
      %dma_wait3A_165 = tpu.memref_slice %arg5[%add3A_14, %dma_wait3A_164] : memref<10240x16xf32, #tpu.memory_space<vmem_shared>> -> memref<128x16xf32, #tpu.memory_space<vmem_shared>>
      tpu.wait_dma2 semaphore(%run_scoped3A_158 : memref<!tpu.dma_semaphore, #tpu.memory_space<semaphore_mem>>) src(%arg9 : memref<128x16xf32, #tpu.memory_space<vmem>>) dst(%dma_wait3A_165 : memref<128x16xf32, #tpu.memory_space<vmem_shared>>)
      tpu.yield
    }) : () -> ()
    %mul3A_15 = arith.constant 640 : i32
    %mul3A_16 = arith.muli %arg1, %mul3A_15 : i32
    %add3A_17 = arith.constant 256 : i32
    %add3A_18 = arith.addi %mul3A_16, %add3A_17 : i32
    "tpu.region"() ({
      %run_scoped3A_158 = tpu.sem_alloc : memref<!tpu.dma_semaphore, #tpu.memory_space<semaphore_mem>>
      %dma_start3A = arith.constant 0 : i32
      %dma_start3A_159 = tpu.memref_slice %arg5[%add3A_18, %dma_start3A] : memref<10240x16xf32, #tpu.memory_space<vmem_shared>> -> memref<128x16xf32, #tpu.memory_space<vmem_shared>>
      %dma_start3A_160 = arith.constant 0 : i32
      %dma_start3A_161 = tpu.memref_slice %arg5[%add3A_18, %dma_start3A_160] : memref<10240x16xf32, #tpu.memory_space<vmem_shared>> -> memref<128x16xf32, #tpu.memory_space<vmem_shared>>
      tpu.enqueue_dma source(%arg9 : memref<128x16xf32, #tpu.memory_space<vmem>>) target(%dma_start3A_161 : memref<128x16xf32, #tpu.memory_space<vmem_shared>>) target_semaphore(%run_scoped3A_158 : memref<!tpu.dma_semaphore, #tpu.memory_space<semaphore_mem>>)
      %dma_wait3A_162 = arith.constant 0 : i32
      %dma_wait3A_163 = tpu.memref_slice %arg5[%add3A_18, %dma_wait3A_162] : memref<10240x16xf32, #tpu.memory_space<vmem_shared>> -> memref<128x16xf32, #tpu.memory_space<vmem_shared>>
      %dma_wait3A_164 = arith.constant 0 : i32
      %dma_wait3A_165 = tpu.memref_slice %arg5[%add3A_18, %dma_wait3A_164] : memref<10240x16xf32, #tpu.memory_space<vmem_shared>> -> memref<128x16xf32, #tpu.memory_space<vmem_shared>>
      tpu.wait_dma2 semaphore(%run_scoped3A_158 : memref<!tpu.dma_semaphore, #tpu.memory_space<semaphore_mem>>) src(%arg9 : memref<128x16xf32, #tpu.memory_space<vmem>>) dst(%dma_wait3A_165 : memref<128x16xf32, #tpu.memory_space<vmem_shared>>)
      tpu.yield
    }) : () -> ()
    %mul3A_19 = arith.constant 640 : i32
    %mul3A_20 = arith.muli %arg1, %mul3A_19 : i32
    %add3A_21 = arith.constant 384 : i32
    %add3A_22 = arith.addi %mul3A_20, %add3A_21 : i32
    "tpu.region"() ({
      %run_scoped3A_158 = tpu.sem_alloc : memref<!tpu.dma_semaphore, #tpu.memory_space<semaphore_mem>>
      %dma_start3A = arith.constant 0 : i32
      %dma_start3A_159 = tpu.memref_slice %arg5[%add3A_22, %dma_start3A] : memref<10240x16xf32, #tpu.memory_space<vmem_shared>> -> memref<128x16xf32, #tpu.memory_space<vmem_shared>>
      %dma_start3A_160 = arith.constant 0 : i32
      %dma_start3A_161 = tpu.memref_slice %arg5[%add3A_22, %dma_start3A_160] : memref<10240x16xf32, #tpu.memory_space<vmem_shared>> -> memref<128x16xf32, #tpu.memory_space<vmem_shared>>
      tpu.enqueue_dma source(%arg9 : memref<128x16xf32, #tpu.memory_space<vmem>>) target(%dma_start3A_161 : memref<128x16xf32, #tpu.memory_space<vmem_shared>>) target_semaphore(%run_scoped3A_158 : memref<!tpu.dma_semaphore, #tpu.memory_space<semaphore_mem>>)
      %dma_wait3A_162 = arith.constant 0 : i32
      %dma_wait3A_163 = tpu.memref_slice %arg5[%add3A_22, %dma_wait3A_162] : memref<10240x16xf32, #tpu.memory_space<vmem_shared>> -> memref<128x16xf32, #tpu.memory_space<vmem_shared>>
      %dma_wait3A_164 = arith.constant 0 : i32
      %dma_wait3A_165 = tpu.memref_slice %arg5[%add3A_22, %dma_wait3A_164] : memref<10240x16xf32, #tpu.memory_space<vmem_shared>> -> memref<128x16xf32, #tpu.memory_space<vmem_shared>>
      tpu.wait_dma2 semaphore(%run_scoped3A_158 : memref<!tpu.dma_semaphore, #tpu.memory_space<semaphore_mem>>) src(%arg9 : memref<128x16xf32, #tpu.memory_space<vmem>>) dst(%dma_wait3A_165 : memref<128x16xf32, #tpu.memory_space<vmem_shared>>)
      tpu.yield
    }) : () -> ()
    %mul3A_23 = arith.constant 640 : i32
    %mul3A_24 = arith.muli %arg1, %mul3A_23 : i32
    %add3A_25 = arith.constant 512 : i32
    %add3A_26 = arith.addi %mul3A_24, %add3A_25 : i32
    "tpu.region"() ({
      %run_scoped3A_158 = tpu.sem_alloc : memref<!tpu.dma_semaphore, #tpu.memory_space<semaphore_mem>>
      %dma_start3A = arith.constant 0 : i32
      %dma_start3A_159 = tpu.memref_slice %arg5[%add3A_26, %dma_start3A] : memref<10240x16xf32, #tpu.memory_space<vmem_shared>> -> memref<128x16xf32, #tpu.memory_space<vmem_shared>>
      %dma_start3A_160 = arith.constant 0 : i32
      %dma_start3A_161 = tpu.memref_slice %arg5[%add3A_26, %dma_start3A_160] : memref<10240x16xf32, #tpu.memory_space<vmem_shared>> -> memref<128x16xf32, #tpu.memory_space<vmem_shared>>
      tpu.enqueue_dma source(%arg9 : memref<128x16xf32, #tpu.memory_space<vmem>>) target(%dma_start3A_161 : memref<128x16xf32, #tpu.memory_space<vmem_shared>>) target_semaphore(%run_scoped3A_158 : memref<!tpu.dma_semaphore, #tpu.memory_space<semaphore_mem>>)
      %dma_wait3A_162 = arith.constant 0 : i32
      %dma_wait3A_163 = tpu.memref_slice %arg5[%add3A_26, %dma_wait3A_162] : memref<10240x16xf32, #tpu.memory_space<vmem_shared>> -> memref<128x16xf32, #tpu.memory_space<vmem_shared>>
      %dma_wait3A_164 = arith.constant 0 : i32
      %dma_wait3A_165 = tpu.memref_slice %arg5[%add3A_26, %dma_wait3A_164] : memref<10240x16xf32, #tpu.memory_space<vmem_shared>> -> memref<128x16xf32, #tpu.memory_space<vmem_shared>>
      tpu.wait_dma2 semaphore(%run_scoped3A_158 : memref<!tpu.dma_semaphore, #tpu.memory_space<semaphore_mem>>) src(%arg9 : memref<128x16xf32, #tpu.memory_space<vmem>>) dst(%dma_wait3A_165 : memref<128x16xf32, #tpu.memory_space<vmem_shared>>)
      tpu.yield
    }) : () -> ()
    %run_scoped3A = arith.constant 0 : i32
    "tpu.region"() ({
      %run_scoped3A_158 = tpu.sem_alloc : memref<!tpu.dma_semaphore, #tpu.memory_space<semaphore_mem>>
      %dma_start3A = arith.constant 0 : i32
      %dma_start3A_159 = arith.constant 0 : i32
      %dma_start3A_160 = tpu.memref_slice %arg3[%run_scoped3A, %add3A, %dma_start3A, %dma_start3A_159] : memref<2x32x50x200xi32, #tpu.memory_space<hbm>> -> memref<1x1x50x200xi32, #tpu.memory_space<hbm>>
      %dma_start3A_161 = tpu.memref_squeeze %dma_start3A_160 : memref<1x1x50x200xi32, #tpu.memory_space<hbm>> -> memref<50x200xi32, #tpu.memory_space<hbm>>
      %dma_start3A_162 = arith.constant 0 : i32
      %dma_start3A_163 = arith.constant 0 : i32
      %dma_start3A_164 = tpu.memref_slice %arg3[%run_scoped3A, %add3A, %dma_start3A_162, %dma_start3A_163] : memref<2x32x50x200xi32, #tpu.memory_space<hbm>> -> memref<1x1x50x200xi32, #tpu.memory_space<hbm>>
      %dma_start3A_165 = tpu.memref_squeeze %dma_start3A_164 : memref<1x1x50x200xi32, #tpu.memory_space<hbm>> -> memref<50x200xi32, #tpu.memory_space<hbm>>
      tpu.enqueue_dma source(%dma_start3A_165 : memref<50x200xi32, #tpu.memory_space<hbm>>) target(%arg6 : memref<50x200xi32, #tpu.memory_space<vmem>>) target_semaphore(%run_scoped3A_158 : memref<!tpu.dma_semaphore, #tpu.memory_space<semaphore_mem>>)
      %dma_wait3A_166 = arith.constant 0 : i32
      %dma_wait3A_167 = arith.constant 0 : i32
      %dma_wait3A_168 = tpu.memref_slice %arg3[%run_scoped3A, %add3A, %dma_wait3A_166, %dma_wait3A_167] : memref<2x32x50x200xi32, #tpu.memory_space<hbm>> -> memref<1x1x50x200xi32, #tpu.memory_space<hbm>>
      %dma_wait3A_169 = tpu.memref_squeeze %dma_wait3A_168 : memref<1x1x50x200xi32, #tpu.memory_space<hbm>> -> memref<50x200xi32, #tpu.memory_space<hbm>>
      %dma_wait3A_170 = arith.constant 0 : i32
      %dma_wait3A_171 = arith.constant 0 : i32
      %dma_wait3A_172 = tpu.memref_slice %arg3[%run_scoped3A, %add3A, %dma_wait3A_170, %dma_wait3A_171] : memref<2x32x50x200xi32, #tpu.memory_space<hbm>> -> memref<1x1x50x200xi32, #tpu.memory_space<hbm>>
      %dma_wait3A_173 = tpu.memref_squeeze %dma_wait3A_172 : memref<1x1x50x200xi32, #tpu.memory_space<hbm>> -> memref<50x200xi32, #tpu.memory_space<hbm>>
      tpu.wait_dma2 semaphore(%run_scoped3A_158 : memref<!tpu.dma_semaphore, #tpu.memory_space<semaphore_mem>>) src(%dma_wait3A_173 : memref<50x200xi32, #tpu.memory_space<hbm>>) dst(%arg6 : memref<50x200xi32, #tpu.memory_space<vmem>>)
      tpu.yield
    }) : () -> ()
    %run_scoped3A_27 = arith.constant 1 : i32
    "tpu.region"() ({
      %run_scoped3A_158 = tpu.sem_alloc : memref<!tpu.dma_semaphore, #tpu.memory_space<semaphore_mem>>
      %dma_start3A = arith.constant 0 : i32
      %dma_start3A_159 = arith.constant 0 : i32
      %dma_start3A_160 = tpu.memref_slice %arg3[%run_scoped3A_27, %add3A, %dma_start3A, %dma_start3A_159] : memref<2x32x50x200xi32, #tpu.memory_space<hbm>> -> memref<1x1x50x200xi32, #tpu.memory_space<hbm>>
      %dma_start3A_161 = tpu.memref_squeeze %dma_start3A_160 : memref<1x1x50x200xi32, #tpu.memory_space<hbm>> -> memref<50x200xi32, #tpu.memory_space<hbm>>
      %dma_start3A_162 = arith.constant 0 : i32
      %dma_start3A_163 = arith.constant 0 : i32
      %dma_start3A_164 = tpu.memref_slice %arg3[%run_scoped3A_27, %add3A, %dma_start3A_162, %dma_start3A_163] : memref<2x32x50x200xi32, #tpu.memory_space<hbm>> -> memref<1x1x50x200xi32, #tpu.memory_space<hbm>>
      %dma_start3A_165 = tpu.memref_squeeze %dma_start3A_164 : memref<1x1x50x200xi32, #tpu.memory_space<hbm>> -> memref<50x200xi32, #tpu.memory_space<hbm>>
      tpu.enqueue_dma source(%dma_start3A_165 : memref<50x200xi32, #tpu.memory_space<hbm>>) target(%arg7 : memref<50x200xi32, #tpu.memory_space<vmem>>) target_semaphore(%run_scoped3A_158 : memref<!tpu.dma_semaphore, #tpu.memory_space<semaphore_mem>>)
      %dma_wait3A_166 = arith.constant 0 : i32
      %dma_wait3A_167 = arith.constant 0 : i32
      %dma_wait3A_168 = tpu.memref_slice %arg3[%run_scoped3A_27, %add3A, %dma_wait3A_166, %dma_wait3A_167] : memref<2x32x50x200xi32, #tpu.memory_space<hbm>> -> memref<1x1x50x200xi32, #tpu.memory_space<hbm>>
      %dma_wait3A_169 = tpu.memref_squeeze %dma_wait3A_168 : memref<1x1x50x200xi32, #tpu.memory_space<hbm>> -> memref<50x200xi32, #tpu.memory_space<hbm>>
      %dma_wait3A_170 = arith.constant 0 : i32
      %dma_wait3A_171 = arith.constant 0 : i32
      %dma_wait3A_172 = tpu.memref_slice %arg3[%run_scoped3A_27, %add3A, %dma_wait3A_170, %dma_wait3A_171] : memref<2x32x50x200xi32, #tpu.memory_space<hbm>> -> memref<1x1x50x200xi32, #tpu.memory_space<hbm>>
      %dma_wait3A_173 = tpu.memref_squeeze %dma_wait3A_172 : memref<1x1x50x200xi32, #tpu.memory_space<hbm>> -> memref<50x200xi32, #tpu.memory_space<hbm>>
      tpu.wait_dma2 semaphore(%run_scoped3A_158 : memref<!tpu.dma_semaphore, #tpu.memory_space<semaphore_mem>>) src(%dma_wait3A_173 : memref<50x200xi32, #tpu.memory_space<hbm>>) dst(%arg7 : memref<50x200xi32, #tpu.memory_space<vmem>>)
      tpu.yield
    }) : () -> ()
    %barrier3A = arith.constant 0 : index
    tpu.barrier barrier_id(%barrier3A)
    %scan3A_28 = arith.constant 0 : i32
    %scan3A_29 = arith.constant 0 : i32
    %scan3A_30 = arith.constant 5 : i32
    %scan3A_31 = arith.addi %scan3A_29, %scan3A_30 : i32
    %scan3A_32 = arith.constant 1 : i32
    scf.for %scan3A_158 = %scan3A_29 to %scan3A_31 step %scan3A_32  : i32 {
      %mul3A_159 = arith.constant 10 : i32
      %mul3A_160 = arith.muli %scan3A_158, %mul3A_159 : i32
      %gt3A = arith.constant 0 : i32
      %gt3A_161 = arith.cmpi sgt, %scan3A_158, %gt3A : i32
      %convert_element_type3A = arith.extui %gt3A_161 : i1 to i32
      %cond3A = arith.constant 0 : i32
      %cond3A_162 = arith.cmpi ne, %convert_element_type3A, %cond3A : i32
      scf.if %cond3A_162 {
        %dma_wait3A_587 = arith.constant 0 : i32
        %dma_wait3A_588 = arith.constant 0 : i32
        %dma_wait3A_589 = arith.constant 0 : i32
        %dma_wait3A_590 = arith.constant 0 : i32
        %dma_wait3A_591 = tpu.memref_slice %arg8[%dma_wait3A_587, %dma_wait3A_589, %dma_wait3A_590] : memref<10x200x16xf32, #tpu.memory_space<vmem>> -> memref<1x200x16xf32, #tpu.memory_space<vmem>>
        %dma_wait3A_592 = tpu.memref_squeeze %dma_wait3A_591 : memref<1x200x16xf32, #tpu.memory_space<vmem>> -> memref<200x16xf32, #tpu.memory_space<vmem>>
        %dma_wait3A_593 = arith.constant 0 : i32
        %dma_wait3A_594 = tpu.memref_slice %arg7[%dma_wait3A_588, %dma_wait3A_593] : memref<50x200xi32, #tpu.memory_space<vmem>> -> memref<1x200xi32, #tpu.memory_space<vmem>>
        %dma_wait3A_595 = tpu.memref_squeeze %dma_wait3A_594 : memref<1x200xi32, #tpu.memory_space<vmem>> -> memref<200xi32, #tpu.memory_space<vmem>>
        %dma_wait3A_596 = arith.constant 0 : i32
        %dma_wait3A_597 = arith.constant 0 : i32
        %dma_wait3A_598 = tpu.memref_slice %arg5[%dma_wait3A_596, %dma_wait3A_597] : memref<10240x16xf32, #tpu.memory_space<vmem_shared>> -> memref<10240x16xf32, #tpu.memory_space<vmem_shared>>
        tpu.wait_indirect_dma semaphore(%arg20 : memref<!tpu.dma_semaphore, #tpu.memory_space<semaphore_mem>>) src(%dma_wait3A_592 : memref<200x16xf32, #tpu.memory_space<vmem>>) dst(%dma_wait3A_598 : memref<10240x16xf32, #tpu.memory_space<vmem_shared>>)
      } else {
      }
      %add3A_163 = arith.constant 0 : i32
      %add3A_164 = arith.addi %mul3A_160, %add3A_163 : i32
      %dma_start3A = arith.constant 0 : i32
      %dma_start3A_165 = arith.constant 0 : i32
      %dma_start3A_166 = arith.constant 0 : i32
      %dma_start3A_167 = tpu.memref_slice %arg8[%dma_start3A, %dma_start3A_165, %dma_start3A_166] : memref<10x200x16xf32, #tpu.memory_space<vmem>> -> memref<1x200x16xf32, #tpu.memory_space<vmem>>
      %dma_start3A_168 = tpu.memref_squeeze %dma_start3A_167 : memref<1x200x16xf32, #tpu.memory_space<vmem>> -> memref<200x16xf32, #tpu.memory_space<vmem>>
      %dma_start3A_169 = arith.constant 0 : i32
      %dma_start3A_170 = tpu.memref_slice %arg6[%add3A_164, %dma_start3A_169] : memref<50x200xi32, #tpu.memory_space<vmem>> -> memref<1x200xi32, #tpu.memory_space<vmem>>
      %dma_start3A_171 = tpu.memref_squeeze %dma_start3A_170 : memref<1x200xi32, #tpu.memory_space<vmem>> -> memref<200xi32, #tpu.memory_space<vmem>>
      %dma_start3A_172 = arith.constant 0 : i32
      %dma_start3A_173 = arith.constant 0 : i32
      %dma_start3A_174 = tpu.memref_slice %arg2[%dma_start3A_172, %dma_start3A_173] : memref<10240x16xf32, #tpu.memory_space<hbm>> -> memref<10240x16xf32, #tpu.memory_space<hbm>>
      tpu.enqueue_indirect_dma source(%dma_start3A_174 : memref<10240x16xf32, #tpu.memory_space<hbm>>) target(%dma_start3A_168 : memref<200x16xf32, #tpu.memory_space<vmem>>) offsets(%dma_start3A_171 : memref<200xi32, #tpu.memory_space<vmem>>) semaphore(%arg10 : memref<!tpu.dma_semaphore, #tpu.memory_space<semaphore_mem>>)
      %gt3A_175 = arith.constant 0 : i32
      %gt3A_176 = arith.cmpi sgt, %scan3A_158, %gt3A_175 : i32
      %convert_element_type3A_177 = arith.extui %gt3A_176 : i1 to i32
      %cond3A_178 = arith.constant 0 : i32
      %cond3A_179 = arith.cmpi ne, %convert_element_type3A_177, %cond3A_178 : i32
      scf.if %cond3A_179 {
        %dma_wait3A_587 = arith.constant 1 : i32
        %dma_wait3A_588 = arith.constant 0 : i32
        %dma_wait3A_589 = arith.constant 0 : i32
        %dma_wait3A_590 = arith.constant 0 : i32
        %dma_wait3A_591 = tpu.memref_slice %arg8[%dma_wait3A_587, %dma_wait3A_589, %dma_wait3A_590] : memref<10x200x16xf32, #tpu.memory_space<vmem>> -> memref<1x200x16xf32, #tpu.memory_space<vmem>>
        %dma_wait3A_592 = tpu.memref_squeeze %dma_wait3A_591 : memref<1x200x16xf32, #tpu.memory_space<vmem>> -> memref<200x16xf32, #tpu.memory_space<vmem>>
        %dma_wait3A_593 = arith.constant 0 : i32
        %dma_wait3A_594 = tpu.memref_slice %arg7[%dma_wait3A_588, %dma_wait3A_593] : memref<50x200xi32, #tpu.memory_space<vmem>> -> memref<1x200xi32, #tpu.memory_space<vmem>>
        %dma_wait3A_595 = tpu.memref_squeeze %dma_wait3A_594 : memref<1x200xi32, #tpu.memory_space<vmem>> -> memref<200xi32, #tpu.memory_space<vmem>>
        %dma_wait3A_596 = arith.constant 0 : i32
        %dma_wait3A_597 = arith.constant 0 : i32
        %dma_wait3A_598 = tpu.memref_slice %arg5[%dma_wait3A_596, %dma_wait3A_597] : memref<10240x16xf32, #tpu.memory_space<vmem_shared>> -> memref<10240x16xf32, #tpu.memory_space<vmem_shared>>
        tpu.wait_indirect_dma semaphore(%arg21 : memref<!tpu.dma_semaphore, #tpu.memory_space<semaphore_mem>>) src(%dma_wait3A_592 : memref<200x16xf32, #tpu.memory_space<vmem>>) dst(%dma_wait3A_598 : memref<10240x16xf32, #tpu.memory_space<vmem_shared>>)
      } else {
      }
      %add3A_180 = arith.constant 1 : i32
      %add3A_181 = arith.addi %mul3A_160, %add3A_180 : i32
      %dma_start3A_182 = arith.constant 1 : i32
      %dma_start3A_183 = arith.constant 0 : i32
      %dma_start3A_184 = arith.constant 0 : i32
      %dma_start3A_185 = tpu.memref_slice %arg8[%dma_start3A_182, %dma_start3A_183, %dma_start3A_184] : memref<10x200x16xf32, #tpu.memory_space<vmem>> -> memref<1x200x16xf32, #tpu.memory_space<vmem>>
      %dma_start3A_186 = tpu.memref_squeeze %dma_start3A_185 : memref<1x200x16xf32, #tpu.memory_space<vmem>> -> memref<200x16xf32, #tpu.memory_space<vmem>>
      %dma_start3A_187 = arith.constant 0 : i32
      %dma_start3A_188 = tpu.memref_slice %arg6[%add3A_181, %dma_start3A_187] : memref<50x200xi32, #tpu.memory_space<vmem>> -> memref<1x200xi32, #tpu.memory_space<vmem>>
      %dma_start3A_189 = tpu.memref_squeeze %dma_start3A_188 : memref<1x200xi32, #tpu.memory_space<vmem>> -> memref<200xi32, #tpu.memory_space<vmem>>
      %dma_start3A_190 = arith.constant 0 : i32
      %dma_start3A_191 = arith.constant 0 : i32
      %dma_start3A_192 = tpu.memref_slice %arg2[%dma_start3A_190, %dma_start3A_191] : memref<10240x16xf32, #tpu.memory_space<hbm>> -> memref<10240x16xf32, #tpu.memory_space<hbm>>
      tpu.enqueue_indirect_dma source(%dma_start3A_192 : memref<10240x16xf32, #tpu.memory_space<hbm>>) target(%dma_start3A_186 : memref<200x16xf32, #tpu.memory_space<vmem>>) offsets(%dma_start3A_189 : memref<200xi32, #tpu.memory_space<vmem>>) semaphore(%arg11 : memref<!tpu.dma_semaphore, #tpu.memory_space<semaphore_mem>>)
      %gt3A_193 = arith.constant 0 : i32
      %gt3A_194 = arith.cmpi sgt, %scan3A_158, %gt3A_193 : i32
      %convert_element_type3A_195 = arith.extui %gt3A_194 : i1 to i32
      %cond3A_196 = arith.constant 0 : i32
      %cond3A_197 = arith.cmpi ne, %convert_element_type3A_195, %cond3A_196 : i32
      scf.if %cond3A_197 {
        %dma_wait3A_587 = arith.constant 2 : i32
        %dma_wait3A_588 = arith.constant 0 : i32
        %dma_wait3A_589 = arith.constant 0 : i32
        %dma_wait3A_590 = arith.constant 0 : i32
        %dma_wait3A_591 = tpu.memref_slice %arg8[%dma_wait3A_587, %dma_wait3A_589, %dma_wait3A_590] : memref<10x200x16xf32, #tpu.memory_space<vmem>> -> memref<1x200x16xf32, #tpu.memory_space<vmem>>
        %dma_wait3A_592 = tpu.memref_squeeze %dma_wait3A_591 : memref<1x200x16xf32, #tpu.memory_space<vmem>> -> memref<200x16xf32, #tpu.memory_space<vmem>>
        %dma_wait3A_593 = arith.constant 0 : i32
        %dma_wait3A_594 = tpu.memref_slice %arg7[%dma_wait3A_588, %dma_wait3A_593] : memref<50x200xi32, #tpu.memory_space<vmem>> -> memref<1x200xi32, #tpu.memory_space<vmem>>
        %dma_wait3A_595 = tpu.memref_squeeze %dma_wait3A_594 : memref<1x200xi32, #tpu.memory_space<vmem>> -> memref<200xi32, #tpu.memory_space<vmem>>
        %dma_wait3A_596 = arith.constant 0 : i32
        %dma_wait3A_597 = arith.constant 0 : i32
        %dma_wait3A_598 = tpu.memref_slice %arg5[%dma_wait3A_596, %dma_wait3A_597] : memref<10240x16xf32, #tpu.memory_space<vmem_shared>> -> memref<10240x16xf32, #tpu.memory_space<vmem_shared>>
        tpu.wait_indirect_dma semaphore(%arg22 : memref<!tpu.dma_semaphore, #tpu.memory_space<semaphore_mem>>) src(%dma_wait3A_592 : memref<200x16xf32, #tpu.memory_space<vmem>>) dst(%dma_wait3A_598 : memref<10240x16xf32, #tpu.memory_space<vmem_shared>>)
      } else {
      }
      %add3A_198 = arith.constant 2 : i32
      %add3A_199 = arith.addi %mul3A_160, %add3A_198 : i32
      %dma_start3A_200 = arith.constant 2 : i32
      %dma_start3A_201 = arith.constant 0 : i32
      %dma_start3A_202 = arith.constant 0 : i32
      %dma_start3A_203 = tpu.memref_slice %arg8[%dma_start3A_200, %dma_start3A_201, %dma_start3A_202] : memref<10x200x16xf32, #tpu.memory_space<vmem>> -> memref<1x200x16xf32, #tpu.memory_space<vmem>>
      %dma_start3A_204 = tpu.memref_squeeze %dma_start3A_203 : memref<1x200x16xf32, #tpu.memory_space<vmem>> -> memref<200x16xf32, #tpu.memory_space<vmem>>
      %dma_start3A_205 = arith.constant 0 : i32
      %dma_start3A_206 = tpu.memref_slice %arg6[%add3A_199, %dma_start3A_205] : memref<50x200xi32, #tpu.memory_space<vmem>> -> memref<1x200xi32, #tpu.memory_space<vmem>>
      %dma_start3A_207 = tpu.memref_squeeze %dma_start3A_206 : memref<1x200xi32, #tpu.memory_space<vmem>> -> memref<200xi32, #tpu.memory_space<vmem>>
      %dma_start3A_208 = arith.constant 0 : i32
      %dma_start3A_209 = arith.constant 0 : i32
      %dma_start3A_210 = tpu.memref_slice %arg2[%dma_start3A_208, %dma_start3A_209] : memref<10240x16xf32, #tpu.memory_space<hbm>> -> memref<10240x16xf32, #tpu.memory_space<hbm>>
      tpu.enqueue_indirect_dma source(%dma_start3A_210 : memref<10240x16xf32, #tpu.memory_space<hbm>>) target(%dma_start3A_204 : memref<200x16xf32, #tpu.memory_space<vmem>>) offsets(%dma_start3A_207 : memref<200xi32, #tpu.memory_space<vmem>>) semaphore(%arg12 : memref<!tpu.dma_semaphore, #tpu.memory_space<semaphore_mem>>)
      %gt3A_211 = arith.constant 0 : i32
      %gt3A_212 = arith.cmpi sgt, %scan3A_158, %gt3A_211 : i32
      %convert_element_type3A_213 = arith.extui %gt3A_212 : i1 to i32
      %cond3A_214 = arith.constant 0 : i32
      %cond3A_215 = arith.cmpi ne, %convert_element_type3A_213, %cond3A_214 : i32
      scf.if %cond3A_215 {
        %dma_wait3A_587 = arith.constant 3 : i32
        %dma_wait3A_588 = arith.constant 0 : i32
        %dma_wait3A_589 = arith.constant 0 : i32
        %dma_wait3A_590 = arith.constant 0 : i32
        %dma_wait3A_591 = tpu.memref_slice %arg8[%dma_wait3A_587, %dma_wait3A_589, %dma_wait3A_590] : memref<10x200x16xf32, #tpu.memory_space<vmem>> -> memref<1x200x16xf32, #tpu.memory_space<vmem>>
        %dma_wait3A_592 = tpu.memref_squeeze %dma_wait3A_591 : memref<1x200x16xf32, #tpu.memory_space<vmem>> -> memref<200x16xf32, #tpu.memory_space<vmem>>
        %dma_wait3A_593 = arith.constant 0 : i32
        %dma_wait3A_594 = tpu.memref_slice %arg7[%dma_wait3A_588, %dma_wait3A_593] : memref<50x200xi32, #tpu.memory_space<vmem>> -> memref<1x200xi32, #tpu.memory_space<vmem>>
        %dma_wait3A_595 = tpu.memref_squeeze %dma_wait3A_594 : memref<1x200xi32, #tpu.memory_space<vmem>> -> memref<200xi32, #tpu.memory_space<vmem>>
        %dma_wait3A_596 = arith.constant 0 : i32
        %dma_wait3A_597 = arith.constant 0 : i32
        %dma_wait3A_598 = tpu.memref_slice %arg5[%dma_wait3A_596, %dma_wait3A_597] : memref<10240x16xf32, #tpu.memory_space<vmem_shared>> -> memref<10240x16xf32, #tpu.memory_space<vmem_shared>>
        tpu.wait_indirect_dma semaphore(%arg23 : memref<!tpu.dma_semaphore, #tpu.memory_space<semaphore_mem>>) src(%dma_wait3A_592 : memref<200x16xf32, #tpu.memory_space<vmem>>) dst(%dma_wait3A_598 : memref<10240x16xf32, #tpu.memory_space<vmem_shared>>)
      } else {
      }
      %add3A_216 = arith.constant 3 : i32
      %add3A_217 = arith.addi %mul3A_160, %add3A_216 : i32
      %dma_start3A_218 = arith.constant 3 : i32
      %dma_start3A_219 = arith.constant 0 : i32
      %dma_start3A_220 = arith.constant 0 : i32
      %dma_start3A_221 = tpu.memref_slice %arg8[%dma_start3A_218, %dma_start3A_219, %dma_start3A_220] : memref<10x200x16xf32, #tpu.memory_space<vmem>> -> memref<1x200x16xf32, #tpu.memory_space<vmem>>
      %dma_start3A_222 = tpu.memref_squeeze %dma_start3A_221 : memref<1x200x16xf32, #tpu.memory_space<vmem>> -> memref<200x16xf32, #tpu.memory_space<vmem>>
      %dma_start3A_223 = arith.constant 0 : i32
      %dma_start3A_224 = tpu.memref_slice %arg6[%add3A_217, %dma_start3A_223] : memref<50x200xi32, #tpu.memory_space<vmem>> -> memref<1x200xi32, #tpu.memory_space<vmem>>
      %dma_start3A_225 = tpu.memref_squeeze %dma_start3A_224 : memref<1x200xi32, #tpu.memory_space<vmem>> -> memref<200xi32, #tpu.memory_space<vmem>>
      %dma_start3A_226 = arith.constant 0 : i32
      %dma_start3A_227 = arith.constant 0 : i32
      %dma_start3A_228 = tpu.memref_slice %arg2[%dma_start3A_226, %dma_start3A_227] : memref<10240x16xf32, #tpu.memory_space<hbm>> -> memref<10240x16xf32, #tpu.memory_space<hbm>>
      tpu.enqueue_indirect_dma source(%dma_start3A_228 : memref<10240x16xf32, #tpu.memory_space<hbm>>) target(%dma_start3A_222 : memref<200x16xf32, #tpu.memory_space<vmem>>) offsets(%dma_start3A_225 : memref<200xi32, #tpu.memory_space<vmem>>) semaphore(%arg13 : memref<!tpu.dma_semaphore, #tpu.memory_space<semaphore_mem>>)
      %gt3A_229 = arith.constant 0 : i32
      %gt3A_230 = arith.cmpi sgt, %scan3A_158, %gt3A_229 : i32
      %convert_element_type3A_231 = arith.extui %gt3A_230 : i1 to i32
      %cond3A_232 = arith.constant 0 : i32
      %cond3A_233 = arith.cmpi ne, %convert_element_type3A_231, %cond3A_232 : i32
      scf.if %cond3A_233 {
        %dma_wait3A_587 = arith.constant 4 : i32
        %dma_wait3A_588 = arith.constant 0 : i32
        %dma_wait3A_589 = arith.constant 0 : i32
        %dma_wait3A_590 = arith.constant 0 : i32
        %dma_wait3A_591 = tpu.memref_slice %arg8[%dma_wait3A_587, %dma_wait3A_589, %dma_wait3A_590] : memref<10x200x16xf32, #tpu.memory_space<vmem>> -> memref<1x200x16xf32, #tpu.memory_space<vmem>>
        %dma_wait3A_592 = tpu.memref_squeeze %dma_wait3A_591 : memref<1x200x16xf32, #tpu.memory_space<vmem>> -> memref<200x16xf32, #tpu.memory_space<vmem>>
        %dma_wait3A_593 = arith.constant 0 : i32
        %dma_wait3A_594 = tpu.memref_slice %arg7[%dma_wait3A_588, %dma_wait3A_593] : memref<50x200xi32, #tpu.memory_space<vmem>> -> memref<1x200xi32, #tpu.memory_space<vmem>>
        %dma_wait3A_595 = tpu.memref_squeeze %dma_wait3A_594 : memref<1x200xi32, #tpu.memory_space<vmem>> -> memref<200xi32, #tpu.memory_space<vmem>>
        %dma_wait3A_596 = arith.constant 0 : i32
        %dma_wait3A_597 = arith.constant 0 : i32
        %dma_wait3A_598 = tpu.memref_slice %arg5[%dma_wait3A_596, %dma_wait3A_597] : memref<10240x16xf32, #tpu.memory_space<vmem_shared>> -> memref<10240x16xf32, #tpu.memory_space<vmem_shared>>
        tpu.wait_indirect_dma semaphore(%arg24 : memref<!tpu.dma_semaphore, #tpu.memory_space<semaphore_mem>>) src(%dma_wait3A_592 : memref<200x16xf32, #tpu.memory_space<vmem>>) dst(%dma_wait3A_598 : memref<10240x16xf32, #tpu.memory_space<vmem_shared>>)
      } else {
      }
      %add3A_234 = arith.constant 4 : i32
      %add3A_235 = arith.addi %mul3A_160, %add3A_234 : i32
      %dma_start3A_236 = arith.constant 4 : i32
      %dma_start3A_237 = arith.constant 0 : i32
      %dma_start3A_238 = arith.constant 0 : i32
      %dma_start3A_239 = tpu.memref_slice %arg8[%dma_start3A_236, %dma_start3A_237, %dma_start3A_238] : memref<10x200x16xf32, #tpu.memory_space<vmem>> -> memref<1x200x16xf32, #tpu.memory_space<vmem>>
      %dma_start3A_240 = tpu.memref_squeeze %dma_start3A_239 : memref<1x200x16xf32, #tpu.memory_space<vmem>> -> memref<200x16xf32, #tpu.memory_space<vmem>>
      %dma_start3A_241 = arith.constant 0 : i32
      %dma_start3A_242 = tpu.memref_slice %arg6[%add3A_235, %dma_start3A_241] : memref<50x200xi32, #tpu.memory_space<vmem>> -> memref<1x200xi32, #tpu.memory_space<vmem>>
      %dma_start3A_243 = tpu.memref_squeeze %dma_start3A_242 : memref<1x200xi32, #tpu.memory_space<vmem>> -> memref<200xi32, #tpu.memory_space<vmem>>
      %dma_start3A_244 = arith.constant 0 : i32
      %dma_start3A_245 = arith.constant 0 : i32
      %dma_start3A_246 = tpu.memref_slice %arg2[%dma_start3A_244, %dma_start3A_245] : memref<10240x16xf32, #tpu.memory_space<hbm>> -> memref<10240x16xf32, #tpu.memory_space<hbm>>
      tpu.enqueue_indirect_dma source(%dma_start3A_246 : memref<10240x16xf32, #tpu.memory_space<hbm>>) target(%dma_start3A_240 : memref<200x16xf32, #tpu.memory_space<vmem>>) offsets(%dma_start3A_243 : memref<200xi32, #tpu.memory_space<vmem>>) semaphore(%arg14 : memref<!tpu.dma_semaphore, #tpu.memory_space<semaphore_mem>>)
      %gt3A_247 = arith.constant 0 : i32
      %gt3A_248 = arith.cmpi sgt, %scan3A_158, %gt3A_247 : i32
      %convert_element_type3A_249 = arith.extui %gt3A_248 : i1 to i32
      %cond3A_250 = arith.constant 0 : i32
      %cond3A_251 = arith.cmpi ne, %convert_element_type3A_249, %cond3A_250 : i32
      scf.if %cond3A_251 {
        %dma_wait3A_587 = arith.constant 5 : i32
        %dma_wait3A_588 = arith.constant 0 : i32
        %dma_wait3A_589 = arith.constant 0 : i32
        %dma_wait3A_590 = arith.constant 0 : i32
        %dma_wait3A_591 = tpu.memref_slice %arg8[%dma_wait3A_587, %dma_wait3A_589, %dma_wait3A_590] : memref<10x200x16xf32, #tpu.memory_space<vmem>> -> memref<1x200x16xf32, #tpu.memory_space<vmem>>
        %dma_wait3A_592 = tpu.memref_squeeze %dma_wait3A_591 : memref<1x200x16xf32, #tpu.memory_space<vmem>> -> memref<200x16xf32, #tpu.memory_space<vmem>>
        %dma_wait3A_593 = arith.constant 0 : i32
        %dma_wait3A_594 = tpu.memref_slice %arg7[%dma_wait3A_588, %dma_wait3A_593] : memref<50x200xi32, #tpu.memory_space<vmem>> -> memref<1x200xi32, #tpu.memory_space<vmem>>
        %dma_wait3A_595 = tpu.memref_squeeze %dma_wait3A_594 : memref<1x200xi32, #tpu.memory_space<vmem>> -> memref<200xi32, #tpu.memory_space<vmem>>
        %dma_wait3A_596 = arith.constant 0 : i32
        %dma_wait3A_597 = arith.constant 0 : i32
        %dma_wait3A_598 = tpu.memref_slice %arg5[%dma_wait3A_596, %dma_wait3A_597] : memref<10240x16xf32, #tpu.memory_space<vmem_shared>> -> memref<10240x16xf32, #tpu.memory_space<vmem_shared>>
        tpu.wait_indirect_dma semaphore(%arg25 : memref<!tpu.dma_semaphore, #tpu.memory_space<semaphore_mem>>) src(%dma_wait3A_592 : memref<200x16xf32, #tpu.memory_space<vmem>>) dst(%dma_wait3A_598 : memref<10240x16xf32, #tpu.memory_space<vmem_shared>>)
      } else {
      }
      %add3A_252 = arith.constant 5 : i32
      %add3A_253 = arith.addi %mul3A_160, %add3A_252 : i32
      %dma_start3A_254 = arith.constant 5 : i32
      %dma_start3A_255 = arith.constant 0 : i32
      %dma_start3A_256 = arith.constant 0 : i32
      %dma_start3A_257 = tpu.memref_slice %arg8[%dma_start3A_254, %dma_start3A_255, %dma_start3A_256] : memref<10x200x16xf32, #tpu.memory_space<vmem>> -> memref<1x200x16xf32, #tpu.memory_space<vmem>>
      %dma_start3A_258 = tpu.memref_squeeze %dma_start3A_257 : memref<1x200x16xf32, #tpu.memory_space<vmem>> -> memref<200x16xf32, #tpu.memory_space<vmem>>
      %dma_start3A_259 = arith.constant 0 : i32
      %dma_start3A_260 = tpu.memref_slice %arg6[%add3A_253, %dma_start3A_259] : memref<50x200xi32, #tpu.memory_space<vmem>> -> memref<1x200xi32, #tpu.memory_space<vmem>>
      %dma_start3A_261 = tpu.memref_squeeze %dma_start3A_260 : memref<1x200xi32, #tpu.memory_space<vmem>> -> memref<200xi32, #tpu.memory_space<vmem>>
      %dma_start3A_262 = arith.constant 0 : i32
      %dma_start3A_263 = arith.constant 0 : i32
      %dma_start3A_264 = tpu.memref_slice %arg2[%dma_start3A_262, %dma_start3A_263] : memref<10240x16xf32, #tpu.memory_space<hbm>> -> memref<10240x16xf32, #tpu.memory_space<hbm>>
      tpu.enqueue_indirect_dma source(%dma_start3A_264 : memref<10240x16xf32, #tpu.memory_space<hbm>>) target(%dma_start3A_258 : memref<200x16xf32, #tpu.memory_space<vmem>>) offsets(%dma_start3A_261 : memref<200xi32, #tpu.memory_space<vmem>>) semaphore(%arg15 : memref<!tpu.dma_semaphore, #tpu.memory_space<semaphore_mem>>)
      %gt3A_265 = arith.constant 0 : i32
      %gt3A_266 = arith.cmpi sgt, %scan3A_158, %gt3A_265 : i32
      %convert_element_type3A_267 = arith.extui %gt3A_266 : i1 to i32
      %cond3A_268 = arith.constant 0 : i32
      %cond3A_269 = arith.cmpi ne, %convert_element_type3A_267, %cond3A_268 : i32
      scf.if %cond3A_269 {
        %dma_wait3A_587 = arith.constant 6 : i32
        %dma_wait3A_588 = arith.constant 0 : i32
        %dma_wait3A_589 = arith.constant 0 : i32
        %dma_wait3A_590 = arith.constant 0 : i32
        %dma_wait3A_591 = tpu.memref_slice %arg8[%dma_wait3A_587, %dma_wait3A_589, %dma_wait3A_590] : memref<10x200x16xf32, #tpu.memory_space<vmem>> -> memref<1x200x16xf32, #tpu.memory_space<vmem>>
        %dma_wait3A_592 = tpu.memref_squeeze %dma_wait3A_591 : memref<1x200x16xf32, #tpu.memory_space<vmem>> -> memref<200x16xf32, #tpu.memory_space<vmem>>
        %dma_wait3A_593 = arith.constant 0 : i32
        %dma_wait3A_594 = tpu.memref_slice %arg7[%dma_wait3A_588, %dma_wait3A_593] : memref<50x200xi32, #tpu.memory_space<vmem>> -> memref<1x200xi32, #tpu.memory_space<vmem>>
        %dma_wait3A_595 = tpu.memref_squeeze %dma_wait3A_594 : memref<1x200xi32, #tpu.memory_space<vmem>> -> memref<200xi32, #tpu.memory_space<vmem>>
        %dma_wait3A_596 = arith.constant 0 : i32
        %dma_wait3A_597 = arith.constant 0 : i32
        %dma_wait3A_598 = tpu.memref_slice %arg5[%dma_wait3A_596, %dma_wait3A_597] : memref<10240x16xf32, #tpu.memory_space<vmem_shared>> -> memref<10240x16xf32, #tpu.memory_space<vmem_shared>>
        tpu.wait_indirect_dma semaphore(%arg26 : memref<!tpu.dma_semaphore, #tpu.memory_space<semaphore_mem>>) src(%dma_wait3A_592 : memref<200x16xf32, #tpu.memory_space<vmem>>) dst(%dma_wait3A_598 : memref<10240x16xf32, #tpu.memory_space<vmem_shared>>)
      } else {
      }
      %add3A_270 = arith.constant 6 : i32
      %add3A_271 = arith.addi %mul3A_160, %add3A_270 : i32
      %dma_start3A_272 = arith.constant 6 : i32
      %dma_start3A_273 = arith.constant 0 : i32
      %dma_start3A_274 = arith.constant 0 : i32
      %dma_start3A_275 = tpu.memref_slice %arg8[%dma_start3A_272, %dma_start3A_273, %dma_start3A_274] : memref<10x200x16xf32, #tpu.memory_space<vmem>> -> memref<1x200x16xf32, #tpu.memory_space<vmem>>
      %dma_start3A_276 = tpu.memref_squeeze %dma_start3A_275 : memref<1x200x16xf32, #tpu.memory_space<vmem>> -> memref<200x16xf32, #tpu.memory_space<vmem>>
      %dma_start3A_277 = arith.constant 0 : i32
      %dma_start3A_278 = tpu.memref_slice %arg6[%add3A_271, %dma_start3A_277] : memref<50x200xi32, #tpu.memory_space<vmem>> -> memref<1x200xi32, #tpu.memory_space<vmem>>
      %dma_start3A_279 = tpu.memref_squeeze %dma_start3A_278 : memref<1x200xi32, #tpu.memory_space<vmem>> -> memref<200xi32, #tpu.memory_space<vmem>>
      %dma_start3A_280 = arith.constant 0 : i32
      %dma_start3A_281 = arith.constant 0 : i32
      %dma_start3A_282 = tpu.memref_slice %arg2[%dma_start3A_280, %dma_start3A_281] : memref<10240x16xf32, #tpu.memory_space<hbm>> -> memref<10240x16xf32, #tpu.memory_space<hbm>>
      tpu.enqueue_indirect_dma source(%dma_start3A_282 : memref<10240x16xf32, #tpu.memory_space<hbm>>) target(%dma_start3A_276 : memref<200x16xf32, #tpu.memory_space<vmem>>) offsets(%dma_start3A_279 : memref<200xi32, #tpu.memory_space<vmem>>) semaphore(%arg16 : memref<!tpu.dma_semaphore, #tpu.memory_space<semaphore_mem>>)
      %gt3A_283 = arith.constant 0 : i32
      %gt3A_284 = arith.cmpi sgt, %scan3A_158, %gt3A_283 : i32
      %convert_element_type3A_285 = arith.extui %gt3A_284 : i1 to i32
      %cond3A_286 = arith.constant 0 : i32
      %cond3A_287 = arith.cmpi ne, %convert_element_type3A_285, %cond3A_286 : i32
      scf.if %cond3A_287 {
        %dma_wait3A_587 = arith.constant 7 : i32
        %dma_wait3A_588 = arith.constant 0 : i32
        %dma_wait3A_589 = arith.constant 0 : i32
        %dma_wait3A_590 = arith.constant 0 : i32
        %dma_wait3A_591 = tpu.memref_slice %arg8[%dma_wait3A_587, %dma_wait3A_589, %dma_wait3A_590] : memref<10x200x16xf32, #tpu.memory_space<vmem>> -> memref<1x200x16xf32, #tpu.memory_space<vmem>>
        %dma_wait3A_592 = tpu.memref_squeeze %dma_wait3A_591 : memref<1x200x16xf32, #tpu.memory_space<vmem>> -> memref<200x16xf32, #tpu.memory_space<vmem>>
        %dma_wait3A_593 = arith.constant 0 : i32
        %dma_wait3A_594 = tpu.memref_slice %arg7[%dma_wait3A_588, %dma_wait3A_593] : memref<50x200xi32, #tpu.memory_space<vmem>> -> memref<1x200xi32, #tpu.memory_space<vmem>>
        %dma_wait3A_595 = tpu.memref_squeeze %dma_wait3A_594 : memref<1x200xi32, #tpu.memory_space<vmem>> -> memref<200xi32, #tpu.memory_space<vmem>>
        %dma_wait3A_596 = arith.constant 0 : i32
        %dma_wait3A_597 = arith.constant 0 : i32
        %dma_wait3A_598 = tpu.memref_slice %arg5[%dma_wait3A_596, %dma_wait3A_597] : memref<10240x16xf32, #tpu.memory_space<vmem_shared>> -> memref<10240x16xf32, #tpu.memory_space<vmem_shared>>
        tpu.wait_indirect_dma semaphore(%arg27 : memref<!tpu.dma_semaphore, #tpu.memory_space<semaphore_mem>>) src(%dma_wait3A_592 : memref<200x16xf32, #tpu.memory_space<vmem>>) dst(%dma_wait3A_598 : memref<10240x16xf32, #tpu.memory_space<vmem_shared>>)
      } else {
      }
      %add3A_288 = arith.constant 7 : i32
      %add3A_289 = arith.addi %mul3A_160, %add3A_288 : i32
      %dma_start3A_290 = arith.constant 7 : i32
      %dma_start3A_291 = arith.constant 0 : i32
      %dma_start3A_292 = arith.constant 0 : i32
      %dma_start3A_293 = tpu.memref_slice %arg8[%dma_start3A_290, %dma_start3A_291, %dma_start3A_292] : memref<10x200x16xf32, #tpu.memory_space<vmem>> -> memref<1x200x16xf32, #tpu.memory_space<vmem>>
      %dma_start3A_294 = tpu.memref_squeeze %dma_start3A_293 : memref<1x200x16xf32, #tpu.memory_space<vmem>> -> memref<200x16xf32, #tpu.memory_space<vmem>>
      %dma_start3A_295 = arith.constant 0 : i32
      %dma_start3A_296 = tpu.memref_slice %arg6[%add3A_289, %dma_start3A_295] : memref<50x200xi32, #tpu.memory_space<vmem>> -> memref<1x200xi32, #tpu.memory_space<vmem>>
      %dma_start3A_297 = tpu.memref_squeeze %dma_start3A_296 : memref<1x200xi32, #tpu.memory_space<vmem>> -> memref<200xi32, #tpu.memory_space<vmem>>
      %dma_start3A_298 = arith.constant 0 : i32
      %dma_start3A_299 = arith.constant 0 : i32
      %dma_start3A_300 = tpu.memref_slice %arg2[%dma_start3A_298, %dma_start3A_299] : memref<10240x16xf32, #tpu.memory_space<hbm>> -> memref<10240x16xf32, #tpu.memory_space<hbm>>
      tpu.enqueue_indirect_dma source(%dma_start3A_300 : memref<10240x16xf32, #tpu.memory_space<hbm>>) target(%dma_start3A_294 : memref<200x16xf32, #tpu.memory_space<vmem>>) offsets(%dma_start3A_297 : memref<200xi32, #tpu.memory_space<vmem>>) semaphore(%arg17 : memref<!tpu.dma_semaphore, #tpu.memory_space<semaphore_mem>>)
      %gt3A_301 = arith.constant 0 : i32
      %gt3A_302 = arith.cmpi sgt, %scan3A_158, %gt3A_301 : i32
      %convert_element_type3A_303 = arith.extui %gt3A_302 : i1 to i32
      %cond3A_304 = arith.constant 0 : i32
      %cond3A_305 = arith.cmpi ne, %convert_element_type3A_303, %cond3A_304 : i32
      scf.if %cond3A_305 {
        %dma_wait3A_587 = arith.constant 8 : i32
        %dma_wait3A_588 = arith.constant 0 : i32
        %dma_wait3A_589 = arith.constant 0 : i32
        %dma_wait3A_590 = arith.constant 0 : i32
        %dma_wait3A_591 = tpu.memref_slice %arg8[%dma_wait3A_587, %dma_wait3A_589, %dma_wait3A_590] : memref<10x200x16xf32, #tpu.memory_space<vmem>> -> memref<1x200x16xf32, #tpu.memory_space<vmem>>
        %dma_wait3A_592 = tpu.memref_squeeze %dma_wait3A_591 : memref<1x200x16xf32, #tpu.memory_space<vmem>> -> memref<200x16xf32, #tpu.memory_space<vmem>>
        %dma_wait3A_593 = arith.constant 0 : i32
        %dma_wait3A_594 = tpu.memref_slice %arg7[%dma_wait3A_588, %dma_wait3A_593] : memref<50x200xi32, #tpu.memory_space<vmem>> -> memref<1x200xi32, #tpu.memory_space<vmem>>
        %dma_wait3A_595 = tpu.memref_squeeze %dma_wait3A_594 : memref<1x200xi32, #tpu.memory_space<vmem>> -> memref<200xi32, #tpu.memory_space<vmem>>
        %dma_wait3A_596 = arith.constant 0 : i32
        %dma_wait3A_597 = arith.constant 0 : i32
        %dma_wait3A_598 = tpu.memref_slice %arg5[%dma_wait3A_596, %dma_wait3A_597] : memref<10240x16xf32, #tpu.memory_space<vmem_shared>> -> memref<10240x16xf32, #tpu.memory_space<vmem_shared>>
        tpu.wait_indirect_dma semaphore(%arg28 : memref<!tpu.dma_semaphore, #tpu.memory_space<semaphore_mem>>) src(%dma_wait3A_592 : memref<200x16xf32, #tpu.memory_space<vmem>>) dst(%dma_wait3A_598 : memref<10240x16xf32, #tpu.memory_space<vmem_shared>>)
      } else {
      }
      %add3A_306 = arith.constant 8 : i32
      %add3A_307 = arith.addi %mul3A_160, %add3A_306 : i32
      %dma_start3A_308 = arith.constant 8 : i32
      %dma_start3A_309 = arith.constant 0 : i32
      %dma_start3A_310 = arith.constant 0 : i32
      %dma_start3A_311 = tpu.memref_slice %arg8[%dma_start3A_308, %dma_start3A_309, %dma_start3A_310] : memref<10x200x16xf32, #tpu.memory_space<vmem>> -> memref<1x200x16xf32, #tpu.memory_space<vmem>>
      %dma_start3A_312 = tpu.memref_squeeze %dma_start3A_311 : memref<1x200x16xf32, #tpu.memory_space<vmem>> -> memref<200x16xf32, #tpu.memory_space<vmem>>
      %dma_start3A_313 = arith.constant 0 : i32
      %dma_start3A_314 = tpu.memref_slice %arg6[%add3A_307, %dma_start3A_313] : memref<50x200xi32, #tpu.memory_space<vmem>> -> memref<1x200xi32, #tpu.memory_space<vmem>>
      %dma_start3A_315 = tpu.memref_squeeze %dma_start3A_314 : memref<1x200xi32, #tpu.memory_space<vmem>> -> memref<200xi32, #tpu.memory_space<vmem>>
      %dma_start3A_316 = arith.constant 0 : i32
      %dma_start3A_317 = arith.constant 0 : i32
      %dma_start3A_318 = tpu.memref_slice %arg2[%dma_start3A_316, %dma_start3A_317] : memref<10240x16xf32, #tpu.memory_space<hbm>> -> memref<10240x16xf32, #tpu.memory_space<hbm>>
      tpu.enqueue_indirect_dma source(%dma_start3A_318 : memref<10240x16xf32, #tpu.memory_space<hbm>>) target(%dma_start3A_312 : memref<200x16xf32, #tpu.memory_space<vmem>>) offsets(%dma_start3A_315 : memref<200xi32, #tpu.memory_space<vmem>>) semaphore(%arg18 : memref<!tpu.dma_semaphore, #tpu.memory_space<semaphore_mem>>)
      %gt3A_319 = arith.constant 0 : i32
      %gt3A_320 = arith.cmpi sgt, %scan3A_158, %gt3A_319 : i32
      %convert_element_type3A_321 = arith.extui %gt3A_320 : i1 to i32
      %cond3A_322 = arith.constant 0 : i32
      %cond3A_323 = arith.cmpi ne, %convert_element_type3A_321, %cond3A_322 : i32
      scf.if %cond3A_323 {
        %dma_wait3A_587 = arith.constant 9 : i32
        %dma_wait3A_588 = arith.constant 0 : i32
        %dma_wait3A_589 = arith.constant 0 : i32
        %dma_wait3A_590 = arith.constant 0 : i32
        %dma_wait3A_591 = tpu.memref_slice %arg8[%dma_wait3A_587, %dma_wait3A_589, %dma_wait3A_590] : memref<10x200x16xf32, #tpu.memory_space<vmem>> -> memref<1x200x16xf32, #tpu.memory_space<vmem>>
        %dma_wait3A_592 = tpu.memref_squeeze %dma_wait3A_591 : memref<1x200x16xf32, #tpu.memory_space<vmem>> -> memref<200x16xf32, #tpu.memory_space<vmem>>
        %dma_wait3A_593 = arith.constant 0 : i32
        %dma_wait3A_594 = tpu.memref_slice %arg7[%dma_wait3A_588, %dma_wait3A_593] : memref<50x200xi32, #tpu.memory_space<vmem>> -> memref<1x200xi32, #tpu.memory_space<vmem>>
        %dma_wait3A_595 = tpu.memref_squeeze %dma_wait3A_594 : memref<1x200xi32, #tpu.memory_space<vmem>> -> memref<200xi32, #tpu.memory_space<vmem>>
        %dma_wait3A_596 = arith.constant 0 : i32
        %dma_wait3A_597 = arith.constant 0 : i32
        %dma_wait3A_598 = tpu.memref_slice %arg5[%dma_wait3A_596, %dma_wait3A_597] : memref<10240x16xf32, #tpu.memory_space<vmem_shared>> -> memref<10240x16xf32, #tpu.memory_space<vmem_shared>>
        tpu.wait_indirect_dma semaphore(%arg29 : memref<!tpu.dma_semaphore, #tpu.memory_space<semaphore_mem>>) src(%dma_wait3A_592 : memref<200x16xf32, #tpu.memory_space<vmem>>) dst(%dma_wait3A_598 : memref<10240x16xf32, #tpu.memory_space<vmem_shared>>)
      } else {
      }
      %add3A_324 = arith.constant 9 : i32
      %add3A_325 = arith.addi %mul3A_160, %add3A_324 : i32
      %dma_start3A_326 = arith.constant 9 : i32
      %dma_start3A_327 = arith.constant 0 : i32
      %dma_start3A_328 = arith.constant 0 : i32
      %dma_start3A_329 = tpu.memref_slice %arg8[%dma_start3A_326, %dma_start3A_327, %dma_start3A_328] : memref<10x200x16xf32, #tpu.memory_space<vmem>> -> memref<1x200x16xf32, #tpu.memory_space<vmem>>
      %dma_start3A_330 = tpu.memref_squeeze %dma_start3A_329 : memref<1x200x16xf32, #tpu.memory_space<vmem>> -> memref<200x16xf32, #tpu.memory_space<vmem>>
      %dma_start3A_331 = arith.constant 0 : i32
      %dma_start3A_332 = tpu.memref_slice %arg6[%add3A_325, %dma_start3A_331] : memref<50x200xi32, #tpu.memory_space<vmem>> -> memref<1x200xi32, #tpu.memory_space<vmem>>
      %dma_start3A_333 = tpu.memref_squeeze %dma_start3A_332 : memref<1x200xi32, #tpu.memory_space<vmem>> -> memref<200xi32, #tpu.memory_space<vmem>>
      %dma_start3A_334 = arith.constant 0 : i32
      %dma_start3A_335 = arith.constant 0 : i32
      %dma_start3A_336 = tpu.memref_slice %arg2[%dma_start3A_334, %dma_start3A_335] : memref<10240x16xf32, #tpu.memory_space<hbm>> -> memref<10240x16xf32, #tpu.memory_space<hbm>>
      tpu.enqueue_indirect_dma source(%dma_start3A_336 : memref<10240x16xf32, #tpu.memory_space<hbm>>) target(%dma_start3A_330 : memref<200x16xf32, #tpu.memory_space<vmem>>) offsets(%dma_start3A_333 : memref<200xi32, #tpu.memory_space<vmem>>) semaphore(%arg19 : memref<!tpu.dma_semaphore, #tpu.memory_space<semaphore_mem>>)
      %dma_wait3A_337 = arith.constant 0 : i32
      %dma_wait3A_338 = arith.constant 0 : i32
      %dma_wait3A_339 = arith.constant 0 : i32
      %dma_wait3A_340 = arith.constant 0 : i32
      %dma_wait3A_341 = tpu.memref_slice %arg8[%dma_wait3A_338, %dma_wait3A_339, %dma_wait3A_340] : memref<10x200x16xf32, #tpu.memory_space<vmem>> -> memref<1x200x16xf32, #tpu.memory_space<vmem>>
      %dma_wait3A_342 = tpu.memref_squeeze %dma_wait3A_341 : memref<1x200x16xf32, #tpu.memory_space<vmem>> -> memref<200x16xf32, #tpu.memory_space<vmem>>
      %dma_wait3A_343 = arith.constant 0 : i32
      %dma_wait3A_344 = tpu.memref_slice %arg6[%dma_wait3A_337, %dma_wait3A_343] : memref<50x200xi32, #tpu.memory_space<vmem>> -> memref<1x200xi32, #tpu.memory_space<vmem>>
      %dma_wait3A_345 = tpu.memref_squeeze %dma_wait3A_344 : memref<1x200xi32, #tpu.memory_space<vmem>> -> memref<200xi32, #tpu.memory_space<vmem>>
      %dma_wait3A_346 = arith.constant 0 : i32
      %dma_wait3A_347 = arith.constant 0 : i32
      %dma_wait3A_348 = tpu.memref_slice %arg2[%dma_wait3A_346, %dma_wait3A_347] : memref<10240x16xf32, #tpu.memory_space<hbm>> -> memref<10240x16xf32, #tpu.memory_space<hbm>>
      tpu.wait_indirect_dma semaphore(%arg10 : memref<!tpu.dma_semaphore, #tpu.memory_space<semaphore_mem>>) src(%dma_wait3A_348 : memref<10240x16xf32, #tpu.memory_space<hbm>>) dst(%dma_wait3A_342 : memref<200x16xf32, #tpu.memory_space<vmem>>)
      %add3A_349 = arith.constant 0 : i32
      %add3A_350 = arith.addi %mul3A_160, %add3A_349 : i32
      %dma_start3A_351 = arith.constant 0 : i32
      %dma_start3A_352 = arith.constant 0 : i32
      %dma_start3A_353 = arith.constant 0 : i32
      %dma_start3A_354 = tpu.memref_slice %arg8[%dma_start3A_351, %dma_start3A_352, %dma_start3A_353] : memref<10x200x16xf32, #tpu.memory_space<vmem>> -> memref<1x200x16xf32, #tpu.memory_space<vmem>>
      %dma_start3A_355 = tpu.memref_squeeze %dma_start3A_354 : memref<1x200x16xf32, #tpu.memory_space<vmem>> -> memref<200x16xf32, #tpu.memory_space<vmem>>
      %dma_start3A_356 = arith.constant 0 : i32
      %dma_start3A_357 = tpu.memref_slice %arg7[%add3A_350, %dma_start3A_356] : memref<50x200xi32, #tpu.memory_space<vmem>> -> memref<1x200xi32, #tpu.memory_space<vmem>>
      %dma_start3A_358 = tpu.memref_squeeze %dma_start3A_357 : memref<1x200xi32, #tpu.memory_space<vmem>> -> memref<200xi32, #tpu.memory_space<vmem>>
      %dma_start3A_359 = arith.constant 0 : i32
      %dma_start3A_360 = arith.constant 0 : i32
      %dma_start3A_361 = tpu.memref_slice %arg5[%dma_start3A_359, %dma_start3A_360] : memref<10240x16xf32, #tpu.memory_space<vmem_shared>> -> memref<10240x16xf32, #tpu.memory_space<vmem_shared>>
      tpu.enqueue_indirect_dma source(%dma_start3A_355 : memref<200x16xf32, #tpu.memory_space<vmem>>) target(%dma_start3A_361 : memref<10240x16xf32, #tpu.memory_space<vmem_shared>>) offsets(%dma_start3A_358 : memref<200xi32, #tpu.memory_space<vmem>>) semaphore(%arg20 : memref<!tpu.dma_semaphore, #tpu.memory_space<semaphore_mem>>) {add = true}
      %dma_wait3A_362 = arith.constant 0 : i32
      %dma_wait3A_363 = arith.constant 1 : i32
      %dma_wait3A_364 = arith.constant 0 : i32
      %dma_wait3A_365 = arith.constant 0 : i32
      %dma_wait3A_366 = tpu.memref_slice %arg8[%dma_wait3A_363, %dma_wait3A_364, %dma_wait3A_365] : memref<10x200x16xf32, #tpu.memory_space<vmem>> -> memref<1x200x16xf32, #tpu.memory_space<vmem>>
      %dma_wait3A_367 = tpu.memref_squeeze %dma_wait3A_366 : memref<1x200x16xf32, #tpu.memory_space<vmem>> -> memref<200x16xf32, #tpu.memory_space<vmem>>
      %dma_wait3A_368 = arith.constant 0 : i32
      %dma_wait3A_369 = tpu.memref_slice %arg6[%dma_wait3A_362, %dma_wait3A_368] : memref<50x200xi32, #tpu.memory_space<vmem>> -> memref<1x200xi32, #tpu.memory_space<vmem>>
      %dma_wait3A_370 = tpu.memref_squeeze %dma_wait3A_369 : memref<1x200xi32, #tpu.memory_space<vmem>> -> memref<200xi32, #tpu.memory_space<vmem>>
      %dma_wait3A_371 = arith.constant 0 : i32
      %dma_wait3A_372 = arith.constant 0 : i32
      %dma_wait3A_373 = tpu.memref_slice %arg2[%dma_wait3A_371, %dma_wait3A_372] : memref<10240x16xf32, #tpu.memory_space<hbm>> -> memref<10240x16xf32, #tpu.memory_space<hbm>>
      tpu.wait_indirect_dma semaphore(%arg11 : memref<!tpu.dma_semaphore, #tpu.memory_space<semaphore_mem>>) src(%dma_wait3A_373 : memref<10240x16xf32, #tpu.memory_space<hbm>>) dst(%dma_wait3A_367 : memref<200x16xf32, #tpu.memory_space<vmem>>)
      %add3A_374 = arith.constant 1 : i32
      %add3A_375 = arith.addi %mul3A_160, %add3A_374 : i32
      %dma_start3A_376 = arith.constant 1 : i32
      %dma_start3A_377 = arith.constant 0 : i32
      %dma_start3A_378 = arith.constant 0 : i32
      %dma_start3A_379 = tpu.memref_slice %arg8[%dma_start3A_376, %dma_start3A_377, %dma_start3A_378] : memref<10x200x16xf32, #tpu.memory_space<vmem>> -> memref<1x200x16xf32, #tpu.memory_space<vmem>>
      %dma_start3A_380 = tpu.memref_squeeze %dma_start3A_379 : memref<1x200x16xf32, #tpu.memory_space<vmem>> -> memref<200x16xf32, #tpu.memory_space<vmem>>
      %dma_start3A_381 = arith.constant 0 : i32
      %dma_start3A_382 = tpu.memref_slice %arg7[%add3A_375, %dma_start3A_381] : memref<50x200xi32, #tpu.memory_space<vmem>> -> memref<1x200xi32, #tpu.memory_space<vmem>>
      %dma_start3A_383 = tpu.memref_squeeze %dma_start3A_382 : memref<1x200xi32, #tpu.memory_space<vmem>> -> memref<200xi32, #tpu.memory_space<vmem>>
      %dma_start3A_384 = arith.constant 0 : i32
      %dma_start3A_385 = arith.constant 0 : i32
      %dma_start3A_386 = tpu.memref_slice %arg5[%dma_start3A_384, %dma_start3A_385] : memref<10240x16xf32, #tpu.memory_space<vmem_shared>> -> memref<10240x16xf32, #tpu.memory_space<vmem_shared>>
      tpu.enqueue_indirect_dma source(%dma_start3A_380 : memref<200x16xf32, #tpu.memory_space<vmem>>) target(%dma_start3A_386 : memref<10240x16xf32, #tpu.memory_space<vmem_shared>>) offsets(%dma_start3A_383 : memref<200xi32, #tpu.memory_space<vmem>>) semaphore(%arg21 : memref<!tpu.dma_semaphore, #tpu.memory_space<semaphore_mem>>) {add = true}
      %dma_wait3A_387 = arith.constant 0 : i32
      %dma_wait3A_388 = arith.constant 2 : i32
      %dma_wait3A_389 = arith.constant 0 : i32
      %dma_wait3A_390 = arith.constant 0 : i32
      %dma_wait3A_391 = tpu.memref_slice %arg8[%dma_wait3A_388, %dma_wait3A_389, %dma_wait3A_390] : memref<10x200x16xf32, #tpu.memory_space<vmem>> -> memref<1x200x16xf32, #tpu.memory_space<vmem>>
      %dma_wait3A_392 = tpu.memref_squeeze %dma_wait3A_391 : memref<1x200x16xf32, #tpu.memory_space<vmem>> -> memref<200x16xf32, #tpu.memory_space<vmem>>
      %dma_wait3A_393 = arith.constant 0 : i32
      %dma_wait3A_394 = tpu.memref_slice %arg6[%dma_wait3A_387, %dma_wait3A_393] : memref<50x200xi32, #tpu.memory_space<vmem>> -> memref<1x200xi32, #tpu.memory_space<vmem>>
      %dma_wait3A_395 = tpu.memref_squeeze %dma_wait3A_394 : memref<1x200xi32, #tpu.memory_space<vmem>> -> memref<200xi32, #tpu.memory_space<vmem>>
      %dma_wait3A_396 = arith.constant 0 : i32
      %dma_wait3A_397 = arith.constant 0 : i32
      %dma_wait3A_398 = tpu.memref_slice %arg2[%dma_wait3A_396, %dma_wait3A_397] : memref<10240x16xf32, #tpu.memory_space<hbm>> -> memref<10240x16xf32, #tpu.memory_space<hbm>>
      tpu.wait_indirect_dma semaphore(%arg12 : memref<!tpu.dma_semaphore, #tpu.memory_space<semaphore_mem>>) src(%dma_wait3A_398 : memref<10240x16xf32, #tpu.memory_space<hbm>>) dst(%dma_wait3A_392 : memref<200x16xf32, #tpu.memory_space<vmem>>)
      %add3A_399 = arith.constant 2 : i32
      %add3A_400 = arith.addi %mul3A_160, %add3A_399 : i32
      %dma_start3A_401 = arith.constant 2 : i32
      %dma_start3A_402 = arith.constant 0 : i32
      %dma_start3A_403 = arith.constant 0 : i32
      %dma_start3A_404 = tpu.memref_slice %arg8[%dma_start3A_401, %dma_start3A_402, %dma_start3A_403] : memref<10x200x16xf32, #tpu.memory_space<vmem>> -> memref<1x200x16xf32, #tpu.memory_space<vmem>>
      %dma_start3A_405 = tpu.memref_squeeze %dma_start3A_404 : memref<1x200x16xf32, #tpu.memory_space<vmem>> -> memref<200x16xf32, #tpu.memory_space<vmem>>
      %dma_start3A_406 = arith.constant 0 : i32
      %dma_start3A_407 = tpu.memref_slice %arg7[%add3A_400, %dma_start3A_406] : memref<50x200xi32, #tpu.memory_space<vmem>> -> memref<1x200xi32, #tpu.memory_space<vmem>>
      %dma_start3A_408 = tpu.memref_squeeze %dma_start3A_407 : memref<1x200xi32, #tpu.memory_space<vmem>> -> memref<200xi32, #tpu.memory_space<vmem>>
      %dma_start3A_409 = arith.constant 0 : i32
      %dma_start3A_410 = arith.constant 0 : i32
      %dma_start3A_411 = tpu.memref_slice %arg5[%dma_start3A_409, %dma_start3A_410] : memref<10240x16xf32, #tpu.memory_space<vmem_shared>> -> memref<10240x16xf32, #tpu.memory_space<vmem_shared>>
      tpu.enqueue_indirect_dma source(%dma_start3A_405 : memref<200x16xf32, #tpu.memory_space<vmem>>) target(%dma_start3A_411 : memref<10240x16xf32, #tpu.memory_space<vmem_shared>>) offsets(%dma_start3A_408 : memref<200xi32, #tpu.memory_space<vmem>>) semaphore(%arg22 : memref<!tpu.dma_semaphore, #tpu.memory_space<semaphore_mem>>) {add = true}
      %dma_wait3A_412 = arith.constant 0 : i32
      %dma_wait3A_413 = arith.constant 3 : i32
      %dma_wait3A_414 = arith.constant 0 : i32
      %dma_wait3A_415 = arith.constant 0 : i32
      %dma_wait3A_416 = tpu.memref_slice %arg8[%dma_wait3A_413, %dma_wait3A_414, %dma_wait3A_415] : memref<10x200x16xf32, #tpu.memory_space<vmem>> -> memref<1x200x16xf32, #tpu.memory_space<vmem>>
      %dma_wait3A_417 = tpu.memref_squeeze %dma_wait3A_416 : memref<1x200x16xf32, #tpu.memory_space<vmem>> -> memref<200x16xf32, #tpu.memory_space<vmem>>
      %dma_wait3A_418 = arith.constant 0 : i32
      %dma_wait3A_419 = tpu.memref_slice %arg6[%dma_wait3A_412, %dma_wait3A_418] : memref<50x200xi32, #tpu.memory_space<vmem>> -> memref<1x200xi32, #tpu.memory_space<vmem>>
      %dma_wait3A_420 = tpu.memref_squeeze %dma_wait3A_419 : memref<1x200xi32, #tpu.memory_space<vmem>> -> memref<200xi32, #tpu.memory_space<vmem>>
      %dma_wait3A_421 = arith.constant 0 : i32
      %dma_wait3A_422 = arith.constant 0 : i32
      %dma_wait3A_423 = tpu.memref_slice %arg2[%dma_wait3A_421, %dma_wait3A_422] : memref<10240x16xf32, #tpu.memory_space<hbm>> -> memref<10240x16xf32, #tpu.memory_space<hbm>>
      tpu.wait_indirect_dma semaphore(%arg13 : memref<!tpu.dma_semaphore, #tpu.memory_space<semaphore_mem>>) src(%dma_wait3A_423 : memref<10240x16xf32, #tpu.memory_space<hbm>>) dst(%dma_wait3A_417 : memref<200x16xf32, #tpu.memory_space<vmem>>)
      %add3A_424 = arith.constant 3 : i32
      %add3A_425 = arith.addi %mul3A_160, %add3A_424 : i32
      %dma_start3A_426 = arith.constant 3 : i32
      %dma_start3A_427 = arith.constant 0 : i32
      %dma_start3A_428 = arith.constant 0 : i32
      %dma_start3A_429 = tpu.memref_slice %arg8[%dma_start3A_426, %dma_start3A_427, %dma_start3A_428] : memref<10x200x16xf32, #tpu.memory_space<vmem>> -> memref<1x200x16xf32, #tpu.memory_space<vmem>>
      %dma_start3A_430 = tpu.memref_squeeze %dma_start3A_429 : memref<1x200x16xf32, #tpu.memory_space<vmem>> -> memref<200x16xf32, #tpu.memory_space<vmem>>
      %dma_start3A_431 = arith.constant 0 : i32
      %dma_start3A_432 = tpu.memref_slice %arg7[%add3A_425, %dma_start3A_431] : memref<50x200xi32, #tpu.memory_space<vmem>> -> memref<1x200xi32, #tpu.memory_space<vmem>>
      %dma_start3A_433 = tpu.memref_squeeze %dma_start3A_432 : memref<1x200xi32, #tpu.memory_space<vmem>> -> memref<200xi32, #tpu.memory_space<vmem>>
      %dma_start3A_434 = arith.constant 0 : i32
      %dma_start3A_435 = arith.constant 0 : i32
      %dma_start3A_436 = tpu.memref_slice %arg5[%dma_start3A_434, %dma_start3A_435] : memref<10240x16xf32, #tpu.memory_space<vmem_shared>> -> memref<10240x16xf32, #tpu.memory_space<vmem_shared>>
      tpu.enqueue_indirect_dma source(%dma_start3A_430 : memref<200x16xf32, #tpu.memory_space<vmem>>) target(%dma_start3A_436 : memref<10240x16xf32, #tpu.memory_space<vmem_shared>>) offsets(%dma_start3A_433 : memref<200xi32, #tpu.memory_space<vmem>>) semaphore(%arg23 : memref<!tpu.dma_semaphore, #tpu.memory_space<semaphore_mem>>) {add = true}
      %dma_wait3A_437 = arith.constant 0 : i32
      %dma_wait3A_438 = arith.constant 4 : i32
      %dma_wait3A_439 = arith.constant 0 : i32
      %dma_wait3A_440 = arith.constant 0 : i32
      %dma_wait3A_441 = tpu.memref_slice %arg8[%dma_wait3A_438, %dma_wait3A_439, %dma_wait3A_440] : memref<10x200x16xf32, #tpu.memory_space<vmem>> -> memref<1x200x16xf32, #tpu.memory_space<vmem>>
      %dma_wait3A_442 = tpu.memref_squeeze %dma_wait3A_441 : memref<1x200x16xf32, #tpu.memory_space<vmem>> -> memref<200x16xf32, #tpu.memory_space<vmem>>
      %dma_wait3A_443 = arith.constant 0 : i32
      %dma_wait3A_444 = tpu.memref_slice %arg6[%dma_wait3A_437, %dma_wait3A_443] : memref<50x200xi32, #tpu.memory_space<vmem>> -> memref<1x200xi32, #tpu.memory_space<vmem>>
      %dma_wait3A_445 = tpu.memref_squeeze %dma_wait3A_444 : memref<1x200xi32, #tpu.memory_space<vmem>> -> memref<200xi32, #tpu.memory_space<vmem>>
      %dma_wait3A_446 = arith.constant 0 : i32
      %dma_wait3A_447 = arith.constant 0 : i32
      %dma_wait3A_448 = tpu.memref_slice %arg2[%dma_wait3A_446, %dma_wait3A_447] : memref<10240x16xf32, #tpu.memory_space<hbm>> -> memref<10240x16xf32, #tpu.memory_space<hbm>>
      tpu.wait_indirect_dma semaphore(%arg14 : memref<!tpu.dma_semaphore, #tpu.memory_space<semaphore_mem>>) src(%dma_wait3A_448 : memref<10240x16xf32, #tpu.memory_space<hbm>>) dst(%dma_wait3A_442 : memref<200x16xf32, #tpu.memory_space<vmem>>)
      %add3A_449 = arith.constant 4 : i32
      %add3A_450 = arith.addi %mul3A_160, %add3A_449 : i32
      %dma_start3A_451 = arith.constant 4 : i32
      %dma_start3A_452 = arith.constant 0 : i32
      %dma_start3A_453 = arith.constant 0 : i32
      %dma_start3A_454 = tpu.memref_slice %arg8[%dma_start3A_451, %dma_start3A_452, %dma_start3A_453] : memref<10x200x16xf32, #tpu.memory_space<vmem>> -> memref<1x200x16xf32, #tpu.memory_space<vmem>>
      %dma_start3A_455 = tpu.memref_squeeze %dma_start3A_454 : memref<1x200x16xf32, #tpu.memory_space<vmem>> -> memref<200x16xf32, #tpu.memory_space<vmem>>
      %dma_start3A_456 = arith.constant 0 : i32
      %dma_start3A_457 = tpu.memref_slice %arg7[%add3A_450, %dma_start3A_456] : memref<50x200xi32, #tpu.memory_space<vmem>> -> memref<1x200xi32, #tpu.memory_space<vmem>>
      %dma_start3A_458 = tpu.memref_squeeze %dma_start3A_457 : memref<1x200xi32, #tpu.memory_space<vmem>> -> memref<200xi32, #tpu.memory_space<vmem>>
      %dma_start3A_459 = arith.constant 0 : i32
      %dma_start3A_460 = arith.constant 0 : i32
      %dma_start3A_461 = tpu.memref_slice %arg5[%dma_start3A_459, %dma_start3A_460] : memref<10240x16xf32, #tpu.memory_space<vmem_shared>> -> memref<10240x16xf32, #tpu.memory_space<vmem_shared>>
      tpu.enqueue_indirect_dma source(%dma_start3A_455 : memref<200x16xf32, #tpu.memory_space<vmem>>) target(%dma_start3A_461 : memref<10240x16xf32, #tpu.memory_space<vmem_shared>>) offsets(%dma_start3A_458 : memref<200xi32, #tpu.memory_space<vmem>>) semaphore(%arg24 : memref<!tpu.dma_semaphore, #tpu.memory_space<semaphore_mem>>) {add = true}
      %dma_wait3A_462 = arith.constant 0 : i32
      %dma_wait3A_463 = arith.constant 5 : i32
      %dma_wait3A_464 = arith.constant 0 : i32
      %dma_wait3A_465 = arith.constant 0 : i32
      %dma_wait3A_466 = tpu.memref_slice %arg8[%dma_wait3A_463, %dma_wait3A_464, %dma_wait3A_465] : memref<10x200x16xf32, #tpu.memory_space<vmem>> -> memref<1x200x16xf32, #tpu.memory_space<vmem>>
      %dma_wait3A_467 = tpu.memref_squeeze %dma_wait3A_466 : memref<1x200x16xf32, #tpu.memory_space<vmem>> -> memref<200x16xf32, #tpu.memory_space<vmem>>
      %dma_wait3A_468 = arith.constant 0 : i32
      %dma_wait3A_469 = tpu.memref_slice %arg6[%dma_wait3A_462, %dma_wait3A_468] : memref<50x200xi32, #tpu.memory_space<vmem>> -> memref<1x200xi32, #tpu.memory_space<vmem>>
      %dma_wait3A_470 = tpu.memref_squeeze %dma_wait3A_469 : memref<1x200xi32, #tpu.memory_space<vmem>> -> memref<200xi32, #tpu.memory_space<vmem>>
      %dma_wait3A_471 = arith.constant 0 : i32
      %dma_wait3A_472 = arith.constant 0 : i32
      %dma_wait3A_473 = tpu.memref_slice %arg2[%dma_wait3A_471, %dma_wait3A_472] : memref<10240x16xf32, #tpu.memory_space<hbm>> -> memref<10240x16xf32, #tpu.memory_space<hbm>>
      tpu.wait_indirect_dma semaphore(%arg15 : memref<!tpu.dma_semaphore, #tpu.memory_space<semaphore_mem>>) src(%dma_wait3A_473 : memref<10240x16xf32, #tpu.memory_space<hbm>>) dst(%dma_wait3A_467 : memref<200x16xf32, #tpu.memory_space<vmem>>)
      %add3A_474 = arith.constant 5 : i32
      %add3A_475 = arith.addi %mul3A_160, %add3A_474 : i32
      %dma_start3A_476 = arith.constant 5 : i32
      %dma_start3A_477 = arith.constant 0 : i32
      %dma_start3A_478 = arith.constant 0 : i32
      %dma_start3A_479 = tpu.memref_slice %arg8[%dma_start3A_476, %dma_start3A_477, %dma_start3A_478] : memref<10x200x16xf32, #tpu.memory_space<vmem>> -> memref<1x200x16xf32, #tpu.memory_space<vmem>>
      %dma_start3A_480 = tpu.memref_squeeze %dma_start3A_479 : memref<1x200x16xf32, #tpu.memory_space<vmem>> -> memref<200x16xf32, #tpu.memory_space<vmem>>
      %dma_start3A_481 = arith.constant 0 : i32
      %dma_start3A_482 = tpu.memref_slice %arg7[%add3A_475, %dma_start3A_481] : memref<50x200xi32, #tpu.memory_space<vmem>> -> memref<1x200xi32, #tpu.memory_space<vmem>>
      %dma_start3A_483 = tpu.memref_squeeze %dma_start3A_482 : memref<1x200xi32, #tpu.memory_space<vmem>> -> memref<200xi32, #tpu.memory_space<vmem>>
      %dma_start3A_484 = arith.constant 0 : i32
      %dma_start3A_485 = arith.constant 0 : i32
      %dma_start3A_486 = tpu.memref_slice %arg5[%dma_start3A_484, %dma_start3A_485] : memref<10240x16xf32, #tpu.memory_space<vmem_shared>> -> memref<10240x16xf32, #tpu.memory_space<vmem_shared>>
      tpu.enqueue_indirect_dma source(%dma_start3A_480 : memref<200x16xf32, #tpu.memory_space<vmem>>) target(%dma_start3A_486 : memref<10240x16xf32, #tpu.memory_space<vmem_shared>>) offsets(%dma_start3A_483 : memref<200xi32, #tpu.memory_space<vmem>>) semaphore(%arg25 : memref<!tpu.dma_semaphore, #tpu.memory_space<semaphore_mem>>) {add = true}
      %dma_wait3A_487 = arith.constant 0 : i32
      %dma_wait3A_488 = arith.constant 6 : i32
      %dma_wait3A_489 = arith.constant 0 : i32
      %dma_wait3A_490 = arith.constant 0 : i32
      %dma_wait3A_491 = tpu.memref_slice %arg8[%dma_wait3A_488, %dma_wait3A_489, %dma_wait3A_490] : memref<10x200x16xf32, #tpu.memory_space<vmem>> -> memref<1x200x16xf32, #tpu.memory_space<vmem>>
      %dma_wait3A_492 = tpu.memref_squeeze %dma_wait3A_491 : memref<1x200x16xf32, #tpu.memory_space<vmem>> -> memref<200x16xf32, #tpu.memory_space<vmem>>
      %dma_wait3A_493 = arith.constant 0 : i32
      %dma_wait3A_494 = tpu.memref_slice %arg6[%dma_wait3A_487, %dma_wait3A_493] : memref<50x200xi32, #tpu.memory_space<vmem>> -> memref<1x200xi32, #tpu.memory_space<vmem>>
      %dma_wait3A_495 = tpu.memref_squeeze %dma_wait3A_494 : memref<1x200xi32, #tpu.memory_space<vmem>> -> memref<200xi32, #tpu.memory_space<vmem>>
      %dma_wait3A_496 = arith.constant 0 : i32
      %dma_wait3A_497 = arith.constant 0 : i32
      %dma_wait3A_498 = tpu.memref_slice %arg2[%dma_wait3A_496, %dma_wait3A_497] : memref<10240x16xf32, #tpu.memory_space<hbm>> -> memref<10240x16xf32, #tpu.memory_space<hbm>>
      tpu.wait_indirect_dma semaphore(%arg16 : memref<!tpu.dma_semaphore, #tpu.memory_space<semaphore_mem>>) src(%dma_wait3A_498 : memref<10240x16xf32, #tpu.memory_space<hbm>>) dst(%dma_wait3A_492 : memref<200x16xf32, #tpu.memory_space<vmem>>)
      %add3A_499 = arith.constant 6 : i32
      %add3A_500 = arith.addi %mul3A_160, %add3A_499 : i32
      %dma_start3A_501 = arith.constant 6 : i32
      %dma_start3A_502 = arith.constant 0 : i32
      %dma_start3A_503 = arith.constant 0 : i32
      %dma_start3A_504 = tpu.memref_slice %arg8[%dma_start3A_501, %dma_start3A_502, %dma_start3A_503] : memref<10x200x16xf32, #tpu.memory_space<vmem>> -> memref<1x200x16xf32, #tpu.memory_space<vmem>>
      %dma_start3A_505 = tpu.memref_squeeze %dma_start3A_504 : memref<1x200x16xf32, #tpu.memory_space<vmem>> -> memref<200x16xf32, #tpu.memory_space<vmem>>
      %dma_start3A_506 = arith.constant 0 : i32
      %dma_start3A_507 = tpu.memref_slice %arg7[%add3A_500, %dma_start3A_506] : memref<50x200xi32, #tpu.memory_space<vmem>> -> memref<1x200xi32, #tpu.memory_space<vmem>>
      %dma_start3A_508 = tpu.memref_squeeze %dma_start3A_507 : memref<1x200xi32, #tpu.memory_space<vmem>> -> memref<200xi32, #tpu.memory_space<vmem>>
      %dma_start3A_509 = arith.constant 0 : i32
      %dma_start3A_510 = arith.constant 0 : i32
      %dma_start3A_511 = tpu.memref_slice %arg5[%dma_start3A_509, %dma_start3A_510] : memref<10240x16xf32, #tpu.memory_space<vmem_shared>> -> memref<10240x16xf32, #tpu.memory_space<vmem_shared>>
      tpu.enqueue_indirect_dma source(%dma_start3A_505 : memref<200x16xf32, #tpu.memory_space<vmem>>) target(%dma_start3A_511 : memref<10240x16xf32, #tpu.memory_space<vmem_shared>>) offsets(%dma_start3A_508 : memref<200xi32, #tpu.memory_space<vmem>>) semaphore(%arg26 : memref<!tpu.dma_semaphore, #tpu.memory_space<semaphore_mem>>) {add = true}
      %dma_wait3A_512 = arith.constant 0 : i32
      %dma_wait3A_513 = arith.constant 7 : i32
      %dma_wait3A_514 = arith.constant 0 : i32
      %dma_wait3A_515 = arith.constant 0 : i32
      %dma_wait3A_516 = tpu.memref_slice %arg8[%dma_wait3A_513, %dma_wait3A_514, %dma_wait3A_515] : memref<10x200x16xf32, #tpu.memory_space<vmem>> -> memref<1x200x16xf32, #tpu.memory_space<vmem>>
      %dma_wait3A_517 = tpu.memref_squeeze %dma_wait3A_516 : memref<1x200x16xf32, #tpu.memory_space<vmem>> -> memref<200x16xf32, #tpu.memory_space<vmem>>
      %dma_wait3A_518 = arith.constant 0 : i32
      %dma_wait3A_519 = tpu.memref_slice %arg6[%dma_wait3A_512, %dma_wait3A_518] : memref<50x200xi32, #tpu.memory_space<vmem>> -> memref<1x200xi32, #tpu.memory_space<vmem>>
      %dma_wait3A_520 = tpu.memref_squeeze %dma_wait3A_519 : memref<1x200xi32, #tpu.memory_space<vmem>> -> memref<200xi32, #tpu.memory_space<vmem>>
      %dma_wait3A_521 = arith.constant 0 : i32
      %dma_wait3A_522 = arith.constant 0 : i32
      %dma_wait3A_523 = tpu.memref_slice %arg2[%dma_wait3A_521, %dma_wait3A_522] : memref<10240x16xf32, #tpu.memory_space<hbm>> -> memref<10240x16xf32, #tpu.memory_space<hbm>>
      tpu.wait_indirect_dma semaphore(%arg17 : memref<!tpu.dma_semaphore, #tpu.memory_space<semaphore_mem>>) src(%dma_wait3A_523 : memref<10240x16xf32, #tpu.memory_space<hbm>>) dst(%dma_wait3A_517 : memref<200x16xf32, #tpu.memory_space<vmem>>)
      %add3A_524 = arith.constant 7 : i32
      %add3A_525 = arith.addi %mul3A_160, %add3A_524 : i32
      %dma_start3A_526 = arith.constant 7 : i32
      %dma_start3A_527 = arith.constant 0 : i32
      %dma_start3A_528 = arith.constant 0 : i32
      %dma_start3A_529 = tpu.memref_slice %arg8[%dma_start3A_526, %dma_start3A_527, %dma_start3A_528] : memref<10x200x16xf32, #tpu.memory_space<vmem>> -> memref<1x200x16xf32, #tpu.memory_space<vmem>>
      %dma_start3A_530 = tpu.memref_squeeze %dma_start3A_529 : memref<1x200x16xf32, #tpu.memory_space<vmem>> -> memref<200x16xf32, #tpu.memory_space<vmem>>
      %dma_start3A_531 = arith.constant 0 : i32
      %dma_start3A_532 = tpu.memref_slice %arg7[%add3A_525, %dma_start3A_531] : memref<50x200xi32, #tpu.memory_space<vmem>> -> memref<1x200xi32, #tpu.memory_space<vmem>>
      %dma_start3A_533 = tpu.memref_squeeze %dma_start3A_532 : memref<1x200xi32, #tpu.memory_space<vmem>> -> memref<200xi32, #tpu.memory_space<vmem>>
      %dma_start3A_534 = arith.constant 0 : i32
      %dma_start3A_535 = arith.constant 0 : i32
      %dma_start3A_536 = tpu.memref_slice %arg5[%dma_start3A_534, %dma_start3A_535] : memref<10240x16xf32, #tpu.memory_space<vmem_shared>> -> memref<10240x16xf32, #tpu.memory_space<vmem_shared>>
      tpu.enqueue_indirect_dma source(%dma_start3A_530 : memref<200x16xf32, #tpu.memory_space<vmem>>) target(%dma_start3A_536 : memref<10240x16xf32, #tpu.memory_space<vmem_shared>>) offsets(%dma_start3A_533 : memref<200xi32, #tpu.memory_space<vmem>>) semaphore(%arg27 : memref<!tpu.dma_semaphore, #tpu.memory_space<semaphore_mem>>) {add = true}
      %dma_wait3A_537 = arith.constant 0 : i32
      %dma_wait3A_538 = arith.constant 8 : i32
      %dma_wait3A_539 = arith.constant 0 : i32
      %dma_wait3A_540 = arith.constant 0 : i32
      %dma_wait3A_541 = tpu.memref_slice %arg8[%dma_wait3A_538, %dma_wait3A_539, %dma_wait3A_540] : memref<10x200x16xf32, #tpu.memory_space<vmem>> -> memref<1x200x16xf32, #tpu.memory_space<vmem>>
      %dma_wait3A_542 = tpu.memref_squeeze %dma_wait3A_541 : memref<1x200x16xf32, #tpu.memory_space<vmem>> -> memref<200x16xf32, #tpu.memory_space<vmem>>
      %dma_wait3A_543 = arith.constant 0 : i32
      %dma_wait3A_544 = tpu.memref_slice %arg6[%dma_wait3A_537, %dma_wait3A_543] : memref<50x200xi32, #tpu.memory_space<vmem>> -> memref<1x200xi32, #tpu.memory_space<vmem>>
      %dma_wait3A_545 = tpu.memref_squeeze %dma_wait3A_544 : memref<1x200xi32, #tpu.memory_space<vmem>> -> memref<200xi32, #tpu.memory_space<vmem>>
      %dma_wait3A_546 = arith.constant 0 : i32
      %dma_wait3A_547 = arith.constant 0 : i32
      %dma_wait3A_548 = tpu.memref_slice %arg2[%dma_wait3A_546, %dma_wait3A_547] : memref<10240x16xf32, #tpu.memory_space<hbm>> -> memref<10240x16xf32, #tpu.memory_space<hbm>>
      tpu.wait_indirect_dma semaphore(%arg18 : memref<!tpu.dma_semaphore, #tpu.memory_space<semaphore_mem>>) src(%dma_wait3A_548 : memref<10240x16xf32, #tpu.memory_space<hbm>>) dst(%dma_wait3A_542 : memref<200x16xf32, #tpu.memory_space<vmem>>)
      %add3A_549 = arith.constant 8 : i32
      %add3A_550 = arith.addi %mul3A_160, %add3A_549 : i32
      %dma_start3A_551 = arith.constant 8 : i32
      %dma_start3A_552 = arith.constant 0 : i32
      %dma_start3A_553 = arith.constant 0 : i32
      %dma_start3A_554 = tpu.memref_slice %arg8[%dma_start3A_551, %dma_start3A_552, %dma_start3A_553] : memref<10x200x16xf32, #tpu.memory_space<vmem>> -> memref<1x200x16xf32, #tpu.memory_space<vmem>>
      %dma_start3A_555 = tpu.memref_squeeze %dma_start3A_554 : memref<1x200x16xf32, #tpu.memory_space<vmem>> -> memref<200x16xf32, #tpu.memory_space<vmem>>
      %dma_start3A_556 = arith.constant 0 : i32
      %dma_start3A_557 = tpu.memref_slice %arg7[%add3A_550, %dma_start3A_556] : memref<50x200xi32, #tpu.memory_space<vmem>> -> memref<1x200xi32, #tpu.memory_space<vmem>>
      %dma_start3A_558 = tpu.memref_squeeze %dma_start3A_557 : memref<1x200xi32, #tpu.memory_space<vmem>> -> memref<200xi32, #tpu.memory_space<vmem>>
      %dma_start3A_559 = arith.constant 0 : i32
      %dma_start3A_560 = arith.constant 0 : i32
      %dma_start3A_561 = tpu.memref_slice %arg5[%dma_start3A_559, %dma_start3A_560] : memref<10240x16xf32, #tpu.memory_space<vmem_shared>> -> memref<10240x16xf32, #tpu.memory_space<vmem_shared>>
      tpu.enqueue_indirect_dma source(%dma_start3A_555 : memref<200x16xf32, #tpu.memory_space<vmem>>) target(%dma_start3A_561 : memref<10240x16xf32, #tpu.memory_space<vmem_shared>>) offsets(%dma_start3A_558 : memref<200xi32, #tpu.memory_space<vmem>>) semaphore(%arg28 : memref<!tpu.dma_semaphore, #tpu.memory_space<semaphore_mem>>) {add = true}
      %dma_wait3A_562 = arith.constant 0 : i32
      %dma_wait3A_563 = arith.constant 9 : i32
      %dma_wait3A_564 = arith.constant 0 : i32
      %dma_wait3A_565 = arith.constant 0 : i32
      %dma_wait3A_566 = tpu.memref_slice %arg8[%dma_wait3A_563, %dma_wait3A_564, %dma_wait3A_565] : memref<10x200x16xf32, #tpu.memory_space<vmem>> -> memref<1x200x16xf32, #tpu.memory_space<vmem>>
      %dma_wait3A_567 = tpu.memref_squeeze %dma_wait3A_566 : memref<1x200x16xf32, #tpu.memory_space<vmem>> -> memref<200x16xf32, #tpu.memory_space<vmem>>
      %dma_wait3A_568 = arith.constant 0 : i32
      %dma_wait3A_569 = tpu.memref_slice %arg6[%dma_wait3A_562, %dma_wait3A_568] : memref<50x200xi32, #tpu.memory_space<vmem>> -> memref<1x200xi32, #tpu.memory_space<vmem>>
      %dma_wait3A_570 = tpu.memref_squeeze %dma_wait3A_569 : memref<1x200xi32, #tpu.memory_space<vmem>> -> memref<200xi32, #tpu.memory_space<vmem>>
      %dma_wait3A_571 = arith.constant 0 : i32
      %dma_wait3A_572 = arith.constant 0 : i32
      %dma_wait3A_573 = tpu.memref_slice %arg2[%dma_wait3A_571, %dma_wait3A_572] : memref<10240x16xf32, #tpu.memory_space<hbm>> -> memref<10240x16xf32, #tpu.memory_space<hbm>>
      tpu.wait_indirect_dma semaphore(%arg19 : memref<!tpu.dma_semaphore, #tpu.memory_space<semaphore_mem>>) src(%dma_wait3A_573 : memref<10240x16xf32, #tpu.memory_space<hbm>>) dst(%dma_wait3A_567 : memref<200x16xf32, #tpu.memory_space<vmem>>)
      %add3A_574 = arith.constant 9 : i32
      %add3A_575 = arith.addi %mul3A_160, %add3A_574 : i32
      %dma_start3A_576 = arith.constant 9 : i32
      %dma_start3A_577 = arith.constant 0 : i32
      %dma_start3A_578 = arith.constant 0 : i32
      %dma_start3A_579 = tpu.memref_slice %arg8[%dma_start3A_576, %dma_start3A_577, %dma_start3A_578] : memref<10x200x16xf32, #tpu.memory_space<vmem>> -> memref<1x200x16xf32, #tpu.memory_space<vmem>>
      %dma_start3A_580 = tpu.memref_squeeze %dma_start3A_579 : memref<1x200x16xf32, #tpu.memory_space<vmem>> -> memref<200x16xf32, #tpu.memory_space<vmem>>
      %dma_start3A_581 = arith.constant 0 : i32
      %dma_start3A_582 = tpu.memref_slice %arg7[%add3A_575, %dma_start3A_581] : memref<50x200xi32, #tpu.memory_space<vmem>> -> memref<1x200xi32, #tpu.memory_space<vmem>>
      %dma_start3A_583 = tpu.memref_squeeze %dma_start3A_582 : memref<1x200xi32, #tpu.memory_space<vmem>> -> memref<200xi32, #tpu.memory_space<vmem>>
      %dma_start3A_584 = arith.constant 0 : i32
      %dma_start3A_585 = arith.constant 0 : i32
      %dma_start3A_586 = tpu.memref_slice %arg5[%dma_start3A_584, %dma_start3A_585] : memref<10240x16xf32, #tpu.memory_space<vmem_shared>> -> memref<10240x16xf32, #tpu.memory_space<vmem_shared>>
      tpu.enqueue_indirect_dma source(%dma_start3A_580 : memref<200x16xf32, #tpu.memory_space<vmem>>) target(%dma_start3A_586 : memref<10240x16xf32, #tpu.memory_space<vmem_shared>>) offsets(%dma_start3A_583 : memref<200xi32, #tpu.memory_space<vmem>>) semaphore(%arg29 : memref<!tpu.dma_semaphore, #tpu.memory_space<semaphore_mem>>) {add = true}
    }
    %scan3A_33 = arith.constant 5 : i32
    %dma_wait3A = arith.constant 0 : i32
    %dma_wait3A_34 = arith.constant 0 : i32
    %dma_wait3A_35 = arith.constant 0 : i32
    %dma_wait3A_36 = arith.constant 0 : i32
    %dma_wait3A_37 = tpu.memref_slice %arg8[%dma_wait3A, %dma_wait3A_35, %dma_wait3A_36] : memref<10x200x16xf32, #tpu.memory_space<vmem>> -> memref<1x200x16xf32, #tpu.memory_space<vmem>>
    %dma_wait3A_38 = tpu.memref_squeeze %dma_wait3A_37 : memref<1x200x16xf32, #tpu.memory_space<vmem>> -> memref<200x16xf32, #tpu.memory_space<vmem>>
    %dma_wait3A_39 = arith.constant 0 : i32
    %dma_wait3A_40 = tpu.memref_slice %arg7[%dma_wait3A_34, %dma_wait3A_39] : memref<50x200xi32, #tpu.memory_space<vmem>> -> memref<1x200xi32, #tpu.memory_space<vmem>>
    %dma_wait3A_41 = tpu.memref_squeeze %dma_wait3A_40 : memref<1x200xi32, #tpu.memory_space<vmem>> -> memref<200xi32, #tpu.memory_space<vmem>>
    %dma_wait3A_42 = arith.constant 0 : i32
    %dma_wait3A_43 = arith.constant 0 : i32
    %dma_wait3A_44 = tpu.memref_slice %arg5[%dma_wait3A_42, %dma_wait3A_43] : memref<10240x16xf32, #tpu.memory_space<vmem_shared>> -> memref<10240x16xf32, #tpu.memory_space<vmem_shared>>
    tpu.wait_indirect_dma semaphore(%arg20 : memref<!tpu.dma_semaphore, #tpu.memory_space<semaphore_mem>>) src(%dma_wait3A_38 : memref<200x16xf32, #tpu.memory_space<vmem>>) dst(%dma_wait3A_44 : memref<10240x16xf32, #tpu.memory_space<vmem_shared>>)
    %dma_wait3A_45 = arith.constant 1 : i32
    %dma_wait3A_46 = arith.constant 0 : i32
    %dma_wait3A_47 = arith.constant 0 : i32
    %dma_wait3A_48 = arith.constant 0 : i32
    %dma_wait3A_49 = tpu.memref_slice %arg8[%dma_wait3A_45, %dma_wait3A_47, %dma_wait3A_48] : memref<10x200x16xf32, #tpu.memory_space<vmem>> -> memref<1x200x16xf32, #tpu.memory_space<vmem>>
    %dma_wait3A_50 = tpu.memref_squeeze %dma_wait3A_49 : memref<1x200x16xf32, #tpu.memory_space<vmem>> -> memref<200x16xf32, #tpu.memory_space<vmem>>
    %dma_wait3A_51 = arith.constant 0 : i32
    %dma_wait3A_52 = tpu.memref_slice %arg7[%dma_wait3A_46, %dma_wait3A_51] : memref<50x200xi32, #tpu.memory_space<vmem>> -> memref<1x200xi32, #tpu.memory_space<vmem>>
    %dma_wait3A_53 = tpu.memref_squeeze %dma_wait3A_52 : memref<1x200xi32, #tpu.memory_space<vmem>> -> memref<200xi32, #tpu.memory_space<vmem>>
    %dma_wait3A_54 = arith.constant 0 : i32
    %dma_wait3A_55 = arith.constant 0 : i32
    %dma_wait3A_56 = tpu.memref_slice %arg5[%dma_wait3A_54, %dma_wait3A_55] : memref<10240x16xf32, #tpu.memory_space<vmem_shared>> -> memref<10240x16xf32, #tpu.memory_space<vmem_shared>>
    tpu.wait_indirect_dma semaphore(%arg21 : memref<!tpu.dma_semaphore, #tpu.memory_space<semaphore_mem>>) src(%dma_wait3A_50 : memref<200x16xf32, #tpu.memory_space<vmem>>) dst(%dma_wait3A_56 : memref<10240x16xf32, #tpu.memory_space<vmem_shared>>)
    %dma_wait3A_57 = arith.constant 2 : i32
    %dma_wait3A_58 = arith.constant 0 : i32
    %dma_wait3A_59 = arith.constant 0 : i32
    %dma_wait3A_60 = arith.constant 0 : i32
    %dma_wait3A_61 = tpu.memref_slice %arg8[%dma_wait3A_57, %dma_wait3A_59, %dma_wait3A_60] : memref<10x200x16xf32, #tpu.memory_space<vmem>> -> memref<1x200x16xf32, #tpu.memory_space<vmem>>
    %dma_wait3A_62 = tpu.memref_squeeze %dma_wait3A_61 : memref<1x200x16xf32, #tpu.memory_space<vmem>> -> memref<200x16xf32, #tpu.memory_space<vmem>>
    %dma_wait3A_63 = arith.constant 0 : i32
    %dma_wait3A_64 = tpu.memref_slice %arg7[%dma_wait3A_58, %dma_wait3A_63] : memref<50x200xi32, #tpu.memory_space<vmem>> -> memref<1x200xi32, #tpu.memory_space<vmem>>
    %dma_wait3A_65 = tpu.memref_squeeze %dma_wait3A_64 : memref<1x200xi32, #tpu.memory_space<vmem>> -> memref<200xi32, #tpu.memory_space<vmem>>
    %dma_wait3A_66 = arith.constant 0 : i32
    %dma_wait3A_67 = arith.constant 0 : i32
    %dma_wait3A_68 = tpu.memref_slice %arg5[%dma_wait3A_66, %dma_wait3A_67] : memref<10240x16xf32, #tpu.memory_space<vmem_shared>> -> memref<10240x16xf32, #tpu.memory_space<vmem_shared>>
    tpu.wait_indirect_dma semaphore(%arg22 : memref<!tpu.dma_semaphore, #tpu.memory_space<semaphore_mem>>) src(%dma_wait3A_62 : memref<200x16xf32, #tpu.memory_space<vmem>>) dst(%dma_wait3A_68 : memref<10240x16xf32, #tpu.memory_space<vmem_shared>>)
    %dma_wait3A_69 = arith.constant 3 : i32
    %dma_wait3A_70 = arith.constant 0 : i32
    %dma_wait3A_71 = arith.constant 0 : i32
    %dma_wait3A_72 = arith.constant 0 : i32
    %dma_wait3A_73 = tpu.memref_slice %arg8[%dma_wait3A_69, %dma_wait3A_71, %dma_wait3A_72] : memref<10x200x16xf32, #tpu.memory_space<vmem>> -> memref<1x200x16xf32, #tpu.memory_space<vmem>>
    %dma_wait3A_74 = tpu.memref_squeeze %dma_wait3A_73 : memref<1x200x16xf32, #tpu.memory_space<vmem>> -> memref<200x16xf32, #tpu.memory_space<vmem>>
    %dma_wait3A_75 = arith.constant 0 : i32
    %dma_wait3A_76 = tpu.memref_slice %arg7[%dma_wait3A_70, %dma_wait3A_75] : memref<50x200xi32, #tpu.memory_space<vmem>> -> memref<1x200xi32, #tpu.memory_space<vmem>>
    %dma_wait3A_77 = tpu.memref_squeeze %dma_wait3A_76 : memref<1x200xi32, #tpu.memory_space<vmem>> -> memref<200xi32, #tpu.memory_space<vmem>>
    %dma_wait3A_78 = arith.constant 0 : i32
    %dma_wait3A_79 = arith.constant 0 : i32
    %dma_wait3A_80 = tpu.memref_slice %arg5[%dma_wait3A_78, %dma_wait3A_79] : memref<10240x16xf32, #tpu.memory_space<vmem_shared>> -> memref<10240x16xf32, #tpu.memory_space<vmem_shared>>
    tpu.wait_indirect_dma semaphore(%arg23 : memref<!tpu.dma_semaphore, #tpu.memory_space<semaphore_mem>>) src(%dma_wait3A_74 : memref<200x16xf32, #tpu.memory_space<vmem>>) dst(%dma_wait3A_80 : memref<10240x16xf32, #tpu.memory_space<vmem_shared>>)
    %dma_wait3A_81 = arith.constant 4 : i32
    %dma_wait3A_82 = arith.constant 0 : i32
    %dma_wait3A_83 = arith.constant 0 : i32
    %dma_wait3A_84 = arith.constant 0 : i32
    %dma_wait3A_85 = tpu.memref_slice %arg8[%dma_wait3A_81, %dma_wait3A_83, %dma_wait3A_84] : memref<10x200x16xf32, #tpu.memory_space<vmem>> -> memref<1x200x16xf32, #tpu.memory_space<vmem>>
    %dma_wait3A_86 = tpu.memref_squeeze %dma_wait3A_85 : memref<1x200x16xf32, #tpu.memory_space<vmem>> -> memref<200x16xf32, #tpu.memory_space<vmem>>
    %dma_wait3A_87 = arith.constant 0 : i32
    %dma_wait3A_88 = tpu.memref_slice %arg7[%dma_wait3A_82, %dma_wait3A_87] : memref<50x200xi32, #tpu.memory_space<vmem>> -> memref<1x200xi32, #tpu.memory_space<vmem>>
    %dma_wait3A_89 = tpu.memref_squeeze %dma_wait3A_88 : memref<1x200xi32, #tpu.memory_space<vmem>> -> memref<200xi32, #tpu.memory_space<vmem>>
    %dma_wait3A_90 = arith.constant 0 : i32
    %dma_wait3A_91 = arith.constant 0 : i32
    %dma_wait3A_92 = tpu.memref_slice %arg5[%dma_wait3A_90, %dma_wait3A_91] : memref<10240x16xf32, #tpu.memory_space<vmem_shared>> -> memref<10240x16xf32, #tpu.memory_space<vmem_shared>>
    tpu.wait_indirect_dma semaphore(%arg24 : memref<!tpu.dma_semaphore, #tpu.memory_space<semaphore_mem>>) src(%dma_wait3A_86 : memref<200x16xf32, #tpu.memory_space<vmem>>) dst(%dma_wait3A_92 : memref<10240x16xf32, #tpu.memory_space<vmem_shared>>)
    %dma_wait3A_93 = arith.constant 5 : i32
    %dma_wait3A_94 = arith.constant 0 : i32
    %dma_wait3A_95 = arith.constant 0 : i32
    %dma_wait3A_96 = arith.constant 0 : i32
    %dma_wait3A_97 = tpu.memref_slice %arg8[%dma_wait3A_93, %dma_wait3A_95, %dma_wait3A_96] : memref<10x200x16xf32, #tpu.memory_space<vmem>> -> memref<1x200x16xf32, #tpu.memory_space<vmem>>
    %dma_wait3A_98 = tpu.memref_squeeze %dma_wait3A_97 : memref<1x200x16xf32, #tpu.memory_space<vmem>> -> memref<200x16xf32, #tpu.memory_space<vmem>>
    %dma_wait3A_99 = arith.constant 0 : i32
    %dma_wait3A_100 = tpu.memref_slice %arg7[%dma_wait3A_94, %dma_wait3A_99] : memref<50x200xi32, #tpu.memory_space<vmem>> -> memref<1x200xi32, #tpu.memory_space<vmem>>
    %dma_wait3A_101 = tpu.memref_squeeze %dma_wait3A_100 : memref<1x200xi32, #tpu.memory_space<vmem>> -> memref<200xi32, #tpu.memory_space<vmem>>
    %dma_wait3A_102 = arith.constant 0 : i32
    %dma_wait3A_103 = arith.constant 0 : i32
    %dma_wait3A_104 = tpu.memref_slice %arg5[%dma_wait3A_102, %dma_wait3A_103] : memref<10240x16xf32, #tpu.memory_space<vmem_shared>> -> memref<10240x16xf32, #tpu.memory_space<vmem_shared>>
    tpu.wait_indirect_dma semaphore(%arg25 : memref<!tpu.dma_semaphore, #tpu.memory_space<semaphore_mem>>) src(%dma_wait3A_98 : memref<200x16xf32, #tpu.memory_space<vmem>>) dst(%dma_wait3A_104 : memref<10240x16xf32, #tpu.memory_space<vmem_shared>>)
    %dma_wait3A_105 = arith.constant 6 : i32
    %dma_wait3A_106 = arith.constant 0 : i32
    %dma_wait3A_107 = arith.constant 0 : i32
    %dma_wait3A_108 = arith.constant 0 : i32
    %dma_wait3A_109 = tpu.memref_slice %arg8[%dma_wait3A_105, %dma_wait3A_107, %dma_wait3A_108] : memref<10x200x16xf32, #tpu.memory_space<vmem>> -> memref<1x200x16xf32, #tpu.memory_space<vmem>>
    %dma_wait3A_110 = tpu.memref_squeeze %dma_wait3A_109 : memref<1x200x16xf32, #tpu.memory_space<vmem>> -> memref<200x16xf32, #tpu.memory_space<vmem>>
    %dma_wait3A_111 = arith.constant 0 : i32
    %dma_wait3A_112 = tpu.memref_slice %arg7[%dma_wait3A_106, %dma_wait3A_111] : memref<50x200xi32, #tpu.memory_space<vmem>> -> memref<1x200xi32, #tpu.memory_space<vmem>>
    %dma_wait3A_113 = tpu.memref_squeeze %dma_wait3A_112 : memref<1x200xi32, #tpu.memory_space<vmem>> -> memref<200xi32, #tpu.memory_space<vmem>>
    %dma_wait3A_114 = arith.constant 0 : i32
    %dma_wait3A_115 = arith.constant 0 : i32
    %dma_wait3A_116 = tpu.memref_slice %arg5[%dma_wait3A_114, %dma_wait3A_115] : memref<10240x16xf32, #tpu.memory_space<vmem_shared>> -> memref<10240x16xf32, #tpu.memory_space<vmem_shared>>
    tpu.wait_indirect_dma semaphore(%arg26 : memref<!tpu.dma_semaphore, #tpu.memory_space<semaphore_mem>>) src(%dma_wait3A_110 : memref<200x16xf32, #tpu.memory_space<vmem>>) dst(%dma_wait3A_116 : memref<10240x16xf32, #tpu.memory_space<vmem_shared>>)
    %dma_wait3A_117 = arith.constant 7 : i32
    %dma_wait3A_118 = arith.constant 0 : i32
    %dma_wait3A_119 = arith.constant 0 : i32
    %dma_wait3A_120 = arith.constant 0 : i32
    %dma_wait3A_121 = tpu.memref_slice %arg8[%dma_wait3A_117, %dma_wait3A_119, %dma_wait3A_120] : memref<10x200x16xf32, #tpu.memory_space<vmem>> -> memref<1x200x16xf32, #tpu.memory_space<vmem>>
    %dma_wait3A_122 = tpu.memref_squeeze %dma_wait3A_121 : memref<1x200x16xf32, #tpu.memory_space<vmem>> -> memref<200x16xf32, #tpu.memory_space<vmem>>
    %dma_wait3A_123 = arith.constant 0 : i32
    %dma_wait3A_124 = tpu.memref_slice %arg7[%dma_wait3A_118, %dma_wait3A_123] : memref<50x200xi32, #tpu.memory_space<vmem>> -> memref<1x200xi32, #tpu.memory_space<vmem>>
    %dma_wait3A_125 = tpu.memref_squeeze %dma_wait3A_124 : memref<1x200xi32, #tpu.memory_space<vmem>> -> memref<200xi32, #tpu.memory_space<vmem>>
    %dma_wait3A_126 = arith.constant 0 : i32
    %dma_wait3A_127 = arith.constant 0 : i32
    %dma_wait3A_128 = tpu.memref_slice %arg5[%dma_wait3A_126, %dma_wait3A_127] : memref<10240x16xf32, #tpu.memory_space<vmem_shared>> -> memref<10240x16xf32, #tpu.memory_space<vmem_shared>>
    tpu.wait_indirect_dma semaphore(%arg27 : memref<!tpu.dma_semaphore, #tpu.memory_space<semaphore_mem>>) src(%dma_wait3A_122 : memref<200x16xf32, #tpu.memory_space<vmem>>) dst(%dma_wait3A_128 : memref<10240x16xf32, #tpu.memory_space<vmem_shared>>)
    %dma_wait3A_129 = arith.constant 8 : i32
    %dma_wait3A_130 = arith.constant 0 : i32
    %dma_wait3A_131 = arith.constant 0 : i32
    %dma_wait3A_132 = arith.constant 0 : i32
    %dma_wait3A_133 = tpu.memref_slice %arg8[%dma_wait3A_129, %dma_wait3A_131, %dma_wait3A_132] : memref<10x200x16xf32, #tpu.memory_space<vmem>> -> memref<1x200x16xf32, #tpu.memory_space<vmem>>
    %dma_wait3A_134 = tpu.memref_squeeze %dma_wait3A_133 : memref<1x200x16xf32, #tpu.memory_space<vmem>> -> memref<200x16xf32, #tpu.memory_space<vmem>>
    %dma_wait3A_135 = arith.constant 0 : i32
    %dma_wait3A_136 = tpu.memref_slice %arg7[%dma_wait3A_130, %dma_wait3A_135] : memref<50x200xi32, #tpu.memory_space<vmem>> -> memref<1x200xi32, #tpu.memory_space<vmem>>
    %dma_wait3A_137 = tpu.memref_squeeze %dma_wait3A_136 : memref<1x200xi32, #tpu.memory_space<vmem>> -> memref<200xi32, #tpu.memory_space<vmem>>
    %dma_wait3A_138 = arith.constant 0 : i32
    %dma_wait3A_139 = arith.constant 0 : i32
    %dma_wait3A_140 = tpu.memref_slice %arg5[%dma_wait3A_138, %dma_wait3A_139] : memref<10240x16xf32, #tpu.memory_space<vmem_shared>> -> memref<10240x16xf32, #tpu.memory_space<vmem_shared>>
    tpu.wait_indirect_dma semaphore(%arg28 : memref<!tpu.dma_semaphore, #tpu.memory_space<semaphore_mem>>) src(%dma_wait3A_134 : memref<200x16xf32, #tpu.memory_space<vmem>>) dst(%dma_wait3A_140 : memref<10240x16xf32, #tpu.memory_space<vmem_shared>>)
    %dma_wait3A_141 = arith.constant 9 : i32
    %dma_wait3A_142 = arith.constant 0 : i32
    %dma_wait3A_143 = arith.constant 0 : i32
    %dma_wait3A_144 = arith.constant 0 : i32
    %dma_wait3A_145 = tpu.memref_slice %arg8[%dma_wait3A_141, %dma_wait3A_143, %dma_wait3A_144] : memref<10x200x16xf32, #tpu.memory_space<vmem>> -> memref<1x200x16xf32, #tpu.memory_space<vmem>>
    %dma_wait3A_146 = tpu.memref_squeeze %dma_wait3A_145 : memref<1x200x16xf32, #tpu.memory_space<vmem>> -> memref<200x16xf32, #tpu.memory_space<vmem>>
    %dma_wait3A_147 = arith.constant 0 : i32
    %dma_wait3A_148 = tpu.memref_slice %arg7[%dma_wait3A_142, %dma_wait3A_147] : memref<50x200xi32, #tpu.memory_space<vmem>> -> memref<1x200xi32, #tpu.memory_space<vmem>>
    %dma_wait3A_149 = tpu.memref_squeeze %dma_wait3A_148 : memref<1x200xi32, #tpu.memory_space<vmem>> -> memref<200xi32, #tpu.memory_space<vmem>>
    %dma_wait3A_150 = arith.constant 0 : i32
    %dma_wait3A_151 = arith.constant 0 : i32
    %dma_wait3A_152 = tpu.memref_slice %arg5[%dma_wait3A_150, %dma_wait3A_151] : memref<10240x16xf32, #tpu.memory_space<vmem_shared>> -> memref<10240x16xf32, #tpu.memory_space<vmem_shared>>
    tpu.wait_indirect_dma semaphore(%arg29 : memref<!tpu.dma_semaphore, #tpu.memory_space<semaphore_mem>>) src(%dma_wait3A_146 : memref<200x16xf32, #tpu.memory_space<vmem>>) dst(%dma_wait3A_152 : memref<10240x16xf32, #tpu.memory_space<vmem_shared>>)
    %barrier3A_153 = arith.constant 0 : index
    tpu.barrier barrier_id(%barrier3A_153)
    %mul3A_154 = arith.constant 640 : i32
    %mul3A_155 = arith.muli %arg1, %mul3A_154 : i32
    %mul3A_156 = arith.constant 640 : i32
    %mul3A_157 = arith.muli %arg1, %mul3A_156 : i32
    "tpu.region"() ({
      %run_scoped3A_158 = tpu.sem_alloc : memref<!tpu.dma_semaphore, #tpu.memory_space<semaphore_mem>>
      %dma_start3A = arith.constant 0 : i32
      %dma_start3A_159 = tpu.memref_slice %arg4[%arg0, %mul3A_157, %dma_start3A] : memref<2x10240x16xf32, #tpu.memory_space<hbm>> -> memref<1x640x16xf32, #tpu.memory_space<hbm>>
      %dma_start3A_160 = tpu.memref_squeeze %dma_start3A_159 : memref<1x640x16xf32, #tpu.memory_space<hbm>> -> memref<640x16xf32, #tpu.memory_space<hbm>>
      %dma_start3A_161 = arith.constant 0 : i32
      %dma_start3A_162 = tpu.memref_slice %arg5[%mul3A_155, %dma_start3A_161] : memref<10240x16xf32, #tpu.memory_space<vmem_shared>> -> memref<640x16xf32, #tpu.memory_space<vmem_shared>>
      tpu.enqueue_dma source(%dma_start3A_162 : memref<640x16xf32, #tpu.memory_space<vmem_shared>>) target(%dma_start3A_160 : memref<640x16xf32, #tpu.memory_space<hbm>>) target_semaphore(%run_scoped3A_158 : memref<!tpu.dma_semaphore, #tpu.memory_space<semaphore_mem>>)
      %dma_wait3A_163 = arith.constant 0 : i32
      %dma_wait3A_164 = tpu.memref_slice %arg4[%arg0, %mul3A_157, %dma_wait3A_163] : memref<2x10240x16xf32, #tpu.memory_space<hbm>> -> memref<1x640x16xf32, #tpu.memory_space<hbm>>
      %dma_wait3A_165 = tpu.memref_squeeze %dma_wait3A_164 : memref<1x640x16xf32, #tpu.memory_space<hbm>> -> memref<640x16xf32, #tpu.memory_space<hbm>>
      %dma_wait3A_166 = arith.constant 0 : i32
      %dma_wait3A_167 = tpu.memref_slice %arg5[%mul3A_155, %dma_wait3A_166] : memref<10240x16xf32, #tpu.memory_space<vmem_shared>> -> memref<640x16xf32, #tpu.memory_space<vmem_shared>>
      tpu.wait_dma2 semaphore(%run_scoped3A_158 : memref<!tpu.dma_semaphore, #tpu.memory_space<semaphore_mem>>) src(%dma_wait3A_167 : memref<640x16xf32, #tpu.memory_space<vmem_shared>>) dst(%dma_wait3A_165 : memref<640x16xf32, #tpu.memory_space<hbm>>)
      tpu.yield
    }) : () -> ()
    return
  }
}

module attributes {stable_mosaic.version = 14 : i64} {
  func.func @_mm1_body(%arg0: i32, %arg1: memref<10240x128xf32, #tpu.memory_space<vmem>>, %arg2: memref<32x128xf32, #tpu.memory_space<vmem>>, %arg3: memref<1280x128xf32, #tpu.memory_space<vmem>>, %arg4: memref<1280x128xf32, #tpu.memory_space<vmem>>, %arg5: memref<10240x16xf32, #tpu.memory_space<vmem>>, %arg6: memref<10240x16xf32, #tpu.memory_space<vmem>>) attributes {dimension_semantics = [#tpu.dimension_semantics<arbitrary>], iteration_bounds = array<i64: 1>, scalar_prefetch = 0 : i64, scratch_operands = 2 : i64, tpu.core_type = #tpu.core_type<tc>, window_params = [{transform_indices = @transform_0, window_bounds = array<i64: 10240, 128>}, {pipeline_mode = #tpu.pipeline_mode<synchronous>, transform_indices = @transform_1, window_bounds = array<i64: 32, 128>}, {transform_indices = @transform_2, window_bounds = array<i64: 1280, 128>}, {transform_indices = @transform_3, window_bounds = array<i64: 1280, 128>}]} {
    %get3A = arith.constant 0 : index
    %get3A_0 = arith.constant 0 : index
    %get3A_1 = vector.load %arg1[%get3A, %get3A_0] : memref<10240x128xf32, #tpu.memory_space<vmem>>, vector<10240x128xf32>
    %get3A_2 = arith.constant 0 : index
    %get3A_3 = arith.constant 0 : index
    %get3A_4 = vector.load %arg2[%get3A_2, %get3A_3] : memref<32x128xf32, #tpu.memory_space<vmem>>, vector<32x128xf32>
    %dot_general3A = arith.constant dense<0.000000e+00> : vector<10240x32xf32>
    %dot_general3A_5 = tpu.matmul %get3A_1, %get3A_4, %dot_general3A {dimension_numbers = #tpu.dot_dimension_numbers<[1], [1], [0], [0], [0, 0, 1, 0], [], []>, transpose_lhs_hint = false} : vector<10240x128xf32>, vector<32x128xf32>, vector<10240x32xf32> -> vector<10240x32xf32>
    %slice3A = vector.extract_strided_slice %dot_general3A_5 {offsets = [0, 0], sizes = [10240, 16], strides = [1, 1]} : vector<10240x32xf32> to vector<10240x16xf32>
    %swap3A = arith.constant 0 : index
    %swap3A_6 = arith.constant 0 : index
    %swap3A_7 = vector.load %arg5[%swap3A, %swap3A_6] : memref<10240x16xf32, #tpu.memory_space<vmem>>, vector<10240x16xf32>
    tpu.vector_store %arg5[%swap3A, %swap3A_6], %slice3A {strides = array<i32>} : memref<10240x16xf32, #tpu.memory_space<vmem>>, vector<10240x16xf32>,
    %slice3A_8 = vector.extract_strided_slice %dot_general3A_5 {offsets = [0, 16], sizes = [10240, 16], strides = [1, 1]} : vector<10240x32xf32> to vector<10240x16xf32>
    %swap3A_9 = arith.constant 0 : index
    %swap3A_10 = arith.constant 0 : index
    %swap3A_11 = vector.load %arg6[%swap3A_9, %swap3A_10] : memref<10240x16xf32, #tpu.memory_space<vmem>>, vector<10240x16xf32>
    tpu.vector_store %arg6[%swap3A_9, %swap3A_10], %slice3A_8 {strides = array<i32>} : memref<10240x16xf32, #tpu.memory_space<vmem>>, vector<10240x16xf32>,
    %get3A_12 = arith.constant 0 : index
    %get3A_13 = arith.constant 0 : index
    %get3A_14 = tpu.strided_load %arg5[%get3A_12, %get3A_13] {strides = array<i32: 8, 1>} : memref<10240x16xf32, #tpu.memory_space<vmem>>, vector<1280x16xf32>
    %swap3A_15 = arith.constant 0 : index
    %swap3A_16 = arith.constant 0 : index
    %swap3A_17 = vector.load %arg3[%swap3A_15, %swap3A_16] : memref<1280x128xf32, #tpu.memory_space<vmem>>, vector<1280x16xf32>
    tpu.vector_store %arg3[%swap3A_15, %swap3A_16], %get3A_14 {strides = array<i32>} : memref<1280x128xf32, #tpu.memory_space<vmem>>, vector<1280x16xf32>,
    %get3A_18 = arith.constant 0 : index
    %get3A_19 = arith.constant 0 : index
    %get3A_20 = tpu.strided_load %arg6[%get3A_18, %get3A_19] {strides = array<i32: 8, 1>} : memref<10240x16xf32, #tpu.memory_space<vmem>>, vector<1280x16xf32>
    %swap3A_21 = arith.constant 0 : index
    %swap3A_22 = arith.constant 0 : index
    %swap3A_23 = vector.load %arg4[%swap3A_21, %swap3A_22] : memref<1280x128xf32, #tpu.memory_space<vmem>>, vector<1280x16xf32>
    tpu.vector_store %arg4[%swap3A_21, %swap3A_22], %get3A_20 {strides = array<i32>} : memref<1280x128xf32, #tpu.memory_space<vmem>>, vector<1280x16xf32>,
    %get3A_24 = arith.constant 1 : index
    %get3A_25 = arith.constant 0 : index
    %get3A_26 = tpu.strided_load %arg5[%get3A_24, %get3A_25] {strides = array<i32: 8, 1>} : memref<10240x16xf32, #tpu.memory_space<vmem>>, vector<1280x16xf32>
    %swap3A_27 = arith.constant 0 : index
    %swap3A_28 = arith.constant 16 : index
    %swap3A_29 = vector.load %arg3[%swap3A_27, %swap3A_28] : memref<1280x128xf32, #tpu.memory_space<vmem>>, vector<1280x16xf32>
    tpu.vector_store %arg3[%swap3A_27, %swap3A_28], %get3A_26 {strides = array<i32>} : memref<1280x128xf32, #tpu.memory_space<vmem>>, vector<1280x16xf32>,
    %get3A_30 = arith.constant 1 : index
    %get3A_31 = arith.constant 0 : index
    %get3A_32 = tpu.strided_load %arg6[%get3A_30, %get3A_31] {strides = array<i32: 8, 1>} : memref<10240x16xf32, #tpu.memory_space<vmem>>, vector<1280x16xf32>
    %swap3A_33 = arith.constant 0 : index
    %swap3A_34 = arith.constant 16 : index
    %swap3A_35 = vector.load %arg4[%swap3A_33, %swap3A_34] : memref<1280x128xf32, #tpu.memory_space<vmem>>, vector<1280x16xf32>
    tpu.vector_store %arg4[%swap3A_33, %swap3A_34], %get3A_32 {strides = array<i32>} : memref<1280x128xf32, #tpu.memory_space<vmem>>, vector<1280x16xf32>,
    %get3A_36 = arith.constant 2 : index
    %get3A_37 = arith.constant 0 : index
    %get3A_38 = tpu.strided_load %arg5[%get3A_36, %get3A_37] {strides = array<i32: 8, 1>} : memref<10240x16xf32, #tpu.memory_space<vmem>>, vector<1280x16xf32>
    %swap3A_39 = arith.constant 0 : index
    %swap3A_40 = arith.constant 32 : index
    %swap3A_41 = vector.load %arg3[%swap3A_39, %swap3A_40] : memref<1280x128xf32, #tpu.memory_space<vmem>>, vector<1280x16xf32>
    tpu.vector_store %arg3[%swap3A_39, %swap3A_40], %get3A_38 {strides = array<i32>} : memref<1280x128xf32, #tpu.memory_space<vmem>>, vector<1280x16xf32>,
    %get3A_42 = arith.constant 2 : index
    %get3A_43 = arith.constant 0 : index
    %get3A_44 = tpu.strided_load %arg6[%get3A_42, %get3A_43] {strides = array<i32: 8, 1>} : memref<10240x16xf32, #tpu.memory_space<vmem>>, vector<1280x16xf32>
    %swap3A_45 = arith.constant 0 : index
    %swap3A_46 = arith.constant 32 : index
    %swap3A_47 = vector.load %arg4[%swap3A_45, %swap3A_46] : memref<1280x128xf32, #tpu.memory_space<vmem>>, vector<1280x16xf32>
    tpu.vector_store %arg4[%swap3A_45, %swap3A_46], %get3A_44 {strides = array<i32>} : memref<1280x128xf32, #tpu.memory_space<vmem>>, vector<1280x16xf32>,
    %get3A_48 = arith.constant 3 : index
    %get3A_49 = arith.constant 0 : index
    %get3A_50 = tpu.strided_load %arg5[%get3A_48, %get3A_49] {strides = array<i32: 8, 1>} : memref<10240x16xf32, #tpu.memory_space<vmem>>, vector<1280x16xf32>
    %swap3A_51 = arith.constant 0 : index
    %swap3A_52 = arith.constant 48 : index
    %swap3A_53 = vector.load %arg3[%swap3A_51, %swap3A_52] : memref<1280x128xf32, #tpu.memory_space<vmem>>, vector<1280x16xf32>
    tpu.vector_store %arg3[%swap3A_51, %swap3A_52], %get3A_50 {strides = array<i32>} : memref<1280x128xf32, #tpu.memory_space<vmem>>, vector<1280x16xf32>,
    %get3A_54 = arith.constant 3 : index
    %get3A_55 = arith.constant 0 : index
    %get3A_56 = tpu.strided_load %arg6[%get3A_54, %get3A_55] {strides = array<i32: 8, 1>} : memref<10240x16xf32, #tpu.memory_space<vmem>>, vector<1280x16xf32>
    %swap3A_57 = arith.constant 0 : index
    %swap3A_58 = arith.constant 48 : index
    %swap3A_59 = vector.load %arg4[%swap3A_57, %swap3A_58] : memref<1280x128xf32, #tpu.memory_space<vmem>>, vector<1280x16xf32>
    tpu.vector_store %arg4[%swap3A_57, %swap3A_58], %get3A_56 {strides = array<i32>} : memref<1280x128xf32, #tpu.memory_space<vmem>>, vector<1280x16xf32>,
    %get3A_60 = arith.constant 4 : index
    %get3A_61 = arith.constant 0 : index
    %get3A_62 = tpu.strided_load %arg5[%get3A_60, %get3A_61] {strides = array<i32: 8, 1>} : memref<10240x16xf32, #tpu.memory_space<vmem>>, vector<1280x16xf32>
    %swap3A_63 = arith.constant 0 : index
    %swap3A_64 = arith.constant 64 : index
    %swap3A_65 = vector.load %arg3[%swap3A_63, %swap3A_64] : memref<1280x128xf32, #tpu.memory_space<vmem>>, vector<1280x16xf32>
    tpu.vector_store %arg3[%swap3A_63, %swap3A_64], %get3A_62 {strides = array<i32>} : memref<1280x128xf32, #tpu.memory_space<vmem>>, vector<1280x16xf32>,
    %get3A_66 = arith.constant 4 : index
    %get3A_67 = arith.constant 0 : index
    %get3A_68 = tpu.strided_load %arg6[%get3A_66, %get3A_67] {strides = array<i32: 8, 1>} : memref<10240x16xf32, #tpu.memory_space<vmem>>, vector<1280x16xf32>
    %swap3A_69 = arith.constant 0 : index
    %swap3A_70 = arith.constant 64 : index
    %swap3A_71 = vector.load %arg4[%swap3A_69, %swap3A_70] : memref<1280x128xf32, #tpu.memory_space<vmem>>, vector<1280x16xf32>
    tpu.vector_store %arg4[%swap3A_69, %swap3A_70], %get3A_68 {strides = array<i32>} : memref<1280x128xf32, #tpu.memory_space<vmem>>, vector<1280x16xf32>,
    %get3A_72 = arith.constant 5 : index
    %get3A_73 = arith.constant 0 : index
    %get3A_74 = tpu.strided_load %arg5[%get3A_72, %get3A_73] {strides = array<i32: 8, 1>} : memref<10240x16xf32, #tpu.memory_space<vmem>>, vector<1280x16xf32>
    %swap3A_75 = arith.constant 0 : index
    %swap3A_76 = arith.constant 80 : index
    %swap3A_77 = vector.load %arg3[%swap3A_75, %swap3A_76] : memref<1280x128xf32, #tpu.memory_space<vmem>>, vector<1280x16xf32>
    tpu.vector_store %arg3[%swap3A_75, %swap3A_76], %get3A_74 {strides = array<i32>} : memref<1280x128xf32, #tpu.memory_space<vmem>>, vector<1280x16xf32>,
    %get3A_78 = arith.constant 5 : index
    %get3A_79 = arith.constant 0 : index
    %get3A_80 = tpu.strided_load %arg6[%get3A_78, %get3A_79] {strides = array<i32: 8, 1>} : memref<10240x16xf32, #tpu.memory_space<vmem>>, vector<1280x16xf32>
    %swap3A_81 = arith.constant 0 : index
    %swap3A_82 = arith.constant 80 : index
    %swap3A_83 = vector.load %arg4[%swap3A_81, %swap3A_82] : memref<1280x128xf32, #tpu.memory_space<vmem>>, vector<1280x16xf32>
    tpu.vector_store %arg4[%swap3A_81, %swap3A_82], %get3A_80 {strides = array<i32>} : memref<1280x128xf32, #tpu.memory_space<vmem>>, vector<1280x16xf32>,
    %get3A_84 = arith.constant 6 : index
    %get3A_85 = arith.constant 0 : index
    %get3A_86 = tpu.strided_load %arg5[%get3A_84, %get3A_85] {strides = array<i32: 8, 1>} : memref<10240x16xf32, #tpu.memory_space<vmem>>, vector<1280x16xf32>
    %swap3A_87 = arith.constant 0 : index
    %swap3A_88 = arith.constant 96 : index
    %swap3A_89 = vector.load %arg3[%swap3A_87, %swap3A_88] : memref<1280x128xf32, #tpu.memory_space<vmem>>, vector<1280x16xf32>
    tpu.vector_store %arg3[%swap3A_87, %swap3A_88], %get3A_86 {strides = array<i32>} : memref<1280x128xf32, #tpu.memory_space<vmem>>, vector<1280x16xf32>,
    %get3A_90 = arith.constant 6 : index
    %get3A_91 = arith.constant 0 : index
    %get3A_92 = tpu.strided_load %arg6[%get3A_90, %get3A_91] {strides = array<i32: 8, 1>} : memref<10240x16xf32, #tpu.memory_space<vmem>>, vector<1280x16xf32>
    %swap3A_93 = arith.constant 0 : index
    %swap3A_94 = arith.constant 96 : index
    %swap3A_95 = vector.load %arg4[%swap3A_93, %swap3A_94] : memref<1280x128xf32, #tpu.memory_space<vmem>>, vector<1280x16xf32>
    tpu.vector_store %arg4[%swap3A_93, %swap3A_94], %get3A_92 {strides = array<i32>} : memref<1280x128xf32, #tpu.memory_space<vmem>>, vector<1280x16xf32>,
    %get3A_96 = arith.constant 7 : index
    %get3A_97 = arith.constant 0 : index
    %get3A_98 = tpu.strided_load %arg5[%get3A_96, %get3A_97] {strides = array<i32: 8, 1>} : memref<10240x16xf32, #tpu.memory_space<vmem>>, vector<1280x16xf32>
    %swap3A_99 = arith.constant 0 : index
    %swap3A_100 = arith.constant 112 : index
    %swap3A_101 = vector.load %arg3[%swap3A_99, %swap3A_100] : memref<1280x128xf32, #tpu.memory_space<vmem>>, vector<1280x16xf32>
    tpu.vector_store %arg3[%swap3A_99, %swap3A_100], %get3A_98 {strides = array<i32>} : memref<1280x128xf32, #tpu.memory_space<vmem>>, vector<1280x16xf32>,
    %get3A_102 = arith.constant 7 : index
    %get3A_103 = arith.constant 0 : index
    %get3A_104 = tpu.strided_load %arg6[%get3A_102, %get3A_103] {strides = array<i32: 8, 1>} : memref<10240x16xf32, #tpu.memory_space<vmem>>, vector<1280x16xf32>
    %swap3A_105 = arith.constant 0 : index
    %swap3A_106 = arith.constant 112 : index
    %swap3A_107 = vector.load %arg4[%swap3A_105, %swap3A_106] : memref<1280x128xf32, #tpu.memory_space<vmem>>, vector<1280x16xf32>
    tpu.vector_store %arg4[%swap3A_105, %swap3A_106], %get3A_104 {strides = array<i32>} : memref<1280x128xf32, #tpu.memory_space<vmem>>, vector<1280x16xf32>,
    return
  }
  func.func @transform_0(%arg0: i32) -> (i32, i32) {
    %c0_i32 = arith.constant 0 : i32
    %c0_i32_0 = arith.constant 0 : i32
    return %arg0, %c0_i32 : i32, i32
  }
  func.func @transform_1(%arg0: i32) -> (i32, i32) {
    %c0_i32 = arith.constant 0 : i32
    %c0_i32_0 = arith.constant 0 : i32
    %c0_i32_1 = arith.constant 0 : i32
    return %c0_i32, %c0_i32_0 : i32, i32
  }
  func.func @transform_2(%arg0: i32) -> (i32, i32) {
    %c0_i32 = arith.constant 0 : i32
    %c0_i32_0 = arith.constant 0 : i32
    return %arg0, %c0_i32 : i32, i32
  }
  func.func @transform_3(%arg0: i32) -> (i32, i32) {
    %c0_i32 = arith.constant 0 : i32
    %c0_i32_0 = arith.constant 0 : i32
    return %arg0, %c0_i32 : i32, i32
  }
}

module attributes {stable_mosaic.version = 14 : i64} {
  func.func @_tc2_body(%arg0: i32, %arg1: memref<2x1280x128xf32, #tpu.memory_space<vmem>>, %arg2: memref<2x1280x128xi16, #tpu.memory_space<vmem>>, %arg3: memref<1280x128xf32, #tpu.memory_space<vmem>>, %arg4: memref<1x128xf32, #tpu.memory_space<vmem>>, %arg5: memref<1280x128xf32, #tpu.memory_space<vmem>>, %arg6: memref<1280x128xf32, #tpu.memory_space<vmem>>) attributes {dimension_semantics = [#tpu.dimension_semantics<arbitrary>], iteration_bounds = array<i64: 1>, scalar_prefetch = 0 : i64, scratch_operands = 0 : i64, tpu.core_type = #tpu.core_type<tc>, window_params = [{transform_indices = @transform_0, window_bounds = array<i64: 2, 1280, 128>}, {transform_indices = @transform_1, window_bounds = array<i64: 2, 1280, 128>}, {transform_indices = @transform_2, window_bounds = array<i64: 1280, 128>}, {pipeline_mode = #tpu.pipeline_mode<synchronous>, transform_indices = @transform_3, window_bounds = array<i64: 1, 128>}, {transform_indices = @transform_4, window_bounds = array<i64: 1280, 128>}, {transform_indices = @transform_5, window_bounds = array<i64: 1280, 128>}]} {
    %get3A = arith.constant 0 : index
    %get3A_0 = arith.constant 0 : index
    %get3A_1 = arith.constant 0 : index
    %get3A_2 = vector.load %arg1[%get3A, %get3A_0, %get3A_1] : memref<2x1280x128xf32, #tpu.memory_space<vmem>>, vector<1x1280x128xf32>
    %get3A_3 = vector.shape_cast %get3A_2 : vector<1x1280x128xf32> to vector<1280x128xf32>
    %get3A_4 = arith.constant 1 : index
    %get3A_5 = arith.constant 0 : index
    %get3A_6 = arith.constant 0 : index
    %get3A_7 = vector.load %arg1[%get3A_4, %get3A_5, %get3A_6] : memref<2x1280x128xf32, #tpu.memory_space<vmem>>, vector<1x1280x128xf32>
    %get3A_8 = vector.shape_cast %get3A_7 : vector<1x1280x128xf32> to vector<1280x128xf32>
    %add3A = arith.addf %get3A_3, %get3A_8 : vector<1280x128xf32>
    %get3A_9 = arith.constant 0 : index
    %get3A_10 = arith.constant 0 : index
    %get3A_11 = arith.constant 0 : index
    %get3A_12 = vector.load %arg2[%get3A_9, %get3A_10, %get3A_11] : memref<2x1280x128xi16, #tpu.memory_space<vmem>>, vector<1x1280x128xi16>
    %get3A_13 = vector.shape_cast %get3A_12 : vector<1x1280x128xi16> to vector<1280x128xi16>
    %convert_element_type3A = arith.sitofp %get3A_13 : vector<1280x128xi16> to vector<1280x128xf32>
    %get3A_14 = arith.constant 1 : index
    %get3A_15 = arith.constant 0 : index
    %get3A_16 = arith.constant 0 : index
    %get3A_17 = vector.load %arg2[%get3A_14, %get3A_15, %get3A_16] : memref<2x1280x128xi16, #tpu.memory_space<vmem>>, vector<1x1280x128xi16>
    %get3A_18 = vector.shape_cast %get3A_17 : vector<1x1280x128xi16> to vector<1280x128xi16>
    %convert_element_type3A_19 = arith.sitofp %get3A_18 : vector<1280x128xi16> to vector<1280x128xf32>
    %add3A_20 = arith.addf %convert_element_type3A, %convert_element_type3A_19 : vector<1280x128xf32>
    %max3A = arith.constant 1.000000e+00 : f32
    %max3A_21 = vector.broadcast %max3A : f32 to vector<1280x128xf32>
    %max3A_22 = arith.maximumf %add3A_20, %max3A_21 : vector<1280x128xf32>
    %div3A = arith.constant 1.000000e+00 : f32
    %div3A_23 = vector.broadcast %div3A : f32 to vector<1280x128xf32>
    %div3A_24 = arith.divf %div3A_23, %max3A_22 : vector<1280x128xf32>
    %swap3A = arith.constant 0 : index
    %swap3A_25 = arith.constant 0 : index
    %swap3A_26 = vector.load %arg6[%swap3A, %swap3A_25] : memref<1280x128xf32, #tpu.memory_space<vmem>>, vector<1280x128xf32>
    tpu.vector_store %arg6[%swap3A, %swap3A_25], %div3A_24 {strides = array<i32>} : memref<1280x128xf32, #tpu.memory_space<vmem>>, vector<1280x128xf32>,
    %mul3A = arith.mulf %add3A, %div3A_24 : vector<1280x128xf32>
    %get3A_27 = arith.constant 0 : index
    %get3A_28 = arith.constant 0 : index
    %get3A_29 = vector.load %arg3[%get3A_27, %get3A_28] : memref<1280x128xf32, #tpu.memory_space<vmem>>, vector<1280x128xf32>
    %add3A_30 = arith.addf %mul3A, %get3A_29 : vector<1280x128xf32>
    %get3A_31 = arith.constant 0 : index
    %get3A_32 = arith.constant 0 : index
    %get3A_33 = vector.load %arg4[%get3A_31, %get3A_32] : memref<1x128xf32, #tpu.memory_space<vmem>>, vector<1x128xf32>
    %add3A_34 = vector.broadcast %get3A_33 : vector<1x128xf32> to vector<1280x128xf32>
    %add3A_35 = arith.addf %add3A_30, %add3A_34 : vector<1280x128xf32>
    %max3A_36 = arith.constant 0.000000e+00 : f32
    %max3A_37 = vector.broadcast %max3A_36 : f32 to vector<1280x128xf32>
    %max3A_38 = arith.maximumf %add3A_35, %max3A_37 : vector<1280x128xf32>
    %swap3A_39 = arith.constant 0 : index
    %swap3A_40 = arith.constant 0 : index
    %swap3A_41 = vector.load %arg5[%swap3A_39, %swap3A_40] : memref<1280x128xf32, #tpu.memory_space<vmem>>, vector<1280x128xf32>
    tpu.vector_store %arg5[%swap3A_39, %swap3A_40], %max3A_38 {strides = array<i32>} : memref<1280x128xf32, #tpu.memory_space<vmem>>, vector<1280x128xf32>,
    return
  }
  func.func @transform_0(%arg0: i32) -> (i32, i32, i32) {
    %c0_i32 = arith.constant 0 : i32
    %c0_i32_0 = arith.constant 0 : i32
    %c0_i32_1 = arith.constant 0 : i32
    return %c0_i32, %arg0, %c0_i32_0 : i32, i32, i32
  }
  func.func @transform_1(%arg0: i32) -> (i32, i32, i32) {
    %c0_i32 = arith.constant 0 : i32
    %c0_i32_0 = arith.constant 0 : i32
    %c0_i32_1 = arith.constant 0 : i32
    return %c0_i32, %arg0, %c0_i32_0 : i32, i32, i32
  }
  func.func @transform_2(%arg0: i32) -> (i32, i32) {
    %c0_i32 = arith.constant 0 : i32
    %c0_i32_0 = arith.constant 0 : i32
    return %arg0, %c0_i32 : i32, i32
  }
  func.func @transform_3(%arg0: i32) -> (i32, i32) {
    %c0_i32 = arith.constant 0 : i32
    %c0_i32_0 = arith.constant 0 : i32
    %c0_i32_1 = arith.constant 0 : i32
    return %c0_i32, %c0_i32_0 : i32, i32
  }
  func.func @transform_4(%arg0: i32) -> (i32, i32) {
    %c0_i32 = arith.constant 0 : i32
    %c0_i32_0 = arith.constant 0 : i32
    return %arg0, %c0_i32 : i32, i32
  }
  func.func @transform_5(%arg0: i32) -> (i32, i32) {
    %c0_i32 = arith.constant 0 : i32
    %c0_i32_0 = arith.constant 0 : i32
    return %arg0, %c0_i32 : i32, i32
  }
}

module attributes {stable_mosaic.version = 14 : i64} {
  func.func @_tc3_body(%arg0: i32, %arg1: memref<2x1280x128xf32, #tpu.memory_space<vmem>>, %arg2: memref<1280x128xf32, #tpu.memory_space<vmem>>, %arg3: memref<1280x128xf32, #tpu.memory_space<vmem>>, %arg4: memref<128x16xf32, #tpu.memory_space<vmem>>, %arg5: memref<128x16xf32, #tpu.memory_space<vmem>>, %arg6: memref<1x16xf32, #tpu.memory_space<vmem>>, %arg7: memref<10240x2xf32, #tpu.memory_space<vmem>>) attributes {dimension_semantics = [#tpu.dimension_semantics<arbitrary>], iteration_bounds = array<i64: 1>, scalar_prefetch = 0 : i64, scratch_operands = 0 : i64, tpu.core_type = #tpu.core_type<tc>, window_params = [{transform_indices = @transform_0, window_bounds = array<i64: 2, 1280, 128>}, {transform_indices = @transform_1, window_bounds = array<i64: 1280, 128>}, {transform_indices = @transform_2, window_bounds = array<i64: 1280, 128>}, {pipeline_mode = #tpu.pipeline_mode<synchronous>, transform_indices = @transform_3, window_bounds = array<i64: 128, 16>}, {pipeline_mode = #tpu.pipeline_mode<synchronous>, transform_indices = @transform_4, window_bounds = array<i64: 128, 16>}, {pipeline_mode = #tpu.pipeline_mode<synchronous>, transform_indices = @transform_5, window_bounds = array<i64: 1, 16>}, {transform_indices = @transform_6, window_bounds = array<i64: 10240, 2>}]} {
    %get3A = arith.constant 0 : index
    %get3A_0 = arith.constant 0 : index
    %get3A_1 = arith.constant 0 : index
    %get3A_2 = vector.load %arg1[%get3A, %get3A_0, %get3A_1] : memref<2x1280x128xf32, #tpu.memory_space<vmem>>, vector<1x1280x128xf32>
    %get3A_3 = vector.shape_cast %get3A_2 : vector<1x1280x128xf32> to vector<1280x128xf32>
    %get3A_4 = arith.constant 1 : index
    %get3A_5 = arith.constant 0 : index
    %get3A_6 = arith.constant 0 : index
    %get3A_7 = vector.load %arg1[%get3A_4, %get3A_5, %get3A_6] : memref<2x1280x128xf32, #tpu.memory_space<vmem>>, vector<1x1280x128xf32>
    %get3A_8 = vector.shape_cast %get3A_7 : vector<1x1280x128xf32> to vector<1280x128xf32>
    %add3A = arith.addf %get3A_3, %get3A_8 : vector<1280x128xf32>
    %get3A_9 = arith.constant 0 : index
    %get3A_10 = arith.constant 0 : index
    %get3A_11 = vector.load %arg2[%get3A_9, %get3A_10] : memref<1280x128xf32, #tpu.memory_space<vmem>>, vector<1280x128xf32>
    %mul3A = arith.mulf %add3A, %get3A_11 : vector<1280x128xf32>
    %get3A_12 = arith.constant 0 : index
    %get3A_13 = arith.constant 0 : index
    %get3A_14 = vector.load %arg4[%get3A_12, %get3A_13] : memref<128x16xf32, #tpu.memory_space<vmem>>, vector<128x16xf32>
    %dot_general3A = arith.constant dense<0.000000e+00> : vector<1280x16xf32>
    %dot_general3A_15 = tpu.matmul %mul3A, %get3A_14, %dot_general3A {dimension_numbers = #tpu.dot_dimension_numbers<[1], [0], [0], [1], [0, 0, 1, 1], [], []>, transpose_lhs_hint = false} : vector<1280x128xf32>, vector<128x16xf32>, vector<1280x16xf32> -> vector<1280x16xf32>
    %get3A_16 = arith.constant 0 : index
    %get3A_17 = arith.constant 0 : index
    %get3A_18 = vector.load %arg3[%get3A_16, %get3A_17] : memref<1280x128xf32, #tpu.memory_space<vmem>>, vector<1280x128xf32>
    %get3A_19 = arith.constant 0 : index
    %get3A_20 = arith.constant 0 : index
    %get3A_21 = vector.load %arg5[%get3A_19, %get3A_20] : memref<128x16xf32, #tpu.memory_space<vmem>>, vector<128x16xf32>
    %dot_general3A_22 = arith.constant dense<0.000000e+00> : vector<1280x16xf32>
    %dot_general3A_23 = tpu.matmul %get3A_18, %get3A_21, %dot_general3A_22 {dimension_numbers = #tpu.dot_dimension_numbers<[1], [0], [0], [1], [0, 0, 1, 1], [], []>, transpose_lhs_hint = false} : vector<1280x128xf32>, vector<128x16xf32>, vector<1280x16xf32> -> vector<1280x16xf32>
    %add3A_24 = arith.addf %dot_general3A_15, %dot_general3A_23 : vector<1280x16xf32>
    %get3A_25 = arith.constant 0 : index
    %get3A_26 = arith.constant 0 : index
    %get3A_27 = vector.load %arg6[%get3A_25, %get3A_26] : memref<1x16xf32, #tpu.memory_space<vmem>>, vector<1x16xf32>
    %add3A_28 = vector.broadcast %get3A_27 : vector<1x16xf32> to vector<1280x16xf32>
    %add3A_29 = arith.addf %add3A_24, %add3A_28 : vector<1280x16xf32>
    %slice3A = vector.extract_strided_slice %add3A_29 {offsets = [0, 0], sizes = [1280, 2], strides = [1, 1]} : vector<1280x16xf32> to vector<1280x2xf32>
    %swap3A = arith.constant 0 : index
    %swap3A_30 = arith.constant 0 : index
    %swap3A_31 = tpu.strided_load %arg7[%swap3A, %swap3A_30] {strides = array<i32: 8, 1>} : memref<10240x2xf32, #tpu.memory_space<vmem>>, vector<1280x2xf32>
    tpu.strided_store %arg7[%swap3A, %swap3A_30], %slice3A {strides = array<i32: 8, 1>} : memref<10240x2xf32, #tpu.memory_space<vmem>>, vector<1280x2xf32>
    %slice3A_32 = vector.extract_strided_slice %add3A_29 {offsets = [0, 2], sizes = [1280, 2], strides = [1, 1]} : vector<1280x16xf32> to vector<1280x2xf32>
    %swap3A_33 = arith.constant 1 : index
    %swap3A_34 = arith.constant 0 : index
    %swap3A_35 = tpu.strided_load %arg7[%swap3A_33, %swap3A_34] {strides = array<i32: 8, 1>} : memref<10240x2xf32, #tpu.memory_space<vmem>>, vector<1280x2xf32>
    tpu.strided_store %arg7[%swap3A_33, %swap3A_34], %slice3A_32 {strides = array<i32: 8, 1>} : memref<10240x2xf32, #tpu.memory_space<vmem>>, vector<1280x2xf32>
    %slice3A_36 = vector.extract_strided_slice %add3A_29 {offsets = [0, 4], sizes = [1280, 2], strides = [1, 1]} : vector<1280x16xf32> to vector<1280x2xf32>
    %swap3A_37 = arith.constant 2 : index
    %swap3A_38 = arith.constant 0 : index
    %swap3A_39 = tpu.strided_load %arg7[%swap3A_37, %swap3A_38] {strides = array<i32: 8, 1>} : memref<10240x2xf32, #tpu.memory_space<vmem>>, vector<1280x2xf32>
    tpu.strided_store %arg7[%swap3A_37, %swap3A_38], %slice3A_36 {strides = array<i32: 8, 1>} : memref<10240x2xf32, #tpu.memory_space<vmem>>, vector<1280x2xf32>
    %slice3A_40 = vector.extract_strided_slice %add3A_29 {offsets = [0, 6], sizes = [1280, 2], strides = [1, 1]} : vector<1280x16xf32> to vector<1280x2xf32>
    %swap3A_41 = arith.constant 3 : index
    %swap3A_42 = arith.constant 0 : index
    %swap3A_43 = tpu.strided_load %arg7[%swap3A_41, %swap3A_42] {strides = array<i32: 8, 1>} : memref<10240x2xf32, #tpu.memory_space<vmem>>, vector<1280x2xf32>
    tpu.strided_store %arg7[%swap3A_41, %swap3A_42], %slice3A_40 {strides = array<i32: 8, 1>} : memref<10240x2xf32, #tpu.memory_space<vmem>>, vector<1280x2xf32>
    %slice3A_44 = vector.extract_strided_slice %add3A_29 {offsets = [0, 8], sizes = [1280, 2], strides = [1, 1]} : vector<1280x16xf32> to vector<1280x2xf32>
    %swap3A_45 = arith.constant 4 : index
    %swap3A_46 = arith.constant 0 : index
    %swap3A_47 = tpu.strided_load %arg7[%swap3A_45, %swap3A_46] {strides = array<i32: 8, 1>} : memref<10240x2xf32, #tpu.memory_space<vmem>>, vector<1280x2xf32>
    tpu.strided_store %arg7[%swap3A_45, %swap3A_46], %slice3A_44 {strides = array<i32: 8, 1>} : memref<10240x2xf32, #tpu.memory_space<vmem>>, vector<1280x2xf32>
    %slice3A_48 = vector.extract_strided_slice %add3A_29 {offsets = [0, 10], sizes = [1280, 2], strides = [1, 1]} : vector<1280x16xf32> to vector<1280x2xf32>
    %swap3A_49 = arith.constant 5 : index
    %swap3A_50 = arith.constant 0 : index
    %swap3A_51 = tpu.strided_load %arg7[%swap3A_49, %swap3A_50] {strides = array<i32: 8, 1>} : memref<10240x2xf32, #tpu.memory_space<vmem>>, vector<1280x2xf32>
    tpu.strided_store %arg7[%swap3A_49, %swap3A_50], %slice3A_48 {strides = array<i32: 8, 1>} : memref<10240x2xf32, #tpu.memory_space<vmem>>, vector<1280x2xf32>
    %slice3A_52 = vector.extract_strided_slice %add3A_29 {offsets = [0, 12], sizes = [1280, 2], strides = [1, 1]} : vector<1280x16xf32> to vector<1280x2xf32>
    %swap3A_53 = arith.constant 6 : index
    %swap3A_54 = arith.constant 0 : index
    %swap3A_55 = tpu.strided_load %arg7[%swap3A_53, %swap3A_54] {strides = array<i32: 8, 1>} : memref<10240x2xf32, #tpu.memory_space<vmem>>, vector<1280x2xf32>
    tpu.strided_store %arg7[%swap3A_53, %swap3A_54], %slice3A_52 {strides = array<i32: 8, 1>} : memref<10240x2xf32, #tpu.memory_space<vmem>>, vector<1280x2xf32>
    %slice3A_56 = vector.extract_strided_slice %add3A_29 {offsets = [0, 14], sizes = [1280, 2], strides = [1, 1]} : vector<1280x16xf32> to vector<1280x2xf32>
    %swap3A_57 = arith.constant 7 : index
    %swap3A_58 = arith.constant 0 : index
    %swap3A_59 = tpu.strided_load %arg7[%swap3A_57, %swap3A_58] {strides = array<i32: 8, 1>} : memref<10240x2xf32, #tpu.memory_space<vmem>>, vector<1280x2xf32>
    tpu.strided_store %arg7[%swap3A_57, %swap3A_58], %slice3A_56 {strides = array<i32: 8, 1>} : memref<10240x2xf32, #tpu.memory_space<vmem>>, vector<1280x2xf32>
    return
  }
  func.func @transform_0(%arg0: i32) -> (i32, i32, i32) {
    %c0_i32 = arith.constant 0 : i32
    %c0_i32_0 = arith.constant 0 : i32
    %c0_i32_1 = arith.constant 0 : i32
    return %c0_i32, %arg0, %c0_i32_0 : i32, i32, i32
  }
  func.func @transform_1(%arg0: i32) -> (i32, i32) {
    %c0_i32 = arith.constant 0 : i32
    %c0_i32_0 = arith.constant 0 : i32
    return %arg0, %c0_i32 : i32, i32
  }
  func.func @transform_2(%arg0: i32) -> (i32, i32) {
    %c0_i32 = arith.constant 0 : i32
    %c0_i32_0 = arith.constant 0 : i32
    return %arg0, %c0_i32 : i32, i32
  }
  func.func @transform_3(%arg0: i32) -> (i32, i32) {
    %c0_i32 = arith.constant 0 : i32
    %c0_i32_0 = arith.constant 0 : i32
    %c0_i32_1 = arith.constant 0 : i32
    return %c0_i32, %c0_i32_0 : i32, i32
  }
  func.func @transform_4(%arg0: i32) -> (i32, i32) {
    %c0_i32 = arith.constant 0 : i32
    %c0_i32_0 = arith.constant 0 : i32
    %c0_i32_1 = arith.constant 0 : i32
    return %c0_i32, %c0_i32_0 : i32, i32
  }
  func.func @transform_5(%arg0: i32) -> (i32, i32) {
    %c0_i32 = arith.constant 0 : i32
    %c0_i32_0 = arith.constant 0 : i32
    %c0_i32_1 = arith.constant 0 : i32
    return %c0_i32, %c0_i32_0 : i32, i32
  }
  func.func @transform_6(%arg0: i32) -> (i32, i32) {
    %c0_i32 = arith.constant 0 : i32
    %c0_i32_0 = arith.constant 0 : i32
    return %arg0, %c0_i32 : i32, i32
  }
}

</mosaic_0001>

<sc_bundles>
// kernel: kernel.11.cloned.1.call-start
scs
__scs_entry_jumppad:
0x0: {  	(pc) =	sbr.rel $0x88, $3  }
0x1: {  	(tag) =	ssettag $0x0;
	lr =	simm.s32 $0x1  }
0x2: {  	[smem:$0x3F99] =	sst lr;
	_ =	strace $0xD0000000  }
0x3: {  	_ = 	snop  }
0x4: {  	_ = 	snop  }
0x5: {  	_ = 	snop  }
0x6: {  	_ = 	snop  }
0x7: {  	_ = 	snop  }
__scs_overlays_trampoline_lowered:
0x8: {  	[smem:$0x3FA8] =	sst s0  }
0x9: {  	[smem:$0x3FA9] =	sst s1  }
0xa: {  	[smem:$0x3FAA] =	sst s2  }
0xb: {  	[smem:$0x3FAB] =	sst s3  }
0xc: {  	[smem:$0x3FAC] =	sst s4  }
0xd: {  	[smem:$0x3FAD] =	sst s5  }
0xe: {  	[smem:$0x3FAE] =	sst s6  }
0xf: {  	[smem:$0x3FAF] =	sst s7  }
0x10: {  	[smem:$0x3FB0] =	sst s8  }
0x11: {  	[smem:$0x3FB1] =	sst s9;
	s0 =	simm.s32 @!p0 $0x0  }
0x12: {  	s1 =	sld [smem:$0x3F97];
	s0 =	simm.s32 @p0 $0x1  }
0x13: {  	[smem:$0x3FB2] =	sst s0;
	s0 =	simm.s32 @!p1 $0x0  }
0x14: {  	s2 =	sld [smem:$0x3F96];
	s0 =	simm.s32 @p1 $0x1  }
0x15: {  	[smem:$0x3FB3] =	sst s0;
	s0 =	simm.s32 @!p2 $0x0  }
0x16: {  	s3 =	sld [smem:$0x3FDB];
	s0 =	simm.s32 @p2 $0x1  }
0x17: {  	s4 =	simm.s32 $0x1BF5;
	[smem:$0x3FB5] =	sst s0  }
0x18: {  	s0 =	sld [smem:$0x3F98];
	_ =	swait.ge [sflag:s4], $0x0  }
0x19: {  	s7 =	sld [smem:$0x3F99]  }
0x1a: {  	s8 =	sadd.s32 $0xFFFFE003, lr  }
0x1b: {  	s9 =	sadd.s32 $0xFFFFFEF7, lr;
	s5 =	simm.s32 $0xFFFFFFFF;
	p2 =	slt.u32 s8, $0xFFFFF086  }
0x1c: {  	p1 =	slt.u32 s9, $0xF7A;
	s5 =	simm.s32 @!p2 $0x0  }
0x1d: {  	s5 =	simm.s32 @p1 $0x1;
	p0 =	seq.s32 s7, s2  }
0x1e: {  	s7 =	smul.u32 @!p0 $0xF7A, s2;
	p2 =	seq.s32 @!p0 s5, $0x0  }
0x1f: {  	s9 =	smul.u32 $0xF7A, s1;
	s8 =	simm.s32 @!p0 $0x1BF5;
	p2 =	por !p2, p0  }
0x20: {  	[sflag:s8] =	ssyncset.s32 @!p0 $0xFFFFF086;
	s6 =	sadd.s32 @!p0 s3, s7;
	s7 =	simm.s32 @!p0 $0x108  }
0x21: {  	s3 =	sadd.s32 s3, s9;
	s6 =	sadd.s32 @!p0 $0x88, s6;
	s7 =	simm.s32 @p2 $0x1082  }
0x22: {  	[simem:s7], [sflag:s8] =	dma.local @!p0 [hbm:s6], $0xF7A  }
0x23: {  	s9 =	sor.u32 $0xD0000000, s2;
	s6 =	simm.s32 $0x108;
	_ =	swait.ge @!p0 [sflag:s8], $0x0  }
0x24: {  	s3 =	sadd.s32 $0x88, s3;
	s6 =	simm.s32 @!p1 $0x1082;
	[sflag:s4] =	ssyncset.s32 $0xFFFFF086  }
0x25: {  	[simem:s6], [sflag:s4] =	dma.local [hbm:s3], $0xF7A  }
0x26: {  	[smem:$0x3F99] =	sst s1;
	(tag) =	ssettag s2;
	_ =	strace s9  }
0x27: {  	s1 =	sld [smem:$0x3FA9]  }
0x28: {  	s2 =	sld [smem:$0x3FAA]  }
0x29: {  	s4 =	sld [smem:$0x3FAC]  }
0x2a: {  	p0 =	seq.s32 s5, $0x0;
	s5 =	sld [smem:$0x3FAD]  }
0x2b: {  	s6 =	sld [smem:$0x3FAE]  }
0x2c: {  	s7 =	sld [smem:$0x3FAF]  }
0x2d: {  	s3 =	simm.s32 $0x108;
	s8 =	sld [smem:$0x3FB0]  }
0x2e: {  	s3 =	simm.s32 @!p0 $0x1082;
	s9 =	sld [smem:$0x3FB1]  }
0x2f: {  	lr =	sadd.s32 s0, s3;
	s0 =	sld [smem:$0x3FA8]  }
0x30: {  	s3 =	sld [smem:$0x3FAB]  }
0x31: {  	[smem:$0x3FB4] =	sst s10  }
0x32: {  	s10 =	sld [smem:$0x3FB2];
	_ =	sdelay $0x3  }
0x33: {  	p0 =	seq.s32 s10, $0x1;
	s10 =	sld [smem:$0x3FB4];
	_ =	sdelay $0x3  }
0x34: {  	[smem:$0x3FB4] =	sst s10  }
0x35: {  	s10 =	sld [smem:$0x3FB3];
	_ =	sdelay $0x3  }
0x36: {  	p1 =	seq.s32 s10, $0x1;
	s10 =	sld [smem:$0x3FB4];
	_ =	sdelay $0x3  }
0x37: {  	[smem:$0x3FB4] =	sst s10  }
0x38: {  	s10 =	sld [smem:$0x3FB5]  }
0x39: {  	_ = 	snop;
	(pc) =	sbr.ind lr, $3  }
0x3a: {  	_ = 	snop  }
0x3b: {  	_ = 	snop  }
0x3c: {  	p2 =	seq.s32 s10, $0x1;
	s10 =	sld [smem:$0x3FB4]  }
0x3d: {  	_ =	shalt  }
0x3e: {  	_ =	shalt  }
0x3f: {  	_ =	shalt  }
0x40: {  	_ =	shalt  }
0x41: {  	_ =	shalt  }
0x42: {  	_ =	shalt  }
0x43: {  	_ =	shalt  }
0x44: {  	_ =	shalt  }
0x45: {  	_ =	shalt  }
0x46: {  	_ =	shalt  }
0x47: {  	_ =	shalt  }
0x48: {  	_ =	shalt  }
0x49: {  	_ =	shalt  }
0x4a: {  	_ =	shalt  }
0x4b: {  	_ =	shalt  }
0x4c: {  	_ =	shalt  }
0x4d: {  	_ =	shalt  }
0x4e: {  	_ =	shalt  }
0x4f: {  	_ =	shalt  }
0x50: {  	_ =	shalt  }
0x51: {  	_ =	shalt  }
0x52: {  	_ =	shalt  }
0x53: {  	_ =	shalt  }
0x54: {  	_ =	shalt  }
0x55: {  	_ =	shalt  }
0x56: {  	_ =	shalt  }
0x57: {  	_ =	shalt  }
0x58: {  	_ =	shalt  }
0x59: {  	_ =	shalt  }
0x5a: {  	_ =	shalt  }
0x5b: {  	_ =	shalt  }
0x5c: {  	_ =	shalt  }
0x5d: {  	_ =	shalt  }
0x5e: {  	_ =	shalt  }
0x5f: {  	_ =	shalt  }
0x60: {  	_ =	shalt  }
0x61: {  	_ =	shalt  }
0x62: {  	_ =	shalt  }
0x63: {  	_ =	shalt  }
0x64: {  	_ =	shalt  }
0x65: {  	_ =	shalt  }
0x66: {  	_ =	shalt  }
0x67: {  	_ =	shalt  }
0x68: {  	_ =	shalt  }
0x69: {  	_ =	shalt  }
0x6a: {  	_ =	shalt  }
0x6b: {  	_ =	shalt  }
0x6c: {  	_ =	shalt  }
0x6d: {  	_ =	shalt  }
0x6e: {  	_ =	shalt  }
0x6f: {  	_ =	shalt  }
0x70: {  	_ =	shalt  }
0x71: {  	_ =	shalt  }
0x72: {  	_ =	shalt  }
0x73: {  	_ =	shalt  }
0x74: {  	_ =	shalt  }
0x75: {  	_ =	shalt  }
0x76: {  	_ =	shalt  }
0x77: {  	_ =	shalt  }
0x78: {  	_ =	shalt  }
0x79: {  	_ =	shalt  }
0x7a: {  	_ =	shalt  }
0x7b: {  	_ =	shalt  }
0x7c: {  	_ =	shalt  }
0x7d: {  	_ =	shalt  }
0x7e: {  	_ =	shalt  }
0x7f: {  	_ =	shalt  }
0x80: {  	_ =	shalt  }
0x81: {  	_ =	shalt  }
0x82: {  	_ =	shalt  }
0x83: {  	_ =	shalt  }
0x84: {  	_ =	shalt  }
0x85: {  	_ =	shalt  }
0x86: {  	_ =	shalt  }
0x87: {  	_ =	shalt  }
.Lfunc_end0:
.L_simem_size_0:
called_computation.1_lowered:
.L_overlay_start_0:
0x88: {  	s2 =	sld [smem:$0x3FD9]  }
0x89: {  	s3 =	sld [smem:$0x3FFE];
	_ =	sdelay $0x1  }
0x8a: {  	s1 =	srdreg.scid  }
0x8b: {  	s0 =	sand.u32 $0x1, s1  }
0x8c: {  	s17 =	sshll.u32 s0, $0xA;
	s2 =	sadd.s32 s3, s2  }
0x8d: {  	s2 =	sadd.s32 s2, s17  }
0x8e: {  	[smem:$0x3FC0] =	sst s2  }
0x8f: {  	_ = 	snop  }
0x90: {  	(tm) =	ssettm $0x1  }
0x91: {  	s18 =	sld [smem:$0x3FFB];
	_ =	sdelay $0x3  }
0x92: {  	_ =	strace s18  }
0x93: {  	s2 =	sld [smem:$0x3FFC];
	_ =	sdelay $0x3  }
0x94: {  	_ =	strace s2  }
0x95: {  	s2 =	sld [smem:$0x3FFD];
	_ =	sdelay $0x3  }
0x96: {  	_ =	strace s2  }
0x97: {  	_ =	strace $0x8FFFFFFF  }
0x98: {  	s19 =	sld [smem:$0x3FDB];
	_ =	sdelay $0x1  }
0x99: {  	s20 =	simm.s32 $_scs_section_size  }
0x9a: {  	s4 =	simm.s32 $_size__tile_overlayer_lowered;
	s5 =	simm.s32 $_tile_overlayer_lowered  }
0x9b: {  	s6 =	simm.s32 $0x1BFF;
	s21 =	sshll.u32 s5, $0x1;
	s3 =	sadd.s32 s20, s19  }
0x9c: {  	s22 =	simm.s32 $0x0;
	s4 =	sshll.u32 s4, $0x1;
	s5 =	sadd.s32 s21, s3  }
0x9d: {  	[timem:s22], [sflag:s6] =	dma.local [hbm:s5], s4  }
0x9e: {  	_ =	swait.ge [sflag:s6], s4  }
0x9f: {  	s4 =	ssub.s32 $0x0, s4;
	[sflag:s6] =	ssyncset.done $0x0  }
0xa0: {  	[sflag:s6] =	ssyncadd.s32 s4;
	_ =	sdelay $0x1  }
0xa1: {  	s23 =	simm.s32 $0x1B8B  }
0xa2: {  	_ =	swait.ge [sflag:s23], $0x1  }
0xa3: {  	[sflag:s23] =	ssyncset.done $0x0  }
0xa4: {  	[sflag:s23] =	ssyncadd.s32 $0xFFFFFFFF  }
0xa5: {  	s4 =	sld [smem:$0x0]  }
0xa6: {  	s5 =	sand.u32 $0xFFFFFFFE, s1  }
0xa7: {  	p0 =	sne.s32 s1, s5  }
0xa8: {  	s5 =	sshll.u32 @p0 s5, $0xE  }
0xa9: {  	s5 =	sadd.s32 @p0 $0x11B8D, s5;
	s6 =	sshll.u32 @p0 s4, $0x11  }
0xaa: {  	s5 =	sor.u32 @p0 s6, s5  }
0xab: {  	[sflag:s5] =	ssyncadd.remote.s32 @p0 $0x1;
	_ =	sdelay $0x1  }
0xac: {  	s5 =	simm.s32 @p0 $0x1B8D  }
0xad: {  	_ =	swait.eq @p0 [sflag:s5], $0x1  }
0xae: {  	[sflag:s5] =	ssyncadd.s32 @p0 $0xFFFFFFFF  }
0xaf: {  	s6 =	sshll.u32 @!p0 s1, $0xE  }
0xb0: {  	s6 =	sor.u32 @!p0 $0x4000, s6;
	s5 =	simm.s32 @!p0 $0x1B8D  }
0xb1: {  	s4 =	sshll.u32 @!p0 s4, $0x11;
	s6 =	sadd.s32 @!p0 $0x11B8D, s6;
	_ =	swait.eq @!p0 [sflag:s5], $0x1  }
0xb2: {  	s4 =	sor.u32 @!p0 s4, s6;
	[sflag:s5] =	ssyncadd.s32 @!p0 $0xFFFFFFFF  }
0xb3: {  	s25 =	simm.s32 $0x1B8E;
	s24 =	sld [smem:$0x3FFE];
	[sflag:s4] =	ssyncadd.remote.s32 @!p0 $0x1  }
0xb4: {  	s26 =	simm.s32 $execute0_lowered;
	[smem:$0x3FD2] =	sst s25  }
0xb5: {  	s5 =	sshll.u32 s26, $0x1;
	_ =	strace $0x80000049;
	[dreg:$0x1] =	wrdreg $0xFFFFFFFF  }
0xb6: {  	s28 =	simm.s32 $_size_execute0_lowered;
	s3 =	sadd.s32 s3, s5;
	[dreg:$0x0] =	wrdreg $0x0  }
0xb7: {  	s5 =	sshll.u32 s28, $0x1;
	[dreg:$0x2] =	wrdreg s3  }
0xb8: {  	[dreg:$0x3] =	wrdreg s5  }
0xb9: {  	[dreg:$0x4] =	wrdreg $0xC0  }
0xba: {  	_ =	task [dreg:s22], $0x5FFFF  }
0xbb: {  	[dreg:$0x1] =	wrdreg $0xFFFFFFFF  }
0xbc: {  	[dreg:$0x0] =	wrdreg $0x60  }
0xbd: {  	[dreg:$0x2] =	wrdreg s24  }
0xbe: {  	[dreg:$0x3] =	wrdreg $0x0  }
0xbf: {  	[dreg:$0x4] =	wrdreg $0xA  }
0xc0: {  	_ =	task.clear_ibuf [dreg:s22], $0x5FFFF;
	_ =	strace $0x90000049  }
0xc1: {  	s29 =	simm.s32 $0xA;
	_ =	strace $0x8000004B  }
0xc2: {  	_ =	swait.ge [sflag:s29], $0x1  }
0xc3: {  	[sflag:s29] =	ssyncadd.s32 $0xFFFFFFFF  }
0xc4: {  	_ =	strace $0x9000004B  }
0xc5: {  	_ =	sfence  }
0xc6: {  	s30 =	sld [smem:$0x0];
	_ =	sdelay $0x2  }
0xc7: {  	s31 =	sshll.u32 s1, $0xD;
	s1 =	sshrl.u32 s1, $0x2  }
0xc8: {  	s4 =	sand.u32 $0x4000, s31;
	s1 =	sadd.s32 s1, s30  }
0xc9: {  	s0 =	sor.u32 s4, s0;
	s1 =	sshll.u32 s1, $0x11  }
0xca: {  	s0 =	sor.u32 s1, s0  }
0xcb: {  	s0 =	sadd.s32 $0x8F2B, s0  }
0xcc: {  	[sflag:s0] =	ssyncadd.remote.s32 $0x1  }
0xcd: {  	_ =	sfence.sel $0xFFFF  }
0xce: {  	[dreg:$0x0] =	wrdreg $0xFFFFFFFF;
	(pc) =	sbr.abs _section_cstart, $3  }
0xcf: {  	[dreg:$0x1] =	wrdreg $0xFFFFFFFF  }
0xd0: {  	_ =	task.clear_ibuf [dreg:s22], $0x2FFFF;
	_ =	strace $0x9FFFFFFF  }
0xd1: {  	(tm) =	ssettm $0x7FFFFFFF  }
tec
execute0_lowered:
.L_overlay_start_1:
0x0: {  	(tag) =	ssettag $0x1  }
0x1: {  	s0 =	srdreg.scid  }
0x2: {  	s4 =	stileid.u32;
	s3 =	rddreg [dreg:$0x0]  }
0x3: {  	s2 =	rddreg [dreg:$0x1];
	s6 =	simm.s32 $0x0;
	s17 =	simm.s32 $0x15  }
0x4: {  	s18 =	simm.s32 $0x7620;
	s20 =	simm.s32 $0x82A0;
	s22 =	simm.s32 $0x8F20  }
0x5: {  	s8 =	simm.s32 $0xCDA0;
	s9 =	simm.s32 $0xDA20;
	s12 =	simm.s32 $0x5  }
0x6: {  	s13 =	simm.s32 $0x6;
	s14 =	simm.s32 $0x8;
	s19 =	simm.s32 $0x9  }
0x7: {  	s21 =	simm.s32 $0xA;
	s11 =	simm.s32 $0xE6A0;
	s0 =	sand.u32 $0x1, s0  }
0x8: {  	s1 =	sshll.u32 s4, $0x1;
	s5 =	smul.u32 $0x2800, s4;
	[smem:$0x7FF] =	sst s6  }
0x9: {  	s7 =	smul.u32 $0xA000, s4;
	s4 =	sadd.s32 $0x1BA00, s3;
	s1 =	sor.u32 s0, s1  }
0xa: {  	s23 =	smul.u32 $0x28000, s0;
	_ =	strace $0x8000004A;
	s0 =	ssub.s32 $0x2, s0  }
0xb: {  	s1 =	smul.u32 $0x2710, s1;
	s7 =	sshrl.u32 s7, $0x2;
	s24 =	sshrl.u32 s0, $0x1  }
0xc: {  	s16 =	sadd.s32 s5, s2;
	s6 =	sadd.s32 s5, s23;
	s7 =	sadd.s32 s7, s2  }
0xd: {  	s0 =	ssub.s32 s0, s24;
	s23 =	simm.s32 $0x9BA0;
	s24 =	simm.s32 $0xA820  }
0xe: {  	s5 =	simm.s32 $0x7;
	[dreg:$0x3] =	wrdreg s16;
	s25 =	sadd.s32 $0x800, s7  }
0xf: {  	s1 =	sshrl.u32 s1, $0x3;
	s26 =	sadd.s32 $0x1000, s7;
	[dreg:$0x4] =	wrdreg s25  }
0x10: {  	s6 =	sshrl.u32 s6, $0x3;
	s28 =	sadd.s32 $0x1800, s7;
	[dreg:$0x5] =	wrdreg s26  }
0x11: {  	s29 =	sadd.s32 $0x2000, s7;
	s0 =	smax.u32 s0, $0x1;
	[dreg:$0x6] =	wrdreg s28  }
.Ltmp0:
0x12: {  	s1 =	sadd.s32 s1, s3;
	[dreg:$0x7] =	wrdreg s29;
	(pc) =	sbr.rel .LBB2_1-.Ltmp0, $4  }
0x13: {  	s7 =	simm.s32 $0xC120;
	[dreg:$0xb] =	wrdreg s0;
	s30 =	sadd.s32 $0x3000, s1  }
0x14: {  	s3 =	sadd.s32 s6, s3;
	s1 =	sadd.s32 $0xCC40, s1;
	[dreg:$0x8] =	wrdreg s30  }
0x15: {  	s6 =	simm.s32 $0xC8;
	s31 =	sadd.s32 $0x20A00, s3;
	[dreg:$0x9] =	wrdreg s1  }
0x16: {  	v0 =	vimm.f32 $0.0e+00;
	s0 =	simm.s32 $0x0;
	s3 =	simm.s32 $0xB4A0;
	[dreg:$0xa] =	wrdreg s31  }
.LBB2_8:
0x17: {  	s0 =	simm.s32 $0xB  }
0x18: {  	_ =	swait.ge [sflag:s0], $0xC80  }
0x19: {  	[sflag:s0] =	ssyncset.done $0x0  }
0x1a: {  	s1 =	simm.s32 $0xC;
	[sflag:s0] =	ssyncadd.s32 $0xFFFFF380  }
0x1b: {  	_ =	swait.ge [sflag:s1], $0xC80  }
0x1c: {  	[sflag:s1] =	ssyncset.done $0x0  }
0x1d: {  	s10 =	simm.s32 $0xD;
	[sflag:s1] =	ssyncadd.s32 $0xFFFFF380  }
0x1e: {  	_ =	swait.ge [sflag:s10], $0xC80  }
0x1f: {  	[sflag:s10] =	ssyncset.done $0x0  }
0x20: {  	s15 =	simm.s32 $0xE;
	[sflag:s10] =	ssyncadd.s32 $0xFFFFF380  }
0x21: {  	_ =	swait.ge [sflag:s15], $0xC80  }
0x22: {  	[sflag:s15] =	ssyncset.done $0x0  }
0x23: {  	s16 =	simm.s32 $0xF;
	[sflag:s15] =	ssyncadd.s32 $0xFFFFF380  }
0x24: {  	_ =	swait.ge [sflag:s16], $0xC80  }
0x25: {  	[sflag:s16] =	ssyncset.done $0x0  }
0x26: {  	s17 =	simm.s32 $0x10;
	[sflag:s16] =	ssyncadd.s32 $0xFFFFF380  }
0x27: {  	_ =	swait.ge [sflag:s17], $0xC80  }
0x28: {  	[sflag:s17] =	ssyncset.done $0x0  }
0x29: {  	s25 =	simm.s32 $0x11;
	[sflag:s17] =	ssyncadd.s32 $0xFFFFF380  }
0x2a: {  	_ =	swait.ge [sflag:s25], $0xC80  }
0x2b: {  	[sflag:s25] =	ssyncset.done $0x0  }
0x2c: {  	s26 =	simm.s32 $0x12;
	[sflag:s25] =	ssyncadd.s32 $0xFFFFF380  }
0x2d: {  	_ =	swait.ge [sflag:s26], $0xC80  }
0x2e: {  	[sflag:s26] =	ssyncset.done $0x0  }
0x2f: {  	s28 =	simm.s32 $0x13;
	[sflag:s26] =	ssyncadd.s32 $0xFFFFF380  }
0x30: {  	_ =	swait.ge [sflag:s28], $0xC80  }
0x31: {  	[sflag:s28] =	ssyncset.done $0x0  }
0x32: {  	s29 =	simm.s32 $0x14;
	[sflag:s28] =	ssyncadd.s32 $0xFFFFF380  }
0x33: {  	_ =	swait.ge [sflag:s29], $0xC80  }
0x34: {  	[sflag:s29] =	ssyncset.done $0x0  }
0x35: {  	[sflag:s29] =	ssyncadd.s32 $0xFFFFF380  }
0x36: {  	s1 =	stileid.u32;
	[bflag:$0x0] =	sbarrier.arrive $0xFFFF  }
0x37: {  	s1 =	sshll.u32 s1, $0x6;
	s16 =	rddreg [dreg:$0x3]  }
0x38: {  	s1 =	sor.u32 $0x1C15, s1;
	s17 =	rddreg [dreg:$0xa];
	s15 =	sshrl.u32 s16, $0x3  }
0x39: {  	[hbm:s17], [sflag:s1] =	dma.local [spmem:s15], $0x500  }
0x3a: {  	s17 =	simm.s32 $0x15  }
0x3b: {  	_ =	swait.ge [sflag:s17], $0x500  }
0x3c: {  	s30 =	rddreg [dreg:$0xc]  }
0x3d: {  	s31 =	rddreg [dreg:$0xb];
	s0 =	sadd.s32 $0x1, s30  }
0x3e: {  	p0 =	sne.s32 s0, s31  }
.Ltmp1:
0x3f: {  	_ = 	snop;
	(pc) =	sbr.rel @!p0 .LBB2_9-.Ltmp1, $3  }
0x40: {  	_ =	sdelay $0x1  }
0x41: {  	[sflag:s17] =	ssyncset.done $0x0  }
0x42: {  	[sflag:s17] =	ssyncadd.s32 $0xFFFFFB00  }
.LBB2_1:
0x43: {  	s1 =	simm.s32 $0x40;
	s15 =	simm.s32 $0x0  }
.LBB2_2:
0x44: {  	p0 =	sne.s32 s1, $0x1FC0;
	[tilespmem:s15+$0xF320] =	vst v0;
	s15 =	smov.u32 s1;
	s1 =	sadd.s32 $0x40, s1  }
.Ltmp2:
0x45: {  	(pc) =	sbr.rel @p0 .LBB2_2-.Ltmp2, $2  }
0x46: {  	_ =	sdelay $0x2  }
0x47: {  	s15 =	sshra.s32 s15, $0x2  }
0x48: {  	[dreg:$0xc] =	wrdreg s0;
	[tilespmem:s15+$0xF320] =	vst v0;
	s26 =	simm.s32 $0xF320  }
0x49: {  	[spmem:s16] =	stream.linear.scatter [tilespmem:s26], [sflag:$0x15], $0x800, $0x38;
	[tilespmem:$0xFB20] =	vst v63  }
0x4a: {  	_ =	swait.ge [sflag:s17], $0x800  }
0x4b: {  	[sflag:s17] =	ssyncset.done $0x0  }
0x4c: {  	s1 =	rddreg [dreg:$0x4];
	[sflag:s17] =	ssyncadd.s32 $0xFFFFF800  }
0x4d: {  	[spmem:s1] =	stream.linear.scatter [tilespmem:s26], [sflag:$0x15], $0x800, $0x38;
	[tilespmem:$0xFB20] =	vst v63  }
0x4e: {  	_ =	swait.ge [sflag:s17], $0x800  }
0x4f: {  	[sflag:s17] =	ssyncset.done $0x0  }
0x50: {  	s29 =	rddreg [dreg:$0x5];
	[sflag:s17] =	ssyncadd.s32 $0xFFFFF800  }
0x51: {  	[spmem:s29] =	stream.linear.scatter [tilespmem:s26], [sflag:$0x15], $0x800, $0x38;
	[tilespmem:$0xFB20] =	vst v63  }
0x52: {  	_ =	swait.ge [sflag:s17], $0x800  }
0x53: {  	[sflag:s17] =	ssyncset.done $0x0  }
0x54: {  	s31 =	rddreg [dreg:$0x6];
	[sflag:s17] =	ssyncadd.s32 $0xFFFFF800  }
0x55: {  	[spmem:s31] =	stream.linear.scatter [tilespmem:s26], [sflag:$0x15], $0x800, $0x38;
	[tilespmem:$0xFB20] =	vst v63  }
0x56: {  	_ =	swait.ge [sflag:s17], $0x800  }
0x57: {  	[sflag:s17] =	ssyncset.done $0x0  }
0x58: {  	s0 =	rddreg [dreg:$0x7];
	[sflag:s17] =	ssyncadd.s32 $0xFFFFF800  }
0x59: {  	[spmem:s0] =	stream.linear.scatter [tilespmem:s26], [sflag:$0x15], $0x800, $0x38;
	[tilespmem:$0xFB20] =	vst v63  }
0x5a: {  	_ =	swait.ge [sflag:s17], $0x800  }
0x5b: {  	s10 =	simm.s32 $0x0;
	[sflag:s17] =	ssyncset.done $0x0  }
0x5c: {  	s26 =	simm.s32 $0x2800;
	s25 =	rddreg [dreg:$0x8];
	[sflag:s17] =	ssyncadd.s32 $0xFFFFF800  }
0x5d: {  	[tilespmem:s26], [sflag:$0x15] =	stream.linear.gather [hbm4b:s25+s10], $0x2710, $0x38;
	[tilespmem:$0xFB20] =	vst v63  }
0x5e: {  	_ =	swait.ge [sflag:s17], $0x2710  }
0x5f: {  	[sflag:s17] =	ssyncset.done $0x0  }
0x60: {  	s31 =	simm.s32 $0x4F10;
	s29 =	rddreg [dreg:$0x9];
	[sflag:s17] =	ssyncadd.s32 $0xFFFFD8F0  }
0x61: {  	[tilespmem:s31], [sflag:$0x15] =	stream.linear.gather [hbm4b:s29+s10], $0x2710, $0x38;
	[tilespmem:$0xFB20] =	vst v63  }
.Ltmp3:
0x62: {  	_ =	swait.ge [sflag:s17], $0x2710;
	(pc) =	sbr.rel .LBB2_4-.Ltmp3, $4  }
0x63: {  	[sflag:s17] =	ssyncset.done $0x0  }
0x64: {  	[sflag:s17] =	ssyncadd.s32 $0xFFFFD8F0  }
0x65: {  	[bflag:$0x0] =	sbarrier.arrive $0xFFFF  }
0x66: {  	s28 =	simm.s32 $0x640;
	s30 =	simm.s32 $0x2E40  }
.LBB2_6:
0x67: {  	s0 =	simm.s32 $0xB  }
0x68: {  	_ =	swait.ge [sflag:s0], $0xC80  }
0x69: {  	[sflag:s0] =	ssyncset.done $0x0  }
0x6a: {  	s1 =	sadd.s32 $0xFFFFF9C0, s30;
	s17 =	simm.s32 $0xC;
	[sflag:s0] =	ssyncadd.s32 $0xFFFFF380  }
0x6b: {  	[tilespmem:s18], [sflag:$0x1] =	stream.indirect.gather [hbm4b:s4+s6], $0x10, s1, s6, $0xb8;
	[tilespmem:$0xFB20] =	vst v63  }
0x6c: {  	_ =	swait.ge [sflag:s17], $0xC80  }
0x6d: {  	[sflag:s17] =	ssyncset.done $0x0  }
0x6e: {  	s18 =	sadd.s32 $0xFFFFFA88, s30;
	[sflag:s17] =	ssyncadd.s32 $0xFFFFF380  }
0x6f: {  	[tilespmem:s20], [sflag:$0x2] =	stream.indirect.gather [hbm4b:s4+s6], $0x10, s18, s6, $0xb8;
	[tilespmem:$0xFB20] =	vst v63  }
0x70: {  	s20 =	simm.s32 $0xD  }
0x71: {  	_ =	swait.ge [sflag:s20], $0xC80  }
0x72: {  	[sflag:s20] =	ssyncset.done $0x0  }
0x73: {  	s25 =	sadd.s32 $0xFFFFFB50, s30;
	s26 =	simm.s32 $0xE;
	[sflag:s20] =	ssyncadd.s32 $0xFFFFF380  }
0x74: {  	[tilespmem:s22], [sflag:$0x3] =	stream.indirect.gather [hbm4b:s4+s6], $0x10, s25, s6, $0xb8;
	[tilespmem:$0xFB20] =	vst v63  }
0x75: {  	_ =	swait.ge [sflag:s26], $0xC80  }
0x76: {  	[sflag:s26] =	ssyncset.done $0x0  }
0x77: {  	s0 =	sadd.s32 $0xFFFFFC18, s30;
	s1 =	simm.s32 $0xF;
	[sflag:s26] =	ssyncadd.s32 $0xFFFFF380  }
0x78: {  	[tilespmem:s23], [sflag:$0x4] =	stream.indirect.gather [hbm4b:s4+s6], $0x10, s0, s6, $0xb8;
	[tilespmem:$0xFB20] =	vst v63  }
0x79: {  	_ =	swait.ge [sflag:s1], $0xC80  }
0x7a: {  	[sflag:s1] =	ssyncset.done $0x0  }
0x7b: {  	s10 =	sadd.s32 $0xFFFFFCE0, s30;
	s15 =	simm.s32 $0x10;
	[sflag:s1] =	ssyncadd.s32 $0xFFFFF380  }
0x7c: {  	[tilespmem:s24], [sflag:$0x5] =	stream.indirect.gather [hbm4b:s4+s6], $0x10, s10, s6, $0xb8;
	[tilespmem:$0xFB20] =	vst v63  }
0x7d: {  	_ =	swait.ge [sflag:s15], $0xC80  }
0x7e: {  	[sflag:s15] =	ssyncset.done $0x0  }
0x7f: {  	s16 =	sadd.s32 $0xFFFFFDA8, s30;
	s17 =	simm.s32 $0x11;
	[sflag:s15] =	ssyncadd.s32 $0xFFFFF380  }
0x80: {  	[tilespmem:s3], [sflag:$0x6] =	stream.indirect.gather [hbm4b:s4+s6], $0x10, s16, s6, $0xb8;
	[tilespmem:$0xFB20] =	vst v63  }
0x81: {  	s31 =	simm.s32 $0x8F20;
	_ =	swait.ge [sflag:s17], $0xC80  }
0x82: {  	s29 =	simm.s32 $0x82A0;
	s18 =	sadd.s32 $0xFFFFFE70, s30;
	[sflag:s17] =	ssyncset.done $0x0  }
0x83: {  	s20 =	simm.s32 $0x12;
	s22 =	sadd.s32 $0xFFFFFF38, s30;
	[sflag:s17] =	ssyncadd.s32 $0xFFFFF380  }
0x84: {  	[tilespmem:s7], [sflag:$0x7] =	stream.indirect.gather [hbm4b:s4+s6], $0x10, s18, s6, $0xb8;
	[tilespmem:$0xFB20] =	vst v63  }
0x85: {  	s25 =	sadd.s32 $0xFFFFFA88, s28;
	s26 =	simm.s32 $0x7620;
	_ =	swait.ge [sflag:s20], $0xC80  }
0x86: {  	s23 =	simm.s32 $0x13;
	s0 =	simm.s32 $0x9BA0;
	[sflag:s20] =	ssyncset.done $0x0  }
0x87: {  	s1 =	sadd.s32 $0xFFFFF9C0, s28;
	s24 =	simm.s32 $0x14;
	[sflag:s20] =	ssyncadd.s32 $0xFFFFF380  }
0x88: {  	[tilespmem:s8], [sflag:$0x8] =	stream.indirect.gather [hbm4b:s4+s6], $0x10, s22, s6, $0xb8;
	[tilespmem:$0xFB20] =	vst v63  }
0x89: {  	s10 =	simm.s32 $0xDA20;
	s15 =	sadd.s32 $0xFFFFFDA8, s28;
	_ =	swait.ge [sflag:s23], $0xC80  }
0x8a: {  	s16 =	smov.u32 s28;
	s3 =	simm.s32 $0xA820;
	[sflag:s23] =	ssyncset.done $0x0  }
0x8b: {  	s17 =	sadd.s32 $0xFFFFFF38, s28;
	s18 =	sadd.s32 $0xFFFFFCE0, s28;
	[sflag:s23] =	ssyncadd.s32 $0xFFFFF380  }
0x8c: {  	[tilespmem:s9], [sflag:$0x9] =	stream.indirect.gather [hbm4b:s4+s6], $0x10, s30, s6, $0xb8;
	[tilespmem:$0xFB20] =	vst v63  }
0x8d: {  	s7 =	simm.s32 $0xB4A0;
	s20 =	sadd.s32 $0xFFFFFC18, s28;
	_ =	swait.ge [sflag:s24], $0xC80  }
0x8e: {  	s22 =	sadd.s32 $0xFFFFFB50, s28;
	s8 =	simm.s32 $0xC120;
	[sflag:s24] =	ssyncset.done $0x0  }
0x8f: {  	s23 =	sadd.s32 $0xFFFFFE70, s28;
	s9 =	simm.s32 $0xCDA0;
	[sflag:s24] =	ssyncadd.s32 $0xFFFFF380  }
.LBB2_7:
0x90: {  	s24 =	sadd.s32 $0x2F08, s1  }
0x91: {  	[tilespmem:s11], [sflag:$0xA] =	stream.indirect.gather [hbm4b:s4+s6], $0x10, s24, s6, $0xb8;
	[tilespmem:$0xFB20] =	vst v63  }
0x92: {  	s24 =	simm.s32 $0x1  }
0x93: {  	_ =	swait.ge [sflag:s24], $0xC80  }
0x94: {  	[sflag:s24] =	ssyncset.done $0x0  }
0x95: {  	[sflag:s24] =	ssyncadd.s32 $0xFFFFF380;
	s24 =	sadd.s32 $0x4F10, s1  }
0x96: {  	[spmem:s2] =	stream.indirect.scatter.add.f32 [tilespmem:s26], [sflag:$0xB], $0x10, s24, s6, $0xb8;
	[tilespmem:$0xFB20] =	vst v63  }
0x97: {  	s26 =	simm.s32 $0x2  }
0x98: {  	_ =	swait.ge [sflag:s26], $0xC80  }
0x99: {  	[sflag:s26] =	ssyncset.done $0x0  }
0x9a: {  	[sflag:s26] =	ssyncadd.s32 $0xFFFFF380;
	s26 =	sadd.s32 $0x4F10, s25  }
0x9b: {  	[spmem:s2] =	stream.indirect.scatter.add.f32 [tilespmem:s29], [sflag:$0xC], $0x10, s26, s6, $0xb8;
	[tilespmem:$0xFB20] =	vst v63  }
0x9c: {  	s29 =	simm.s32 $0x3  }
0x9d: {  	_ =	swait.ge [sflag:s29], $0xC80  }
0x9e: {  	[sflag:s29] =	ssyncset.done $0x0  }
0x9f: {  	s22 =	sadd.s32 $0x4F10, s22;
	s24 =	simm.s32 $0x4;
	[sflag:s29] =	ssyncadd.s32 $0xFFFFF380  }
0xa0: {  	[spmem:s2] =	stream.indirect.scatter.add.f32 [tilespmem:s31], [sflag:$0xD], $0x10, s22, s6, $0xb8;
	[tilespmem:$0xFB20] =	vst v63  }
0xa1: {  	_ =	swait.ge [sflag:s24], $0xC80  }
0xa2: {  	[sflag:s24] =	ssyncset.done $0x0  }
0xa3: {  	s20 =	sadd.s32 $0x4F10, s20;
	[sflag:s24] =	ssyncadd.s32 $0xFFFFF380  }
0xa4: {  	[spmem:s2] =	stream.indirect.scatter.add.f32 [tilespmem:s0], [sflag:$0xE], $0x10, s20, s6, $0xb8;
	[tilespmem:$0xFB20] =	vst v63  }
0xa5: {  	_ =	swait.ge [sflag:s12], $0xC80  }
0xa6: {  	[sflag:s12] =	ssyncset.done $0x0  }
0xa7: {  	s18 =	sadd.s32 $0x4F10, s18;
	[sflag:s12] =	ssyncadd.s32 $0xFFFFF380  }
0xa8: {  	[spmem:s2] =	stream.indirect.scatter.add.f32 [tilespmem:s3], [sflag:$0xF], $0x10, s18, s6, $0xb8;
	[tilespmem:$0xFB20] =	vst v63  }
0xa9: {  	_ =	swait.ge [sflag:s13], $0xC80  }
0xaa: {  	[sflag:s13] =	ssyncset.done $0x0  }
0xab: {  	s15 =	sadd.s32 $0x4F10, s15;
	[sflag:s13] =	ssyncadd.s32 $0xFFFFF380  }
0xac: {  	[spmem:s2] =	stream.indirect.scatter.add.f32 [tilespmem:s7], [sflag:$0x10], $0x10, s15, s6, $0xb8;
	[tilespmem:$0xFB20] =	vst v63  }
0xad: {  	_ =	swait.ge [sflag:s5], $0xC80  }
0xae: {  	[sflag:s5] =	ssyncset.done $0x0  }
0xaf: {  	s25 =	sadd.s32 $0x4F10, s23;
	[sflag:s5] =	ssyncadd.s32 $0xFFFFF380  }
0xb0: {  	[spmem:s2] =	stream.indirect.scatter.add.f32 [tilespmem:s8], [sflag:$0x11], $0x10, s25, s6, $0xb8;
	[tilespmem:$0xFB20] =	vst v63  }
0xb1: {  	_ =	swait.ge [sflag:s14], $0xC80  }
0xb2: {  	[sflag:s14] =	ssyncset.done $0x0  }
0xb3: {  	s26 =	sadd.s32 $0x4F10, s17;
	[sflag:s14] =	ssyncadd.s32 $0xFFFFF380  }
0xb4: {  	[spmem:s2] =	stream.indirect.scatter.add.f32 [tilespmem:s9], [sflag:$0x12], $0x10, s26, s6, $0xb8;
	[tilespmem:$0xFB20] =	vst v63  }
0xb5: {  	s28 =	sadd.s32 $0x7D0, s28;
	s30 =	sadd.s32 $0x7D0, s30;
	_ =	swait.ge [sflag:s19], $0xC80  }
0xb6: {  	p0 =	sne.s32 s28, $0x2D50;
	s23 =	simm.s32 $0x9BA0;
	[sflag:s19] =	ssyncset.done $0x0  }
0xb7: {  	s29 =	sadd.s32 $0x4F10, s16;
	s31 =	sadd.s32 $0x5618, s1;
	[sflag:s19] =	ssyncadd.s32 $0xFFFFF380  }
0xb8: {  	[spmem:s2] =	stream.indirect.scatter.add.f32 [tilespmem:s10], [sflag:$0x13], $0x10, s29, s6, $0xb8;
	[tilespmem:$0xFB20] =	vst v63  }
.Ltmp4:
0xb9: {  	s22 =	simm.s32 $0x8F20;
	s24 =	simm.s32 $0xA820;
	(pc) =	sbr.rel @!p0 .LBB2_8-.Ltmp4, $4  }
0xba: {  	s20 =	simm.s32 $0x82A0;
	s18 =	simm.s32 $0x7620;
	_ =	swait.ge [sflag:s21], $0xC80  }
0xbb: {  	s3 =	simm.s32 $0xB4A0;
	s7 =	simm.s32 $0xC120;
	[sflag:s21] =	ssyncset.done $0x0  }
0xbc: {  	s8 =	simm.s32 $0xCDA0;
	s9 =	simm.s32 $0xDA20;
	[sflag:s21] =	ssyncadd.s32 $0xFFFFF380  }
0xbd: {  	[spmem:s2] =	stream.indirect.scatter.add.f32 [tilespmem:s11], [sflag:$0x14], $0x10, s31, s6, $0xb8;
	[tilespmem:$0xFB20] =	vst v63  }
.LBB2_4:
0xbe: {  	p0 =	sne.s32 s28, $0x640  }
.Ltmp5:
0xbf: {  	_ = 	snop;
	(pc) =	sbr.rel @p0 .LBB2_6-.Ltmp5, $1  }
0xc0: {  	_ =	sdelay $0x3  }
0xc1: {  	s25 =	simm.s32 $0xC8;
	s1 =	simm.s32 $0x2800  }
0xc2: {  	[tilespmem:s18], [sflag:$0x1] =	stream.indirect.gather [hbm4b:s4+s25], $0x10, s1, s25, $0xb8;
	[tilespmem:$0xFB20] =	vst v63  }
0xc3: {  	s17 =	simm.s32 $0x28C8;
	s0 =	simm.s32 $0x2B20  }
0xc4: {  	[tilespmem:s20], [sflag:$0x2] =	stream.indirect.gather [hbm4b:s4+s25], $0x10, s17, s25, $0xb8;
	[tilespmem:$0xFB20] =	vst v63  }
0xc5: {  	s26 =	simm.s32 $0x2E40;
	s15 =	simm.s32 $0x3E8;
	s18 =	simm.s32 $0x2990  }
0xc6: {  	[tilespmem:s22], [sflag:$0x3] =	stream.indirect.gather [hbm4b:s4+s25], $0x10, s18, s25, $0xb8;
	[tilespmem:$0xFB20] =	vst v63  }
0xc7: {  	s31 =	simm.s32 $0x8F20;
	s16 =	simm.s32 $0x640;
	s20 =	simm.s32 $0x2A58  }
0xc8: {  	[tilespmem:s23], [sflag:$0x4] =	stream.indirect.gather [hbm4b:s4+s25], $0x10, s20, s25, $0xb8;
	[tilespmem:$0xFB20] =	vst v63  }
0xc9: {  	s29 =	simm.s32 $0x82A0;
	s10 =	simm.s32 $0xDA20;
	s1 =	simm.s32 $0x0  }
0xca: {  	[tilespmem:s24], [sflag:$0x5] =	stream.indirect.gather [hbm4b:s4+s25], $0x10, s0, s25, $0xb8;
	[tilespmem:$0xFB20] =	vst v63  }
0xcb: {  	s17 =	simm.s32 $0x578;
	s22 =	simm.s32 $0x2BE8;
	s18 =	simm.s32 $0x320  }
0xcc: {  	[tilespmem:s3], [sflag:$0x6] =	stream.indirect.gather [hbm4b:s4+s25], $0x10, s22, s25, $0xb8;
	[tilespmem:$0xFB20] =	vst v63  }
0xcd: {  	s23 =	simm.s32 $0x2CB0;
	s20 =	simm.s32 $0x258;
	s24 =	simm.s32 $0x2D78  }
0xce: {  	[tilespmem:s7], [sflag:$0x7] =	stream.indirect.gather [hbm4b:s4+s25], $0x10, s23, s25, $0xb8;
	[tilespmem:$0xFB20] =	vst v63  }
.Ltmp6:
0xcf: {  	s0 =	simm.s32 $0x9BA0;
	s22 =	simm.s32 $0x190;
	(pc) =	sbr.rel .LBB2_7-.Ltmp6, $4  }
0xd0: {  	[tilespmem:s8], [sflag:$0x8] =	stream.indirect.gather [hbm4b:s4+s25], $0x10, s24, s25, $0xb8;
	[tilespmem:$0xFB20] =	vst v63  }
0xd1: {  	s3 =	simm.s32 $0xA820;
	s23 =	simm.s32 $0x4B0;
	s7 =	simm.s32 $0xB4A0  }
0xd2: {  	[tilespmem:s9], [sflag:$0x9] =	stream.indirect.gather [hbm4b:s4+s25], $0x10, s26, s25, $0xb8;
	[tilespmem:$0xFB20] =	vst v63  }
0xd3: {  	s8 =	simm.s32 $0xC120;
	s26 =	simm.s32 $0x7620;
	s9 =	simm.s32 $0xCDA0  }
.LBB2_9:
0xd4: {  	_ =	sfence.sel $0x180000  }
0xd5: {  	[bflag:$0x0] =	sbarrier.arrive $0xFFFF  }
0xd6: {  	_ =	strace $0x9000004A  }
0xd7: {  	s0 =	stileid.u32;
	[bflag:$0x2] =	sbarrier.arrive $0xFFFF  }
0xd8: {  	p0 =	sne.s32 s0, $0x0;
	s0 =	rddreg [dreg:$0x2]  }
0xd9: {  	s0 =	sadd.s32 @!p0 $0x100000, s0  }
0xda: {  	[sflag:s0] =	ssyncadd.tile.s32 @!p0 $0x1;
	_ =	shalt  }
.Lfunc_end2:
_tile_overlayer_lowered:
.L_overlay_start_2:
0xdb: {  	(tag) =	ssettag $0x2  }
0xdc: {  	s0 =	rddreg [dreg:$0x0];
	s2 =	stileid.u32  }
0xdd: {  	s1 =	rddreg [dreg:$0x1];
	p0 =	sne.s32 s2, $0x0  }
0xde: {  	s3 =	rddreg [dreg:$0x2];
	[bflag:$0x3] =	sbarrier.arrive $0xFFFF;
	s2 =	simm.s32 @!p0 $0x1C15  }
0xdf: {  	[timem:s3], [sflag:s2] =	dma.local @!p0 [hbm:s0], s1  }
0xe0: {  	s0 =	simm.s32 @!p0 $0x15  }
0xe1: {  	_ =	swait.ge @!p0 [sflag:s0], s1  }
0xe2: {  	s1 =	ssub.s32 @!p0 $0x0, s1;
	[sflag:s0] =	ssyncset.done @!p0 $0x0  }
0xe3: {  	[sflag:s0] =	ssyncadd.s32 @!p0 s1  }
0xe4: {  	[bflag:$0x3] =	sbarrier.arrive $0xFFFF  }
0xe5: {  	_ =	shalt  }

// kernel: kernel.14.cloned.1.call-start
scs
__scs_entry_jumppad:
0x0: {  	(pc) =	sbr.rel $0x88, $3  }
0x1: {  	(tag) =	ssettag $0x0;
	lr =	simm.s32 $0x1  }
0x2: {  	[smem:$0x3F99] =	sst lr;
	_ =	strace $0xD0000000  }
0x3: {  	_ = 	snop  }
0x4: {  	_ = 	snop  }
0x5: {  	_ = 	snop  }
0x6: {  	_ = 	snop  }
0x7: {  	_ = 	snop  }
__scs_overlays_trampoline_lowered:
0x8: {  	[smem:$0x3FA8] =	sst s0  }
0x9: {  	[smem:$0x3FA9] =	sst s1  }
0xa: {  	[smem:$0x3FAA] =	sst s2  }
0xb: {  	[smem:$0x3FAB] =	sst s3  }
0xc: {  	[smem:$0x3FAC] =	sst s4  }
0xd: {  	[smem:$0x3FAD] =	sst s5  }
0xe: {  	[smem:$0x3FAE] =	sst s6  }
0xf: {  	[smem:$0x3FAF] =	sst s7  }
0x10: {  	[smem:$0x3FB0] =	sst s8  }
0x11: {  	[smem:$0x3FB1] =	sst s9;
	s0 =	simm.s32 @!p0 $0x0  }
0x12: {  	s1 =	sld [smem:$0x3F97];
	s0 =	simm.s32 @p0 $0x1  }
0x13: {  	[smem:$0x3FB2] =	sst s0;
	s0 =	simm.s32 @!p1 $0x0  }
0x14: {  	s2 =	sld [smem:$0x3F96];
	s0 =	simm.s32 @p1 $0x1  }
0x15: {  	[smem:$0x3FB3] =	sst s0;
	s0 =	simm.s32 @!p2 $0x0  }
0x16: {  	s3 =	sld [smem:$0x3FDB];
	s0 =	simm.s32 @p2 $0x1  }
0x17: {  	s4 =	simm.s32 $0x1BF5;
	[smem:$0x3FB5] =	sst s0  }
0x18: {  	s0 =	sld [smem:$0x3F98];
	_ =	swait.ge [sflag:s4], $0x0  }
0x19: {  	s7 =	sld [smem:$0x3F99]  }
0x1a: {  	s8 =	sadd.s32 $0xFFFFE003, lr  }
0x1b: {  	s9 =	sadd.s32 $0xFFFFFEF7, lr;
	s5 =	simm.s32 $0xFFFFFFFF;
	p2 =	slt.u32 s8, $0xFFFFF086  }
0x1c: {  	p1 =	slt.u32 s9, $0xF7A;
	s5 =	simm.s32 @!p2 $0x0  }
0x1d: {  	s5 =	simm.s32 @p1 $0x1;
	p0 =	seq.s32 s7, s2  }
0x1e: {  	s7 =	smul.u32 @!p0 $0xF7A, s2;
	p2 =	seq.s32 @!p0 s5, $0x0  }
0x1f: {  	s9 =	smul.u32 $0xF7A, s1;
	s8 =	simm.s32 @!p0 $0x1BF5;
	p2 =	por !p2, p0  }
0x20: {  	[sflag:s8] =	ssyncset.s32 @!p0 $0xFFFFF086;
	s6 =	sadd.s32 @!p0 s3, s7;
	s7 =	simm.s32 @!p0 $0x108  }
0x21: {  	s3 =	sadd.s32 s3, s9;
	s6 =	sadd.s32 @!p0 $0x88, s6;
	s7 =	simm.s32 @p2 $0x1082  }
0x22: {  	[simem:s7], [sflag:s8] =	dma.local @!p0 [hbm:s6], $0xF7A  }
0x23: {  	s9 =	sor.u32 $0xD0000000, s2;
	s6 =	simm.s32 $0x108;
	_ =	swait.ge @!p0 [sflag:s8], $0x0  }
0x24: {  	s3 =	sadd.s32 $0x88, s3;
	s6 =	simm.s32 @!p1 $0x1082;
	[sflag:s4] =	ssyncset.s32 $0xFFFFF086  }
0x25: {  	[simem:s6], [sflag:s4] =	dma.local [hbm:s3], $0xF7A  }
0x26: {  	[smem:$0x3F99] =	sst s1;
	(tag) =	ssettag s2;
	_ =	strace s9  }
0x27: {  	s1 =	sld [smem:$0x3FA9]  }
0x28: {  	s2 =	sld [smem:$0x3FAA]  }
0x29: {  	s4 =	sld [smem:$0x3FAC]  }
0x2a: {  	p0 =	seq.s32 s5, $0x0;
	s5 =	sld [smem:$0x3FAD]  }
0x2b: {  	s6 =	sld [smem:$0x3FAE]  }
0x2c: {  	s7 =	sld [smem:$0x3FAF]  }
0x2d: {  	s3 =	simm.s32 $0x108;
	s8 =	sld [smem:$0x3FB0]  }
0x2e: {  	s3 =	simm.s32 @!p0 $0x1082;
	s9 =	sld [smem:$0x3FB1]  }
0x2f: {  	lr =	sadd.s32 s0, s3;
	s0 =	sld [smem:$0x3FA8]  }
0x30: {  	s3 =	sld [smem:$0x3FAB]  }
0x31: {  	[smem:$0x3FB4] =	sst s10  }
0x32: {  	s10 =	sld [smem:$0x3FB2];
	_ =	sdelay $0x3  }
0x33: {  	p0 =	seq.s32 s10, $0x1;
	s10 =	sld [smem:$0x3FB4];
	_ =	sdelay $0x3  }
0x34: {  	[smem:$0x3FB4] =	sst s10  }
0x35: {  	s10 =	sld [smem:$0x3FB3];
	_ =	sdelay $0x3  }
0x36: {  	p1 =	seq.s32 s10, $0x1;
	s10 =	sld [smem:$0x3FB4];
	_ =	sdelay $0x3  }
0x37: {  	[smem:$0x3FB4] =	sst s10  }
0x38: {  	s10 =	sld [smem:$0x3FB5]  }
0x39: {  	_ = 	snop;
	(pc) =	sbr.ind lr, $3  }
0x3a: {  	_ = 	snop  }
0x3b: {  	_ = 	snop  }
0x3c: {  	p2 =	seq.s32 s10, $0x1;
	s10 =	sld [smem:$0x3FB4]  }
0x3d: {  	_ =	shalt  }
0x3e: {  	_ =	shalt  }
0x3f: {  	_ =	shalt  }
0x40: {  	_ =	shalt  }
0x41: {  	_ =	shalt  }
0x42: {  	_ =	shalt  }
0x43: {  	_ =	shalt  }
0x44: {  	_ =	shalt  }
0x45: {  	_ =	shalt  }
0x46: {  	_ =	shalt  }
0x47: {  	_ =	shalt  }
0x48: {  	_ =	shalt  }
0x49: {  	_ =	shalt  }
0x4a: {  	_ =	shalt  }
0x4b: {  	_ =	shalt  }
0x4c: {  	_ =	shalt  }
0x4d: {  	_ =	shalt  }
0x4e: {  	_ =	shalt  }
0x4f: {  	_ =	shalt  }
0x50: {  	_ =	shalt  }
0x51: {  	_ =	shalt  }
0x52: {  	_ =	shalt  }
0x53: {  	_ =	shalt  }
0x54: {  	_ =	shalt  }
0x55: {  	_ =	shalt  }
0x56: {  	_ =	shalt  }
0x57: {  	_ =	shalt  }
0x58: {  	_ =	shalt  }
0x59: {  	_ =	shalt  }
0x5a: {  	_ =	shalt  }
0x5b: {  	_ =	shalt  }
0x5c: {  	_ =	shalt  }
0x5d: {  	_ =	shalt  }
0x5e: {  	_ =	shalt  }
0x5f: {  	_ =	shalt  }
0x60: {  	_ =	shalt  }
0x61: {  	_ =	shalt  }
0x62: {  	_ =	shalt  }
0x63: {  	_ =	shalt  }
0x64: {  	_ =	shalt  }
0x65: {  	_ =	shalt  }
0x66: {  	_ =	shalt  }
0x67: {  	_ =	shalt  }
0x68: {  	_ =	shalt  }
0x69: {  	_ =	shalt  }
0x6a: {  	_ =	shalt  }
0x6b: {  	_ =	shalt  }
0x6c: {  	_ =	shalt  }
0x6d: {  	_ =	shalt  }
0x6e: {  	_ =	shalt  }
0x6f: {  	_ =	shalt  }
0x70: {  	_ =	shalt  }
0x71: {  	_ =	shalt  }
0x72: {  	_ =	shalt  }
0x73: {  	_ =	shalt  }
0x74: {  	_ =	shalt  }
0x75: {  	_ =	shalt  }
0x76: {  	_ =	shalt  }
0x77: {  	_ =	shalt  }
0x78: {  	_ =	shalt  }
0x79: {  	_ =	shalt  }
0x7a: {  	_ =	shalt  }
0x7b: {  	_ =	shalt  }
0x7c: {  	_ =	shalt  }
0x7d: {  	_ =	shalt  }
0x7e: {  	_ =	shalt  }
0x7f: {  	_ =	shalt  }
0x80: {  	_ =	shalt  }
0x81: {  	_ =	shalt  }
0x82: {  	_ =	shalt  }
0x83: {  	_ =	shalt  }
0x84: {  	_ =	shalt  }
0x85: {  	_ =	shalt  }
0x86: {  	_ =	shalt  }
0x87: {  	_ =	shalt  }
.Lfunc_end0:
.L_simem_size_0:
called_computation.2_lowered:
.L_overlay_start_0:
0x88: {  	s2 =	sld [smem:$0x3FD9]  }
0x89: {  	s3 =	sld [smem:$0x3FFE];
	_ =	sdelay $0x1  }
0x8a: {  	s1 =	srdreg.scid  }
0x8b: {  	s0 =	sand.u32 $0x1, s1  }
0x8c: {  	s16 =	sshll.u32 s0, $0xA;
	s2 =	sadd.s32 s3, s2  }
0x8d: {  	s2 =	sadd.s32 s2, s16  }
0x8e: {  	[smem:$0x3FC0] =	sst s2  }
0x8f: {  	_ = 	snop  }
0x90: {  	(tm) =	ssettm $0x1  }
0x91: {  	s17 =	sld [smem:$0x3FFB];
	_ =	sdelay $0x3  }
0x92: {  	_ =	strace s17  }
0x93: {  	s2 =	sld [smem:$0x3FFC];
	_ =	sdelay $0x3  }
0x94: {  	_ =	strace s2  }
0x95: {  	s2 =	sld [smem:$0x3FFD];
	_ =	sdelay $0x3  }
0x96: {  	_ =	strace s2  }
0x97: {  	_ =	strace $0x8FFFFFFF  }
0x98: {  	s18 =	sld [smem:$0x3FDB];
	_ =	sdelay $0x1  }
0x99: {  	s19 =	simm.s32 $_scs_section_size  }
0x9a: {  	s4 =	simm.s32 $_size__tile_overlayer_lowered;
	s5 =	simm.s32 $_tile_overlayer_lowered  }
0x9b: {  	s22 =	simm.s32 $0x1BFF;
	s21 =	sshll.u32 s5, $0x1;
	s2 =	sadd.s32 s19, s18  }
0x9c: {  	s6 =	simm.s32 $0x0;
	s20 =	sshll.u32 s4, $0x1;
	s4 =	sadd.s32 s21, s2  }
0x9d: {  	[timem:s6], [sflag:s22] =	dma.local [hbm:s4], s20  }
0x9e: {  	_ =	swait.ge [sflag:s22], s20  }
0x9f: {  	s3 =	ssub.s32 $0x0, s20;
	[sflag:s22] =	ssyncset.done $0x0  }
0xa0: {  	[sflag:s22] =	ssyncadd.s32 s3;
	_ =	sdelay $0x1  }
0xa1: {  	s23 =	simm.s32 $0x1B8B  }
0xa2: {  	_ =	swait.ge [sflag:s23], $0x1  }
0xa3: {  	[sflag:s23] =	ssyncset.done $0x0  }
0xa4: {  	s25 =	simm.s32 $0x1B8E;
	s24 =	sld [smem:$0x3FFE];
	[sflag:s23] =	ssyncadd.s32 $0xFFFFFFFF  }
0xa5: {  	s26 =	simm.s32 $execute0_lowered;
	[smem:$0x3FD2] =	sst s25  }
0xa6: {  	s4 =	sshll.u32 s26, $0x1;
	_ =	strace $0x8000004C;
	[dreg:$0x1] =	wrdreg $0xFFFFFFFF  }
0xa7: {  	s28 =	simm.s32 $_size_execute0_lowered;
	s2 =	sadd.s32 s2, s4;
	[dreg:$0x0] =	wrdreg $0x0  }
0xa8: {  	s4 =	sshll.u32 s28, $0x1;
	[dreg:$0x2] =	wrdreg s2  }
0xa9: {  	[dreg:$0x3] =	wrdreg s4  }
0xaa: {  	[dreg:$0x4] =	wrdreg $0xC0  }
0xab: {  	_ =	task [dreg:s6], $0x5FFFF  }
0xac: {  	[dreg:$0x1] =	wrdreg $0xFFFFFFFF  }
0xad: {  	[dreg:$0x0] =	wrdreg $0x60  }
0xae: {  	[dreg:$0x2] =	wrdreg s24  }
0xaf: {  	[dreg:$0x3] =	wrdreg $0x0  }
0xb0: {  	[dreg:$0x4] =	wrdreg $0x9  }
0xb1: {  	_ =	task.clear_ibuf [dreg:s6], $0x5FFFF;
	_ =	strace $0x9000004C  }
0xb2: {  	s29 =	simm.s32 $0x9;
	_ =	strace $0x8000004E  }
0xb3: {  	_ =	swait.ge [sflag:s29], $0x1  }
0xb4: {  	[sflag:s29] =	ssyncadd.s32 $0xFFFFFFFF  }
0xb5: {  	_ =	strace $0x9000004E  }
0xb6: {  	_ =	sfence  }
0xb7: {  	s30 =	sld [smem:$0x0];
	_ =	sdelay $0x2  }
0xb8: {  	s31 =	sshll.u32 s1, $0xD;
	s1 =	sshrl.u32 s1, $0x2  }
0xb9: {  	s3 =	sand.u32 $0x4000, s31;
	s1 =	sadd.s32 s1, s30  }
0xba: {  	s0 =	sor.u32 s3, s0;
	s1 =	sshll.u32 s1, $0x11  }
0xbb: {  	s0 =	sor.u32 s1, s0  }
0xbc: {  	s0 =	sadd.s32 $0x8F2B, s0  }
0xbd: {  	[sflag:s0] =	ssyncadd.remote.s32 $0x1  }
0xbe: {  	_ =	sfence.sel $0xFFFF  }
0xbf: {  	[dreg:$0x0] =	wrdreg $0xFFFFFFFF;
	(pc) =	sbr.abs _section_cstart, $3  }
0xc0: {  	[dreg:$0x1] =	wrdreg $0xFFFFFFFF  }
0xc1: {  	_ =	task.clear_ibuf [dreg:s6], $0x2FFFF;
	_ =	strace $0x9FFFFFFF  }
0xc2: {  	(tm) =	ssettm $0x7FFFFFFF  }
0xc3: {  	_ =	shalt  }
tec
execute0_lowered:
.L_overlay_start_1:
0x0: {  	(tag) =	ssettag $0x1  }
0x1: {  	s0 =	srdreg.scid  }
0x2: {  	s4 =	stileid.u32;
	s3 =	rddreg [dreg:$0x0]  }
0x3: {  	s2 =	rddreg [dreg:$0x1];
	s6 =	simm.s32 $0x0;
	s17 =	simm.s32 $0x15  }
0x4: {  	s18 =	simm.s32 $0x7620;
	s20 =	simm.s32 $0x82A0;
	s22 =	simm.s32 $0x8F20  }
0x5: {  	s8 =	simm.s32 $0xCDA0;
	s9 =	simm.s32 $0xDA20;
	s12 =	simm.s32 $0x5  }
0x6: {  	s13 =	simm.s32 $0x6;
	s14 =	simm.s32 $0x8;
	s19 =	simm.s32 $0x9  }
0x7: {  	s21 =	simm.s32 $0xA;
	s11 =	simm.s32 $0xE6A0;
	s0 =	sand.u32 $0x1, s0  }
0x8: {  	s1 =	sshll.u32 s4, $0x1;
	s5 =	smul.u32 $0x2800, s4;
	[smem:$0x7FF] =	sst s6  }
0x9: {  	s7 =	smul.u32 $0xA000, s4;
	s4 =	sadd.s32 $0x16A00, s3;
	s1 =	sor.u32 s0, s1  }
0xa: {  	s23 =	smul.u32 $0x28000, s0;
	_ =	strace $0x8000004D;
	s0 =	ssub.s32 $0x2, s0  }
0xb: {  	s1 =	smul.u32 $0x2710, s1;
	s7 =	sshrl.u32 s7, $0x2;
	s24 =	sshrl.u32 s0, $0x1  }
0xc: {  	s16 =	sadd.s32 s5, s2;
	s6 =	sadd.s32 s5, s23;
	s7 =	sadd.s32 s7, s2  }
0xd: {  	s0 =	ssub.s32 s0, s24;
	s23 =	simm.s32 $0x9BA0;
	s24 =	simm.s32 $0xA820  }
0xe: {  	s5 =	simm.s32 $0x7;
	[dreg:$0x3] =	wrdreg s16;
	s25 =	sadd.s32 $0x800, s7  }
0xf: {  	s1 =	sshrl.u32 s1, $0x3;
	s26 =	sadd.s32 $0x1000, s7;
	[dreg:$0x4] =	wrdreg s25  }
0x10: {  	s6 =	sshrl.u32 s6, $0x3;
	s28 =	sadd.s32 $0x1800, s7;
	[dreg:$0x5] =	wrdreg s26  }
0x11: {  	s29 =	sadd.s32 $0x2000, s7;
	s0 =	smax.u32 s0, $0x1;
	[dreg:$0x6] =	wrdreg s28  }
.Ltmp0:
0x12: {  	s1 =	sadd.s32 s1, s3;
	[dreg:$0x7] =	wrdreg s29;
	(pc) =	sbr.rel .LBB2_1-.Ltmp0, $4  }
0x13: {  	s7 =	simm.s32 $0xC120;
	[dreg:$0xb] =	wrdreg s0;
	s30 =	sadd.s32 $0x3000, s1  }
0x14: {  	s3 =	sadd.s32 s6, s3;
	s1 =	sadd.s32 $0xCC40, s1;
	[dreg:$0x8] =	wrdreg s30  }
0x15: {  	s6 =	simm.s32 $0xC8;
	s31 =	sadd.s32 $0x1BA00, s3;
	[dreg:$0x9] =	wrdreg s1  }
0x16: {  	v0 =	vimm.f32 $0.0e+00;
	s0 =	simm.s32 $0x0;
	s3 =	simm.s32 $0xB4A0;
	[dreg:$0xa] =	wrdreg s31  }
.LBB2_8:
0x17: {  	s0 =	simm.s32 $0xB  }
0x18: {  	_ =	swait.ge [sflag:s0], $0xC80  }
0x19: {  	[sflag:s0] =	ssyncset.done $0x0  }
0x1a: {  	s1 =	simm.s32 $0xC;
	[sflag:s0] =	ssyncadd.s32 $0xFFFFF380  }
0x1b: {  	_ =	swait.ge [sflag:s1], $0xC80  }
0x1c: {  	[sflag:s1] =	ssyncset.done $0x0  }
0x1d: {  	s10 =	simm.s32 $0xD;
	[sflag:s1] =	ssyncadd.s32 $0xFFFFF380  }
0x1e: {  	_ =	swait.ge [sflag:s10], $0xC80  }
0x1f: {  	[sflag:s10] =	ssyncset.done $0x0  }
0x20: {  	s15 =	simm.s32 $0xE;
	[sflag:s10] =	ssyncadd.s32 $0xFFFFF380  }
0x21: {  	_ =	swait.ge [sflag:s15], $0xC80  }
0x22: {  	[sflag:s15] =	ssyncset.done $0x0  }
0x23: {  	s16 =	simm.s32 $0xF;
	[sflag:s15] =	ssyncadd.s32 $0xFFFFF380  }
0x24: {  	_ =	swait.ge [sflag:s16], $0xC80  }
0x25: {  	[sflag:s16] =	ssyncset.done $0x0  }
0x26: {  	s17 =	simm.s32 $0x10;
	[sflag:s16] =	ssyncadd.s32 $0xFFFFF380  }
0x27: {  	_ =	swait.ge [sflag:s17], $0xC80  }
0x28: {  	[sflag:s17] =	ssyncset.done $0x0  }
0x29: {  	s25 =	simm.s32 $0x11;
	[sflag:s17] =	ssyncadd.s32 $0xFFFFF380  }
0x2a: {  	_ =	swait.ge [sflag:s25], $0xC80  }
0x2b: {  	[sflag:s25] =	ssyncset.done $0x0  }
0x2c: {  	s26 =	simm.s32 $0x12;
	[sflag:s25] =	ssyncadd.s32 $0xFFFFF380  }
0x2d: {  	_ =	swait.ge [sflag:s26], $0xC80  }
0x2e: {  	[sflag:s26] =	ssyncset.done $0x0  }
0x2f: {  	s28 =	simm.s32 $0x13;
	[sflag:s26] =	ssyncadd.s32 $0xFFFFF380  }
0x30: {  	_ =	swait.ge [sflag:s28], $0xC80  }
0x31: {  	[sflag:s28] =	ssyncset.done $0x0  }
0x32: {  	s29 =	simm.s32 $0x14;
	[sflag:s28] =	ssyncadd.s32 $0xFFFFF380  }
0x33: {  	_ =	swait.ge [sflag:s29], $0xC80  }
0x34: {  	[sflag:s29] =	ssyncset.done $0x0  }
0x35: {  	[sflag:s29] =	ssyncadd.s32 $0xFFFFF380  }
0x36: {  	s1 =	stileid.u32;
	[bflag:$0x0] =	sbarrier.arrive $0xFFFF  }
0x37: {  	s1 =	sshll.u32 s1, $0x6;
	s16 =	rddreg [dreg:$0x3]  }
0x38: {  	s1 =	sor.u32 $0x1C15, s1;
	s17 =	rddreg [dreg:$0xa];
	s15 =	sshrl.u32 s16, $0x3  }
0x39: {  	[hbm:s17], [sflag:s1] =	dma.local [spmem:s15], $0x500  }
0x3a: {  	s17 =	simm.s32 $0x15  }
0x3b: {  	_ =	swait.ge [sflag:s17], $0x500  }
0x3c: {  	s30 =	rddreg [dreg:$0xc]  }
0x3d: {  	s31 =	rddreg [dreg:$0xb];
	s0 =	sadd.s32 $0x1, s30  }
0x3e: {  	p0 =	sne.s32 s0, s31  }
.Ltmp1:
0x3f: {  	_ = 	snop;
	(pc) =	sbr.rel @!p0 .LBB2_9-.Ltmp1, $3  }
0x40: {  	_ =	sdelay $0x1  }
0x41: {  	[sflag:s17] =	ssyncset.done $0x0  }
0x42: {  	[sflag:s17] =	ssyncadd.s32 $0xFFFFFB00  }
.LBB2_1:
0x43: {  	s1 =	simm.s32 $0x40;
	s15 =	simm.s32 $0x0  }
.LBB2_2:
0x44: {  	p0 =	sne.s32 s1, $0x1FC0;
	[tilespmem:s15+$0xF320] =	vst v0;
	s15 =	smov.u32 s1;
	s1 =	sadd.s32 $0x40, s1  }
.Ltmp2:
0x45: {  	(pc) =	sbr.rel @p0 .LBB2_2-.Ltmp2, $2  }
0x46: {  	_ =	sdelay $0x2  }
0x47: {  	s15 =	sshra.s32 s15, $0x2  }
0x48: {  	[dreg:$0xc] =	wrdreg s0;
	[tilespmem:s15+$0xF320] =	vst v0;
	s26 =	simm.s32 $0xF320  }
0x49: {  	[spmem:s16] =	stream.linear.scatter [tilespmem:s26], [sflag:$0x15], $0x800, $0x38;
	[tilespmem:$0xFB20] =	vst v63  }
0x4a: {  	_ =	swait.ge [sflag:s17], $0x800  }
0x4b: {  	[sflag:s17] =	ssyncset.done $0x0  }
0x4c: {  	s1 =	rddreg [dreg:$0x4];
	[sflag:s17] =	ssyncadd.s32 $0xFFFFF800  }
0x4d: {  	[spmem:s1] =	stream.linear.scatter [tilespmem:s26], [sflag:$0x15], $0x800, $0x38;
	[tilespmem:$0xFB20] =	vst v63  }
0x4e: {  	_ =	swait.ge [sflag:s17], $0x800  }
0x4f: {  	[sflag:s17] =	ssyncset.done $0x0  }
0x50: {  	s29 =	rddreg [dreg:$0x5];
	[sflag:s17] =	ssyncadd.s32 $0xFFFFF800  }
0x51: {  	[spmem:s29] =	stream.linear.scatter [tilespmem:s26], [sflag:$0x15], $0x800, $0x38;
	[tilespmem:$0xFB20] =	vst v63  }
0x52: {  	_ =	swait.ge [sflag:s17], $0x800  }
0x53: {  	[sflag:s17] =	ssyncset.done $0x0  }
0x54: {  	s31 =	rddreg [dreg:$0x6];
	[sflag:s17] =	ssyncadd.s32 $0xFFFFF800  }
0x55: {  	[spmem:s31] =	stream.linear.scatter [tilespmem:s26], [sflag:$0x15], $0x800, $0x38;
	[tilespmem:$0xFB20] =	vst v63  }
0x56: {  	_ =	swait.ge [sflag:s17], $0x800  }
0x57: {  	[sflag:s17] =	ssyncset.done $0x0  }
0x58: {  	s0 =	rddreg [dreg:$0x7];
	[sflag:s17] =	ssyncadd.s32 $0xFFFFF800  }
0x59: {  	[spmem:s0] =	stream.linear.scatter [tilespmem:s26], [sflag:$0x15], $0x800, $0x38;
	[tilespmem:$0xFB20] =	vst v63  }
0x5a: {  	_ =	swait.ge [sflag:s17], $0x800  }
0x5b: {  	s10 =	simm.s32 $0x0;
	[sflag:s17] =	ssyncset.done $0x0  }
0x5c: {  	s26 =	simm.s32 $0x2800;
	s25 =	rddreg [dreg:$0x8];
	[sflag:s17] =	ssyncadd.s32 $0xFFFFF800  }
0x5d: {  	[tilespmem:s26], [sflag:$0x15] =	stream.linear.gather [hbm4b:s25+s10], $0x2710, $0x38;
	[tilespmem:$0xFB20] =	vst v63  }
0x5e: {  	_ =	swait.ge [sflag:s17], $0x2710  }
0x5f: {  	[sflag:s17] =	ssyncset.done $0x0  }
0x60: {  	s31 =	simm.s32 $0x4F10;
	s29 =	rddreg [dreg:$0x9];
	[sflag:s17] =	ssyncadd.s32 $0xFFFFD8F0  }
0x61: {  	[tilespmem:s31], [sflag:$0x15] =	stream.linear.gather [hbm4b:s29+s10], $0x2710, $0x38;
	[tilespmem:$0xFB20] =	vst v63  }
.Ltmp3:
0x62: {  	_ =	swait.ge [sflag:s17], $0x2710;
	(pc) =	sbr.rel .LBB2_4-.Ltmp3, $4  }
0x63: {  	[sflag:s17] =	ssyncset.done $0x0  }
0x64: {  	[sflag:s17] =	ssyncadd.s32 $0xFFFFD8F0  }
0x65: {  	[bflag:$0x0] =	sbarrier.arrive $0xFFFF  }
0x66: {  	s28 =	simm.s32 $0x640;
	s30 =	simm.s32 $0x2E40  }
.LBB2_6:
0x67: {  	s0 =	simm.s32 $0xB  }
0x68: {  	_ =	swait.ge [sflag:s0], $0xC80  }
0x69: {  	[sflag:s0] =	ssyncset.done $0x0  }
0x6a: {  	s1 =	sadd.s32 $0xFFFFF9C0, s30;
	s17 =	simm.s32 $0xC;
	[sflag:s0] =	ssyncadd.s32 $0xFFFFF380  }
0x6b: {  	[tilespmem:s18], [sflag:$0x1] =	stream.indirect.gather [hbm4b:s4+s6], $0x10, s1, s6, $0xb8;
	[tilespmem:$0xFB20] =	vst v63  }
0x6c: {  	_ =	swait.ge [sflag:s17], $0xC80  }
0x6d: {  	[sflag:s17] =	ssyncset.done $0x0  }
0x6e: {  	s18 =	sadd.s32 $0xFFFFFA88, s30;
	[sflag:s17] =	ssyncadd.s32 $0xFFFFF380  }
0x6f: {  	[tilespmem:s20], [sflag:$0x2] =	stream.indirect.gather [hbm4b:s4+s6], $0x10, s18, s6, $0xb8;
	[tilespmem:$0xFB20] =	vst v63  }
0x70: {  	s20 =	simm.s32 $0xD  }
0x71: {  	_ =	swait.ge [sflag:s20], $0xC80  }
0x72: {  	[sflag:s20] =	ssyncset.done $0x0  }
0x73: {  	s25 =	sadd.s32 $0xFFFFFB50, s30;
	s26 =	simm.s32 $0xE;
	[sflag:s20] =	ssyncadd.s32 $0xFFFFF380  }
0x74: {  	[tilespmem:s22], [sflag:$0x3] =	stream.indirect.gather [hbm4b:s4+s6], $0x10, s25, s6, $0xb8;
	[tilespmem:$0xFB20] =	vst v63  }
0x75: {  	_ =	swait.ge [sflag:s26], $0xC80  }
0x76: {  	[sflag:s26] =	ssyncset.done $0x0  }
0x77: {  	s0 =	sadd.s32 $0xFFFFFC18, s30;
	s1 =	simm.s32 $0xF;
	[sflag:s26] =	ssyncadd.s32 $0xFFFFF380  }
0x78: {  	[tilespmem:s23], [sflag:$0x4] =	stream.indirect.gather [hbm4b:s4+s6], $0x10, s0, s6, $0xb8;
	[tilespmem:$0xFB20] =	vst v63  }
0x79: {  	_ =	swait.ge [sflag:s1], $0xC80  }
0x7a: {  	[sflag:s1] =	ssyncset.done $0x0  }
0x7b: {  	s10 =	sadd.s32 $0xFFFFFCE0, s30;
	s15 =	simm.s32 $0x10;
	[sflag:s1] =	ssyncadd.s32 $0xFFFFF380  }
0x7c: {  	[tilespmem:s24], [sflag:$0x5] =	stream.indirect.gather [hbm4b:s4+s6], $0x10, s10, s6, $0xb8;
	[tilespmem:$0xFB20] =	vst v63  }
0x7d: {  	_ =	swait.ge [sflag:s15], $0xC80  }
0x7e: {  	[sflag:s15] =	ssyncset.done $0x0  }
0x7f: {  	s16 =	sadd.s32 $0xFFFFFDA8, s30;
	s17 =	simm.s32 $0x11;
	[sflag:s15] =	ssyncadd.s32 $0xFFFFF380  }
0x80: {  	[tilespmem:s3], [sflag:$0x6] =	stream.indirect.gather [hbm4b:s4+s6], $0x10, s16, s6, $0xb8;
	[tilespmem:$0xFB20] =	vst v63  }
0x81: {  	s31 =	simm.s32 $0x8F20;
	_ =	swait.ge [sflag:s17], $0xC80  }
0x82: {  	s29 =	simm.s32 $0x82A0;
	s18 =	sadd.s32 $0xFFFFFE70, s30;
	[sflag:s17] =	ssyncset.done $0x0  }
0x83: {  	s20 =	simm.s32 $0x12;
	s22 =	sadd.s32 $0xFFFFFF38, s30;
	[sflag:s17] =	ssyncadd.s32 $0xFFFFF380  }
0x84: {  	[tilespmem:s7], [sflag:$0x7] =	stream.indirect.gather [hbm4b:s4+s6], $0x10, s18, s6, $0xb8;
	[tilespmem:$0xFB20] =	vst v63  }
0x85: {  	s25 =	sadd.s32 $0xFFFFFA88, s28;
	s26 =	simm.s32 $0x7620;
	_ =	swait.ge [sflag:s20], $0xC80  }
0x86: {  	s23 =	simm.s32 $0x13;
	s0 =	simm.s32 $0x9BA0;
	[sflag:s20] =	ssyncset.done $0x0  }
0x87: {  	s1 =	sadd.s32 $0xFFFFF9C0, s28;
	s24 =	simm.s32 $0x14;
	[sflag:s20] =	ssyncadd.s32 $0xFFFFF380  }
0x88: {  	[tilespmem:s8], [sflag:$0x8] =	stream.indirect.gather [hbm4b:s4+s6], $0x10, s22, s6, $0xb8;
	[tilespmem:$0xFB20] =	vst v63  }
0x89: {  	s10 =	simm.s32 $0xDA20;
	s15 =	sadd.s32 $0xFFFFFDA8, s28;
	_ =	swait.ge [sflag:s23], $0xC80  }
0x8a: {  	s16 =	smov.u32 s28;
	s3 =	simm.s32 $0xA820;
	[sflag:s23] =	ssyncset.done $0x0  }
0x8b: {  	s17 =	sadd.s32 $0xFFFFFF38, s28;
	s18 =	sadd.s32 $0xFFFFFCE0, s28;
	[sflag:s23] =	ssyncadd.s32 $0xFFFFF380  }
0x8c: {  	[tilespmem:s9], [sflag:$0x9] =	stream.indirect.gather [hbm4b:s4+s6], $0x10, s30, s6, $0xb8;
	[tilespmem:$0xFB20] =	vst v63  }
0x8d: {  	s7 =	simm.s32 $0xB4A0;
	s20 =	sadd.s32 $0xFFFFFC18, s28;
	_ =	swait.ge [sflag:s24], $0xC80  }
0x8e: {  	s22 =	sadd.s32 $0xFFFFFB50, s28;
	s8 =	simm.s32 $0xC120;
	[sflag:s24] =	ssyncset.done $0x0  }
0x8f: {  	s23 =	sadd.s32 $0xFFFFFE70, s28;
	s9 =	simm.s32 $0xCDA0;
	[sflag:s24] =	ssyncadd.s32 $0xFFFFF380  }
.LBB2_7:
0x90: {  	s24 =	sadd.s32 $0x2F08, s1  }
0x91: {  	[tilespmem:s11], [sflag:$0xA] =	stream.indirect.gather [hbm4b:s4+s6], $0x10, s24, s6, $0xb8;
	[tilespmem:$0xFB20] =	vst v63  }
0x92: {  	s24 =	simm.s32 $0x1  }
0x93: {  	_ =	swait.ge [sflag:s24], $0xC80  }
0x94: {  	[sflag:s24] =	ssyncset.done $0x0  }
0x95: {  	[sflag:s24] =	ssyncadd.s32 $0xFFFFF380;
	s24 =	sadd.s32 $0x4F10, s1  }
0x96: {  	[spmem:s2] =	stream.indirect.scatter.add.f32 [tilespmem:s26], [sflag:$0xB], $0x10, s24, s6, $0xb8;
	[tilespmem:$0xFB20] =	vst v63  }
0x97: {  	s26 =	simm.s32 $0x2  }
0x98: {  	_ =	swait.ge [sflag:s26], $0xC80  }
0x99: {  	[sflag:s26] =	ssyncset.done $0x0  }
0x9a: {  	[sflag:s26] =	ssyncadd.s32 $0xFFFFF380;
	s26 =	sadd.s32 $0x4F10, s25  }
0x9b: {  	[spmem:s2] =	stream.indirect.scatter.add.f32 [tilespmem:s29], [sflag:$0xC], $0x10, s26, s6, $0xb8;
	[tilespmem:$0xFB20] =	vst v63  }
0x9c: {  	s29 =	simm.s32 $0x3  }
0x9d: {  	_ =	swait.ge [sflag:s29], $0xC80  }
0x9e: {  	[sflag:s29] =	ssyncset.done $0x0  }
0x9f: {  	s22 =	sadd.s32 $0x4F10, s22;
	s24 =	simm.s32 $0x4;
	[sflag:s29] =	ssyncadd.s32 $0xFFFFF380  }
0xa0: {  	[spmem:s2] =	stream.indirect.scatter.add.f32 [tilespmem:s31], [sflag:$0xD], $0x10, s22, s6, $0xb8;
	[tilespmem:$0xFB20] =	vst v63  }
0xa1: {  	_ =	swait.ge [sflag:s24], $0xC80  }
0xa2: {  	[sflag:s24] =	ssyncset.done $0x0  }
0xa3: {  	s20 =	sadd.s32 $0x4F10, s20;
	[sflag:s24] =	ssyncadd.s32 $0xFFFFF380  }
0xa4: {  	[spmem:s2] =	stream.indirect.scatter.add.f32 [tilespmem:s0], [sflag:$0xE], $0x10, s20, s6, $0xb8;
	[tilespmem:$0xFB20] =	vst v63  }
0xa5: {  	_ =	swait.ge [sflag:s12], $0xC80  }
0xa6: {  	[sflag:s12] =	ssyncset.done $0x0  }
0xa7: {  	s18 =	sadd.s32 $0x4F10, s18;
	[sflag:s12] =	ssyncadd.s32 $0xFFFFF380  }
0xa8: {  	[spmem:s2] =	stream.indirect.scatter.add.f32 [tilespmem:s3], [sflag:$0xF], $0x10, s18, s6, $0xb8;
	[tilespmem:$0xFB20] =	vst v63  }
0xa9: {  	_ =	swait.ge [sflag:s13], $0xC80  }
0xaa: {  	[sflag:s13] =	ssyncset.done $0x0  }
0xab: {  	s15 =	sadd.s32 $0x4F10, s15;
	[sflag:s13] =	ssyncadd.s32 $0xFFFFF380  }
0xac: {  	[spmem:s2] =	stream.indirect.scatter.add.f32 [tilespmem:s7], [sflag:$0x10], $0x10, s15, s6, $0xb8;
	[tilespmem:$0xFB20] =	vst v63  }
0xad: {  	_ =	swait.ge [sflag:s5], $0xC80  }
0xae: {  	[sflag:s5] =	ssyncset.done $0x0  }
0xaf: {  	s25 =	sadd.s32 $0x4F10, s23;
	[sflag:s5] =	ssyncadd.s32 $0xFFFFF380  }
0xb0: {  	[spmem:s2] =	stream.indirect.scatter.add.f32 [tilespmem:s8], [sflag:$0x11], $0x10, s25, s6, $0xb8;
	[tilespmem:$0xFB20] =	vst v63  }
0xb1: {  	_ =	swait.ge [sflag:s14], $0xC80  }
0xb2: {  	[sflag:s14] =	ssyncset.done $0x0  }
0xb3: {  	s26 =	sadd.s32 $0x4F10, s17;
	[sflag:s14] =	ssyncadd.s32 $0xFFFFF380  }
0xb4: {  	[spmem:s2] =	stream.indirect.scatter.add.f32 [tilespmem:s9], [sflag:$0x12], $0x10, s26, s6, $0xb8;
	[tilespmem:$0xFB20] =	vst v63  }
0xb5: {  	s28 =	sadd.s32 $0x7D0, s28;
	s30 =	sadd.s32 $0x7D0, s30;
	_ =	swait.ge [sflag:s19], $0xC80  }
0xb6: {  	p0 =	sne.s32 s28, $0x2D50;
	s23 =	simm.s32 $0x9BA0;
	[sflag:s19] =	ssyncset.done $0x0  }
0xb7: {  	s29 =	sadd.s32 $0x4F10, s16;
	s31 =	sadd.s32 $0x5618, s1;
	[sflag:s19] =	ssyncadd.s32 $0xFFFFF380  }
0xb8: {  	[spmem:s2] =	stream.indirect.scatter.add.f32 [tilespmem:s10], [sflag:$0x13], $0x10, s29, s6, $0xb8;
	[tilespmem:$0xFB20] =	vst v63  }
.Ltmp4:
0xb9: {  	s22 =	simm.s32 $0x8F20;
	s24 =	simm.s32 $0xA820;
	(pc) =	sbr.rel @!p0 .LBB2_8-.Ltmp4, $4  }
0xba: {  	s20 =	simm.s32 $0x82A0;
	s18 =	simm.s32 $0x7620;
	_ =	swait.ge [sflag:s21], $0xC80  }
0xbb: {  	s3 =	simm.s32 $0xB4A0;
	s7 =	simm.s32 $0xC120;
	[sflag:s21] =	ssyncset.done $0x0  }
0xbc: {  	s8 =	simm.s32 $0xCDA0;
	s9 =	simm.s32 $0xDA20;
	[sflag:s21] =	ssyncadd.s32 $0xFFFFF380  }
0xbd: {  	[spmem:s2] =	stream.indirect.scatter.add.f32 [tilespmem:s11], [sflag:$0x14], $0x10, s31, s6, $0xb8;
	[tilespmem:$0xFB20] =	vst v63  }
.LBB2_4:
0xbe: {  	p0 =	sne.s32 s28, $0x640  }
.Ltmp5:
0xbf: {  	_ = 	snop;
	(pc) =	sbr.rel @p0 .LBB2_6-.Ltmp5, $1  }
0xc0: {  	_ =	sdelay $0x3  }
0xc1: {  	s25 =	simm.s32 $0xC8;
	s1 =	simm.s32 $0x2800  }
0xc2: {  	[tilespmem:s18], [sflag:$0x1] =	stream.indirect.gather [hbm4b:s4+s25], $0x10, s1, s25, $0xb8;
	[tilespmem:$0xFB20] =	vst v63  }
0xc3: {  	s17 =	simm.s32 $0x28C8;
	s0 =	simm.s32 $0x2B20  }
0xc4: {  	[tilespmem:s20], [sflag:$0x2] =	stream.indirect.gather [hbm4b:s4+s25], $0x10, s17, s25, $0xb8;
	[tilespmem:$0xFB20] =	vst v63  }
0xc5: {  	s26 =	simm.s32 $0x2E40;
	s15 =	simm.s32 $0x3E8;
	s18 =	simm.s32 $0x2990  }
0xc6: {  	[tilespmem:s22], [sflag:$0x3] =	stream.indirect.gather [hbm4b:s4+s25], $0x10, s18, s25, $0xb8;
	[tilespmem:$0xFB20] =	vst v63  }
0xc7: {  	s31 =	simm.s32 $0x8F20;
	s16 =	simm.s32 $0x640;
	s20 =	simm.s32 $0x2A58  }
0xc8: {  	[tilespmem:s23], [sflag:$0x4] =	stream.indirect.gather [hbm4b:s4+s25], $0x10, s20, s25, $0xb8;
	[tilespmem:$0xFB20] =	vst v63  }
0xc9: {  	s29 =	simm.s32 $0x82A0;
	s10 =	simm.s32 $0xDA20;
	s1 =	simm.s32 $0x0  }
0xca: {  	[tilespmem:s24], [sflag:$0x5] =	stream.indirect.gather [hbm4b:s4+s25], $0x10, s0, s25, $0xb8;
	[tilespmem:$0xFB20] =	vst v63  }
0xcb: {  	s17 =	simm.s32 $0x578;
	s22 =	simm.s32 $0x2BE8;
	s18 =	simm.s32 $0x320  }
0xcc: {  	[tilespmem:s3], [sflag:$0x6] =	stream.indirect.gather [hbm4b:s4+s25], $0x10, s22, s25, $0xb8;
	[tilespmem:$0xFB20] =	vst v63  }
0xcd: {  	s23 =	simm.s32 $0x2CB0;
	s20 =	simm.s32 $0x258;
	s24 =	simm.s32 $0x2D78  }
0xce: {  	[tilespmem:s7], [sflag:$0x7] =	stream.indirect.gather [hbm4b:s4+s25], $0x10, s23, s25, $0xb8;
	[tilespmem:$0xFB20] =	vst v63  }
.Ltmp6:
0xcf: {  	s0 =	simm.s32 $0x9BA0;
	s22 =	simm.s32 $0x190;
	(pc) =	sbr.rel .LBB2_7-.Ltmp6, $4  }
0xd0: {  	[tilespmem:s8], [sflag:$0x8] =	stream.indirect.gather [hbm4b:s4+s25], $0x10, s24, s25, $0xb8;
	[tilespmem:$0xFB20] =	vst v63  }
0xd1: {  	s3 =	simm.s32 $0xA820;
	s23 =	simm.s32 $0x4B0;
	s7 =	simm.s32 $0xB4A0  }
0xd2: {  	[tilespmem:s9], [sflag:$0x9] =	stream.indirect.gather [hbm4b:s4+s25], $0x10, s26, s25, $0xb8;
	[tilespmem:$0xFB20] =	vst v63  }
0xd3: {  	s8 =	simm.s32 $0xC120;
	s26 =	simm.s32 $0x7620;
	s9 =	simm.s32 $0xCDA0  }
.LBB2_9:
0xd4: {  	_ =	sfence.sel $0x180000  }
0xd5: {  	[bflag:$0x0] =	sbarrier.arrive $0xFFFF  }
0xd6: {  	_ =	strace $0x9000004D  }
0xd7: {  	s0 =	stileid.u32;
	[bflag:$0x2] =	sbarrier.arrive $0xFFFF  }
0xd8: {  	p0 =	sne.s32 s0, $0x0;
	s0 =	rddreg [dreg:$0x2]  }
0xd9: {  	s0 =	sadd.s32 @!p0 $0x100000, s0  }
0xda: {  	[sflag:s0] =	ssyncadd.tile.s32 @!p0 $0x1;
	_ =	shalt  }
.Lfunc_end2:
_tile_overlayer_lowered:
.L_overlay_start_2:
0xdb: {  	(tag) =	ssettag $0x2  }
0xdc: {  	s0 =	rddreg [dreg:$0x0];
	s2 =	stileid.u32  }
0xdd: {  	s1 =	rddreg [dreg:$0x1];
	p0 =	sne.s32 s2, $0x0  }
0xde: {  	s3 =	rddreg [dreg:$0x2];
	[bflag:$0x3] =	sbarrier.arrive $0xFFFF;
	s2 =	simm.s32 @!p0 $0x1C15  }
0xdf: {  	[timem:s3], [sflag:s2] =	dma.local @!p0 [hbm:s0], s1  }
0xe0: {  	s0 =	simm.s32 @!p0 $0x15  }
0xe1: {  	_ =	swait.ge @!p0 [sflag:s0], s1  }
0xe2: {  	s1 =	ssub.s32 @!p0 $0x0, s1;
	[sflag:s0] =	ssyncset.done @!p0 $0x0  }
0xe3: {  	[sflag:s0] =	ssyncadd.s32 @!p0 s1  }
0xe4: {  	[bflag:$0x3] =	sbarrier.arrive $0xFFFF  }
0xe5: {  	_ =	shalt  }

// kernel: kernel.8.cloned.1.call-start
scs
__scs_entry_jumppad:
0x0: {  	(pc) =	sbr.rel $0x88, $3  }
0x1: {  	(tag) =	ssettag $0x0;
	lr =	simm.s32 $0x1  }
0x2: {  	[smem:$0x3F99] =	sst lr;
	_ =	strace $0xD0000000  }
0x3: {  	_ = 	snop  }
0x4: {  	_ = 	snop  }
0x5: {  	_ = 	snop  }
0x6: {  	_ = 	snop  }
0x7: {  	_ = 	snop  }
__scs_overlays_trampoline_lowered:
0x8: {  	[smem:$0x3FA8] =	sst s0  }
0x9: {  	[smem:$0x3FA9] =	sst s1  }
0xa: {  	[smem:$0x3FAA] =	sst s2  }
0xb: {  	[smem:$0x3FAB] =	sst s3  }
0xc: {  	[smem:$0x3FAC] =	sst s4  }
0xd: {  	[smem:$0x3FAD] =	sst s5  }
0xe: {  	[smem:$0x3FAE] =	sst s6  }
0xf: {  	[smem:$0x3FAF] =	sst s7  }
0x10: {  	[smem:$0x3FB0] =	sst s8  }
0x11: {  	[smem:$0x3FB1] =	sst s9;
	s0 =	simm.s32 @!p0 $0x0  }
0x12: {  	s1 =	sld [smem:$0x3F97];
	s0 =	simm.s32 @p0 $0x1  }
0x13: {  	[smem:$0x3FB2] =	sst s0;
	s0 =	simm.s32 @!p1 $0x0  }
0x14: {  	s2 =	sld [smem:$0x3F96];
	s0 =	simm.s32 @p1 $0x1  }
0x15: {  	[smem:$0x3FB3] =	sst s0;
	s0 =	simm.s32 @!p2 $0x0  }
0x16: {  	s3 =	sld [smem:$0x3FDB];
	s0 =	simm.s32 @p2 $0x1  }
0x17: {  	s4 =	simm.s32 $0x1BF5;
	[smem:$0x3FB5] =	sst s0  }
0x18: {  	s0 =	sld [smem:$0x3F98];
	_ =	swait.ge [sflag:s4], $0x0  }
0x19: {  	s7 =	sld [smem:$0x3F99]  }
0x1a: {  	s8 =	sadd.s32 $0xFFFFE003, lr  }
0x1b: {  	s9 =	sadd.s32 $0xFFFFFEF7, lr;
	s5 =	simm.s32 $0xFFFFFFFF;
	p2 =	slt.u32 s8, $0xFFFFF086  }
0x1c: {  	p1 =	slt.u32 s9, $0xF7A;
	s5 =	simm.s32 @!p2 $0x0  }
0x1d: {  	s5 =	simm.s32 @p1 $0x1;
	p0 =	seq.s32 s7, s2  }
0x1e: {  	s7 =	smul.u32 @!p0 $0xF7A, s2;
	p2 =	seq.s32 @!p0 s5, $0x0  }
0x1f: {  	s9 =	smul.u32 $0xF7A, s1;
	s8 =	simm.s32 @!p0 $0x1BF5;
	p2 =	por !p2, p0  }
0x20: {  	[sflag:s8] =	ssyncset.s32 @!p0 $0xFFFFF086;
	s6 =	sadd.s32 @!p0 s3, s7;
	s7 =	simm.s32 @!p0 $0x108  }
0x21: {  	s3 =	sadd.s32 s3, s9;
	s6 =	sadd.s32 @!p0 $0x88, s6;
	s7 =	simm.s32 @p2 $0x1082  }
0x22: {  	[simem:s7], [sflag:s8] =	dma.local @!p0 [hbm:s6], $0xF7A  }
0x23: {  	s9 =	sor.u32 $0xD0000000, s2;
	s6 =	simm.s32 $0x108;
	_ =	swait.ge @!p0 [sflag:s8], $0x0  }
0x24: {  	s3 =	sadd.s32 $0x88, s3;
	s6 =	simm.s32 @!p1 $0x1082;
	[sflag:s4] =	ssyncset.s32 $0xFFFFF086  }
0x25: {  	[simem:s6], [sflag:s4] =	dma.local [hbm:s3], $0xF7A  }
0x26: {  	[smem:$0x3F99] =	sst s1;
	(tag) =	ssettag s2;
	_ =	strace s9  }
0x27: {  	s1 =	sld [smem:$0x3FA9]  }
0x28: {  	s2 =	sld [smem:$0x3FAA]  }
0x29: {  	s4 =	sld [smem:$0x3FAC]  }
0x2a: {  	p0 =	seq.s32 s5, $0x0;
	s5 =	sld [smem:$0x3FAD]  }
0x2b: {  	s6 =	sld [smem:$0x3FAE]  }
0x2c: {  	s7 =	sld [smem:$0x3FAF]  }
0x2d: {  	s3 =	simm.s32 $0x108;
	s8 =	sld [smem:$0x3FB0]  }
0x2e: {  	s3 =	simm.s32 @!p0 $0x1082;
	s9 =	sld [smem:$0x3FB1]  }
0x2f: {  	lr =	sadd.s32 s0, s3;
	s0 =	sld [smem:$0x3FA8]  }
0x30: {  	s3 =	sld [smem:$0x3FAB]  }
0x31: {  	[smem:$0x3FB4] =	sst s10  }
0x32: {  	s10 =	sld [smem:$0x3FB2];
	_ =	sdelay $0x3  }
0x33: {  	p0 =	seq.s32 s10, $0x1;
	s10 =	sld [smem:$0x3FB4];
	_ =	sdelay $0x3  }
0x34: {  	[smem:$0x3FB4] =	sst s10  }
0x35: {  	s10 =	sld [smem:$0x3FB3];
	_ =	sdelay $0x3  }
0x36: {  	p1 =	seq.s32 s10, $0x1;
	s10 =	sld [smem:$0x3FB4];
	_ =	sdelay $0x3  }
0x37: {  	[smem:$0x3FB4] =	sst s10  }
0x38: {  	s10 =	sld [smem:$0x3FB5]  }
0x39: {  	_ = 	snop;
	(pc) =	sbr.ind lr, $3  }
0x3a: {  	_ = 	snop  }
0x3b: {  	_ = 	snop  }
0x3c: {  	p2 =	seq.s32 s10, $0x1;
	s10 =	sld [smem:$0x3FB4]  }
0x3d: {  	_ =	shalt  }
0x3e: {  	_ =	shalt  }
0x3f: {  	_ =	shalt  }
0x40: {  	_ =	shalt  }
0x41: {  	_ =	shalt  }
0x42: {  	_ =	shalt  }
0x43: {  	_ =	shalt  }
0x44: {  	_ =	shalt  }
0x45: {  	_ =	shalt  }
0x46: {  	_ =	shalt  }
0x47: {  	_ =	shalt  }
0x48: {  	_ =	shalt  }
0x49: {  	_ =	shalt  }
0x4a: {  	_ =	shalt  }
0x4b: {  	_ =	shalt  }
0x4c: {  	_ =	shalt  }
0x4d: {  	_ =	shalt  }
0x4e: {  	_ =	shalt  }
0x4f: {  	_ =	shalt  }
0x50: {  	_ =	shalt  }
0x51: {  	_ =	shalt  }
0x52: {  	_ =	shalt  }
0x53: {  	_ =	shalt  }
0x54: {  	_ =	shalt  }
0x55: {  	_ =	shalt  }
0x56: {  	_ =	shalt  }
0x57: {  	_ =	shalt  }
0x58: {  	_ =	shalt  }
0x59: {  	_ =	shalt  }
0x5a: {  	_ =	shalt  }
0x5b: {  	_ =	shalt  }
0x5c: {  	_ =	shalt  }
0x5d: {  	_ =	shalt  }
0x5e: {  	_ =	shalt  }
0x5f: {  	_ =	shalt  }
0x60: {  	_ =	shalt  }
0x61: {  	_ =	shalt  }
0x62: {  	_ =	shalt  }
0x63: {  	_ =	shalt  }
0x64: {  	_ =	shalt  }
0x65: {  	_ =	shalt  }
0x66: {  	_ =	shalt  }
0x67: {  	_ =	shalt  }
0x68: {  	_ =	shalt  }
0x69: {  	_ =	shalt  }
0x6a: {  	_ =	shalt  }
0x6b: {  	_ =	shalt  }
0x6c: {  	_ =	shalt  }
0x6d: {  	_ =	shalt  }
0x6e: {  	_ =	shalt  }
0x6f: {  	_ =	shalt  }
0x70: {  	_ =	shalt  }
0x71: {  	_ =	shalt  }
0x72: {  	_ =	shalt  }
0x73: {  	_ =	shalt  }
0x74: {  	_ =	shalt  }
0x75: {  	_ =	shalt  }
0x76: {  	_ =	shalt  }
0x77: {  	_ =	shalt  }
0x78: {  	_ =	shalt  }
0x79: {  	_ =	shalt  }
0x7a: {  	_ =	shalt  }
0x7b: {  	_ =	shalt  }
0x7c: {  	_ =	shalt  }
0x7d: {  	_ =	shalt  }
0x7e: {  	_ =	shalt  }
0x7f: {  	_ =	shalt  }
0x80: {  	_ =	shalt  }
0x81: {  	_ =	shalt  }
0x82: {  	_ =	shalt  }
0x83: {  	_ =	shalt  }
0x84: {  	_ =	shalt  }
0x85: {  	_ =	shalt  }
0x86: {  	_ =	shalt  }
0x87: {  	_ =	shalt  }
.Lfunc_end0:
.L_simem_size_0:
called_computation_lowered:
.L_overlay_start_0:
0x88: {  	s2 =	sld [smem:$0x3FD9]  }
0x89: {  	s3 =	sld [smem:$0x3FFE];
	_ =	sdelay $0x1  }
0x8a: {  	s1 =	srdreg.scid  }
0x8b: {  	s0 =	sand.u32 $0x1, s1  }
0x8c: {  	s16 =	sshll.u32 s0, $0xA;
	s2 =	sadd.s32 s3, s2  }
0x8d: {  	s2 =	sadd.s32 s2, s16  }
0x8e: {  	[smem:$0x3FC0] =	sst s2  }
0x8f: {  	_ = 	snop  }
0x90: {  	(tm) =	ssettm $0x1  }
0x91: {  	s17 =	sld [smem:$0x3FFB];
	_ =	sdelay $0x3  }
0x92: {  	_ =	strace s17  }
0x93: {  	s2 =	sld [smem:$0x3FFC];
	_ =	sdelay $0x3  }
0x94: {  	_ =	strace s2  }
0x95: {  	s2 =	sld [smem:$0x3FFD];
	_ =	sdelay $0x3  }
0x96: {  	_ =	strace s2  }
0x97: {  	_ =	strace $0x8FFFFFFF  }
0x98: {  	s18 =	sld [smem:$0x3FDB];
	_ =	sdelay $0x1  }
0x99: {  	s19 =	simm.s32 $_scs_section_size  }
0x9a: {  	s4 =	simm.s32 $_size__tile_overlayer_lowered;
	s5 =	simm.s32 $_tile_overlayer_lowered  }
0x9b: {  	s22 =	simm.s32 $0x1BFF;
	s21 =	sshll.u32 s5, $0x1;
	s2 =	sadd.s32 s19, s18  }
0x9c: {  	s6 =	simm.s32 $0x0;
	s20 =	sshll.u32 s4, $0x1;
	s4 =	sadd.s32 s21, s2  }
0x9d: {  	[timem:s6], [sflag:s22] =	dma.local [hbm:s4], s20  }
0x9e: {  	_ =	swait.ge [sflag:s22], s20  }
0x9f: {  	s3 =	ssub.s32 $0x0, s20;
	[sflag:s22] =	ssyncset.done $0x0  }
0xa0: {  	[sflag:s22] =	ssyncadd.s32 s3;
	_ =	sdelay $0x1  }
0xa1: {  	s23 =	simm.s32 $0x1B8B  }
0xa2: {  	_ =	swait.ge [sflag:s23], $0x1  }
0xa3: {  	[sflag:s23] =	ssyncset.done $0x0  }
0xa4: {  	s25 =	simm.s32 $0x1B8E;
	s24 =	sld [smem:$0x3FFE];
	[sflag:s23] =	ssyncadd.s32 $0xFFFFFFFF  }
0xa5: {  	s26 =	simm.s32 $execute0_lowered;
	[smem:$0x3FD2] =	sst s25  }
0xa6: {  	s4 =	sshll.u32 s26, $0x1;
	_ =	strace $0x80000046;
	[dreg:$0x1] =	wrdreg $0xFFFFFFFF  }
0xa7: {  	s28 =	simm.s32 $_size_execute0_lowered;
	s2 =	sadd.s32 s2, s4;
	[dreg:$0x0] =	wrdreg $0x0  }
0xa8: {  	s4 =	sshll.u32 s28, $0x1;
	[dreg:$0x2] =	wrdreg s2  }
0xa9: {  	[dreg:$0x3] =	wrdreg s4  }
0xaa: {  	[dreg:$0x4] =	wrdreg $0xC0  }
0xab: {  	_ =	task [dreg:s6], $0x5FFFF  }
0xac: {  	[dreg:$0x1] =	wrdreg $0xFFFFFFFF  }
0xad: {  	[dreg:$0x0] =	wrdreg $0x60  }
0xae: {  	[dreg:$0x2] =	wrdreg s24  }
0xaf: {  	[dreg:$0x3] =	wrdreg $0x0  }
0xb0: {  	[dreg:$0x4] =	wrdreg $0x9  }
0xb1: {  	_ =	task.clear_ibuf [dreg:s6], $0x5FFFF;
	_ =	strace $0x90000046  }
0xb2: {  	s29 =	simm.s32 $0x9;
	_ =	strace $0x80000048  }
0xb3: {  	_ =	swait.ge [sflag:s29], $0x1  }
0xb4: {  	[sflag:s29] =	ssyncadd.s32 $0xFFFFFFFF  }
0xb5: {  	_ =	strace $0x90000048  }
0xb6: {  	_ =	sfence  }
0xb7: {  	s30 =	sld [smem:$0x0];
	_ =	sdelay $0x2  }
0xb8: {  	s31 =	sshll.u32 s1, $0xD;
	s1 =	sshrl.u32 s1, $0x2  }
0xb9: {  	s3 =	sand.u32 $0x4000, s31;
	s1 =	sadd.s32 s1, s30  }
0xba: {  	s0 =	sor.u32 s3, s0;
	s1 =	sshll.u32 s1, $0x11  }
0xbb: {  	s0 =	sor.u32 s1, s0  }
0xbc: {  	s0 =	sadd.s32 $0x8F2B, s0  }
0xbd: {  	[sflag:s0] =	ssyncadd.remote.s32 $0x1  }
0xbe: {  	_ =	sfence.sel $0xFFFF  }
0xbf: {  	[dreg:$0x0] =	wrdreg $0xFFFFFFFF;
	(pc) =	sbr.abs _section_cstart, $3  }
0xc0: {  	[dreg:$0x1] =	wrdreg $0xFFFFFFFF  }
0xc1: {  	_ =	task.clear_ibuf [dreg:s6], $0x2FFFF;
	_ =	strace $0x9FFFFFFF  }
0xc2: {  	(tm) =	ssettm $0x7FFFFFFF  }
0xc3: {  	_ =	shalt  }
tec
execute0_lowered:
.L_overlay_start_1:
0x0: {  	(tag) =	ssettag $0x1  }
0x1: {  	s0 =	rddreg [dreg:$0x0];
	s1 =	srdreg.scid  }
0x2: {  	s6 =	stileid.u32;
	s2 =	rddreg [dreg:$0x1]  }
0x3: {  	s5 =	simm.s32 $0x0;
	s12 =	simm.s32 $0x4150;
	s13 =	simm.s32 $0xB  }
0x4: {  	s14 =	simm.s32 $0x1400;
	s15 =	simm.s32 $0xC8;
	s16 =	simm.s32 $0x3B10  }
0x5: {  	s30 =	simm.s32 $0x38B8;
	s31 =	simm.s32 $0x3980;
	s17 =	simm.s32 $0x2  }
0x6: {  	s18 =	simm.s32 $0x3;
	s19 =	simm.s32 $0x5;
	s20 =	simm.s32 $0x6  }
0x7: {  	s21 =	simm.s32 $0x7;
	s22 =	simm.s32 $0x8;
	s23 =	simm.s32 $0x9  }
0x8: {  	s24 =	simm.s32 $0xA;
	s25 =	simm.s32 $0x0;
	s3 =	smul.u32 $0x2800, s6  }
0x9: {  	s1 =	sand.u32 $0x1, s1;
	s26 =	sshll.u32 s6, $0x1;
	s6 =	smul.u32 $0x5000, s6  }
0xa: {  	[smem:$0x7FF] =	sst s5;
	s4 =	smul.u32 $0x28000, s1;
	s28 =	ssub.s32 $0x2, s1  }
0xb: {  	_ =	strace $0x80000047;
	s1 =	sor.u32 s1, s26;
	s29 =	sshrl.u32 s28, $0x1  }
0xc: {  	s6 =	sshrl.u32 s6, $0x2;
	s1 =	smul.u32 $0x2710, s1;
	s4 =	sadd.s32 s3, s4  }
0xd: {  	s11 =	ssub.s32 s28, s29;
	s3 =	sshrl.u32 s3, $0x1;
	s8 =	sadd.s32 s6, s2  }
0xe: {  	s4 =	sshrl.u32 s4, $0x4;
	s5 =	sadd.s32 $0x400, s8;
	s1 =	sshrl.u32 s1, $0x3  }
0xf: {  	s6 =	sadd.s32 $0x800, s8;
	s7 =	sadd.s32 $0xC00, s8;
	s8 =	sadd.s32 $0x1000, s8  }
0x10: {  	s11 =	smax.u32 s11, $0x1;
	s10 =	sadd.s32 s4, s0;
	s4 =	sadd.s32 s3, s2  }
0x11: {  	s0 =	sadd.s32 s0, s1;
	s1 =	simm.s32 $0x3A48;
	s3 =	simm.s32 $0x1  }
0x12: {  	v0 =	vimm.s32 $0x10001;
	v1 =	vimm.s32 $0x0;
	s9 =	sadd.s32 $0xCC40, s0;
	s10 =	sadd.s32 $0x16A00, s10;
	s0 =	simm.s32 $0x4  }
.LBB2_1:
0x13: {  	s26 =	simm.s32 $0x0  }
.LBB2_2:
0x14: {  	p0 =	sne.s32 s26, $0x18C0  }
.Ltmp0:
0x15: {  	_ = 	snop;
	(pc) =	sbr.rel @p0 .LBB2_2-.Ltmp0, $4  }
0x16: {  	_ = 	snop  }
0x17: {  	s28 =	sshra.s32 s26, $0x2  }
0x18: {  	[tilespmem:s28+$0x3B10] =	vst.msk $0xff, v0  }
0x19: {  	s26 =	sadd.s32 $0x40, s26;
	[tilespmem:s28+$0x3B18] =	vst.msk $0xff, v0  }
0x1a: {  	s26 =	simm.s32 $0x40;
	s28 =	simm.s32 $0x0  }
.LBB2_4:
0x1b: {  	p0 =	sne.s32 s26, $0xFC0;
	[tilespmem:s28+$0x4150] =	vst.msk $0xff, v1;
	s29 =	smov.u32 s26;
	s26 =	sadd.s32 $0x40, s26  }
.Ltmp1:
0x1c: {  	[tilespmem:s28+$0x4158] =	vst.msk $0xff, v1;
	(pc) =	sbr.rel @p0 .LBB2_4-.Ltmp1, $2  }
0x1d: {  	_ =	sdelay $0x2  }
0x1e: {  	s28 =	sshra.s32 s29, $0x2  }
0x1f: {  	[tilespmem:s28+$0x4150] =	vst.msk $0xff, v1  }
0x20: {  	[tilespmem:s28+$0x4158] =	vst.msk $0xff, v1  }
0x21: {  	[spmem:s4] =	stream.linear.scatter [tilespmem:s12], [sflag:$0xB], $0x400, $0x38;
	[tilespmem:$0x4550] =	vst v63  }
0x22: {  	_ =	swait.ge [sflag:s13], $0x400  }
0x23: {  	[sflag:s13] =	ssyncset.done $0x0  }
0x24: {  	[sflag:s13] =	ssyncadd.s32 $0xFFFFFC00  }
0x25: {  	[spmem:s5] =	stream.linear.scatter [tilespmem:s12], [sflag:$0xB], $0x400, $0x38;
	[tilespmem:$0x4550] =	vst v63  }
0x26: {  	_ =	swait.ge [sflag:s13], $0x400  }
0x27: {  	[sflag:s13] =	ssyncset.done $0x0  }
0x28: {  	[sflag:s13] =	ssyncadd.s32 $0xFFFFFC00  }
0x29: {  	[spmem:s6] =	stream.linear.scatter [tilespmem:s12], [sflag:$0xB], $0x400, $0x38;
	[tilespmem:$0x4550] =	vst v63  }
0x2a: {  	_ =	swait.ge [sflag:s13], $0x400  }
0x2b: {  	[sflag:s13] =	ssyncset.done $0x0  }
0x2c: {  	[sflag:s13] =	ssyncadd.s32 $0xFFFFFC00  }
0x2d: {  	[spmem:s7] =	stream.linear.scatter [tilespmem:s12], [sflag:$0xB], $0x400, $0x38;
	[tilespmem:$0x4550] =	vst v63  }
0x2e: {  	_ =	swait.ge [sflag:s13], $0x400  }
0x2f: {  	[sflag:s13] =	ssyncset.done $0x0  }
0x30: {  	[sflag:s13] =	ssyncadd.s32 $0xFFFFFC00  }
0x31: {  	[spmem:s8] =	stream.linear.scatter [tilespmem:s12], [sflag:$0xB], $0x400, $0x38;
	[tilespmem:$0x4550] =	vst v63  }
0x32: {  	_ =	swait.ge [sflag:s13], $0x400  }
0x33: {  	[sflag:s13] =	ssyncset.done $0x0  }
0x34: {  	s26 =	simm.s32 $0x0;
	[sflag:s13] =	ssyncadd.s32 $0xFFFFFC00  }
0x35: {  	[tilespmem:s14], [sflag:$0xB] =	stream.linear.gather [hbm4b:s9+s26], $0x2710, $0x38;
	[tilespmem:$0x4550] =	vst v63  }
0x36: {  	_ =	swait.ge [sflag:s13], $0x2710  }
0x37: {  	[sflag:s13] =	ssyncset.done $0x0  }
0x38: {  	[sflag:s13] =	ssyncadd.s32 $0xFFFFD8F0  }
0x39: {  	[bflag:$0x0] =	sbarrier.arrive $0xFFFF  }
0x3a: {  	[spmem:s2] =	stream.indirect.scatter.add.s16 [tilespmem:s16], [sflag:$0x1], $0x8, s14, s15, $0xb8;
	[tilespmem:$0x4550] =	vst v63  }
0x3b: {  	s28 =	simm.s32 $0x14C8  }
0x3c: {  	[spmem:s2] =	stream.indirect.scatter.add.s16 [tilespmem:s16], [sflag:$0x2], $0x8, s28, s15, $0xb8;
	[tilespmem:$0x4550] =	vst v63  }
0x3d: {  	s29 =	simm.s32 $0x1590  }
0x3e: {  	[spmem:s2] =	stream.indirect.scatter.add.s16 [tilespmem:s16], [sflag:$0x3], $0x8, s29, s15, $0xb8;
	[tilespmem:$0x4550] =	vst v63  }
0x3f: {  	s28 =	simm.s32 $0x1658  }
0x40: {  	[spmem:s2] =	stream.indirect.scatter.add.s16 [tilespmem:s16], [sflag:$0x4], $0x8, s28, s15, $0xb8;
	[tilespmem:$0x4550] =	vst v63  }
0x41: {  	s29 =	simm.s32 $0x1720  }
0x42: {  	[spmem:s2] =	stream.indirect.scatter.add.s16 [tilespmem:s16], [sflag:$0x5], $0x8, s29, s15, $0xb8;
	[tilespmem:$0x4550] =	vst v63  }
0x43: {  	s28 =	simm.s32 $0x17E8  }
0x44: {  	[spmem:s2] =	stream.indirect.scatter.add.s16 [tilespmem:s16], [sflag:$0x6], $0x8, s28, s15, $0xb8;
	[tilespmem:$0x4550] =	vst v63  }
0x45: {  	s29 =	simm.s32 $0x18B0  }
0x46: {  	[spmem:s2] =	stream.indirect.scatter.add.s16 [tilespmem:s16], [sflag:$0x7], $0x8, s29, s15, $0xb8;
	[tilespmem:$0x4550] =	vst v63  }
0x47: {  	s28 =	simm.s32 $0x1978  }
0x48: {  	[spmem:s2] =	stream.indirect.scatter.add.s16 [tilespmem:s16], [sflag:$0x8], $0x8, s28, s15, $0xb8;
	[tilespmem:$0x4550] =	vst v63  }
0x49: {  	s29 =	simm.s32 $0x1A40  }
0x4a: {  	[spmem:s2] =	stream.indirect.scatter.add.s16 [tilespmem:s16], [sflag:$0x9], $0x8, s29, s15, $0xb8;
	[tilespmem:$0x4550] =	vst v63  }
0x4b: {  	s28 =	simm.s32 $0x1B08  }
0x4c: {  	[spmem:s2] =	stream.indirect.scatter.add.s16 [tilespmem:s16], [sflag:$0xA], $0x8, s28, s15, $0xb8;
	[tilespmem:$0x4550] =	vst v63  }
0x4d: {  	s29 =	simm.s32 $0x1BD0  }
0x4e: {  	[spmem:s2] =	stream.indirect.scatter.add.s16 [tilespmem:s16], [sflag:$0x1], $0x8, s29, s15, $0xb8;
	[tilespmem:$0x4550] =	vst v63  }
0x4f: {  	s28 =	simm.s32 $0x1C98  }
0x50: {  	[spmem:s2] =	stream.indirect.scatter.add.s16 [tilespmem:s16], [sflag:$0x2], $0x8, s28, s15, $0xb8;
	[tilespmem:$0x4550] =	vst v63  }
0x51: {  	s29 =	simm.s32 $0x1D60  }
0x52: {  	[spmem:s2] =	stream.indirect.scatter.add.s16 [tilespmem:s16], [sflag:$0x3], $0x8, s29, s15, $0xb8;
	[tilespmem:$0x4550] =	vst v63  }
0x53: {  	s28 =	simm.s32 $0x1E28  }
0x54: {  	[spmem:s2] =	stream.indirect.scatter.add.s16 [tilespmem:s16], [sflag:$0x4], $0x8, s28, s15, $0xb8;
	[tilespmem:$0x4550] =	vst v63  }
0x55: {  	s29 =	simm.s32 $0x1EF0  }
0x56: {  	[spmem:s2] =	stream.indirect.scatter.add.s16 [tilespmem:s16], [sflag:$0x5], $0x8, s29, s15, $0xb8;
	[tilespmem:$0x4550] =	vst v63  }
0x57: {  	s28 =	simm.s32 $0x1FB8  }
0x58: {  	[spmem:s2] =	stream.indirect.scatter.add.s16 [tilespmem:s16], [sflag:$0x6], $0x8, s28, s15, $0xb8;
	[tilespmem:$0x4550] =	vst v63  }
0x59: {  	s29 =	simm.s32 $0x2080  }
0x5a: {  	[spmem:s2] =	stream.indirect.scatter.add.s16 [tilespmem:s16], [sflag:$0x7], $0x8, s29, s15, $0xb8;
	[tilespmem:$0x4550] =	vst v63  }
0x5b: {  	s28 =	simm.s32 $0x2148  }
0x5c: {  	[spmem:s2] =	stream.indirect.scatter.add.s16 [tilespmem:s16], [sflag:$0x8], $0x8, s28, s15, $0xb8;
	[tilespmem:$0x4550] =	vst v63  }
0x5d: {  	s29 =	simm.s32 $0x2210  }
0x5e: {  	[spmem:s2] =	stream.indirect.scatter.add.s16 [tilespmem:s16], [sflag:$0x9], $0x8, s29, s15, $0xb8;
	[tilespmem:$0x4550] =	vst v63  }
0x5f: {  	s28 =	simm.s32 $0x22D8  }
0x60: {  	[spmem:s2] =	stream.indirect.scatter.add.s16 [tilespmem:s16], [sflag:$0xA], $0x8, s28, s15, $0xb8;
	[tilespmem:$0x4550] =	vst v63  }
0x61: {  	s29 =	simm.s32 $0x23A0  }
0x62: {  	[spmem:s2] =	stream.indirect.scatter.add.s16 [tilespmem:s16], [sflag:$0x1], $0x8, s29, s15, $0xb8;
	[tilespmem:$0x4550] =	vst v63  }
0x63: {  	s28 =	simm.s32 $0x2468  }
0x64: {  	[spmem:s2] =	stream.indirect.scatter.add.s16 [tilespmem:s16], [sflag:$0x2], $0x8, s28, s15, $0xb8;
	[tilespmem:$0x4550] =	vst v63  }
0x65: {  	s29 =	simm.s32 $0x2530  }
0x66: {  	[spmem:s2] =	stream.indirect.scatter.add.s16 [tilespmem:s16], [sflag:$0x3], $0x8, s29, s15, $0xb8;
	[tilespmem:$0x4550] =	vst v63  }
0x67: {  	s28 =	simm.s32 $0x25F8  }
0x68: {  	[spmem:s2] =	stream.indirect.scatter.add.s16 [tilespmem:s16], [sflag:$0x4], $0x8, s28, s15, $0xb8;
	[tilespmem:$0x4550] =	vst v63  }
0x69: {  	s29 =	simm.s32 $0x26C0  }
0x6a: {  	[spmem:s2] =	stream.indirect.scatter.add.s16 [tilespmem:s16], [sflag:$0x5], $0x8, s29, s15, $0xb8;
	[tilespmem:$0x4550] =	vst v63  }
0x6b: {  	s28 =	simm.s32 $0x2788  }
0x6c: {  	[spmem:s2] =	stream.indirect.scatter.add.s16 [tilespmem:s16], [sflag:$0x6], $0x8, s28, s15, $0xb8;
	[tilespmem:$0x4550] =	vst v63  }
0x6d: {  	s29 =	simm.s32 $0x2850  }
0x6e: {  	[spmem:s2] =	stream.indirect.scatter.add.s16 [tilespmem:s16], [sflag:$0x7], $0x8, s29, s15, $0xb8;
	[tilespmem:$0x4550] =	vst v63  }
0x6f: {  	s28 =	simm.s32 $0x2918  }
0x70: {  	[spmem:s2] =	stream.indirect.scatter.add.s16 [tilespmem:s16], [sflag:$0x8], $0x8, s28, s15, $0xb8;
	[tilespmem:$0x4550] =	vst v63  }
0x71: {  	s29 =	simm.s32 $0x29E0  }
0x72: {  	[spmem:s2] =	stream.indirect.scatter.add.s16 [tilespmem:s16], [sflag:$0x9], $0x8, s29, s15, $0xb8;
	[tilespmem:$0x4550] =	vst v63  }
0x73: {  	s28 =	simm.s32 $0x2AA8  }
0x74: {  	[spmem:s2] =	stream.indirect.scatter.add.s16 [tilespmem:s16], [sflag:$0xA], $0x8, s28, s15, $0xb8;
	[tilespmem:$0x4550] =	vst v63  }
0x75: {  	s29 =	simm.s32 $0x2B70  }
0x76: {  	[spmem:s2] =	stream.indirect.scatter.add.s16 [tilespmem:s16], [sflag:$0x1], $0x8, s29, s15, $0xb8;
	[tilespmem:$0x4550] =	vst v63  }
0x77: {  	s28 =	simm.s32 $0x2C38  }
0x78: {  	[spmem:s2] =	stream.indirect.scatter.add.s16 [tilespmem:s16], [sflag:$0x2], $0x8, s28, s15, $0xb8;
	[tilespmem:$0x4550] =	vst v63  }
0x79: {  	s29 =	simm.s32 $0x2D00  }
0x7a: {  	[spmem:s2] =	stream.indirect.scatter.add.s16 [tilespmem:s16], [sflag:$0x3], $0x8, s29, s15, $0xb8;
	[tilespmem:$0x4550] =	vst v63  }
0x7b: {  	s28 =	simm.s32 $0x2DC8  }
0x7c: {  	[spmem:s2] =	stream.indirect.scatter.add.s16 [tilespmem:s16], [sflag:$0x4], $0x8, s28, s15, $0xb8;
	[tilespmem:$0x4550] =	vst v63  }
0x7d: {  	s29 =	simm.s32 $0x2E90  }
0x7e: {  	[spmem:s2] =	stream.indirect.scatter.add.s16 [tilespmem:s16], [sflag:$0x5], $0x8, s29, s15, $0xb8;
	[tilespmem:$0x4550] =	vst v63  }
0x7f: {  	s28 =	simm.s32 $0x2F58  }
0x80: {  	[spmem:s2] =	stream.indirect.scatter.add.s16 [tilespmem:s16], [sflag:$0x6], $0x8, s28, s15, $0xb8;
	[tilespmem:$0x4550] =	vst v63  }
0x81: {  	s29 =	simm.s32 $0x3020  }
0x82: {  	[spmem:s2] =	stream.indirect.scatter.add.s16 [tilespmem:s16], [sflag:$0x7], $0x8, s29, s15, $0xb8;
	[tilespmem:$0x4550] =	vst v63  }
0x83: {  	s28 =	simm.s32 $0x30E8  }
0x84: {  	[spmem:s2] =	stream.indirect.scatter.add.s16 [tilespmem:s16], [sflag:$0x8], $0x8, s28, s15, $0xb8;
	[tilespmem:$0x4550] =	vst v63  }
0x85: {  	s29 =	simm.s32 $0x31B0  }
0x86: {  	[spmem:s2] =	stream.indirect.scatter.add.s16 [tilespmem:s16], [sflag:$0x9], $0x8, s29, s15, $0xb8;
	[tilespmem:$0x4550] =	vst v63  }
0x87: {  	s28 =	simm.s32 $0x3278  }
0x88: {  	[spmem:s2] =	stream.indirect.scatter.add.s16 [tilespmem:s16], [sflag:$0xA], $0x8, s28, s15, $0xb8;
	[tilespmem:$0x4550] =	vst v63  }
0x89: {  	s29 =	simm.s32 $0x3340  }
0x8a: {  	[spmem:s2] =	stream.indirect.scatter.add.s16 [tilespmem:s16], [sflag:$0x1], $0x8, s29, s15, $0xb8;
	[tilespmem:$0x4550] =	vst v63  }
0x8b: {  	s28 =	simm.s32 $0x3408  }
0x8c: {  	[spmem:s2] =	stream.indirect.scatter.add.s16 [tilespmem:s16], [sflag:$0x2], $0x8, s28, s15, $0xb8;
	[tilespmem:$0x4550] =	vst v63  }
0x8d: {  	s29 =	simm.s32 $0x34D0  }
0x8e: {  	[spmem:s2] =	stream.indirect.scatter.add.s16 [tilespmem:s16], [sflag:$0x3], $0x8, s29, s15, $0xb8;
	[tilespmem:$0x4550] =	vst v63  }
0x8f: {  	s28 =	simm.s32 $0x3598  }
0x90: {  	[spmem:s2] =	stream.indirect.scatter.add.s16 [tilespmem:s16], [sflag:$0x4], $0x8, s28, s15, $0xb8;
	[tilespmem:$0x4550] =	vst v63  }
0x91: {  	s29 =	simm.s32 $0x3660  }
0x92: {  	[spmem:s2] =	stream.indirect.scatter.add.s16 [tilespmem:s16], [sflag:$0x5], $0x8, s29, s15, $0xb8;
	[tilespmem:$0x4550] =	vst v63  }
0x93: {  	s28 =	simm.s32 $0x3728  }
0x94: {  	[spmem:s2] =	stream.indirect.scatter.add.s16 [tilespmem:s16], [sflag:$0x6], $0x8, s28, s15, $0xb8;
	[tilespmem:$0x4550] =	vst v63  }
0x95: {  	s29 =	simm.s32 $0x37F0  }
0x96: {  	[spmem:s2] =	stream.indirect.scatter.add.s16 [tilespmem:s16], [sflag:$0x7], $0x8, s29, s15, $0xb8;
	[tilespmem:$0x4550] =	vst v63  }
0x97: {  	_ = 	snop  }
0x98: {  	[spmem:s2] =	stream.indirect.scatter.add.s16 [tilespmem:s16], [sflag:$0x8], $0x8, s30, s15, $0xb8;
	[tilespmem:$0x4550] =	vst v63  }
0x99: {  	_ = 	snop  }
0x9a: {  	[spmem:s2] =	stream.indirect.scatter.add.s16 [tilespmem:s16], [sflag:$0x9], $0x8, s31, s15, $0xb8;
	[tilespmem:$0x4550] =	vst v63  }
0x9b: {  	_ = 	snop  }
0x9c: {  	[spmem:s2] =	stream.indirect.scatter.add.s16 [tilespmem:s16], [sflag:$0xA], $0x8, s1, s15, $0xb8;
	[tilespmem:$0x4550] =	vst v63  }
0x9d: {  	_ =	swait.ge [sflag:s3], $0x640  }
0x9e: {  	[sflag:s3] =	ssyncset.done $0x0  }
0x9f: {  	[sflag:s3] =	ssyncadd.s32 $0xFFFFF9C0  }
0xa0: {  	_ =	swait.ge [sflag:s17], $0x640  }
0xa1: {  	[sflag:s17] =	ssyncset.done $0x0  }
0xa2: {  	[sflag:s17] =	ssyncadd.s32 $0xFFFFF9C0  }
0xa3: {  	_ =	swait.ge [sflag:s18], $0x640  }
0xa4: {  	[sflag:s18] =	ssyncset.done $0x0  }
0xa5: {  	[sflag:s18] =	ssyncadd.s32 $0xFFFFF9C0  }
0xa6: {  	_ =	swait.ge [sflag:s0], $0x640  }
0xa7: {  	[sflag:s0] =	ssyncset.done $0x0  }
0xa8: {  	[sflag:s0] =	ssyncadd.s32 $0xFFFFF9C0  }
0xa9: {  	_ =	swait.ge [sflag:s19], $0x640  }
0xaa: {  	[sflag:s19] =	ssyncset.done $0x0  }
0xab: {  	[sflag:s19] =	ssyncadd.s32 $0xFFFFF9C0  }
0xac: {  	_ =	swait.ge [sflag:s20], $0x640  }
0xad: {  	[sflag:s20] =	ssyncset.done $0x0  }
0xae: {  	[sflag:s20] =	ssyncadd.s32 $0xFFFFF9C0  }
0xaf: {  	_ =	swait.ge [sflag:s21], $0x640  }
0xb0: {  	[sflag:s21] =	ssyncset.done $0x0  }
0xb1: {  	[sflag:s21] =	ssyncadd.s32 $0xFFFFF9C0  }
0xb2: {  	_ =	swait.ge [sflag:s22], $0x640  }
0xb3: {  	[sflag:s22] =	ssyncset.done $0x0  }
0xb4: {  	[sflag:s22] =	ssyncadd.s32 $0xFFFFF9C0  }
0xb5: {  	_ =	swait.ge [sflag:s23], $0x640  }
0xb6: {  	[sflag:s23] =	ssyncset.done $0x0  }
0xb7: {  	[sflag:s23] =	ssyncadd.s32 $0xFFFFF9C0  }
0xb8: {  	_ =	swait.ge [sflag:s24], $0x640  }
0xb9: {  	[sflag:s24] =	ssyncset.done $0x0  }
0xba: {  	[sflag:s24] =	ssyncadd.s32 $0xFFFFF9C0  }
0xbb: {  	_ =	swait.ge [sflag:s3], $0x640  }
0xbc: {  	[sflag:s3] =	ssyncset.done $0x0  }
0xbd: {  	[sflag:s3] =	ssyncadd.s32 $0xFFFFF9C0  }
0xbe: {  	_ =	swait.ge [sflag:s17], $0x640  }
0xbf: {  	[sflag:s17] =	ssyncset.done $0x0  }
0xc0: {  	[sflag:s17] =	ssyncadd.s32 $0xFFFFF9C0  }
0xc1: {  	_ =	swait.ge [sflag:s18], $0x640  }
0xc2: {  	[sflag:s18] =	ssyncset.done $0x0  }
0xc3: {  	[sflag:s18] =	ssyncadd.s32 $0xFFFFF9C0  }
0xc4: {  	_ =	swait.ge [sflag:s0], $0x640  }
0xc5: {  	[sflag:s0] =	ssyncset.done $0x0  }
0xc6: {  	[sflag:s0] =	ssyncadd.s32 $0xFFFFF9C0  }
0xc7: {  	_ =	swait.ge [sflag:s19], $0x640  }
0xc8: {  	[sflag:s19] =	ssyncset.done $0x0  }
0xc9: {  	[sflag:s19] =	ssyncadd.s32 $0xFFFFF9C0  }
0xca: {  	_ =	swait.ge [sflag:s20], $0x640  }
0xcb: {  	[sflag:s20] =	ssyncset.done $0x0  }
0xcc: {  	[sflag:s20] =	ssyncadd.s32 $0xFFFFF9C0  }
0xcd: {  	_ =	swait.ge [sflag:s21], $0x640  }
0xce: {  	[sflag:s21] =	ssyncset.done $0x0  }
0xcf: {  	[sflag:s21] =	ssyncadd.s32 $0xFFFFF9C0  }
0xd0: {  	_ =	swait.ge [sflag:s22], $0x640  }
0xd1: {  	[sflag:s22] =	ssyncset.done $0x0  }
0xd2: {  	[sflag:s22] =	ssyncadd.s32 $0xFFFFF9C0  }
0xd3: {  	_ =	swait.ge [sflag:s23], $0x640  }
0xd4: {  	[sflag:s23] =	ssyncset.done $0x0  }
0xd5: {  	[sflag:s23] =	ssyncadd.s32 $0xFFFFF9C0  }
0xd6: {  	_ =	swait.ge [sflag:s24], $0x640  }
0xd7: {  	[sflag:s24] =	ssyncset.done $0x0  }
0xd8: {  	[sflag:s24] =	ssyncadd.s32 $0xFFFFF9C0  }
0xd9: {  	_ =	swait.ge [sflag:s3], $0x640  }
0xda: {  	[sflag:s3] =	ssyncset.done $0x0  }
0xdb: {  	[sflag:s3] =	ssyncadd.s32 $0xFFFFF9C0  }
0xdc: {  	_ =	swait.ge [sflag:s17], $0x640  }
0xdd: {  	[sflag:s17] =	ssyncset.done $0x0  }
0xde: {  	[sflag:s17] =	ssyncadd.s32 $0xFFFFF9C0  }
0xdf: {  	_ =	swait.ge [sflag:s18], $0x640  }
0xe0: {  	[sflag:s18] =	ssyncset.done $0x0  }
0xe1: {  	[sflag:s18] =	ssyncadd.s32 $0xFFFFF9C0  }
0xe2: {  	_ =	swait.ge [sflag:s0], $0x640  }
0xe3: {  	[sflag:s0] =	ssyncset.done $0x0  }
0xe4: {  	[sflag:s0] =	ssyncadd.s32 $0xFFFFF9C0  }
0xe5: {  	_ =	swait.ge [sflag:s19], $0x640  }
0xe6: {  	[sflag:s19] =	ssyncset.done $0x0  }
0xe7: {  	[sflag:s19] =	ssyncadd.s32 $0xFFFFF9C0  }
0xe8: {  	_ =	swait.ge [sflag:s20], $0x640  }
0xe9: {  	[sflag:s20] =	ssyncset.done $0x0  }
0xea: {  	[sflag:s20] =	ssyncadd.s32 $0xFFFFF9C0  }
0xeb: {  	_ =	swait.ge [sflag:s21], $0x640  }
0xec: {  	[sflag:s21] =	ssyncset.done $0x0  }
0xed: {  	[sflag:s21] =	ssyncadd.s32 $0xFFFFF9C0  }
0xee: {  	_ =	swait.ge [sflag:s22], $0x640  }
0xef: {  	[sflag:s22] =	ssyncset.done $0x0  }
0xf0: {  	[sflag:s22] =	ssyncadd.s32 $0xFFFFF9C0  }
0xf1: {  	_ =	swait.ge [sflag:s23], $0x640  }
0xf2: {  	[sflag:s23] =	ssyncset.done $0x0  }
0xf3: {  	[sflag:s23] =	ssyncadd.s32 $0xFFFFF9C0  }
0xf4: {  	_ =	swait.ge [sflag:s24], $0x640  }
0xf5: {  	[sflag:s24] =	ssyncset.done $0x0  }
0xf6: {  	[sflag:s24] =	ssyncadd.s32 $0xFFFFF9C0  }
0xf7: {  	_ =	swait.ge [sflag:s3], $0x640  }
0xf8: {  	[sflag:s3] =	ssyncset.done $0x0  }
0xf9: {  	[sflag:s3] =	ssyncadd.s32 $0xFFFFF9C0  }
0xfa: {  	_ =	swait.ge [sflag:s17], $0x640  }
0xfb: {  	[sflag:s17] =	ssyncset.done $0x0  }
0xfc: {  	[sflag:s17] =	ssyncadd.s32 $0xFFFFF9C0  }
0xfd: {  	_ =	swait.ge [sflag:s18], $0x640  }
0xfe: {  	[sflag:s18] =	ssyncset.done $0x0  }
0xff: {  	[sflag:s18] =	ssyncadd.s32 $0xFFFFF9C0  }
0x100: {  	_ =	swait.ge [sflag:s0], $0x640  }
0x101: {  	[sflag:s0] =	ssyncset.done $0x0  }
0x102: {  	[sflag:s0] =	ssyncadd.s32 $0xFFFFF9C0  }
0x103: {  	_ =	swait.ge [sflag:s19], $0x640  }
0x104: {  	[sflag:s19] =	ssyncset.done $0x0  }
0x105: {  	[sflag:s19] =	ssyncadd.s32 $0xFFFFF9C0  }
0x106: {  	_ =	swait.ge [sflag:s20], $0x640  }
0x107: {  	[sflag:s20] =	ssyncset.done $0x0  }
0x108: {  	[sflag:s20] =	ssyncadd.s32 $0xFFFFF9C0  }
0x109: {  	_ =	swait.ge [sflag:s21], $0x640  }
0x10a: {  	[sflag:s21] =	ssyncset.done $0x0  }
0x10b: {  	[sflag:s21] =	ssyncadd.s32 $0xFFFFF9C0  }
0x10c: {  	_ =	swait.ge [sflag:s22], $0x640  }
0x10d: {  	[sflag:s22] =	ssyncset.done $0x0  }
0x10e: {  	[sflag:s22] =	ssyncadd.s32 $0xFFFFF9C0  }
0x10f: {  	_ =	swait.ge [sflag:s23], $0x640  }
0x110: {  	[sflag:s23] =	ssyncset.done $0x0  }
0x111: {  	[sflag:s23] =	ssyncadd.s32 $0xFFFFF9C0  }
0x112: {  	_ =	swait.ge [sflag:s24], $0x640  }
0x113: {  	[sflag:s24] =	ssyncset.done $0x0  }
0x114: {  	[sflag:s24] =	ssyncadd.s32 $0xFFFFF9C0  }
0x115: {  	_ =	swait.ge [sflag:s3], $0x640  }
0x116: {  	[sflag:s3] =	ssyncset.done $0x0  }
0x117: {  	[sflag:s3] =	ssyncadd.s32 $0xFFFFF9C0  }
0x118: {  	_ =	swait.ge [sflag:s17], $0x640  }
0x119: {  	[sflag:s17] =	ssyncset.done $0x0  }
0x11a: {  	[sflag:s17] =	ssyncadd.s32 $0xFFFFF9C0  }
0x11b: {  	_ =	swait.ge [sflag:s18], $0x640  }
0x11c: {  	[sflag:s18] =	ssyncset.done $0x0  }
0x11d: {  	[sflag:s18] =	ssyncadd.s32 $0xFFFFF9C0  }
0x11e: {  	_ =	swait.ge [sflag:s0], $0x640  }
0x11f: {  	[sflag:s0] =	ssyncset.done $0x0  }
0x120: {  	[sflag:s0] =	ssyncadd.s32 $0xFFFFF9C0  }
0x121: {  	_ =	swait.ge [sflag:s19], $0x640  }
0x122: {  	[sflag:s19] =	ssyncset.done $0x0  }
0x123: {  	[sflag:s19] =	ssyncadd.s32 $0xFFFFF9C0  }
0x124: {  	_ =	swait.ge [sflag:s20], $0x640  }
0x125: {  	[sflag:s20] =	ssyncset.done $0x0  }
0x126: {  	[sflag:s20] =	ssyncadd.s32 $0xFFFFF9C0  }
0x127: {  	_ =	swait.ge [sflag:s21], $0x640  }
0x128: {  	[sflag:s21] =	ssyncset.done $0x0  }
0x129: {  	[sflag:s21] =	ssyncadd.s32 $0xFFFFF9C0  }
0x12a: {  	_ =	swait.ge [sflag:s22], $0x640  }
0x12b: {  	[sflag:s22] =	ssyncset.done $0x0  }
0x12c: {  	[sflag:s22] =	ssyncadd.s32 $0xFFFFF9C0  }
0x12d: {  	_ =	swait.ge [sflag:s23], $0x640  }
0x12e: {  	[sflag:s23] =	ssyncset.done $0x0  }
0x12f: {  	[sflag:s23] =	ssyncadd.s32 $0xFFFFF9C0  }
0x130: {  	s28 =	stileid.u32;
	_ =	swait.ge [sflag:s24], $0x640  }
0x131: {  	s25 =	sadd.s32 $0x1, s25;
	s26 =	sshll.u32 s28, $0x6;
	[sflag:s24] =	ssyncset.done $0x0  }
0x132: {  	p0 =	sne.s32 s25, s11;
	s26 =	sor.u32 $0x1C0B, s26;
	[sflag:s24] =	ssyncadd.s32 $0xFFFFF9C0  }
.Ltmp2:
0x133: {  	s29 =	sshrl.u32 s4, $0x3;
	[bflag:$0x0] =	sbarrier.arrive $0xFFFF;
	(pc) =	sbr.rel @p0 .LBB2_1-.Ltmp2, $4  }
0x134: {  	[hbm:s10], [sflag:s26] =	dma.local [spmem:s29], $0x280  }
0x135: {  	_ =	swait.ge [sflag:s13], $0x280  }
0x136: {  	[sflag:s13] =	ssyncset.done $0x0  }
0x137: {  	[sflag:s13] =	ssyncadd.s32 $0xFFFFFD80  }
0x138: {  	_ =	sfence.sel $0x180000  }
0x139: {  	[bflag:$0x0] =	sbarrier.arrive $0xFFFF  }
0x13a: {  	_ =	strace $0x90000047  }
0x13b: {  	s0 =	stileid.u32;
	[bflag:$0x2] =	sbarrier.arrive $0xFFFF  }
0x13c: {  	p0 =	sne.s32 s0, $0x0;
	s0 =	rddreg [dreg:$0x2]  }
0x13d: {  	s0 =	sadd.s32 @!p0 $0x100000, s0  }
0x13e: {  	[sflag:s0] =	ssyncadd.tile.s32 @!p0 $0x1;
	_ =	shalt  }
.Lfunc_end2:
_tile_overlayer_lowered:
.L_overlay_start_2:
0x13f: {  	(tag) =	ssettag $0x2  }
0x140: {  	s0 =	rddreg [dreg:$0x0];
	s2 =	stileid.u32  }
0x141: {  	s1 =	rddreg [dreg:$0x1];
	p0 =	sne.s32 s2, $0x0  }
0x142: {  	s3 =	rddreg [dreg:$0x2];
	[bflag:$0x3] =	sbarrier.arrive $0xFFFF;
	s2 =	simm.s32 @!p0 $0x1C0B  }
0x143: {  	[timem:s3], [sflag:s2] =	dma.local @!p0 [hbm:s0], s1  }
0x144: {  	s0 =	simm.s32 @!p0 $0xB  }
0x145: {  	_ =	swait.ge @!p0 [sflag:s0], s1  }
0x146: {  	s1 =	ssub.s32 @!p0 $0x0, s1;
	[sflag:s0] =	ssyncset.done @!p0 $0x0  }
0x147: {  	[sflag:s0] =	ssyncadd.s32 @!p0 s1  }
0x148: {  	[bflag:$0x3] =	sbarrier.arrive $0xFFFF  }
0x149: {  	_ =	shalt  }

</sc_bundles>
